<compile_context>
chip_gen: v7x
topology: tpu7x:2x2x1
jax: 0.10.2.dev20260603
libtpu: 0.0.44.dev20260713+nightly
codegen_flags: <defaults>
</compile_context>

<pallas_src>
import functools

import jax
import jax.numpy as jnp
from jax import lax
from jax.experimental import pallas as pl
from jax.experimental.pallas import tpu as pltpu
from jax.experimental.pallas import tpu_sc as plsc

D = 32
IPG = 128
PAD = 16
BT_PER_TASK = 4
TASK = BT_PER_TASK * IPG


@functools.cache
def _build(l_dim, b_dim, nc, ns):
    total = l_dim * b_dim
    nw = nc * ns
    ntask = total // TASK
    tpw = ntask // nw
    assert tpw % 2 == 0 and tpw >= 4 and ntask * TASK == total
    g_rows = total // IPG
    out_rows = total * D // (8 * IPG)

    mesh = plsc.VectorSubcoreMesh(
        core_axis_name="c", subcore_axis_name="s",
        num_cores=nc, num_subcores=ns)

    @functools.partial(
        pl.kernel,
        out_type=jax.ShapeDtypeStruct((out_rows * 8 * IPG,), jnp.float32),
        mesh=mesh,
        scratch_types=[
            pltpu.VMEM((2, BT_PER_TASK, IPG), jnp.int32),
            pltpu.VMEM((2, TASK, D + PAD), jnp.float32),
            pltpu.VMEM((2, TASK * D), jnp.float32),
            pltpu.SemaphoreType.DMA,
            pltpu.SemaphoreType.DMA,
            pltpu.SemaphoreType.DMA,
            pltpu.SemaphoreType.DMA,
            pltpu.SemaphoreType.DMA,
            pltpu.SemaphoreType.DMA,
        ],
        compiler_params=pltpu.CompilerParams(
            use_tc_tiling_on_sc=False, needs_layout_passes=False),
    )
    def gather_kernel(table_hbm, idx_hbm, out_hbm, idx_v, rows_v, stg_v,
                      isem0, isem1, gsem0, gsem1, osem0, osem1):
        wid = lax.axis_index("s") * nc + lax.axis_index("c")
        t0 = wid * tpw
        isem = (isem0, isem1)
        gsem = (gsem0, gsem1)
        osem = (osem0, osem1)
        lanes = lax.iota(jnp.int32, 16)

        def s_idx(t, bf):
            pltpu.make_async_copy(
                idx_hbm.at[pl.ds(t * BT_PER_TASK, BT_PER_TASK)],
                idx_v.at[bf], isem[bf],
            ).start()

        def w_idx(bf):
            pltpu.make_async_copy(
                idx_hbm.at[pl.ds(0, BT_PER_TASK)], idx_v.at[bf], isem[bf]
            ).wait()

        def g_fire(bf):
            for j in range(BT_PER_TASK):
                pltpu.make_async_copy(
                    table_hbm.at[idx_v.at[bf, j]],
                    rows_v.at[bf, pl.ds(j * IPG, IPG)],
                    gsem[bf],
                ).start()

        def g_drain(bf):
            for j in range(BT_PER_TASK):
                pltpu.make_async_copy(
                    table_hbm.at[idx_v.at[bf, j]],
                    rows_v.at[bf, pl.ds(j * IPG, IPG)],
                    gsem[bf],
                ).wait()

        cols = [jnp.broadcast_to(jnp.int32(d), (16,)) for d in range(D)]

        def transpose(bf):
            src = rows_v.at[bf]

            @plsc.parallel_loop(0, TASK // 16, 1, unroll=2)
            def _(k):
                btl = k >> 3
                q = k & 7
                rows = (btl * IPG + q * 16) + lanes
                base = btl * 1024 + q * 16
                for dt in range(D // 8):
                    for dr in range(8):
                        v = plsc.load_gather(src, [rows, cols[dt * 8 + dr]])
                        stg_v[bf, pl.ds(base + dt * 4096 + dr * IPG, 16)] = v

        def s_out(t, bf):
            l = t // (b_dim // TASK)
            btg = t % (b_dim // TASK)
            for dt in range(D // 8):
                row0 = l * (b_dim // IPG) * (D // 8) + dt * (b_dim // IPG) \
                    + btg * BT_PER_TASK
                pltpu.make_async_copy(
                    stg_v.at[bf, pl.ds(dt * 4096, 4096)],
                    out_hbm.at[pl.ds(row0 * 1024, 4096)],
                    osem[bf],
                ).start()

        def w_out(bf):
            for dt in range(D // 8):
                pltpu.make_async_copy(
                    stg_v.at[bf, pl.ds(dt * 4096, 4096)],
                    out_hbm.at[pl.ds(0, 4096)],
                    osem[bf],
                ).wait()

        s_idx(t0, 0)
        s_idx(t0 + 1, 1)
        w_idx(0)
        g_fire(0)

        def step(i, bf):
            t = t0 + i
            g_drain(bf)

            @pl.when(i + 1 < tpw)
            def _():
                w_idx(1 - bf)
                g_fire(1 - bf)

            @pl.when(i + 2 < tpw)
            def _():
                s_idx(t + 2, bf)

            @pl.when(i >= 2)
            def _():
                w_out(bf)

            transpose(bf)
            s_out(t, bf)

        def pair(p, carry):
            step(2 * p, 0)
            step(2 * p + 1, 1)
            return carry

        lax.fori_loop(0, tpw // 2, pair, 0)
        w_out(0)
        w_out(1)

    return gather_kernel


def kernel(actions, table):
    b, l = actions.shape
    info = plsc.get_sparse_core_info()
    nc, ns = info.num_cores, info.num_subcores
    idx2d = actions.astype(jnp.int32).T.reshape((b * l) // IPG, IPG)
    table_p = jnp.pad(table, ((0, 0), (0, PAD)))
    res = _build(l, b, nc, ns)(table_p, idx2d)
    out5 = res.reshape(l, D // 8, b // IPG, 8, IPG)
    return out5.transpose(2, 4, 0, 1, 3).reshape(b, l, 1, D)

# --- scband reference (transcript-rebuilt; emitter-appended) ---
"""Pipeline reference for scband-discrete-action-encoder-3642132267056 (READ-ONLY COPY).

The authoritative reference and input builder live on the scoring server;
editing this copy changes nothing except your own understanding.
"""

import jax, jax.numpy as jnp
import numpy as np

NUM_ACTIONS = 100000
EMBED_DIM = 32
B = 16384
L = 200

def setup_inputs(seed: int = 0) -> dict:
    key = jax.random.key(seed)
    k1, k2 = jax.random.split(key)
    actions = jax.random.randint(k1, (B, L), 0, NUM_ACTIONS, dtype=jnp.int64 if jax.config.jax_enable_x64 else jnp.int32)
    table = jax.random.normal(k2, (NUM_ACTIONS, EMBED_DIM), dtype=jnp.float32)
    return {"actions": actions, "table": table}

def reference(actions, table):
    # rearrange(actions, 'b l -> b l 1') then nn.Embedding lookup -> [b, l, 1, d]
    idx = actions.astype(jnp.int32)[:, :, None]
    out = jnp.take(table, idx, axis=0)
    return out

if __name__ == "__main__":
    import jax
    _d = setup_inputs()
    print(jax.jit(kernel)(*tuple(_d.values())))

</pallas_src>

<mosaic_0001>
#map = affine_map<(d0, d1) -> (0, 0)>
#map1 = affine_map<(d0, d1) -> (0)>
module attributes {stable_mosaic.version = 14 : i64} {
  func.func @gather_kernel(%arg0: i32, %arg1: i32, %arg2: memref<100000x48xf32, #tpu.memory_space<hbm>>, %arg3: memref<25600x128xi32, #tpu.memory_space<hbm>>, %arg4: memref<104857600xf32, #tpu.memory_space<hbm>>, %arg5: memref<2x4x128xi32, #tpu.memory_space<vmem>>, %arg6: memref<2x512x48xf32, #tpu.memory_space<vmem>>, %arg7: memref<2x16384xf32, #tpu.memory_space<vmem>>, %arg8: memref<!tpu.dma_semaphore, #tpu.memory_space<semaphore_mem>>, %arg9: memref<!tpu.dma_semaphore, #tpu.memory_space<semaphore_mem>>, %arg10: memref<!tpu.dma_semaphore, #tpu.memory_space<semaphore_mem>>, %arg11: memref<!tpu.dma_semaphore, #tpu.memory_space<semaphore_mem>>, %arg12: memref<!tpu.dma_semaphore, #tpu.memory_space<semaphore_mem>>, %arg13: memref<!tpu.dma_semaphore, #tpu.memory_space<semaphore_mem>>) attributes {dimension_semantics = [#tpu.dimension_semantics<core_parallel>, #tpu.dimension_semantics<subcore_parallel>], iteration_bounds = array<i64: 2, 16>, scalar_prefetch = 0 : i64, scratch_operands = 9 : i64, tpu.core_type = #tpu.core_type<sc_vector_subcore>, window_params = [{transform_indices = #map}, {transform_indices = #map}, {transform_indices = #map1}]} {
    %mul3A = arith.constant 2 : i32
    %mul3A_0 = arith.muli %arg1, %mul3A : i32
    %add3A = arith.addi %mul3A_0, %arg0 : i32
    %mul3A_1 = arith.constant 200 : i32
    %mul3A_2 = arith.muli %add3A, %mul3A_1 : i32
    %iota3A = tpu.iota {dimensions = array<i32: 0>} : vector<16xi32>
    %broadcast_in_dim3A = arith.constant 0 : i32
    %broadcast_in_dim3A_3 = vector.broadcast %broadcast_in_dim3A : i32 to vector<16xi32>
    %broadcast_in_dim3A_4 = arith.constant 1 : i32
    %broadcast_in_dim3A_5 = vector.broadcast %broadcast_in_dim3A_4 : i32 to vector<16xi32>
    %broadcast_in_dim3A_6 = arith.constant 2 : i32
    %broadcast_in_dim3A_7 = vector.broadcast %broadcast_in_dim3A_6 : i32 to vector<16xi32>
    %broadcast_in_dim3A_8 = arith.constant 3 : i32
    %broadcast_in_dim3A_9 = vector.broadcast %broadcast_in_dim3A_8 : i32 to vector<16xi32>
    %broadcast_in_dim3A_10 = arith.constant 4 : i32
    %broadcast_in_dim3A_11 = vector.broadcast %broadcast_in_dim3A_10 : i32 to vector<16xi32>
    %broadcast_in_dim3A_12 = arith.constant 5 : i32
    %broadcast_in_dim3A_13 = vector.broadcast %broadcast_in_dim3A_12 : i32 to vector<16xi32>
    %broadcast_in_dim3A_14 = arith.constant 6 : i32
    %broadcast_in_dim3A_15 = vector.broadcast %broadcast_in_dim3A_14 : i32 to vector<16xi32>
    %broadcast_in_dim3A_16 = arith.constant 7 : i32
    %broadcast_in_dim3A_17 = vector.broadcast %broadcast_in_dim3A_16 : i32 to vector<16xi32>
    %broadcast_in_dim3A_18 = arith.constant 8 : i32
    %broadcast_in_dim3A_19 = vector.broadcast %broadcast_in_dim3A_18 : i32 to vector<16xi32>
    %broadcast_in_dim3A_20 = arith.constant 9 : i32
    %broadcast_in_dim3A_21 = vector.broadcast %broadcast_in_dim3A_20 : i32 to vector<16xi32>
    %broadcast_in_dim3A_22 = arith.constant 10 : i32
    %broadcast_in_dim3A_23 = vector.broadcast %broadcast_in_dim3A_22 : i32 to vector<16xi32>
    %broadcast_in_dim3A_24 = arith.constant 11 : i32
    %broadcast_in_dim3A_25 = vector.broadcast %broadcast_in_dim3A_24 : i32 to vector<16xi32>
    %broadcast_in_dim3A_26 = arith.constant 12 : i32
    %broadcast_in_dim3A_27 = vector.broadcast %broadcast_in_dim3A_26 : i32 to vector<16xi32>
    %broadcast_in_dim3A_28 = arith.constant 13 : i32
    %broadcast_in_dim3A_29 = vector.broadcast %broadcast_in_dim3A_28 : i32 to vector<16xi32>
    %broadcast_in_dim3A_30 = arith.constant 14 : i32
    %broadcast_in_dim3A_31 = vector.broadcast %broadcast_in_dim3A_30 : i32 to vector<16xi32>
    %broadcast_in_dim3A_32 = arith.constant 15 : i32
    %broadcast_in_dim3A_33 = vector.broadcast %broadcast_in_dim3A_32 : i32 to vector<16xi32>
    %broadcast_in_dim3A_34 = arith.constant 16 : i32
    %broadcast_in_dim3A_35 = vector.broadcast %broadcast_in_dim3A_34 : i32 to vector<16xi32>
    %broadcast_in_dim3A_36 = arith.constant 17 : i32
    %broadcast_in_dim3A_37 = vector.broadcast %broadcast_in_dim3A_36 : i32 to vector<16xi32>
    %broadcast_in_dim3A_38 = arith.constant 18 : i32
    %broadcast_in_dim3A_39 = vector.broadcast %broadcast_in_dim3A_38 : i32 to vector<16xi32>
    %broadcast_in_dim3A_40 = arith.constant 19 : i32
    %broadcast_in_dim3A_41 = vector.broadcast %broadcast_in_dim3A_40 : i32 to vector<16xi32>
    %broadcast_in_dim3A_42 = arith.constant 20 : i32
    %broadcast_in_dim3A_43 = vector.broadcast %broadcast_in_dim3A_42 : i32 to vector<16xi32>
    %broadcast_in_dim3A_44 = arith.constant 21 : i32
    %broadcast_in_dim3A_45 = vector.broadcast %broadcast_in_dim3A_44 : i32 to vector<16xi32>
    %broadcast_in_dim3A_46 = arith.constant 22 : i32
    %broadcast_in_dim3A_47 = vector.broadcast %broadcast_in_dim3A_46 : i32 to vector<16xi32>
    %broadcast_in_dim3A_48 = arith.constant 23 : i32
    %broadcast_in_dim3A_49 = vector.broadcast %broadcast_in_dim3A_48 : i32 to vector<16xi32>
    %broadcast_in_dim3A_50 = arith.constant 24 : i32
    %broadcast_in_dim3A_51 = vector.broadcast %broadcast_in_dim3A_50 : i32 to vector<16xi32>
    %broadcast_in_dim3A_52 = arith.constant 25 : i32
    %broadcast_in_dim3A_53 = vector.broadcast %broadcast_in_dim3A_52 : i32 to vector<16xi32>
    %broadcast_in_dim3A_54 = arith.constant 26 : i32
    %broadcast_in_dim3A_55 = vector.broadcast %broadcast_in_dim3A_54 : i32 to vector<16xi32>
    %broadcast_in_dim3A_56 = arith.constant 27 : i32
    %broadcast_in_dim3A_57 = vector.broadcast %broadcast_in_dim3A_56 : i32 to vector<16xi32>
    %broadcast_in_dim3A_58 = arith.constant 28 : i32
    %broadcast_in_dim3A_59 = vector.broadcast %broadcast_in_dim3A_58 : i32 to vector<16xi32>
    %broadcast_in_dim3A_60 = arith.constant 29 : i32
    %broadcast_in_dim3A_61 = vector.broadcast %broadcast_in_dim3A_60 : i32 to vector<16xi32>
    %broadcast_in_dim3A_62 = arith.constant 30 : i32
    %broadcast_in_dim3A_63 = vector.broadcast %broadcast_in_dim3A_62 : i32 to vector<16xi32>
    %broadcast_in_dim3A_64 = arith.constant 31 : i32
    %broadcast_in_dim3A_65 = vector.broadcast %broadcast_in_dim3A_64 : i32 to vector<16xi32>
    %mul3A_66 = arith.constant 4 : i32
    %mul3A_67 = arith.muli %mul3A_2, %mul3A_66 : i32
    %dma_start3A = arith.constant 0 : i32
    %dma_start3A_68 = arith.constant 0 : i32
    %dma_start3A_69 = arith.constant 0 : i32
    %dma_start3A_70 = tpu.memref_slice %arg5[%dma_start3A, %dma_start3A_68, %dma_start3A_69] : memref<2x4x128xi32, #tpu.memory_space<vmem>> -> memref<1x4x128xi32, #tpu.memory_space<vmem>>
    %dma_start3A_71 = tpu.memref_squeeze %dma_start3A_70 : memref<1x4x128xi32, #tpu.memory_space<vmem>> -> memref<4x128xi32, #tpu.memory_space<vmem>>
    %dma_start3A_72 = arith.constant 0 : i32
    %dma_start3A_73 = tpu.memref_slice %arg3[%mul3A_67, %dma_start3A_72] : memref<25600x128xi32, #tpu.memory_space<hbm>> -> memref<4x128xi32, #tpu.memory_space<hbm>>
    %dma_start3A_74 = arith.constant 0 : i32
    %dma_start3A_75 = arith.constant 0 : i32
    %dma_start3A_76 = tpu.memref_slice %arg5[%dma_start3A, %dma_start3A_74, %dma_start3A_75] : memref<2x4x128xi32, #tpu.memory_space<vmem>> -> memref<1x4x128xi32, #tpu.memory_space<vmem>>
    %dma_start3A_77 = tpu.memref_squeeze %dma_start3A_76 : memref<1x4x128xi32, #tpu.memory_space<vmem>> -> memref<4x128xi32, #tpu.memory_space<vmem>>
    %dma_start3A_78 = arith.constant 0 : i32
    %dma_start3A_79 = tpu.memref_slice %arg3[%mul3A_67, %dma_start3A_78] : memref<25600x128xi32, #tpu.memory_space<hbm>> -> memref<4x128xi32, #tpu.memory_space<hbm>>
    tpu.enqueue_dma source(%dma_start3A_79 : memref<4x128xi32, #tpu.memory_space<hbm>>) target(%dma_start3A_77 : memref<4x128xi32, #tpu.memory_space<vmem>>) target_semaphore(%arg8 : memref<!tpu.dma_semaphore, #tpu.memory_space<semaphore_mem>>)
    %add3A_80 = arith.constant 1 : i32
    %add3A_81 = arith.addi %mul3A_2, %add3A_80 : i32
    %mul3A_82 = arith.constant 4 : i32
    %mul3A_83 = arith.muli %add3A_81, %mul3A_82 : i32
    %dma_start3A_84 = arith.constant 1 : i32
    %dma_start3A_85 = arith.constant 0 : i32
    %dma_start3A_86 = arith.constant 0 : i32
    %dma_start3A_87 = tpu.memref_slice %arg5[%dma_start3A_84, %dma_start3A_85, %dma_start3A_86] : memref<2x4x128xi32, #tpu.memory_space<vmem>> -> memref<1x4x128xi32, #tpu.memory_space<vmem>>
    %dma_start3A_88 = tpu.memref_squeeze %dma_start3A_87 : memref<1x4x128xi32, #tpu.memory_space<vmem>> -> memref<4x128xi32, #tpu.memory_space<vmem>>
    %dma_start3A_89 = arith.constant 0 : i32
    %dma_start3A_90 = tpu.memref_slice %arg3[%mul3A_83, %dma_start3A_89] : memref<25600x128xi32, #tpu.memory_space<hbm>> -> memref<4x128xi32, #tpu.memory_space<hbm>>
    %dma_start3A_91 = arith.constant 0 : i32
    %dma_start3A_92 = arith.constant 0 : i32
    %dma_start3A_93 = tpu.memref_slice %arg5[%dma_start3A_84, %dma_start3A_91, %dma_start3A_92] : memref<2x4x128xi32, #tpu.memory_space<vmem>> -> memref<1x4x128xi32, #tpu.memory_space<vmem>>
    %dma_start3A_94 = tpu.memref_squeeze %dma_start3A_93 : memref<1x4x128xi32, #tpu.memory_space<vmem>> -> memref<4x128xi32, #tpu.memory_space<vmem>>
    %dma_start3A_95 = arith.constant 0 : i32
    %dma_start3A_96 = tpu.memref_slice %arg3[%mul3A_83, %dma_start3A_95] : memref<25600x128xi32, #tpu.memory_space<hbm>> -> memref<4x128xi32, #tpu.memory_space<hbm>>
    tpu.enqueue_dma source(%dma_start3A_96 : memref<4x128xi32, #tpu.memory_space<hbm>>) target(%dma_start3A_94 : memref<4x128xi32, #tpu.memory_space<vmem>>) target_semaphore(%arg9 : memref<!tpu.dma_semaphore, #tpu.memory_space<semaphore_mem>>)
    %dma_wait3A = arith.constant 0 : i32
    %dma_wait3A_97 = arith.constant 0 : i32
    %dma_wait3A_98 = arith.constant 0 : i32
    %dma_wait3A_99 = tpu.memref_slice %arg5[%dma_wait3A, %dma_wait3A_97, %dma_wait3A_98] : memref<2x4x128xi32, #tpu.memory_space<vmem>> -> memref<1x4x128xi32, #tpu.memory_space<vmem>>
    %dma_wait3A_100 = tpu.memref_squeeze %dma_wait3A_99 : memref<1x4x128xi32, #tpu.memory_space<vmem>> -> memref<4x128xi32, #tpu.memory_space<vmem>>
    %dma_wait3A_101 = arith.constant 0 : i32
    %dma_wait3A_102 = arith.constant 0 : i32
    %dma_wait3A_103 = tpu.memref_slice %arg3[%dma_wait3A_101, %dma_wait3A_102] : memref<25600x128xi32, #tpu.memory_space<hbm>> -> memref<4x128xi32, #tpu.memory_space<hbm>>
    %dma_wait3A_104 = arith.constant 0 : i32
    %dma_wait3A_105 = arith.constant 0 : i32
    %dma_wait3A_106 = tpu.memref_slice %arg5[%dma_wait3A, %dma_wait3A_104, %dma_wait3A_105] : memref<2x4x128xi32, #tpu.memory_space<vmem>> -> memref<1x4x128xi32, #tpu.memory_space<vmem>>
    %dma_wait3A_107 = tpu.memref_squeeze %dma_wait3A_106 : memref<1x4x128xi32, #tpu.memory_space<vmem>> -> memref<4x128xi32, #tpu.memory_space<vmem>>
    %dma_wait3A_108 = arith.constant 0 : i32
    %dma_wait3A_109 = arith.constant 0 : i32
    %dma_wait3A_110 = tpu.memref_slice %arg3[%dma_wait3A_108, %dma_wait3A_109] : memref<25600x128xi32, #tpu.memory_space<hbm>> -> memref<4x128xi32, #tpu.memory_space<hbm>>
    tpu.wait_dma2 semaphore(%arg8 : memref<!tpu.dma_semaphore, #tpu.memory_space<semaphore_mem>>) src(%dma_wait3A_110 : memref<4x128xi32, #tpu.memory_space<hbm>>) dst(%dma_wait3A_107 : memref<4x128xi32, #tpu.memory_space<vmem>>)
    %dma_start3A_111 = arith.constant 0 : i32
    %dma_start3A_112 = arith.constant 0 : i32
    %dma_start3A_113 = arith.constant 0 : i32
    %dma_start3A_114 = arith.constant 0 : i32
    %dma_start3A_115 = arith.constant 0 : i32
    %dma_start3A_116 = tpu.memref_slice %arg6[%dma_start3A_113, %dma_start3A_114, %dma_start3A_115] : memref<2x512x48xf32, #tpu.memory_space<vmem>> -> memref<1x128x48xf32, #tpu.memory_space<vmem>>
    %dma_start3A_117 = tpu.memref_squeeze %dma_start3A_116 : memref<1x128x48xf32, #tpu.memory_space<vmem>> -> memref<128x48xf32, #tpu.memory_space<vmem>>
    %dma_start3A_118 = arith.constant 0 : i32
    %dma_start3A_119 = tpu.memref_slice %arg5[%dma_start3A_111, %dma_start3A_112, %dma_start3A_118] : memref<2x4x128xi32, #tpu.memory_space<vmem>> -> memref<1x1x128xi32, #tpu.memory_space<vmem>>
    %dma_start3A_120 = tpu.memref_squeeze %dma_start3A_119 : memref<1x1x128xi32, #tpu.memory_space<vmem>> -> memref<128xi32, #tpu.memory_space<vmem>>
    %dma_start3A_121 = arith.constant 0 : i32
    %dma_start3A_122 = arith.constant 0 : i32
    %dma_start3A_123 = tpu.memref_slice %arg2[%dma_start3A_121, %dma_start3A_122] : memref<100000x48xf32, #tpu.memory_space<hbm>> -> memref<100000x48xf32, #tpu.memory_space<hbm>>
    tpu.enqueue_indirect_dma source(%dma_start3A_123 : memref<100000x48xf32, #tpu.memory_space<hbm>>) target(%dma_start3A_117 : memref<128x48xf32, #tpu.memory_space<vmem>>) offsets(%dma_start3A_120 : memref<128xi32, #tpu.memory_space<vmem>>) semaphore(%arg10 : memref<!tpu.dma_semaphore, #tpu.memory_space<semaphore_mem>>)
    %dma_start3A_124 = arith.constant 0 : i32
    %dma_start3A_125 = arith.constant 1 : i32
    %dma_start3A_126 = arith.constant 0 : i32
    %dma_start3A_127 = arith.constant 128 : i32
    %dma_start3A_128 = arith.constant 0 : i32
    %dma_start3A_129 = tpu.memref_slice %arg6[%dma_start3A_126, %dma_start3A_127, %dma_start3A_128] : memref<2x512x48xf32, #tpu.memory_space<vmem>> -> memref<1x128x48xf32, #tpu.memory_space<vmem>>
    %dma_start3A_130 = tpu.memref_squeeze %dma_start3A_129 : memref<1x128x48xf32, #tpu.memory_space<vmem>> -> memref<128x48xf32, #tpu.memory_space<vmem>>
    %dma_start3A_131 = arith.constant 0 : i32
    %dma_start3A_132 = tpu.memref_slice %arg5[%dma_start3A_124, %dma_start3A_125, %dma_start3A_131] : memref<2x4x128xi32, #tpu.memory_space<vmem>> -> memref<1x1x128xi32, #tpu.memory_space<vmem>>
    %dma_start3A_133 = tpu.memref_squeeze %dma_start3A_132 : memref<1x1x128xi32, #tpu.memory_space<vmem>> -> memref<128xi32, #tpu.memory_space<vmem>>
    %dma_start3A_134 = arith.constant 0 : i32
    %dma_start3A_135 = arith.constant 0 : i32
    %dma_start3A_136 = tpu.memref_slice %arg2[%dma_start3A_134, %dma_start3A_135] : memref<100000x48xf32, #tpu.memory_space<hbm>> -> memref<100000x48xf32, #tpu.memory_space<hbm>>
    tpu.enqueue_indirect_dma source(%dma_start3A_136 : memref<100000x48xf32, #tpu.memory_space<hbm>>) target(%dma_start3A_130 : memref<128x48xf32, #tpu.memory_space<vmem>>) offsets(%dma_start3A_133 : memref<128xi32, #tpu.memory_space<vmem>>) semaphore(%arg10 : memref<!tpu.dma_semaphore, #tpu.memory_space<semaphore_mem>>)
    %dma_start3A_137 = arith.constant 0 : i32
    %dma_start3A_138 = arith.constant 2 : i32
    %dma_start3A_139 = arith.constant 0 : i32
    %dma_start3A_140 = arith.constant 256 : i32
    %dma_start3A_141 = arith.constant 0 : i32
    %dma_start3A_142 = tpu.memref_slice %arg6[%dma_start3A_139, %dma_start3A_140, %dma_start3A_141] : memref<2x512x48xf32, #tpu.memory_space<vmem>> -> memref<1x128x48xf32, #tpu.memory_space<vmem>>
    %dma_start3A_143 = tpu.memref_squeeze %dma_start3A_142 : memref<1x128x48xf32, #tpu.memory_space<vmem>> -> memref<128x48xf32, #tpu.memory_space<vmem>>
    %dma_start3A_144 = arith.constant 0 : i32
    %dma_start3A_145 = tpu.memref_slice %arg5[%dma_start3A_137, %dma_start3A_138, %dma_start3A_144] : memref<2x4x128xi32, #tpu.memory_space<vmem>> -> memref<1x1x128xi32, #tpu.memory_space<vmem>>
    %dma_start3A_146 = tpu.memref_squeeze %dma_start3A_145 : memref<1x1x128xi32, #tpu.memory_space<vmem>> -> memref<128xi32, #tpu.memory_space<vmem>>
    %dma_start3A_147 = arith.constant 0 : i32
    %dma_start3A_148 = arith.constant 0 : i32
    %dma_start3A_149 = tpu.memref_slice %arg2[%dma_start3A_147, %dma_start3A_148] : memref<100000x48xf32, #tpu.memory_space<hbm>> -> memref<100000x48xf32, #tpu.memory_space<hbm>>
    tpu.enqueue_indirect_dma source(%dma_start3A_149 : memref<100000x48xf32, #tpu.memory_space<hbm>>) target(%dma_start3A_143 : memref<128x48xf32, #tpu.memory_space<vmem>>) offsets(%dma_start3A_146 : memref<128xi32, #tpu.memory_space<vmem>>) semaphore(%arg10 : memref<!tpu.dma_semaphore, #tpu.memory_space<semaphore_mem>>)
    %dma_start3A_150 = arith.constant 0 : i32
    %dma_start3A_151 = arith.constant 3 : i32
    %dma_start3A_152 = arith.constant 0 : i32
    %dma_start3A_153 = arith.constant 384 : i32
    %dma_start3A_154 = arith.constant 0 : i32
    %dma_start3A_155 = tpu.memref_slice %arg6[%dma_start3A_152, %dma_start3A_153, %dma_start3A_154] : memref<2x512x48xf32, #tpu.memory_space<vmem>> -> memref<1x128x48xf32, #tpu.memory_space<vmem>>
    %dma_start3A_156 = tpu.memref_squeeze %dma_start3A_155 : memref<1x128x48xf32, #tpu.memory_space<vmem>> -> memref<128x48xf32, #tpu.memory_space<vmem>>
    %dma_start3A_157 = arith.constant 0 : i32
    %dma_start3A_158 = tpu.memref_slice %arg5[%dma_start3A_150, %dma_start3A_151, %dma_start3A_157] : memref<2x4x128xi32, #tpu.memory_space<vmem>> -> memref<1x1x128xi32, #tpu.memory_space<vmem>>
    %dma_start3A_159 = tpu.memref_squeeze %dma_start3A_158 : memref<1x1x128xi32, #tpu.memory_space<vmem>> -> memref<128xi32, #tpu.memory_space<vmem>>
    %dma_start3A_160 = arith.constant 0 : i32
    %dma_start3A_161 = arith.constant 0 : i32
    %dma_start3A_162 = tpu.memref_slice %arg2[%dma_start3A_160, %dma_start3A_161] : memref<100000x48xf32, #tpu.memory_space<hbm>> -> memref<100000x48xf32, #tpu.memory_space<hbm>>
    tpu.enqueue_indirect_dma source(%dma_start3A_162 : memref<100000x48xf32, #tpu.memory_space<hbm>>) target(%dma_start3A_156 : memref<128x48xf32, #tpu.memory_space<vmem>>) offsets(%dma_start3A_159 : memref<128xi32, #tpu.memory_space<vmem>>) semaphore(%arg10 : memref<!tpu.dma_semaphore, #tpu.memory_space<semaphore_mem>>)
    %scan3A = arith.constant 0 : i32
    %scan3A_163 = arith.constant 0 : i32
    %scan3A_164 = arith.constant 100 : i32
    %scan3A_165 = arith.addi %scan3A_163, %scan3A_164 : i32
    %scan3A_166 = arith.constant 1 : i32
    scf.for %scan3A_256 = %scan3A_163 to %scan3A_165 step %scan3A_166  : i32 {
      %mul3A_257 = arith.constant 2 : i32
      %mul3A_258 = arith.muli %mul3A_257, %scan3A_256 : i32
      %add3A_259 = arith.addi %mul3A_2, %mul3A_258 : i32
      %dma_wait3A_260 = arith.constant 0 : i32
      %dma_wait3A_261 = arith.constant 0 : i32
      %dma_wait3A_262 = arith.constant 0 : i32
      %dma_wait3A_263 = arith.constant 0 : i32
      %dma_wait3A_264 = arith.constant 0 : i32
      %dma_wait3A_265 = tpu.memref_slice %arg6[%dma_wait3A_262, %dma_wait3A_263, %dma_wait3A_264] : memref<2x512x48xf32, #tpu.memory_space<vmem>> -> memref<1x128x48xf32, #tpu.memory_space<vmem>>
      %dma_wait3A_266 = tpu.memref_squeeze %dma_wait3A_265 : memref<1x128x48xf32, #tpu.memory_space<vmem>> -> memref<128x48xf32, #tpu.memory_space<vmem>>
      %dma_wait3A_267 = arith.constant 0 : i32
      %dma_wait3A_268 = tpu.memref_slice %arg5[%dma_wait3A_260, %dma_wait3A_261, %dma_wait3A_267] : memref<2x4x128xi32, #tpu.memory_space<vmem>> -> memref<1x1x128xi32, #tpu.memory_space<vmem>>
      %dma_wait3A_269 = tpu.memref_squeeze %dma_wait3A_268 : memref<1x1x128xi32, #tpu.memory_space<vmem>> -> memref<128xi32, #tpu.memory_space<vmem>>
      %dma_wait3A_270 = arith.constant 0 : i32
      %dma_wait3A_271 = arith.constant 0 : i32
      %dma_wait3A_272 = tpu.memref_slice %arg2[%dma_wait3A_270, %dma_wait3A_271] : memref<100000x48xf32, #tpu.memory_space<hbm>> -> memref<100000x48xf32, #tpu.memory_space<hbm>>
      tpu.wait_indirect_dma semaphore(%arg10 : memref<!tpu.dma_semaphore, #tpu.memory_space<semaphore_mem>>) src(%dma_wait3A_272 : memref<100000x48xf32, #tpu.memory_space<hbm>>) dst(%dma_wait3A_266 : memref<128x48xf32, #tpu.memory_space<vmem>>)
      %dma_wait3A_273 = arith.constant 0 : i32
      %dma_wait3A_274 = arith.constant 1 : i32
      %dma_wait3A_275 = arith.constant 0 : i32
      %dma_wait3A_276 = arith.constant 128 : i32
      %dma_wait3A_277 = arith.constant 0 : i32
      %dma_wait3A_278 = tpu.memref_slice %arg6[%dma_wait3A_275, %dma_wait3A_276, %dma_wait3A_277] : memref<2x512x48xf32, #tpu.memory_space<vmem>> -> memref<1x128x48xf32, #tpu.memory_space<vmem>>
      %dma_wait3A_279 = tpu.memref_squeeze %dma_wait3A_278 : memref<1x128x48xf32, #tpu.memory_space<vmem>> -> memref<128x48xf32, #tpu.memory_space<vmem>>
      %dma_wait3A_280 = arith.constant 0 : i32
      %dma_wait3A_281 = tpu.memref_slice %arg5[%dma_wait3A_273, %dma_wait3A_274, %dma_wait3A_280] : memref<2x4x128xi32, #tpu.memory_space<vmem>> -> memref<1x1x128xi32, #tpu.memory_space<vmem>>
      %dma_wait3A_282 = tpu.memref_squeeze %dma_wait3A_281 : memref<1x1x128xi32, #tpu.memory_space<vmem>> -> memref<128xi32, #tpu.memory_space<vmem>>
      %dma_wait3A_283 = arith.constant 0 : i32
      %dma_wait3A_284 = arith.constant 0 : i32
      %dma_wait3A_285 = tpu.memref_slice %arg2[%dma_wait3A_283, %dma_wait3A_284] : memref<100000x48xf32, #tpu.memory_space<hbm>> -> memref<100000x48xf32, #tpu.memory_space<hbm>>
      tpu.wait_indirect_dma semaphore(%arg10 : memref<!tpu.dma_semaphore, #tpu.memory_space<semaphore_mem>>) src(%dma_wait3A_285 : memref<100000x48xf32, #tpu.memory_space<hbm>>) dst(%dma_wait3A_279 : memref<128x48xf32, #tpu.memory_space<vmem>>)
      %dma_wait3A_286 = arith.constant 0 : i32
      %dma_wait3A_287 = arith.constant 2 : i32
      %dma_wait3A_288 = arith.constant 0 : i32
      %dma_wait3A_289 = arith.constant 256 : i32
      %dma_wait3A_290 = arith.constant 0 : i32
      %dma_wait3A_291 = tpu.memref_slice %arg6[%dma_wait3A_288, %dma_wait3A_289, %dma_wait3A_290] : memref<2x512x48xf32, #tpu.memory_space<vmem>> -> memref<1x128x48xf32, #tpu.memory_space<vmem>>
      %dma_wait3A_292 = tpu.memref_squeeze %dma_wait3A_291 : memref<1x128x48xf32, #tpu.memory_space<vmem>> -> memref<128x48xf32, #tpu.memory_space<vmem>>
      %dma_wait3A_293 = arith.constant 0 : i32
      %dma_wait3A_294 = tpu.memref_slice %arg5[%dma_wait3A_286, %dma_wait3A_287, %dma_wait3A_293] : memref<2x4x128xi32, #tpu.memory_space<vmem>> -> memref<1x1x128xi32, #tpu.memory_space<vmem>>
      %dma_wait3A_295 = tpu.memref_squeeze %dma_wait3A_294 : memref<1x1x128xi32, #tpu.memory_space<vmem>> -> memref<128xi32, #tpu.memory_space<vmem>>
      %dma_wait3A_296 = arith.constant 0 : i32
      %dma_wait3A_297 = arith.constant 0 : i32
      %dma_wait3A_298 = tpu.memref_slice %arg2[%dma_wait3A_296, %dma_wait3A_297] : memref<100000x48xf32, #tpu.memory_space<hbm>> -> memref<100000x48xf32, #tpu.memory_space<hbm>>
      tpu.wait_indirect_dma semaphore(%arg10 : memref<!tpu.dma_semaphore, #tpu.memory_space<semaphore_mem>>) src(%dma_wait3A_298 : memref<100000x48xf32, #tpu.memory_space<hbm>>) dst(%dma_wait3A_292 : memref<128x48xf32, #tpu.memory_space<vmem>>)
      %dma_wait3A_299 = arith.constant 0 : i32
      %dma_wait3A_300 = arith.constant 3 : i32
      %dma_wait3A_301 = arith.constant 0 : i32
      %dma_wait3A_302 = arith.constant 384 : i32
      %dma_wait3A_303 = arith.constant 0 : i32
      %dma_wait3A_304 = tpu.memref_slice %arg6[%dma_wait3A_301, %dma_wait3A_302, %dma_wait3A_303] : memref<2x512x48xf32, #tpu.memory_space<vmem>> -> memref<1x128x48xf32, #tpu.memory_space<vmem>>
      %dma_wait3A_305 = tpu.memref_squeeze %dma_wait3A_304 : memref<1x128x48xf32, #tpu.memory_space<vmem>> -> memref<128x48xf32, #tpu.memory_space<vmem>>
      %dma_wait3A_306 = arith.constant 0 : i32
      %dma_wait3A_307 = tpu.memref_slice %arg5[%dma_wait3A_299, %dma_wait3A_300, %dma_wait3A_306] : memref<2x4x128xi32, #tpu.memory_space<vmem>> -> memref<1x1x128xi32, #tpu.memory_space<vmem>>
      %dma_wait3A_308 = tpu.memref_squeeze %dma_wait3A_307 : memref<1x1x128xi32, #tpu.memory_space<vmem>> -> memref<128xi32, #tpu.memory_space<vmem>>
      %dma_wait3A_309 = arith.constant 0 : i32
      %dma_wait3A_310 = arith.constant 0 : i32
      %dma_wait3A_311 = tpu.memref_slice %arg2[%dma_wait3A_309, %dma_wait3A_310] : memref<100000x48xf32, #tpu.memory_space<hbm>> -> memref<100000x48xf32, #tpu.memory_space<hbm>>
      tpu.wait_indirect_dma semaphore(%arg10 : memref<!tpu.dma_semaphore, #tpu.memory_space<semaphore_mem>>) src(%dma_wait3A_311 : memref<100000x48xf32, #tpu.memory_space<hbm>>) dst(%dma_wait3A_305 : memref<128x48xf32, #tpu.memory_space<vmem>>)
      %add3A_312 = arith.constant 1 : i32
      %add3A_313 = arith.addi %mul3A_258, %add3A_312 : i32
      %lt3A = arith.constant 200 : i32
      %lt3A_314 = arith.cmpi slt, %add3A_313, %lt3A : i32
      %convert_element_type3A = arith.extui %lt3A_314 : i1 to i32
      %cond3A = arith.constant 0 : i32
      %cond3A_315 = arith.cmpi ne, %convert_element_type3A, %cond3A : i32
      scf.if %cond3A_315 {
        %dma_wait3A_641 = arith.constant 1 : i32
        %dma_wait3A_642 = arith.constant 0 : i32
        %dma_wait3A_643 = arith.constant 0 : i32
        %dma_wait3A_644 = tpu.memref_slice %arg5[%dma_wait3A_641, %dma_wait3A_642, %dma_wait3A_643] : memref<2x4x128xi32, #tpu.memory_space<vmem>> -> memref<1x4x128xi32, #tpu.memory_space<vmem>>
        %dma_wait3A_645 = tpu.memref_squeeze %dma_wait3A_644 : memref<1x4x128xi32, #tpu.memory_space<vmem>> -> memref<4x128xi32, #tpu.memory_space<vmem>>
        %dma_wait3A_646 = arith.constant 0 : i32
        %dma_wait3A_647 = arith.constant 0 : i32
        %dma_wait3A_648 = tpu.memref_slice %arg3[%dma_wait3A_646, %dma_wait3A_647] : memref<25600x128xi32, #tpu.memory_space<hbm>> -> memref<4x128xi32, #tpu.memory_space<hbm>>
        %dma_wait3A_649 = arith.constant 0 : i32
        %dma_wait3A_650 = arith.constant 0 : i32
        %dma_wait3A_651 = tpu.memref_slice %arg5[%dma_wait3A_641, %dma_wait3A_649, %dma_wait3A_650] : memref<2x4x128xi32, #tpu.memory_space<vmem>> -> memref<1x4x128xi32, #tpu.memory_space<vmem>>
        %dma_wait3A_652 = tpu.memref_squeeze %dma_wait3A_651 : memref<1x4x128xi32, #tpu.memory_space<vmem>> -> memref<4x128xi32, #tpu.memory_space<vmem>>
        %dma_wait3A_653 = arith.constant 0 : i32
        %dma_wait3A_654 = arith.constant 0 : i32
        %dma_wait3A_655 = tpu.memref_slice %arg3[%dma_wait3A_653, %dma_wait3A_654] : memref<25600x128xi32, #tpu.memory_space<hbm>> -> memref<4x128xi32, #tpu.memory_space<hbm>>
        tpu.wait_dma2 semaphore(%arg9 : memref<!tpu.dma_semaphore, #tpu.memory_space<semaphore_mem>>) src(%dma_wait3A_655 : memref<4x128xi32, #tpu.memory_space<hbm>>) dst(%dma_wait3A_652 : memref<4x128xi32, #tpu.memory_space<vmem>>)
        %dma_start3A_656 = arith.constant 1 : i32
        %dma_start3A_657 = arith.constant 0 : i32
        %dma_start3A_658 = arith.constant 1 : i32
        %dma_start3A_659 = arith.constant 0 : i32
        %dma_start3A_660 = arith.constant 0 : i32
        %dma_start3A_661 = tpu.memref_slice %arg6[%dma_start3A_658, %dma_start3A_659, %dma_start3A_660] : memref<2x512x48xf32, #tpu.memory_space<vmem>> -> memref<1x128x48xf32, #tpu.memory_space<vmem>>
        %dma_start3A_662 = tpu.memref_squeeze %dma_start3A_661 : memref<1x128x48xf32, #tpu.memory_space<vmem>> -> memref<128x48xf32, #tpu.memory_space<vmem>>
        %dma_start3A_663 = arith.constant 0 : i32
        %dma_start3A_664 = tpu.memref_slice %arg5[%dma_start3A_656, %dma_start3A_657, %dma_start3A_663] : memref<2x4x128xi32, #tpu.memory_space<vmem>> -> memref<1x1x128xi32, #tpu.memory_space<vmem>>
        %dma_start3A_665 = tpu.memref_squeeze %dma_start3A_664 : memref<1x1x128xi32, #tpu.memory_space<vmem>> -> memref<128xi32, #tpu.memory_space<vmem>>
        %dma_start3A_666 = arith.constant 0 : i32
        %dma_start3A_667 = arith.constant 0 : i32
        %dma_start3A_668 = tpu.memref_slice %arg2[%dma_start3A_666, %dma_start3A_667] : memref<100000x48xf32, #tpu.memory_space<hbm>> -> memref<100000x48xf32, #tpu.memory_space<hbm>>
        tpu.enqueue_indirect_dma source(%dma_start3A_668 : memref<100000x48xf32, #tpu.memory_space<hbm>>) target(%dma_start3A_662 : memref<128x48xf32, #tpu.memory_space<vmem>>) offsets(%dma_start3A_665 : memref<128xi32, #tpu.memory_space<vmem>>) semaphore(%arg11 : memref<!tpu.dma_semaphore, #tpu.memory_space<semaphore_mem>>)
        %dma_start3A_669 = arith.constant 1 : i32
        %dma_start3A_670 = arith.constant 1 : i32
        %dma_start3A_671 = arith.constant 1 : i32
        %dma_start3A_672 = arith.constant 128 : i32
        %dma_start3A_673 = arith.constant 0 : i32
        %dma_start3A_674 = tpu.memref_slice %arg6[%dma_start3A_671, %dma_start3A_672, %dma_start3A_673] : memref<2x512x48xf32, #tpu.memory_space<vmem>> -> memref<1x128x48xf32, #tpu.memory_space<vmem>>
        %dma_start3A_675 = tpu.memref_squeeze %dma_start3A_674 : memref<1x128x48xf32, #tpu.memory_space<vmem>> -> memref<128x48xf32, #tpu.memory_space<vmem>>
        %dma_start3A_676 = arith.constant 0 : i32
        %dma_start3A_677 = tpu.memref_slice %arg5[%dma_start3A_669, %dma_start3A_670, %dma_start3A_676] : memref<2x4x128xi32, #tpu.memory_space<vmem>> -> memref<1x1x128xi32, #tpu.memory_space<vmem>>
        %dma_start3A_678 = tpu.memref_squeeze %dma_start3A_677 : memref<1x1x128xi32, #tpu.memory_space<vmem>> -> memref<128xi32, #tpu.memory_space<vmem>>
        %dma_start3A_679 = arith.constant 0 : i32
        %dma_start3A_680 = arith.constant 0 : i32
        %dma_start3A_681 = tpu.memref_slice %arg2[%dma_start3A_679, %dma_start3A_680] : memref<100000x48xf32, #tpu.memory_space<hbm>> -> memref<100000x48xf32, #tpu.memory_space<hbm>>
        tpu.enqueue_indirect_dma source(%dma_start3A_681 : memref<100000x48xf32, #tpu.memory_space<hbm>>) target(%dma_start3A_675 : memref<128x48xf32, #tpu.memory_space<vmem>>) offsets(%dma_start3A_678 : memref<128xi32, #tpu.memory_space<vmem>>) semaphore(%arg11 : memref<!tpu.dma_semaphore, #tpu.memory_space<semaphore_mem>>)
        %dma_start3A_682 = arith.constant 1 : i32
        %dma_start3A_683 = arith.constant 2 : i32
        %dma_start3A_684 = arith.constant 1 : i32
        %dma_start3A_685 = arith.constant 256 : i32
        %dma_start3A_686 = arith.constant 0 : i32
        %dma_start3A_687 = tpu.memref_slice %arg6[%dma_start3A_684, %dma_start3A_685, %dma_start3A_686] : memref<2x512x48xf32, #tpu.memory_space<vmem>> -> memref<1x128x48xf32, #tpu.memory_space<vmem>>
        %dma_start3A_688 = tpu.memref_squeeze %dma_start3A_687 : memref<1x128x48xf32, #tpu.memory_space<vmem>> -> memref<128x48xf32, #tpu.memory_space<vmem>>
        %dma_start3A_689 = arith.constant 0 : i32
        %dma_start3A_690 = tpu.memref_slice %arg5[%dma_start3A_682, %dma_start3A_683, %dma_start3A_689] : memref<2x4x128xi32, #tpu.memory_space<vmem>> -> memref<1x1x128xi32, #tpu.memory_space<vmem>>
        %dma_start3A_691 = tpu.memref_squeeze %dma_start3A_690 : memref<1x1x128xi32, #tpu.memory_space<vmem>> -> memref<128xi32, #tpu.memory_space<vmem>>
        %dma_start3A_692 = arith.constant 0 : i32
        %dma_start3A_693 = arith.constant 0 : i32
        %dma_start3A_694 = tpu.memref_slice %arg2[%dma_start3A_692, %dma_start3A_693] : memref<100000x48xf32, #tpu.memory_space<hbm>> -> memref<100000x48xf32, #tpu.memory_space<hbm>>
        tpu.enqueue_indirect_dma source(%dma_start3A_694 : memref<100000x48xf32, #tpu.memory_space<hbm>>) target(%dma_start3A_688 : memref<128x48xf32, #tpu.memory_space<vmem>>) offsets(%dma_start3A_691 : memref<128xi32, #tpu.memory_space<vmem>>) semaphore(%arg11 : memref<!tpu.dma_semaphore, #tpu.memory_space<semaphore_mem>>)
        %dma_start3A_695 = arith.constant 1 : i32
        %dma_start3A_696 = arith.constant 3 : i32
        %dma_start3A_697 = arith.constant 1 : i32
        %dma_start3A_698 = arith.constant 384 : i32
        %dma_start3A_699 = arith.constant 0 : i32
        %dma_start3A_700 = tpu.memref_slice %arg6[%dma_start3A_697, %dma_start3A_698, %dma_start3A_699] : memref<2x512x48xf32, #tpu.memory_space<vmem>> -> memref<1x128x48xf32, #tpu.memory_space<vmem>>
        %dma_start3A_701 = tpu.memref_squeeze %dma_start3A_700 : memref<1x128x48xf32, #tpu.memory_space<vmem>> -> memref<128x48xf32, #tpu.memory_space<vmem>>
        %dma_start3A_702 = arith.constant 0 : i32
        %dma_start3A_703 = tpu.memref_slice %arg5[%dma_start3A_695, %dma_start3A_696, %dma_start3A_702] : memref<2x4x128xi32, #tpu.memory_space<vmem>> -> memref<1x1x128xi32, #tpu.memory_space<vmem>>
        %dma_start3A_704 = tpu.memref_squeeze %dma_start3A_703 : memref<1x1x128xi32, #tpu.memory_space<vmem>> -> memref<128xi32, #tpu.memory_space<vmem>>
        %dma_start3A_705 = arith.constant 0 : i32
        %dma_start3A_706 = arith.constant 0 : i32
        %dma_start3A_707 = tpu.memref_slice %arg2[%dma_start3A_705, %dma_start3A_706] : memref<100000x48xf32, #tpu.memory_space<hbm>> -> memref<100000x48xf32, #tpu.memory_space<hbm>>
        tpu.enqueue_indirect_dma source(%dma_start3A_707 : memref<100000x48xf32, #tpu.memory_space<hbm>>) target(%dma_start3A_701 : memref<128x48xf32, #tpu.memory_space<vmem>>) offsets(%dma_start3A_704 : memref<128xi32, #tpu.memory_space<vmem>>) semaphore(%arg11 : memref<!tpu.dma_semaphore, #tpu.memory_space<semaphore_mem>>)
      } else {
      }
      %add3A_316 = arith.constant 2 : i32
      %add3A_317 = arith.addi %mul3A_258, %add3A_316 : i32
      %lt3A_318 = arith.constant 200 : i32
      %lt3A_319 = arith.cmpi slt, %add3A_317, %lt3A_318 : i32
      %convert_element_type3A_320 = arith.extui %lt3A_319 : i1 to i32
      %cond3A_321 = arith.constant 0 : i32
      %cond3A_322 = arith.cmpi ne, %convert_element_type3A_320, %cond3A_321 : i32
      scf.if %cond3A_322 {
        %add3A_641 = arith.constant 2 : i32
        %add3A_642 = arith.addi %add3A_259, %add3A_641 : i32
        %mul3A_643 = arith.constant 4 : i32
        %mul3A_644 = arith.muli %add3A_642, %mul3A_643 : i32
        %dma_start3A_645 = arith.constant 0 : i32
        %dma_start3A_646 = arith.constant 0 : i32
        %dma_start3A_647 = arith.constant 0 : i32
        %dma_start3A_648 = tpu.memref_slice %arg5[%dma_start3A_645, %dma_start3A_646, %dma_start3A_647] : memref<2x4x128xi32, #tpu.memory_space<vmem>> -> memref<1x4x128xi32, #tpu.memory_space<vmem>>
        %dma_start3A_649 = tpu.memref_squeeze %dma_start3A_648 : memref<1x4x128xi32, #tpu.memory_space<vmem>> -> memref<4x128xi32, #tpu.memory_space<vmem>>
        %dma_start3A_650 = arith.constant 0 : i32
        %dma_start3A_651 = tpu.memref_slice %arg3[%mul3A_644, %dma_start3A_650] : memref<25600x128xi32, #tpu.memory_space<hbm>> -> memref<4x128xi32, #tpu.memory_space<hbm>>
        %dma_start3A_652 = arith.constant 0 : i32
        %dma_start3A_653 = arith.constant 0 : i32
        %dma_start3A_654 = tpu.memref_slice %arg5[%dma_start3A_645, %dma_start3A_652, %dma_start3A_653] : memref<2x4x128xi32, #tpu.memory_space<vmem>> -> memref<1x4x128xi32, #tpu.memory_space<vmem>>
        %dma_start3A_655 = tpu.memref_squeeze %dma_start3A_654 : memref<1x4x128xi32, #tpu.memory_space<vmem>> -> memref<4x128xi32, #tpu.memory_space<vmem>>
        %dma_start3A_656 = arith.constant 0 : i32
        %dma_start3A_657 = tpu.memref_slice %arg3[%mul3A_644, %dma_start3A_656] : memref<25600x128xi32, #tpu.memory_space<hbm>> -> memref<4x128xi32, #tpu.memory_space<hbm>>
        tpu.enqueue_dma source(%dma_start3A_657 : memref<4x128xi32, #tpu.memory_space<hbm>>) target(%dma_start3A_655 : memref<4x128xi32, #tpu.memory_space<vmem>>) target_semaphore(%arg8 : memref<!tpu.dma_semaphore, #tpu.memory_space<semaphore_mem>>)
      } else {
      }
      %ge3A = arith.constant 2 : i32
      %ge3A_323 = arith.cmpi sge, %mul3A_258, %ge3A : i32
      %convert_element_type3A_324 = arith.extui %ge3A_323 : i1 to i32
      %cond3A_325 = arith.constant 0 : i32
      %cond3A_326 = arith.cmpi ne, %convert_element_type3A_324, %cond3A_325 : i32
      scf.if %cond3A_326 {
        %dma_wait3A_641 = arith.constant 0 : i32
        %dma_wait3A_642 = arith.constant 0 : i32
        %dma_wait3A_643 = tpu.memref_slice %arg7[%dma_wait3A_641, %dma_wait3A_642] : memref<2x16384xf32, #tpu.memory_space<vmem>> -> memref<1x4096xf32, #tpu.memory_space<vmem>>
        %dma_wait3A_644 = tpu.memref_squeeze %dma_wait3A_643 : memref<1x4096xf32, #tpu.memory_space<vmem>> -> memref<4096xf32, #tpu.memory_space<vmem>>
        %dma_wait3A_645 = arith.constant 0 : i32
        %dma_wait3A_646 = tpu.memref_slice %arg4[%dma_wait3A_645] : memref<104857600xf32, #tpu.memory_space<hbm>> -> memref<4096xf32, #tpu.memory_space<hbm>>
        %dma_wait3A_647 = arith.constant 0 : i32
        %dma_wait3A_648 = tpu.memref_slice %arg4[%dma_wait3A_647] : memref<104857600xf32, #tpu.memory_space<hbm>> -> memref<4096xf32, #tpu.memory_space<hbm>>
        %dma_wait3A_649 = arith.constant 0 : i32
        %dma_wait3A_650 = tpu.memref_slice %arg7[%dma_wait3A_641, %dma_wait3A_649] : memref<2x16384xf32, #tpu.memory_space<vmem>> -> memref<1x4096xf32, #tpu.memory_space<vmem>>
        %dma_wait3A_651 = tpu.memref_squeeze %dma_wait3A_650 : memref<1x4096xf32, #tpu.memory_space<vmem>> -> memref<4096xf32, #tpu.memory_space<vmem>>
        tpu.wait_dma2 semaphore(%arg12 : memref<!tpu.dma_semaphore, #tpu.memory_space<semaphore_mem>>) src(%dma_wait3A_651 : memref<4096xf32, #tpu.memory_space<vmem>>) dst(%dma_wait3A_648 : memref<4096xf32, #tpu.memory_space<hbm>>)
        %dma_wait3A_652 = arith.constant 0 : i32
        %dma_wait3A_653 = arith.constant 4096 : i32
        %dma_wait3A_654 = tpu.memref_slice %arg7[%dma_wait3A_652, %dma_wait3A_653] : memref<2x16384xf32, #tpu.memory_space<vmem>> -> memref<1x4096xf32, #tpu.memory_space<vmem>>
        %dma_wait3A_655 = tpu.memref_squeeze %dma_wait3A_654 : memref<1x4096xf32, #tpu.memory_space<vmem>> -> memref<4096xf32, #tpu.memory_space<vmem>>
        %dma_wait3A_656 = arith.constant 0 : i32
        %dma_wait3A_657 = tpu.memref_slice %arg4[%dma_wait3A_656] : memref<104857600xf32, #tpu.memory_space<hbm>> -> memref<4096xf32, #tpu.memory_space<hbm>>
        %dma_wait3A_658 = arith.constant 0 : i32
        %dma_wait3A_659 = tpu.memref_slice %arg4[%dma_wait3A_658] : memref<104857600xf32, #tpu.memory_space<hbm>> -> memref<4096xf32, #tpu.memory_space<hbm>>
        %dma_wait3A_660 = arith.constant 4096 : i32
        %dma_wait3A_661 = tpu.memref_slice %arg7[%dma_wait3A_652, %dma_wait3A_660] : memref<2x16384xf32, #tpu.memory_space<vmem>> -> memref<1x4096xf32, #tpu.memory_space<vmem>>
        %dma_wait3A_662 = tpu.memref_squeeze %dma_wait3A_661 : memref<1x4096xf32, #tpu.memory_space<vmem>> -> memref<4096xf32, #tpu.memory_space<vmem>>
        tpu.wait_dma2 semaphore(%arg12 : memref<!tpu.dma_semaphore, #tpu.memory_space<semaphore_mem>>) src(%dma_wait3A_662 : memref<4096xf32, #tpu.memory_space<vmem>>) dst(%dma_wait3A_659 : memref<4096xf32, #tpu.memory_space<hbm>>)
        %dma_wait3A_663 = arith.constant 0 : i32
        %dma_wait3A_664 = arith.constant 8192 : i32
        %dma_wait3A_665 = tpu.memref_slice %arg7[%dma_wait3A_663, %dma_wait3A_664] : memref<2x16384xf32, #tpu.memory_space<vmem>> -> memref<1x4096xf32, #tpu.memory_space<vmem>>
        %dma_wait3A_666 = tpu.memref_squeeze %dma_wait3A_665 : memref<1x4096xf32, #tpu.memory_space<vmem>> -> memref<4096xf32, #tpu.memory_space<vmem>>
        %dma_wait3A_667 = arith.constant 0 : i32
        %dma_wait3A_668 = tpu.memref_slice %arg4[%dma_wait3A_667] : memref<104857600xf32, #tpu.memory_space<hbm>> -> memref<4096xf32, #tpu.memory_space<hbm>>
        %dma_wait3A_669 = arith.constant 0 : i32
        %dma_wait3A_670 = tpu.memref_slice %arg4[%dma_wait3A_669] : memref<104857600xf32, #tpu.memory_space<hbm>> -> memref<4096xf32, #tpu.memory_space<hbm>>
        %dma_wait3A_671 = arith.constant 8192 : i32
        %dma_wait3A_672 = tpu.memref_slice %arg7[%dma_wait3A_663, %dma_wait3A_671] : memref<2x16384xf32, #tpu.memory_space<vmem>> -> memref<1x4096xf32, #tpu.memory_space<vmem>>
        %dma_wait3A_673 = tpu.memref_squeeze %dma_wait3A_672 : memref<1x4096xf32, #tpu.memory_space<vmem>> -> memref<4096xf32, #tpu.memory_space<vmem>>
        tpu.wait_dma2 semaphore(%arg12 : memref<!tpu.dma_semaphore, #tpu.memory_space<semaphore_mem>>) src(%dma_wait3A_673 : memref<4096xf32, #tpu.memory_space<vmem>>) dst(%dma_wait3A_670 : memref<4096xf32, #tpu.memory_space<hbm>>)
        %dma_wait3A_674 = arith.constant 0 : i32
        %dma_wait3A_675 = arith.constant 12288 : i32
        %dma_wait3A_676 = tpu.memref_slice %arg7[%dma_wait3A_674, %dma_wait3A_675] : memref<2x16384xf32, #tpu.memory_space<vmem>> -> memref<1x4096xf32, #tpu.memory_space<vmem>>
        %dma_wait3A_677 = tpu.memref_squeeze %dma_wait3A_676 : memref<1x4096xf32, #tpu.memory_space<vmem>> -> memref<4096xf32, #tpu.memory_space<vmem>>
        %dma_wait3A_678 = arith.constant 0 : i32
        %dma_wait3A_679 = tpu.memref_slice %arg4[%dma_wait3A_678] : memref<104857600xf32, #tpu.memory_space<hbm>> -> memref<4096xf32, #tpu.memory_space<hbm>>
        %dma_wait3A_680 = arith.constant 0 : i32
        %dma_wait3A_681 = tpu.memref_slice %arg4[%dma_wait3A_680] : memref<104857600xf32, #tpu.memory_space<hbm>> -> memref<4096xf32, #tpu.memory_space<hbm>>
        %dma_wait3A_682 = arith.constant 12288 : i32
        %dma_wait3A_683 = tpu.memref_slice %arg7[%dma_wait3A_674, %dma_wait3A_682] : memref<2x16384xf32, #tpu.memory_space<vmem>> -> memref<1x4096xf32, #tpu.memory_space<vmem>>
        %dma_wait3A_684 = tpu.memref_squeeze %dma_wait3A_683 : memref<1x4096xf32, #tpu.memory_space<vmem>> -> memref<4096xf32, #tpu.memory_space<vmem>>
        tpu.wait_dma2 semaphore(%arg12 : memref<!tpu.dma_semaphore, #tpu.memory_space<semaphore_mem>>) src(%dma_wait3A_684 : memref<4096xf32, #tpu.memory_space<vmem>>) dst(%dma_wait3A_681 : memref<4096xf32, #tpu.memory_space<hbm>>)
      } else {
      }
      %parallel_loop3A = arith.constant 0 : i32
      %parallel_loop3A_327 = arith.constant 32 : i32
      %parallel_loop3A_328 = arith.constant 1 : i32
      %parallel_loop3A_329 = arith.constant 0 : i32
      scf.for %parallel_loop3A_641 = %parallel_loop3A to %parallel_loop3A_327 step %parallel_loop3A_328  : i32 {
        %parallel_loop3A_642 = arith.constant 3 : i32
        %parallel_loop3A_643 = arith.shrsi %parallel_loop3A_641, %parallel_loop3A_642 : i32
        %parallel_loop3A_644 = arith.constant 7 : i32
        %parallel_loop3A_645 = arith.andi %parallel_loop3A_641, %parallel_loop3A_644 : i32
        %parallel_loop3A_646 = arith.constant 128 : i32
        %parallel_loop3A_647 = arith.muli %parallel_loop3A_643, %parallel_loop3A_646 : i32
        %parallel_loop3A_648 = arith.constant 16 : i32
        %parallel_loop3A_649 = arith.muli %parallel_loop3A_645, %parallel_loop3A_648 : i32
        %parallel_loop3A_650 = arith.addi %parallel_loop3A_647, %parallel_loop3A_649 : i32
        %parallel_loop3A_651 = vector.broadcast %parallel_loop3A_650 : i32 to vector<16xi32>
        %parallel_loop3A_652 = arith.addi %parallel_loop3A_651, %iota3A : vector<16xi32>
        %parallel_loop3A_653 = arith.constant 1024 : i32
        %parallel_loop3A_654 = arith.muli %parallel_loop3A_643, %parallel_loop3A_653 : i32
        %parallel_loop3A_655 = arith.constant 16 : i32
        %parallel_loop3A_656 = arith.muli %parallel_loop3A_645, %parallel_loop3A_655 : i32
        %parallel_loop3A_657 = arith.addi %parallel_loop3A_654, %parallel_loop3A_656 : i32
        %parallel_loop3A_658 = arith.constant 0 : i32
        %parallel_loop3A_659 = arith.constant 0 : i32
        %parallel_loop3A_660 = tpu.memref_slice %arg6[%parallel_loop3A_329, %parallel_loop3A_658, %parallel_loop3A_659] : memref<2x512x48xf32, #tpu.memory_space<vmem>> -> memref<1x512x48xf32, #tpu.memory_space<vmem>>
        %parallel_loop3A_661 = tpu.memref_squeeze %parallel_loop3A_660 : memref<1x512x48xf32, #tpu.memory_space<vmem>> -> memref<512x48xf32, #tpu.memory_space<vmem>>
        %parallel_loop3A_662 = tpu.vector_load_idx %parallel_loop3A_661[%parallel_loop3A_652, %broadcast_in_dim3A_3] : memref<512x48xf32, #tpu.memory_space<vmem>>[vector<16xi32>, vector<16xi32>], vector<16xf32>,
        %parallel_loop3A_663 = arith.constant 0 : i32
        %parallel_loop3A_664 = arith.addi %parallel_loop3A_657, %parallel_loop3A_663 : i32
        %parallel_loop3A_665 = arith.constant 0 : i32
        %parallel_loop3A_666 = arith.addi %parallel_loop3A_664, %parallel_loop3A_665 : i32
        %parallel_loop3A_667 = arith.constant 0 : i32
        %parallel_loop3A_668 = arith.index_cast %parallel_loop3A_667 : i32 to index
        %parallel_loop3A_669 = arith.index_cast %parallel_loop3A_666 : i32 to index
        %parallel_loop3A_670 = tpu.vector_load %arg7[%parallel_loop3A_668, %parallel_loop3A_669] {strides = array<i32>} : memref<2x16384xf32, #tpu.memory_space<vmem>>, vector<16xf32>,
        tpu.vector_store %arg7[%parallel_loop3A_668, %parallel_loop3A_669], %parallel_loop3A_662 {strides = array<i32>} : memref<2x16384xf32, #tpu.memory_space<vmem>>, vector<16xf32>,
        %parallel_loop3A_671 = arith.constant 0 : i32
        %parallel_loop3A_672 = arith.constant 0 : i32
        %parallel_loop3A_673 = tpu.memref_slice %arg6[%parallel_loop3A_329, %parallel_loop3A_671, %parallel_loop3A_672] : memref<2x512x48xf32, #tpu.memory_space<vmem>> -> memref<1x512x48xf32, #tpu.memory_space<vmem>>
        %parallel_loop3A_674 = tpu.memref_squeeze %parallel_loop3A_673 : memref<1x512x48xf32, #tpu.memory_space<vmem>> -> memref<512x48xf32, #tpu.memory_space<vmem>>
        %parallel_loop3A_675 = tpu.vector_load_idx %parallel_loop3A_674[%parallel_loop3A_652, %broadcast_in_dim3A_5] : memref<512x48xf32, #tpu.memory_space<vmem>>[vector<16xi32>, vector<16xi32>], vector<16xf32>,
        %parallel_loop3A_676 = arith.constant 0 : i32
        %parallel_loop3A_677 = arith.addi %parallel_loop3A_657, %parallel_loop3A_676 : i32
        %parallel_loop3A_678 = arith.constant 128 : i32
        %parallel_loop3A_679 = arith.addi %parallel_loop3A_677, %parallel_loop3A_678 : i32
        %parallel_loop3A_680 = arith.constant 0 : i32
        %parallel_loop3A_681 = arith.index_cast %parallel_loop3A_680 : i32 to index
        %parallel_loop3A_682 = arith.index_cast %parallel_loop3A_679 : i32 to index
        %parallel_loop3A_683 = tpu.vector_load %arg7[%parallel_loop3A_681, %parallel_loop3A_682] {strides = array<i32>} : memref<2x16384xf32, #tpu.memory_space<vmem>>, vector<16xf32>,
        tpu.vector_store %arg7[%parallel_loop3A_681, %parallel_loop3A_682], %parallel_loop3A_675 {strides = array<i32>} : memref<2x16384xf32, #tpu.memory_space<vmem>>, vector<16xf32>,
        %parallel_loop3A_684 = arith.constant 0 : i32
        %parallel_loop3A_685 = arith.constant 0 : i32
        %parallel_loop3A_686 = tpu.memref_slice %arg6[%parallel_loop3A_329, %parallel_loop3A_684, %parallel_loop3A_685] : memref<2x512x48xf32, #tpu.memory_space<vmem>> -> memref<1x512x48xf32, #tpu.memory_space<vmem>>
        %parallel_loop3A_687 = tpu.memref_squeeze %parallel_loop3A_686 : memref<1x512x48xf32, #tpu.memory_space<vmem>> -> memref<512x48xf32, #tpu.memory_space<vmem>>
        %parallel_loop3A_688 = tpu.vector_load_idx %parallel_loop3A_687[%parallel_loop3A_652, %broadcast_in_dim3A_7] : memref<512x48xf32, #tpu.memory_space<vmem>>[vector<16xi32>, vector<16xi32>], vector<16xf32>,
        %parallel_loop3A_689 = arith.constant 0 : i32
        %parallel_loop3A_690 = arith.addi %parallel_loop3A_657, %parallel_loop3A_689 : i32
        %parallel_loop3A_691 = arith.constant 256 : i32
        %parallel_loop3A_692 = arith.addi %parallel_loop3A_690, %parallel_loop3A_691 : i32
        %parallel_loop3A_693 = arith.constant 0 : i32
        %parallel_loop3A_694 = arith.index_cast %parallel_loop3A_693 : i32 to index
        %parallel_loop3A_695 = arith.index_cast %parallel_loop3A_692 : i32 to index
        %parallel_loop3A_696 = tpu.vector_load %arg7[%parallel_loop3A_694, %parallel_loop3A_695] {strides = array<i32>} : memref<2x16384xf32, #tpu.memory_space<vmem>>, vector<16xf32>,
        tpu.vector_store %arg7[%parallel_loop3A_694, %parallel_loop3A_695], %parallel_loop3A_688 {strides = array<i32>} : memref<2x16384xf32, #tpu.memory_space<vmem>>, vector<16xf32>,
        %parallel_loop3A_697 = arith.constant 0 : i32
        %parallel_loop3A_698 = arith.constant 0 : i32
        %parallel_loop3A_699 = tpu.memref_slice %arg6[%parallel_loop3A_329, %parallel_loop3A_697, %parallel_loop3A_698] : memref<2x512x48xf32, #tpu.memory_space<vmem>> -> memref<1x512x48xf32, #tpu.memory_space<vmem>>
        %parallel_loop3A_700 = tpu.memref_squeeze %parallel_loop3A_699 : memref<1x512x48xf32, #tpu.memory_space<vmem>> -> memref<512x48xf32, #tpu.memory_space<vmem>>
        %parallel_loop3A_701 = tpu.vector_load_idx %parallel_loop3A_700[%parallel_loop3A_652, %broadcast_in_dim3A_9] : memref<512x48xf32, #tpu.memory_space<vmem>>[vector<16xi32>, vector<16xi32>], vector<16xf32>,
        %parallel_loop3A_702 = arith.constant 0 : i32
        %parallel_loop3A_703 = arith.addi %parallel_loop3A_657, %parallel_loop3A_702 : i32
        %parallel_loop3A_704 = arith.constant 384 : i32
        %parallel_loop3A_705 = arith.addi %parallel_loop3A_703, %parallel_loop3A_704 : i32
        %parallel_loop3A_706 = arith.constant 0 : i32
        %parallel_loop3A_707 = arith.index_cast %parallel_loop3A_706 : i32 to index
        %parallel_loop3A_708 = arith.index_cast %parallel_loop3A_705 : i32 to index
        %parallel_loop3A_709 = tpu.vector_load %arg7[%parallel_loop3A_707, %parallel_loop3A_708] {strides = array<i32>} : memref<2x16384xf32, #tpu.memory_space<vmem>>, vector<16xf32>,
        tpu.vector_store %arg7[%parallel_loop3A_707, %parallel_loop3A_708], %parallel_loop3A_701 {strides = array<i32>} : memref<2x16384xf32, #tpu.memory_space<vmem>>, vector<16xf32>,
        %parallel_loop3A_710 = arith.constant 0 : i32
        %parallel_loop3A_711 = arith.constant 0 : i32
        %parallel_loop3A_712 = tpu.memref_slice %arg6[%parallel_loop3A_329, %parallel_loop3A_710, %parallel_loop3A_711] : memref<2x512x48xf32, #tpu.memory_space<vmem>> -> memref<1x512x48xf32, #tpu.memory_space<vmem>>
        %parallel_loop3A_713 = tpu.memref_squeeze %parallel_loop3A_712 : memref<1x512x48xf32, #tpu.memory_space<vmem>> -> memref<512x48xf32, #tpu.memory_space<vmem>>
        %parallel_loop3A_714 = tpu.vector_load_idx %parallel_loop3A_713[%parallel_loop3A_652, %broadcast_in_dim3A_11] : memref<512x48xf32, #tpu.memory_space<vmem>>[vector<16xi32>, vector<16xi32>], vector<16xf32>,
        %parallel_loop3A_715 = arith.constant 0 : i32
        %parallel_loop3A_716 = arith.addi %parallel_loop3A_657, %parallel_loop3A_715 : i32
        %parallel_loop3A_717 = arith.constant 512 : i32
        %parallel_loop3A_718 = arith.addi %parallel_loop3A_716, %parallel_loop3A_717 : i32
        %parallel_loop3A_719 = arith.constant 0 : i32
        %parallel_loop3A_720 = arith.index_cast %parallel_loop3A_719 : i32 to index
        %parallel_loop3A_721 = arith.index_cast %parallel_loop3A_718 : i32 to index
        %parallel_loop3A_722 = tpu.vector_load %arg7[%parallel_loop3A_720, %parallel_loop3A_721] {strides = array<i32>} : memref<2x16384xf32, #tpu.memory_space<vmem>>, vector<16xf32>,
        tpu.vector_store %arg7[%parallel_loop3A_720, %parallel_loop3A_721], %parallel_loop3A_714 {strides = array<i32>} : memref<2x16384xf32, #tpu.memory_space<vmem>>, vector<16xf32>,
        %parallel_loop3A_723 = arith.constant 0 : i32
        %parallel_loop3A_724 = arith.constant 0 : i32
        %parallel_loop3A_725 = tpu.memref_slice %arg6[%parallel_loop3A_329, %parallel_loop3A_723, %parallel_loop3A_724] : memref<2x512x48xf32, #tpu.memory_space<vmem>> -> memref<1x512x48xf32, #tpu.memory_space<vmem>>
        %parallel_loop3A_726 = tpu.memref_squeeze %parallel_loop3A_725 : memref<1x512x48xf32, #tpu.memory_space<vmem>> -> memref<512x48xf32, #tpu.memory_space<vmem>>
        %parallel_loop3A_727 = tpu.vector_load_idx %parallel_loop3A_726[%parallel_loop3A_652, %broadcast_in_dim3A_13] : memref<512x48xf32, #tpu.memory_space<vmem>>[vector<16xi32>, vector<16xi32>], vector<16xf32>,
        %parallel_loop3A_728 = arith.constant 0 : i32
        %parallel_loop3A_729 = arith.addi %parallel_loop3A_657, %parallel_loop3A_728 : i32
        %parallel_loop3A_730 = arith.constant 640 : i32
        %parallel_loop3A_731 = arith.addi %parallel_loop3A_729, %parallel_loop3A_730 : i32
        %parallel_loop3A_732 = arith.constant 0 : i32
        %parallel_loop3A_733 = arith.index_cast %parallel_loop3A_732 : i32 to index
        %parallel_loop3A_734 = arith.index_cast %parallel_loop3A_731 : i32 to index
        %parallel_loop3A_735 = tpu.vector_load %arg7[%parallel_loop3A_733, %parallel_loop3A_734] {strides = array<i32>} : memref<2x16384xf32, #tpu.memory_space<vmem>>, vector<16xf32>,
        tpu.vector_store %arg7[%parallel_loop3A_733, %parallel_loop3A_734], %parallel_loop3A_727 {strides = array<i32>} : memref<2x16384xf32, #tpu.memory_space<vmem>>, vector<16xf32>,
        %parallel_loop3A_736 = arith.constant 0 : i32
        %parallel_loop3A_737 = arith.constant 0 : i32
        %parallel_loop3A_738 = tpu.memref_slice %arg6[%parallel_loop3A_329, %parallel_loop3A_736, %parallel_loop3A_737] : memref<2x512x48xf32, #tpu.memory_space<vmem>> -> memref<1x512x48xf32, #tpu.memory_space<vmem>>
        %parallel_loop3A_739 = tpu.memref_squeeze %parallel_loop3A_738 : memref<1x512x48xf32, #tpu.memory_space<vmem>> -> memref<512x48xf32, #tpu.memory_space<vmem>>
        %parallel_loop3A_740 = tpu.vector_load_idx %parallel_loop3A_739[%parallel_loop3A_652, %broadcast_in_dim3A_15] : memref<512x48xf32, #tpu.memory_space<vmem>>[vector<16xi32>, vector<16xi32>], vector<16xf32>,
        %parallel_loop3A_741 = arith.constant 0 : i32
        %parallel_loop3A_742 = arith.addi %parallel_loop3A_657, %parallel_loop3A_741 : i32
        %parallel_loop3A_743 = arith.constant 768 : i32
        %parallel_loop3A_744 = arith.addi %parallel_loop3A_742, %parallel_loop3A_743 : i32
        %parallel_loop3A_745 = arith.constant 0 : i32
        %parallel_loop3A_746 = arith.index_cast %parallel_loop3A_745 : i32 to index
        %parallel_loop3A_747 = arith.index_cast %parallel_loop3A_744 : i32 to index
        %parallel_loop3A_748 = tpu.vector_load %arg7[%parallel_loop3A_746, %parallel_loop3A_747] {strides = array<i32>} : memref<2x16384xf32, #tpu.memory_space<vmem>>, vector<16xf32>,
        tpu.vector_store %arg7[%parallel_loop3A_746, %parallel_loop3A_747], %parallel_loop3A_740 {strides = array<i32>} : memref<2x16384xf32, #tpu.memory_space<vmem>>, vector<16xf32>,
        %parallel_loop3A_749 = arith.constant 0 : i32
        %parallel_loop3A_750 = arith.constant 0 : i32
        %parallel_loop3A_751 = tpu.memref_slice %arg6[%parallel_loop3A_329, %parallel_loop3A_749, %parallel_loop3A_750] : memref<2x512x48xf32, #tpu.memory_space<vmem>> -> memref<1x512x48xf32, #tpu.memory_space<vmem>>
        %parallel_loop3A_752 = tpu.memref_squeeze %parallel_loop3A_751 : memref<1x512x48xf32, #tpu.memory_space<vmem>> -> memref<512x48xf32, #tpu.memory_space<vmem>>
        %parallel_loop3A_753 = tpu.vector_load_idx %parallel_loop3A_752[%parallel_loop3A_652, %broadcast_in_dim3A_17] : memref<512x48xf32, #tpu.memory_space<vmem>>[vector<16xi32>, vector<16xi32>], vector<16xf32>,
        %parallel_loop3A_754 = arith.constant 0 : i32
        %parallel_loop3A_755 = arith.addi %parallel_loop3A_657, %parallel_loop3A_754 : i32
        %parallel_loop3A_756 = arith.constant 896 : i32
        %parallel_loop3A_757 = arith.addi %parallel_loop3A_755, %parallel_loop3A_756 : i32
        %parallel_loop3A_758 = arith.constant 0 : i32
        %parallel_loop3A_759 = arith.index_cast %parallel_loop3A_758 : i32 to index
        %parallel_loop3A_760 = arith.index_cast %parallel_loop3A_757 : i32 to index
        %parallel_loop3A_761 = tpu.vector_load %arg7[%parallel_loop3A_759, %parallel_loop3A_760] {strides = array<i32>} : memref<2x16384xf32, #tpu.memory_space<vmem>>, vector<16xf32>,
        tpu.vector_store %arg7[%parallel_loop3A_759, %parallel_loop3A_760], %parallel_loop3A_753 {strides = array<i32>} : memref<2x16384xf32, #tpu.memory_space<vmem>>, vector<16xf32>,
        %parallel_loop3A_762 = arith.constant 0 : i32
        %parallel_loop3A_763 = arith.constant 0 : i32
        %parallel_loop3A_764 = tpu.memref_slice %arg6[%parallel_loop3A_329, %parallel_loop3A_762, %parallel_loop3A_763] : memref<2x512x48xf32, #tpu.memory_space<vmem>> -> memref<1x512x48xf32, #tpu.memory_space<vmem>>
        %parallel_loop3A_765 = tpu.memref_squeeze %parallel_loop3A_764 : memref<1x512x48xf32, #tpu.memory_space<vmem>> -> memref<512x48xf32, #tpu.memory_space<vmem>>
        %parallel_loop3A_766 = tpu.vector_load_idx %parallel_loop3A_765[%parallel_loop3A_652, %broadcast_in_dim3A_19] : memref<512x48xf32, #tpu.memory_space<vmem>>[vector<16xi32>, vector<16xi32>], vector<16xf32>,
        %parallel_loop3A_767 = arith.constant 4096 : i32
        %parallel_loop3A_768 = arith.addi %parallel_loop3A_657, %parallel_loop3A_767 : i32
        %parallel_loop3A_769 = arith.constant 0 : i32
        %parallel_loop3A_770 = arith.addi %parallel_loop3A_768, %parallel_loop3A_769 : i32
        %parallel_loop3A_771 = arith.constant 0 : i32
        %parallel_loop3A_772 = arith.index_cast %parallel_loop3A_771 : i32 to index
        %parallel_loop3A_773 = arith.index_cast %parallel_loop3A_770 : i32 to index
        %parallel_loop3A_774 = tpu.vector_load %arg7[%parallel_loop3A_772, %parallel_loop3A_773] {strides = array<i32>} : memref<2x16384xf32, #tpu.memory_space<vmem>>, vector<16xf32>,
        tpu.vector_store %arg7[%parallel_loop3A_772, %parallel_loop3A_773], %parallel_loop3A_766 {strides = array<i32>} : memref<2x16384xf32, #tpu.memory_space<vmem>>, vector<16xf32>,
        %parallel_loop3A_775 = arith.constant 0 : i32
        %parallel_loop3A_776 = arith.constant 0 : i32
        %parallel_loop3A_777 = tpu.memref_slice %arg6[%parallel_loop3A_329, %parallel_loop3A_775, %parallel_loop3A_776] : memref<2x512x48xf32, #tpu.memory_space<vmem>> -> memref<1x512x48xf32, #tpu.memory_space<vmem>>
        %parallel_loop3A_778 = tpu.memref_squeeze %parallel_loop3A_777 : memref<1x512x48xf32, #tpu.memory_space<vmem>> -> memref<512x48xf32, #tpu.memory_space<vmem>>
        %parallel_loop3A_779 = tpu.vector_load_idx %parallel_loop3A_778[%parallel_loop3A_652, %broadcast_in_dim3A_21] : memref<512x48xf32, #tpu.memory_space<vmem>>[vector<16xi32>, vector<16xi32>], vector<16xf32>,
        %parallel_loop3A_780 = arith.constant 4096 : i32
        %parallel_loop3A_781 = arith.addi %parallel_loop3A_657, %parallel_loop3A_780 : i32
        %parallel_loop3A_782 = arith.constant 128 : i32
        %parallel_loop3A_783 = arith.addi %parallel_loop3A_781, %parallel_loop3A_782 : i32
        %parallel_loop3A_784 = arith.constant 0 : i32
        %parallel_loop3A_785 = arith.index_cast %parallel_loop3A_784 : i32 to index
        %parallel_loop3A_786 = arith.index_cast %parallel_loop3A_783 : i32 to index
        %parallel_loop3A_787 = tpu.vector_load %arg7[%parallel_loop3A_785, %parallel_loop3A_786] {strides = array<i32>} : memref<2x16384xf32, #tpu.memory_space<vmem>>, vector<16xf32>,
        tpu.vector_store %arg7[%parallel_loop3A_785, %parallel_loop3A_786], %parallel_loop3A_779 {strides = array<i32>} : memref<2x16384xf32, #tpu.memory_space<vmem>>, vector<16xf32>,
        %parallel_loop3A_788 = arith.constant 0 : i32
        %parallel_loop3A_789 = arith.constant 0 : i32
        %parallel_loop3A_790 = tpu.memref_slice %arg6[%parallel_loop3A_329, %parallel_loop3A_788, %parallel_loop3A_789] : memref<2x512x48xf32, #tpu.memory_space<vmem>> -> memref<1x512x48xf32, #tpu.memory_space<vmem>>
        %parallel_loop3A_791 = tpu.memref_squeeze %parallel_loop3A_790 : memref<1x512x48xf32, #tpu.memory_space<vmem>> -> memref<512x48xf32, #tpu.memory_space<vmem>>
        %parallel_loop3A_792 = tpu.vector_load_idx %parallel_loop3A_791[%parallel_loop3A_652, %broadcast_in_dim3A_23] : memref<512x48xf32, #tpu.memory_space<vmem>>[vector<16xi32>, vector<16xi32>], vector<16xf32>,
        %parallel_loop3A_793 = arith.constant 4096 : i32
        %parallel_loop3A_794 = arith.addi %parallel_loop3A_657, %parallel_loop3A_793 : i32
        %parallel_loop3A_795 = arith.constant 256 : i32
        %parallel_loop3A_796 = arith.addi %parallel_loop3A_794, %parallel_loop3A_795 : i32
        %parallel_loop3A_797 = arith.constant 0 : i32
        %parallel_loop3A_798 = arith.index_cast %parallel_loop3A_797 : i32 to index
        %parallel_loop3A_799 = arith.index_cast %parallel_loop3A_796 : i32 to index
        %parallel_loop3A_800 = tpu.vector_load %arg7[%parallel_loop3A_798, %parallel_loop3A_799] {strides = array<i32>} : memref<2x16384xf32, #tpu.memory_space<vmem>>, vector<16xf32>,
        tpu.vector_store %arg7[%parallel_loop3A_798, %parallel_loop3A_799], %parallel_loop3A_792 {strides = array<i32>} : memref<2x16384xf32, #tpu.memory_space<vmem>>, vector<16xf32>,
        %parallel_loop3A_801 = arith.constant 0 : i32
        %parallel_loop3A_802 = arith.constant 0 : i32
        %parallel_loop3A_803 = tpu.memref_slice %arg6[%parallel_loop3A_329, %parallel_loop3A_801, %parallel_loop3A_802] : memref<2x512x48xf32, #tpu.memory_space<vmem>> -> memref<1x512x48xf32, #tpu.memory_space<vmem>>
        %parallel_loop3A_804 = tpu.memref_squeeze %parallel_loop3A_803 : memref<1x512x48xf32, #tpu.memory_space<vmem>> -> memref<512x48xf32, #tpu.memory_space<vmem>>
        %parallel_loop3A_805 = tpu.vector_load_idx %parallel_loop3A_804[%parallel_loop3A_652, %broadcast_in_dim3A_25] : memref<512x48xf32, #tpu.memory_space<vmem>>[vector<16xi32>, vector<16xi32>], vector<16xf32>,
        %parallel_loop3A_806 = arith.constant 4096 : i32
        %parallel_loop3A_807 = arith.addi %parallel_loop3A_657, %parallel_loop3A_806 : i32
        %parallel_loop3A_808 = arith.constant 384 : i32
        %parallel_loop3A_809 = arith.addi %parallel_loop3A_807, %parallel_loop3A_808 : i32
        %parallel_loop3A_810 = arith.constant 0 : i32
        %parallel_loop3A_811 = arith.index_cast %parallel_loop3A_810 : i32 to index
        %parallel_loop3A_812 = arith.index_cast %parallel_loop3A_809 : i32 to index
        %parallel_loop3A_813 = tpu.vector_load %arg7[%parallel_loop3A_811, %parallel_loop3A_812] {strides = array<i32>} : memref<2x16384xf32, #tpu.memory_space<vmem>>, vector<16xf32>,
        tpu.vector_store %arg7[%parallel_loop3A_811, %parallel_loop3A_812], %parallel_loop3A_805 {strides = array<i32>} : memref<2x16384xf32, #tpu.memory_space<vmem>>, vector<16xf32>,
        %parallel_loop3A_814 = arith.constant 0 : i32
        %parallel_loop3A_815 = arith.constant 0 : i32
        %parallel_loop3A_816 = tpu.memref_slice %arg6[%parallel_loop3A_329, %parallel_loop3A_814, %parallel_loop3A_815] : memref<2x512x48xf32, #tpu.memory_space<vmem>> -> memref<1x512x48xf32, #tpu.memory_space<vmem>>
        %parallel_loop3A_817 = tpu.memref_squeeze %parallel_loop3A_816 : memref<1x512x48xf32, #tpu.memory_space<vmem>> -> memref<512x48xf32, #tpu.memory_space<vmem>>
        %parallel_loop3A_818 = tpu.vector_load_idx %parallel_loop3A_817[%parallel_loop3A_652, %broadcast_in_dim3A_27] : memref<512x48xf32, #tpu.memory_space<vmem>>[vector<16xi32>, vector<16xi32>], vector<16xf32>,
        %parallel_loop3A_819 = arith.constant 4096 : i32
        %parallel_loop3A_820 = arith.addi %parallel_loop3A_657, %parallel_loop3A_819 : i32
        %parallel_loop3A_821 = arith.constant 512 : i32
        %parallel_loop3A_822 = arith.addi %parallel_loop3A_820, %parallel_loop3A_821 : i32
        %parallel_loop3A_823 = arith.constant 0 : i32
        %parallel_loop3A_824 = arith.index_cast %parallel_loop3A_823 : i32 to index
        %parallel_loop3A_825 = arith.index_cast %parallel_loop3A_822 : i32 to index
        %parallel_loop3A_826 = tpu.vector_load %arg7[%parallel_loop3A_824, %parallel_loop3A_825] {strides = array<i32>} : memref<2x16384xf32, #tpu.memory_space<vmem>>, vector<16xf32>,
        tpu.vector_store %arg7[%parallel_loop3A_824, %parallel_loop3A_825], %parallel_loop3A_818 {strides = array<i32>} : memref<2x16384xf32, #tpu.memory_space<vmem>>, vector<16xf32>,
        %parallel_loop3A_827 = arith.constant 0 : i32
        %parallel_loop3A_828 = arith.constant 0 : i32
        %parallel_loop3A_829 = tpu.memref_slice %arg6[%parallel_loop3A_329, %parallel_loop3A_827, %parallel_loop3A_828] : memref<2x512x48xf32, #tpu.memory_space<vmem>> -> memref<1x512x48xf32, #tpu.memory_space<vmem>>
        %parallel_loop3A_830 = tpu.memref_squeeze %parallel_loop3A_829 : memref<1x512x48xf32, #tpu.memory_space<vmem>> -> memref<512x48xf32, #tpu.memory_space<vmem>>
        %parallel_loop3A_831 = tpu.vector_load_idx %parallel_loop3A_830[%parallel_loop3A_652, %broadcast_in_dim3A_29] : memref<512x48xf32, #tpu.memory_space<vmem>>[vector<16xi32>, vector<16xi32>], vector<16xf32>,
        %parallel_loop3A_832 = arith.constant 4096 : i32
        %parallel_loop3A_833 = arith.addi %parallel_loop3A_657, %parallel_loop3A_832 : i32
        %parallel_loop3A_834 = arith.constant 640 : i32
        %parallel_loop3A_835 = arith.addi %parallel_loop3A_833, %parallel_loop3A_834 : i32
        %parallel_loop3A_836 = arith.constant 0 : i32
        %parallel_loop3A_837 = arith.index_cast %parallel_loop3A_836 : i32 to index
        %parallel_loop3A_838 = arith.index_cast %parallel_loop3A_835 : i32 to index
        %parallel_loop3A_839 = tpu.vector_load %arg7[%parallel_loop3A_837, %parallel_loop3A_838] {strides = array<i32>} : memref<2x16384xf32, #tpu.memory_space<vmem>>, vector<16xf32>,
        tpu.vector_store %arg7[%parallel_loop3A_837, %parallel_loop3A_838], %parallel_loop3A_831 {strides = array<i32>} : memref<2x16384xf32, #tpu.memory_space<vmem>>, vector<16xf32>,
        %parallel_loop3A_840 = arith.constant 0 : i32
        %parallel_loop3A_841 = arith.constant 0 : i32
        %parallel_loop3A_842 = tpu.memref_slice %arg6[%parallel_loop3A_329, %parallel_loop3A_840, %parallel_loop3A_841] : memref<2x512x48xf32, #tpu.memory_space<vmem>> -> memref<1x512x48xf32, #tpu.memory_space<vmem>>
        %parallel_loop3A_843 = tpu.memref_squeeze %parallel_loop3A_842 : memref<1x512x48xf32, #tpu.memory_space<vmem>> -> memref<512x48xf32, #tpu.memory_space<vmem>>
        %parallel_loop3A_844 = tpu.vector_load_idx %parallel_loop3A_843[%parallel_loop3A_652, %broadcast_in_dim3A_31] : memref<512x48xf32, #tpu.memory_space<vmem>>[vector<16xi32>, vector<16xi32>], vector<16xf32>,
        %parallel_loop3A_845 = arith.constant 4096 : i32
        %parallel_loop3A_846 = arith.addi %parallel_loop3A_657, %parallel_loop3A_845 : i32
        %parallel_loop3A_847 = arith.constant 768 : i32
        %parallel_loop3A_848 = arith.addi %parallel_loop3A_846, %parallel_loop3A_847 : i32
        %parallel_loop3A_849 = arith.constant 0 : i32
        %parallel_loop3A_850 = arith.index_cast %parallel_loop3A_849 : i32 to index
        %parallel_loop3A_851 = arith.index_cast %parallel_loop3A_848 : i32 to index
        %parallel_loop3A_852 = tpu.vector_load %arg7[%parallel_loop3A_850, %parallel_loop3A_851] {strides = array<i32>} : memref<2x16384xf32, #tpu.memory_space<vmem>>, vector<16xf32>,
        tpu.vector_store %arg7[%parallel_loop3A_850, %parallel_loop3A_851], %parallel_loop3A_844 {strides = array<i32>} : memref<2x16384xf32, #tpu.memory_space<vmem>>, vector<16xf32>,
        %parallel_loop3A_853 = arith.constant 0 : i32
        %parallel_loop3A_854 = arith.constant 0 : i32
        %parallel_loop3A_855 = tpu.memref_slice %arg6[%parallel_loop3A_329, %parallel_loop3A_853, %parallel_loop3A_854] : memref<2x512x48xf32, #tpu.memory_space<vmem>> -> memref<1x512x48xf32, #tpu.memory_space<vmem>>
        %parallel_loop3A_856 = tpu.memref_squeeze %parallel_loop3A_855 : memref<1x512x48xf32, #tpu.memory_space<vmem>> -> memref<512x48xf32, #tpu.memory_space<vmem>>
        %parallel_loop3A_857 = tpu.vector_load_idx %parallel_loop3A_856[%parallel_loop3A_652, %broadcast_in_dim3A_33] : memref<512x48xf32, #tpu.memory_space<vmem>>[vector<16xi32>, vector<16xi32>], vector<16xf32>,
        %parallel_loop3A_858 = arith.constant 4096 : i32
        %parallel_loop3A_859 = arith.addi %parallel_loop3A_657, %parallel_loop3A_858 : i32
        %parallel_loop3A_860 = arith.constant 896 : i32
        %parallel_loop3A_861 = arith.addi %parallel_loop3A_859, %parallel_loop3A_860 : i32
        %parallel_loop3A_862 = arith.constant 0 : i32
        %parallel_loop3A_863 = arith.index_cast %parallel_loop3A_862 : i32 to index
        %parallel_loop3A_864 = arith.index_cast %parallel_loop3A_861 : i32 to index
        %parallel_loop3A_865 = tpu.vector_load %arg7[%parallel_loop3A_863, %parallel_loop3A_864] {strides = array<i32>} : memref<2x16384xf32, #tpu.memory_space<vmem>>, vector<16xf32>,
        tpu.vector_store %arg7[%parallel_loop3A_863, %parallel_loop3A_864], %parallel_loop3A_857 {strides = array<i32>} : memref<2x16384xf32, #tpu.memory_space<vmem>>, vector<16xf32>,
        %parallel_loop3A_866 = arith.constant 0 : i32
        %parallel_loop3A_867 = arith.constant 0 : i32
        %parallel_loop3A_868 = tpu.memref_slice %arg6[%parallel_loop3A_329, %parallel_loop3A_866, %parallel_loop3A_867] : memref<2x512x48xf32, #tpu.memory_space<vmem>> -> memref<1x512x48xf32, #tpu.memory_space<vmem>>
        %parallel_loop3A_869 = tpu.memref_squeeze %parallel_loop3A_868 : memref<1x512x48xf32, #tpu.memory_space<vmem>> -> memref<512x48xf32, #tpu.memory_space<vmem>>
        %parallel_loop3A_870 = tpu.vector_load_idx %parallel_loop3A_869[%parallel_loop3A_652, %broadcast_in_dim3A_35] : memref<512x48xf32, #tpu.memory_space<vmem>>[vector<16xi32>, vector<16xi32>], vector<16xf32>,
        %parallel_loop3A_871 = arith.constant 8192 : i32
        %parallel_loop3A_872 = arith.addi %parallel_loop3A_657, %parallel_loop3A_871 : i32
        %parallel_loop3A_873 = arith.constant 0 : i32
        %parallel_loop3A_874 = arith.addi %parallel_loop3A_872, %parallel_loop3A_873 : i32
        %parallel_loop3A_875 = arith.constant 0 : i32
        %parallel_loop3A_876 = arith.index_cast %parallel_loop3A_875 : i32 to index
        %parallel_loop3A_877 = arith.index_cast %parallel_loop3A_874 : i32 to index
        %parallel_loop3A_878 = tpu.vector_load %arg7[%parallel_loop3A_876, %parallel_loop3A_877] {strides = array<i32>} : memref<2x16384xf32, #tpu.memory_space<vmem>>, vector<16xf32>,
        tpu.vector_store %arg7[%parallel_loop3A_876, %parallel_loop3A_877], %parallel_loop3A_870 {strides = array<i32>} : memref<2x16384xf32, #tpu.memory_space<vmem>>, vector<16xf32>,
        %parallel_loop3A_879 = arith.constant 0 : i32
        %parallel_loop3A_880 = arith.constant 0 : i32
        %parallel_loop3A_881 = tpu.memref_slice %arg6[%parallel_loop3A_329, %parallel_loop3A_879, %parallel_loop3A_880] : memref<2x512x48xf32, #tpu.memory_space<vmem>> -> memref<1x512x48xf32, #tpu.memory_space<vmem>>
        %parallel_loop3A_882 = tpu.memref_squeeze %parallel_loop3A_881 : memref<1x512x48xf32, #tpu.memory_space<vmem>> -> memref<512x48xf32, #tpu.memory_space<vmem>>
        %parallel_loop3A_883 = tpu.vector_load_idx %parallel_loop3A_882[%parallel_loop3A_652, %broadcast_in_dim3A_37] : memref<512x48xf32, #tpu.memory_space<vmem>>[vector<16xi32>, vector<16xi32>], vector<16xf32>,
        %parallel_loop3A_884 = arith.constant 8192 : i32
        %parallel_loop3A_885 = arith.addi %parallel_loop3A_657, %parallel_loop3A_884 : i32
        %parallel_loop3A_886 = arith.constant 128 : i32
        %parallel_loop3A_887 = arith.addi %parallel_loop3A_885, %parallel_loop3A_886 : i32
        %parallel_loop3A_888 = arith.constant 0 : i32
        %parallel_loop3A_889 = arith.index_cast %parallel_loop3A_888 : i32 to index
        %parallel_loop3A_890 = arith.index_cast %parallel_loop3A_887 : i32 to index
        %parallel_loop3A_891 = tpu.vector_load %arg7[%parallel_loop3A_889, %parallel_loop3A_890] {strides = array<i32>} : memref<2x16384xf32, #tpu.memory_space<vmem>>, vector<16xf32>,
        tpu.vector_store %arg7[%parallel_loop3A_889, %parallel_loop3A_890], %parallel_loop3A_883 {strides = array<i32>} : memref<2x16384xf32, #tpu.memory_space<vmem>>, vector<16xf32>,
        %parallel_loop3A_892 = arith.constant 0 : i32
        %parallel_loop3A_893 = arith.constant 0 : i32
        %parallel_loop3A_894 = tpu.memref_slice %arg6[%parallel_loop3A_329, %parallel_loop3A_892, %parallel_loop3A_893] : memref<2x512x48xf32, #tpu.memory_space<vmem>> -> memref<1x512x48xf32, #tpu.memory_space<vmem>>
        %parallel_loop3A_895 = tpu.memref_squeeze %parallel_loop3A_894 : memref<1x512x48xf32, #tpu.memory_space<vmem>> -> memref<512x48xf32, #tpu.memory_space<vmem>>
        %parallel_loop3A_896 = tpu.vector_load_idx %parallel_loop3A_895[%parallel_loop3A_652, %broadcast_in_dim3A_39] : memref<512x48xf32, #tpu.memory_space<vmem>>[vector<16xi32>, vector<16xi32>], vector<16xf32>,
        %parallel_loop3A_897 = arith.constant 8192 : i32
        %parallel_loop3A_898 = arith.addi %parallel_loop3A_657, %parallel_loop3A_897 : i32
        %parallel_loop3A_899 = arith.constant 256 : i32
        %parallel_loop3A_900 = arith.addi %parallel_loop3A_898, %parallel_loop3A_899 : i32
        %parallel_loop3A_901 = arith.constant 0 : i32
        %parallel_loop3A_902 = arith.index_cast %parallel_loop3A_901 : i32 to index
        %parallel_loop3A_903 = arith.index_cast %parallel_loop3A_900 : i32 to index
        %parallel_loop3A_904 = tpu.vector_load %arg7[%parallel_loop3A_902, %parallel_loop3A_903] {strides = array<i32>} : memref<2x16384xf32, #tpu.memory_space<vmem>>, vector<16xf32>,
        tpu.vector_store %arg7[%parallel_loop3A_902, %parallel_loop3A_903], %parallel_loop3A_896 {strides = array<i32>} : memref<2x16384xf32, #tpu.memory_space<vmem>>, vector<16xf32>,
        %parallel_loop3A_905 = arith.constant 0 : i32
        %parallel_loop3A_906 = arith.constant 0 : i32
        %parallel_loop3A_907 = tpu.memref_slice %arg6[%parallel_loop3A_329, %parallel_loop3A_905, %parallel_loop3A_906] : memref<2x512x48xf32, #tpu.memory_space<vmem>> -> memref<1x512x48xf32, #tpu.memory_space<vmem>>
        %parallel_loop3A_908 = tpu.memref_squeeze %parallel_loop3A_907 : memref<1x512x48xf32, #tpu.memory_space<vmem>> -> memref<512x48xf32, #tpu.memory_space<vmem>>
        %parallel_loop3A_909 = tpu.vector_load_idx %parallel_loop3A_908[%parallel_loop3A_652, %broadcast_in_dim3A_41] : memref<512x48xf32, #tpu.memory_space<vmem>>[vector<16xi32>, vector<16xi32>], vector<16xf32>,
        %parallel_loop3A_910 = arith.constant 8192 : i32
        %parallel_loop3A_911 = arith.addi %parallel_loop3A_657, %parallel_loop3A_910 : i32
        %parallel_loop3A_912 = arith.constant 384 : i32
        %parallel_loop3A_913 = arith.addi %parallel_loop3A_911, %parallel_loop3A_912 : i32
        %parallel_loop3A_914 = arith.constant 0 : i32
        %parallel_loop3A_915 = arith.index_cast %parallel_loop3A_914 : i32 to index
        %parallel_loop3A_916 = arith.index_cast %parallel_loop3A_913 : i32 to index
        %parallel_loop3A_917 = tpu.vector_load %arg7[%parallel_loop3A_915, %parallel_loop3A_916] {strides = array<i32>} : memref<2x16384xf32, #tpu.memory_space<vmem>>, vector<16xf32>,
        tpu.vector_store %arg7[%parallel_loop3A_915, %parallel_loop3A_916], %parallel_loop3A_909 {strides = array<i32>} : memref<2x16384xf32, #tpu.memory_space<vmem>>, vector<16xf32>,
        %parallel_loop3A_918 = arith.constant 0 : i32
        %parallel_loop3A_919 = arith.constant 0 : i32
        %parallel_loop3A_920 = tpu.memref_slice %arg6[%parallel_loop3A_329, %parallel_loop3A_918, %parallel_loop3A_919] : memref<2x512x48xf32, #tpu.memory_space<vmem>> -> memref<1x512x48xf32, #tpu.memory_space<vmem>>
        %parallel_loop3A_921 = tpu.memref_squeeze %parallel_loop3A_920 : memref<1x512x48xf32, #tpu.memory_space<vmem>> -> memref<512x48xf32, #tpu.memory_space<vmem>>
        %parallel_loop3A_922 = tpu.vector_load_idx %parallel_loop3A_921[%parallel_loop3A_652, %broadcast_in_dim3A_43] : memref<512x48xf32, #tpu.memory_space<vmem>>[vector<16xi32>, vector<16xi32>], vector<16xf32>,
        %parallel_loop3A_923 = arith.constant 8192 : i32
        %parallel_loop3A_924 = arith.addi %parallel_loop3A_657, %parallel_loop3A_923 : i32
        %parallel_loop3A_925 = arith.constant 512 : i32
        %parallel_loop3A_926 = arith.addi %parallel_loop3A_924, %parallel_loop3A_925 : i32
        %parallel_loop3A_927 = arith.constant 0 : i32
        %parallel_loop3A_928 = arith.index_cast %parallel_loop3A_927 : i32 to index
        %parallel_loop3A_929 = arith.index_cast %parallel_loop3A_926 : i32 to index
        %parallel_loop3A_930 = tpu.vector_load %arg7[%parallel_loop3A_928, %parallel_loop3A_929] {strides = array<i32>} : memref<2x16384xf32, #tpu.memory_space<vmem>>, vector<16xf32>,
        tpu.vector_store %arg7[%parallel_loop3A_928, %parallel_loop3A_929], %parallel_loop3A_922 {strides = array<i32>} : memref<2x16384xf32, #tpu.memory_space<vmem>>, vector<16xf32>,
        %parallel_loop3A_931 = arith.constant 0 : i32
        %parallel_loop3A_932 = arith.constant 0 : i32
        %parallel_loop3A_933 = tpu.memref_slice %arg6[%parallel_loop3A_329, %parallel_loop3A_931, %parallel_loop3A_932] : memref<2x512x48xf32, #tpu.memory_space<vmem>> -> memref<1x512x48xf32, #tpu.memory_space<vmem>>
        %parallel_loop3A_934 = tpu.memref_squeeze %parallel_loop3A_933 : memref<1x512x48xf32, #tpu.memory_space<vmem>> -> memref<512x48xf32, #tpu.memory_space<vmem>>
        %parallel_loop3A_935 = tpu.vector_load_idx %parallel_loop3A_934[%parallel_loop3A_652, %broadcast_in_dim3A_45] : memref<512x48xf32, #tpu.memory_space<vmem>>[vector<16xi32>, vector<16xi32>], vector<16xf32>,
        %parallel_loop3A_936 = arith.constant 8192 : i32
        %parallel_loop3A_937 = arith.addi %parallel_loop3A_657, %parallel_loop3A_936 : i32
        %parallel_loop3A_938 = arith.constant 640 : i32
        %parallel_loop3A_939 = arith.addi %parallel_loop3A_937, %parallel_loop3A_938 : i32
        %parallel_loop3A_940 = arith.constant 0 : i32
        %parallel_loop3A_941 = arith.index_cast %parallel_loop3A_940 : i32 to index
        %parallel_loop3A_942 = arith.index_cast %parallel_loop3A_939 : i32 to index
        %parallel_loop3A_943 = tpu.vector_load %arg7[%parallel_loop3A_941, %parallel_loop3A_942] {strides = array<i32>} : memref<2x16384xf32, #tpu.memory_space<vmem>>, vector<16xf32>,
        tpu.vector_store %arg7[%parallel_loop3A_941, %parallel_loop3A_942], %parallel_loop3A_935 {strides = array<i32>} : memref<2x16384xf32, #tpu.memory_space<vmem>>, vector<16xf32>,
        %parallel_loop3A_944 = arith.constant 0 : i32
        %parallel_loop3A_945 = arith.constant 0 : i32
        %parallel_loop3A_946 = tpu.memref_slice %arg6[%parallel_loop3A_329, %parallel_loop3A_944, %parallel_loop3A_945] : memref<2x512x48xf32, #tpu.memory_space<vmem>> -> memref<1x512x48xf32, #tpu.memory_space<vmem>>
        %parallel_loop3A_947 = tpu.memref_squeeze %parallel_loop3A_946 : memref<1x512x48xf32, #tpu.memory_space<vmem>> -> memref<512x48xf32, #tpu.memory_space<vmem>>
        %parallel_loop3A_948 = tpu.vector_load_idx %parallel_loop3A_947[%parallel_loop3A_652, %broadcast_in_dim3A_47] : memref<512x48xf32, #tpu.memory_space<vmem>>[vector<16xi32>, vector<16xi32>], vector<16xf32>,
        %parallel_loop3A_949 = arith.constant 8192 : i32
        %parallel_loop3A_950 = arith.addi %parallel_loop3A_657, %parallel_loop3A_949 : i32
        %parallel_loop3A_951 = arith.constant 768 : i32
        %parallel_loop3A_952 = arith.addi %parallel_loop3A_950, %parallel_loop3A_951 : i32
        %parallel_loop3A_953 = arith.constant 0 : i32
        %parallel_loop3A_954 = arith.index_cast %parallel_loop3A_953 : i32 to index
        %parallel_loop3A_955 = arith.index_cast %parallel_loop3A_952 : i32 to index
        %parallel_loop3A_956 = tpu.vector_load %arg7[%parallel_loop3A_954, %parallel_loop3A_955] {strides = array<i32>} : memref<2x16384xf32, #tpu.memory_space<vmem>>, vector<16xf32>,
        tpu.vector_store %arg7[%parallel_loop3A_954, %parallel_loop3A_955], %parallel_loop3A_948 {strides = array<i32>} : memref<2x16384xf32, #tpu.memory_space<vmem>>, vector<16xf32>,
        %parallel_loop3A_957 = arith.constant 0 : i32
        %parallel_loop3A_958 = arith.constant 0 : i32
        %parallel_loop3A_959 = tpu.memref_slice %arg6[%parallel_loop3A_329, %parallel_loop3A_957, %parallel_loop3A_958] : memref<2x512x48xf32, #tpu.memory_space<vmem>> -> memref<1x512x48xf32, #tpu.memory_space<vmem>>
        %parallel_loop3A_960 = tpu.memref_squeeze %parallel_loop3A_959 : memref<1x512x48xf32, #tpu.memory_space<vmem>> -> memref<512x48xf32, #tpu.memory_space<vmem>>
        %parallel_loop3A_961 = tpu.vector_load_idx %parallel_loop3A_960[%parallel_loop3A_652, %broadcast_in_dim3A_49] : memref<512x48xf32, #tpu.memory_space<vmem>>[vector<16xi32>, vector<16xi32>], vector<16xf32>,
        %parallel_loop3A_962 = arith.constant 8192 : i32
        %parallel_loop3A_963 = arith.addi %parallel_loop3A_657, %parallel_loop3A_962 : i32
        %parallel_loop3A_964 = arith.constant 896 : i32
        %parallel_loop3A_965 = arith.addi %parallel_loop3A_963, %parallel_loop3A_964 : i32
        %parallel_loop3A_966 = arith.constant 0 : i32
        %parallel_loop3A_967 = arith.index_cast %parallel_loop3A_966 : i32 to index
        %parallel_loop3A_968 = arith.index_cast %parallel_loop3A_965 : i32 to index
        %parallel_loop3A_969 = tpu.vector_load %arg7[%parallel_loop3A_967, %parallel_loop3A_968] {strides = array<i32>} : memref<2x16384xf32, #tpu.memory_space<vmem>>, vector<16xf32>,
        tpu.vector_store %arg7[%parallel_loop3A_967, %parallel_loop3A_968], %parallel_loop3A_961 {strides = array<i32>} : memref<2x16384xf32, #tpu.memory_space<vmem>>, vector<16xf32>,
        %parallel_loop3A_970 = arith.constant 0 : i32
        %parallel_loop3A_971 = arith.constant 0 : i32
        %parallel_loop3A_972 = tpu.memref_slice %arg6[%parallel_loop3A_329, %parallel_loop3A_970, %parallel_loop3A_971] : memref<2x512x48xf32, #tpu.memory_space<vmem>> -> memref<1x512x48xf32, #tpu.memory_space<vmem>>
        %parallel_loop3A_973 = tpu.memref_squeeze %parallel_loop3A_972 : memref<1x512x48xf32, #tpu.memory_space<vmem>> -> memref<512x48xf32, #tpu.memory_space<vmem>>
        %parallel_loop3A_974 = tpu.vector_load_idx %parallel_loop3A_973[%parallel_loop3A_652, %broadcast_in_dim3A_51] : memref<512x48xf32, #tpu.memory_space<vmem>>[vector<16xi32>, vector<16xi32>], vector<16xf32>,
        %parallel_loop3A_975 = arith.constant 12288 : i32
        %parallel_loop3A_976 = arith.addi %parallel_loop3A_657, %parallel_loop3A_975 : i32
        %parallel_loop3A_977 = arith.constant 0 : i32
        %parallel_loop3A_978 = arith.addi %parallel_loop3A_976, %parallel_loop3A_977 : i32
        %parallel_loop3A_979 = arith.constant 0 : i32
        %parallel_loop3A_980 = arith.index_cast %parallel_loop3A_979 : i32 to index
        %parallel_loop3A_981 = arith.index_cast %parallel_loop3A_978 : i32 to index
        %parallel_loop3A_982 = tpu.vector_load %arg7[%parallel_loop3A_980, %parallel_loop3A_981] {strides = array<i32>} : memref<2x16384xf32, #tpu.memory_space<vmem>>, vector<16xf32>,
        tpu.vector_store %arg7[%parallel_loop3A_980, %parallel_loop3A_981], %parallel_loop3A_974 {strides = array<i32>} : memref<2x16384xf32, #tpu.memory_space<vmem>>, vector<16xf32>,
        %parallel_loop3A_983 = arith.constant 0 : i32
        %parallel_loop3A_984 = arith.constant 0 : i32
        %parallel_loop3A_985 = tpu.memref_slice %arg6[%parallel_loop3A_329, %parallel_loop3A_983, %parallel_loop3A_984] : memref<2x512x48xf32, #tpu.memory_space<vmem>> -> memref<1x512x48xf32, #tpu.memory_space<vmem>>
        %parallel_loop3A_986 = tpu.memref_squeeze %parallel_loop3A_985 : memref<1x512x48xf32, #tpu.memory_space<vmem>> -> memref<512x48xf32, #tpu.memory_space<vmem>>
        %parallel_loop3A_987 = tpu.vector_load_idx %parallel_loop3A_986[%parallel_loop3A_652, %broadcast_in_dim3A_53] : memref<512x48xf32, #tpu.memory_space<vmem>>[vector<16xi32>, vector<16xi32>], vector<16xf32>,
        %parallel_loop3A_988 = arith.constant 12288 : i32
        %parallel_loop3A_989 = arith.addi %parallel_loop3A_657, %parallel_loop3A_988 : i32
        %parallel_loop3A_990 = arith.constant 128 : i32
        %parallel_loop3A_991 = arith.addi %parallel_loop3A_989, %parallel_loop3A_990 : i32
        %parallel_loop3A_992 = arith.constant 0 : i32
        %parallel_loop3A_993 = arith.index_cast %parallel_loop3A_992 : i32 to index
        %parallel_loop3A_994 = arith.index_cast %parallel_loop3A_991 : i32 to index
        %parallel_loop3A_995 = tpu.vector_load %arg7[%parallel_loop3A_993, %parallel_loop3A_994] {strides = array<i32>} : memref<2x16384xf32, #tpu.memory_space<vmem>>, vector<16xf32>,
        tpu.vector_store %arg7[%parallel_loop3A_993, %parallel_loop3A_994], %parallel_loop3A_987 {strides = array<i32>} : memref<2x16384xf32, #tpu.memory_space<vmem>>, vector<16xf32>,
        %parallel_loop3A_996 = arith.constant 0 : i32
        %parallel_loop3A_997 = arith.constant 0 : i32
        %parallel_loop3A_998 = tpu.memref_slice %arg6[%parallel_loop3A_329, %parallel_loop3A_996, %parallel_loop3A_997] : memref<2x512x48xf32, #tpu.memory_space<vmem>> -> memref<1x512x48xf32, #tpu.memory_space<vmem>>
        %parallel_loop3A_999 = tpu.memref_squeeze %parallel_loop3A_998 : memref<1x512x48xf32, #tpu.memory_space<vmem>> -> memref<512x48xf32, #tpu.memory_space<vmem>>
        %parallel_loop3A_1000 = tpu.vector_load_idx %parallel_loop3A_999[%parallel_loop3A_652, %broadcast_in_dim3A_55] : memref<512x48xf32, #tpu.memory_space<vmem>>[vector<16xi32>, vector<16xi32>], vector<16xf32>,
        %parallel_loop3A_1001 = arith.constant 12288 : i32
        %parallel_loop3A_1002 = arith.addi %parallel_loop3A_657, %parallel_loop3A_1001 : i32
        %parallel_loop3A_1003 = arith.constant 256 : i32
        %parallel_loop3A_1004 = arith.addi %parallel_loop3A_1002, %parallel_loop3A_1003 : i32
        %parallel_loop3A_1005 = arith.constant 0 : i32
        %parallel_loop3A_1006 = arith.index_cast %parallel_loop3A_1005 : i32 to index
        %parallel_loop3A_1007 = arith.index_cast %parallel_loop3A_1004 : i32 to index
        %parallel_loop3A_1008 = tpu.vector_load %arg7[%parallel_loop3A_1006, %parallel_loop3A_1007] {strides = array<i32>} : memref<2x16384xf32, #tpu.memory_space<vmem>>, vector<16xf32>,
        tpu.vector_store %arg7[%parallel_loop3A_1006, %parallel_loop3A_1007], %parallel_loop3A_1000 {strides = array<i32>} : memref<2x16384xf32, #tpu.memory_space<vmem>>, vector<16xf32>,
        %parallel_loop3A_1009 = arith.constant 0 : i32
        %parallel_loop3A_1010 = arith.constant 0 : i32
        %parallel_loop3A_1011 = tpu.memref_slice %arg6[%parallel_loop3A_329, %parallel_loop3A_1009, %parallel_loop3A_1010] : memref<2x512x48xf32, #tpu.memory_space<vmem>> -> memref<1x512x48xf32, #tpu.memory_space<vmem>>
        %parallel_loop3A_1012 = tpu.memref_squeeze %parallel_loop3A_1011 : memref<1x512x48xf32, #tpu.memory_space<vmem>> -> memref<512x48xf32, #tpu.memory_space<vmem>>
        %parallel_loop3A_1013 = tpu.vector_load_idx %parallel_loop3A_1012[%parallel_loop3A_652, %broadcast_in_dim3A_57] : memref<512x48xf32, #tpu.memory_space<vmem>>[vector<16xi32>, vector<16xi32>], vector<16xf32>,
        %parallel_loop3A_1014 = arith.constant 12288 : i32
        %parallel_loop3A_1015 = arith.addi %parallel_loop3A_657, %parallel_loop3A_1014 : i32
        %parallel_loop3A_1016 = arith.constant 384 : i32
        %parallel_loop3A_1017 = arith.addi %parallel_loop3A_1015, %parallel_loop3A_1016 : i32
        %parallel_loop3A_1018 = arith.constant 0 : i32
        %parallel_loop3A_1019 = arith.index_cast %parallel_loop3A_1018 : i32 to index
        %parallel_loop3A_1020 = arith.index_cast %parallel_loop3A_1017 : i32 to index
        %parallel_loop3A_1021 = tpu.vector_load %arg7[%parallel_loop3A_1019, %parallel_loop3A_1020] {strides = array<i32>} : memref<2x16384xf32, #tpu.memory_space<vmem>>, vector<16xf32>,
        tpu.vector_store %arg7[%parallel_loop3A_1019, %parallel_loop3A_1020], %parallel_loop3A_1013 {strides = array<i32>} : memref<2x16384xf32, #tpu.memory_space<vmem>>, vector<16xf32>,
        %parallel_loop3A_1022 = arith.constant 0 : i32
        %parallel_loop3A_1023 = arith.constant 0 : i32
        %parallel_loop3A_1024 = tpu.memref_slice %arg6[%parallel_loop3A_329, %parallel_loop3A_1022, %parallel_loop3A_1023] : memref<2x512x48xf32, #tpu.memory_space<vmem>> -> memref<1x512x48xf32, #tpu.memory_space<vmem>>
        %parallel_loop3A_1025 = tpu.memref_squeeze %parallel_loop3A_1024 : memref<1x512x48xf32, #tpu.memory_space<vmem>> -> memref<512x48xf32, #tpu.memory_space<vmem>>
        %parallel_loop3A_1026 = tpu.vector_load_idx %parallel_loop3A_1025[%parallel_loop3A_652, %broadcast_in_dim3A_59] : memref<512x48xf32, #tpu.memory_space<vmem>>[vector<16xi32>, vector<16xi32>], vector<16xf32>,
        %parallel_loop3A_1027 = arith.constant 12288 : i32
        %parallel_loop3A_1028 = arith.addi %parallel_loop3A_657, %parallel_loop3A_1027 : i32
        %parallel_loop3A_1029 = arith.constant 512 : i32
        %parallel_loop3A_1030 = arith.addi %parallel_loop3A_1028, %parallel_loop3A_1029 : i32
        %parallel_loop3A_1031 = arith.constant 0 : i32
        %parallel_loop3A_1032 = arith.index_cast %parallel_loop3A_1031 : i32 to index
        %parallel_loop3A_1033 = arith.index_cast %parallel_loop3A_1030 : i32 to index
        %parallel_loop3A_1034 = tpu.vector_load %arg7[%parallel_loop3A_1032, %parallel_loop3A_1033] {strides = array<i32>} : memref<2x16384xf32, #tpu.memory_space<vmem>>, vector<16xf32>,
        tpu.vector_store %arg7[%parallel_loop3A_1032, %parallel_loop3A_1033], %parallel_loop3A_1026 {strides = array<i32>} : memref<2x16384xf32, #tpu.memory_space<vmem>>, vector<16xf32>,
        %parallel_loop3A_1035 = arith.constant 0 : i32
        %parallel_loop3A_1036 = arith.constant 0 : i32
        %parallel_loop3A_1037 = tpu.memref_slice %arg6[%parallel_loop3A_329, %parallel_loop3A_1035, %parallel_loop3A_1036] : memref<2x512x48xf32, #tpu.memory_space<vmem>> -> memref<1x512x48xf32, #tpu.memory_space<vmem>>
        %parallel_loop3A_1038 = tpu.memref_squeeze %parallel_loop3A_1037 : memref<1x512x48xf32, #tpu.memory_space<vmem>> -> memref<512x48xf32, #tpu.memory_space<vmem>>
        %parallel_loop3A_1039 = tpu.vector_load_idx %parallel_loop3A_1038[%parallel_loop3A_652, %broadcast_in_dim3A_61] : memref<512x48xf32, #tpu.memory_space<vmem>>[vector<16xi32>, vector<16xi32>], vector<16xf32>,
        %parallel_loop3A_1040 = arith.constant 12288 : i32
        %parallel_loop3A_1041 = arith.addi %parallel_loop3A_657, %parallel_loop3A_1040 : i32
        %parallel_loop3A_1042 = arith.constant 640 : i32
        %parallel_loop3A_1043 = arith.addi %parallel_loop3A_1041, %parallel_loop3A_1042 : i32
        %parallel_loop3A_1044 = arith.constant 0 : i32
        %parallel_loop3A_1045 = arith.index_cast %parallel_loop3A_1044 : i32 to index
        %parallel_loop3A_1046 = arith.index_cast %parallel_loop3A_1043 : i32 to index
        %parallel_loop3A_1047 = tpu.vector_load %arg7[%parallel_loop3A_1045, %parallel_loop3A_1046] {strides = array<i32>} : memref<2x16384xf32, #tpu.memory_space<vmem>>, vector<16xf32>,
        tpu.vector_store %arg7[%parallel_loop3A_1045, %parallel_loop3A_1046], %parallel_loop3A_1039 {strides = array<i32>} : memref<2x16384xf32, #tpu.memory_space<vmem>>, vector<16xf32>,
        %parallel_loop3A_1048 = arith.constant 0 : i32
        %parallel_loop3A_1049 = arith.constant 0 : i32
        %parallel_loop3A_1050 = tpu.memref_slice %arg6[%parallel_loop3A_329, %parallel_loop3A_1048, %parallel_loop3A_1049] : memref<2x512x48xf32, #tpu.memory_space<vmem>> -> memref<1x512x48xf32, #tpu.memory_space<vmem>>
        %parallel_loop3A_1051 = tpu.memref_squeeze %parallel_loop3A_1050 : memref<1x512x48xf32, #tpu.memory_space<vmem>> -> memref<512x48xf32, #tpu.memory_space<vmem>>
        %parallel_loop3A_1052 = tpu.vector_load_idx %parallel_loop3A_1051[%parallel_loop3A_652, %broadcast_in_dim3A_63] : memref<512x48xf32, #tpu.memory_space<vmem>>[vector<16xi32>, vector<16xi32>], vector<16xf32>,
        %parallel_loop3A_1053 = arith.constant 12288 : i32
        %parallel_loop3A_1054 = arith.addi %parallel_loop3A_657, %parallel_loop3A_1053 : i32
        %parallel_loop3A_1055 = arith.constant 768 : i32
        %parallel_loop3A_1056 = arith.addi %parallel_loop3A_1054, %parallel_loop3A_1055 : i32
        %parallel_loop3A_1057 = arith.constant 0 : i32
        %parallel_loop3A_1058 = arith.index_cast %parallel_loop3A_1057 : i32 to index
        %parallel_loop3A_1059 = arith.index_cast %parallel_loop3A_1056 : i32 to index
        %parallel_loop3A_1060 = tpu.vector_load %arg7[%parallel_loop3A_1058, %parallel_loop3A_1059] {strides = array<i32>} : memref<2x16384xf32, #tpu.memory_space<vmem>>, vector<16xf32>,
        tpu.vector_store %arg7[%parallel_loop3A_1058, %parallel_loop3A_1059], %parallel_loop3A_1052 {strides = array<i32>} : memref<2x16384xf32, #tpu.memory_space<vmem>>, vector<16xf32>,
        %parallel_loop3A_1061 = arith.constant 0 : i32
        %parallel_loop3A_1062 = arith.constant 0 : i32
        %parallel_loop3A_1063 = tpu.memref_slice %arg6[%parallel_loop3A_329, %parallel_loop3A_1061, %parallel_loop3A_1062] : memref<2x512x48xf32, #tpu.memory_space<vmem>> -> memref<1x512x48xf32, #tpu.memory_space<vmem>>
        %parallel_loop3A_1064 = tpu.memref_squeeze %parallel_loop3A_1063 : memref<1x512x48xf32, #tpu.memory_space<vmem>> -> memref<512x48xf32, #tpu.memory_space<vmem>>
        %parallel_loop3A_1065 = tpu.vector_load_idx %parallel_loop3A_1064[%parallel_loop3A_652, %broadcast_in_dim3A_65] : memref<512x48xf32, #tpu.memory_space<vmem>>[vector<16xi32>, vector<16xi32>], vector<16xf32>,
        %parallel_loop3A_1066 = arith.constant 12288 : i32
        %parallel_loop3A_1067 = arith.addi %parallel_loop3A_657, %parallel_loop3A_1066 : i32
        %parallel_loop3A_1068 = arith.constant 896 : i32
        %parallel_loop3A_1069 = arith.addi %parallel_loop3A_1067, %parallel_loop3A_1068 : i32
        %parallel_loop3A_1070 = arith.constant 0 : i32
        %parallel_loop3A_1071 = arith.index_cast %parallel_loop3A_1070 : i32 to index
        %parallel_loop3A_1072 = arith.index_cast %parallel_loop3A_1069 : i32 to index
        %parallel_loop3A_1073 = tpu.vector_load %arg7[%parallel_loop3A_1071, %parallel_loop3A_1072] {strides = array<i32>} : memref<2x16384xf32, #tpu.memory_space<vmem>>, vector<16xf32>,
        tpu.vector_store %arg7[%parallel_loop3A_1071, %parallel_loop3A_1072], %parallel_loop3A_1065 {strides = array<i32>} : memref<2x16384xf32, #tpu.memory_space<vmem>>, vector<16xf32>,
      } {sc.loop_unroll_factor = 2 : i64, sc.parallel_access}
      %jit3A = arith.constant 32 : i32
      %div3A = arith.divsi %add3A_259, %jit3A : i32
      %sign3A = arith.constant 0 : i32
      %sign3A_330 = arith.cmpi sgt, %add3A_259, %sign3A : i32
      %sign3A_331 = arith.extui %sign3A_330 : i1 to i32
      %sign3A_332 = arith.constant 0 : i32
      %sign3A_333 = arith.cmpi slt, %add3A_259, %sign3A_332 : i32
      %sign3A_334 = arith.extui %sign3A_333 : i1 to i32
      %sign3A_335 = arith.subi %sign3A_331, %sign3A_334 : i32
      %sign3A_336 = arith.constant 0 : i32
      %sign3A_337 = arith.cmpi sgt, %jit3A, %sign3A_336 : i32
      %sign3A_338 = arith.extui %sign3A_337 : i1 to i32
      %sign3A_339 = arith.constant 0 : i32
      %sign3A_340 = arith.cmpi slt, %jit3A, %sign3A_339 : i32
      %sign3A_341 = arith.extui %sign3A_340 : i1 to i32
      %sign3A_342 = arith.subi %sign3A_338, %sign3A_341 : i32
      %ne3A = arith.cmpi ne, %sign3A_335, %sign3A_342 : i32
      %rem3A = arith.remsi %add3A_259, %jit3A : i32
      %ne3A_343 = arith.constant 0 : i32
      %ne3A_344 = arith.cmpi ne, %rem3A, %ne3A_343 : i32
      %and3A = arith.andi %ne3A, %ne3A_344 : i1
      %sub3A = arith.constant 1 : i32
      %sub3A_345 = arith.subi %div3A, %sub3A : i32
      %select_n3A = arith.select %and3A, %sub3A_345, %div3A : i32
      %jit3A_346 = arith.constant 32 : i32
      %eq3A = arith.constant 0 : i32
      %eq3A_347 = arith.cmpi eq, %jit3A_346, %eq3A : i32
      %jit3A_348 = arith.constant 1 : i32
      %select_n3A_349 = arith.select %eq3A_347, %jit3A_348, %jit3A_346 : i32
      %rem3A_350 = arith.remsi %add3A_259, %select_n3A_349 : i32
      %ne3A_351 = arith.constant 0 : i32
      %ne3A_352 = arith.cmpi ne, %rem3A_350, %ne3A_351 : i32
      %lt3A_353 = arith.constant 0 : i32
      %lt3A_354 = arith.cmpi slt, %rem3A_350, %lt3A_353 : i32
      %lt3A_355 = arith.constant 0 : i32
      %lt3A_356 = arith.cmpi slt, %select_n3A_349, %lt3A_355 : i32
      %ne3A_357 = arith.xori %lt3A_354, %lt3A_356 : i1
      %and3A_358 = arith.andi %ne3A_357, %ne3A_352 : i1
      %add3A_359 = arith.addi %rem3A_350, %select_n3A_349 : i32
      %select_n3A_360 = arith.select %and3A_358, %add3A_359, %rem3A_350 : i32
      %mul3A_361 = arith.constant 128 : i32
      %mul3A_362 = arith.muli %select_n3A, %mul3A_361 : i32
      %mul3A_363 = arith.constant 4 : i32
      %mul3A_364 = arith.muli %mul3A_362, %mul3A_363 : i32
      %add3A_365 = arith.constant 0 : i32
      %add3A_366 = arith.addi %mul3A_364, %add3A_365 : i32
      %mul3A_367 = arith.constant 4 : i32
      %mul3A_368 = arith.muli %select_n3A_360, %mul3A_367 : i32
      %add3A_369 = arith.addi %add3A_366, %mul3A_368 : i32
      %mul3A_370 = arith.constant 1024 : i32
      %mul3A_371 = arith.muli %add3A_369, %mul3A_370 : i32
      %dma_start3A_372 = arith.constant 0 : i32
      %dma_start3A_373 = arith.constant 0 : i32
      %dma_start3A_374 = tpu.memref_slice %arg7[%dma_start3A_372, %dma_start3A_373] : memref<2x16384xf32, #tpu.memory_space<vmem>> -> memref<1x4096xf32, #tpu.memory_space<vmem>>
      %dma_start3A_375 = tpu.memref_squeeze %dma_start3A_374 : memref<1x4096xf32, #tpu.memory_space<vmem>> -> memref<4096xf32, #tpu.memory_space<vmem>>
      %dma_start3A_376 = tpu.memref_slice %arg4[%mul3A_371] : memref<104857600xf32, #tpu.memory_space<hbm>> -> memref<4096xf32, #tpu.memory_space<hbm>>
      %dma_start3A_377 = tpu.memref_slice %arg4[%mul3A_371] : memref<104857600xf32, #tpu.memory_space<hbm>> -> memref<4096xf32, #tpu.memory_space<hbm>>
      %dma_start3A_378 = arith.constant 0 : i32
      %dma_start3A_379 = tpu.memref_slice %arg7[%dma_start3A_372, %dma_start3A_378] : memref<2x16384xf32, #tpu.memory_space<vmem>> -> memref<1x4096xf32, #tpu.memory_space<vmem>>
      %dma_start3A_380 = tpu.memref_squeeze %dma_start3A_379 : memref<1x4096xf32, #tpu.memory_space<vmem>> -> memref<4096xf32, #tpu.memory_space<vmem>>
      tpu.enqueue_dma source(%dma_start3A_380 : memref<4096xf32, #tpu.memory_space<vmem>>) target(%dma_start3A_377 : memref<4096xf32, #tpu.memory_space<hbm>>) target_semaphore(%arg12 : memref<!tpu.dma_semaphore, #tpu.memory_space<semaphore_mem>>)
      %mul3A_381 = arith.constant 128 : i32
      %mul3A_382 = arith.muli %select_n3A, %mul3A_381 : i32
      %mul3A_383 = arith.constant 4 : i32
      %mul3A_384 = arith.muli %mul3A_382, %mul3A_383 : i32
      %add3A_385 = arith.constant 128 : i32
      %add3A_386 = arith.addi %mul3A_384, %add3A_385 : i32
      %mul3A_387 = arith.constant 4 : i32
      %mul3A_388 = arith.muli %select_n3A_360, %mul3A_387 : i32
      %add3A_389 = arith.addi %add3A_386, %mul3A_388 : i32
      %mul3A_390 = arith.constant 1024 : i32
      %mul3A_391 = arith.muli %add3A_389, %mul3A_390 : i32
      %dma_start3A_392 = arith.constant 0 : i32
      %dma_start3A_393 = arith.constant 4096 : i32
      %dma_start3A_394 = tpu.memref_slice %arg7[%dma_start3A_392, %dma_start3A_393] : memref<2x16384xf32, #tpu.memory_space<vmem>> -> memref<1x4096xf32, #tpu.memory_space<vmem>>
      %dma_start3A_395 = tpu.memref_squeeze %dma_start3A_394 : memref<1x4096xf32, #tpu.memory_space<vmem>> -> memref<4096xf32, #tpu.memory_space<vmem>>
      %dma_start3A_396 = tpu.memref_slice %arg4[%mul3A_391] : memref<104857600xf32, #tpu.memory_space<hbm>> -> memref<4096xf32, #tpu.memory_space<hbm>>
      %dma_start3A_397 = tpu.memref_slice %arg4[%mul3A_391] : memref<104857600xf32, #tpu.memory_space<hbm>> -> memref<4096xf32, #tpu.memory_space<hbm>>
      %dma_start3A_398 = arith.constant 4096 : i32
      %dma_start3A_399 = tpu.memref_slice %arg7[%dma_start3A_392, %dma_start3A_398] : memref<2x16384xf32, #tpu.memory_space<vmem>> -> memref<1x4096xf32, #tpu.memory_space<vmem>>
      %dma_start3A_400 = tpu.memref_squeeze %dma_start3A_399 : memref<1x4096xf32, #tpu.memory_space<vmem>> -> memref<4096xf32, #tpu.memory_space<vmem>>
      tpu.enqueue_dma source(%dma_start3A_400 : memref<4096xf32, #tpu.memory_space<vmem>>) target(%dma_start3A_397 : memref<4096xf32, #tpu.memory_space<hbm>>) target_semaphore(%arg12 : memref<!tpu.dma_semaphore, #tpu.memory_space<semaphore_mem>>)
      %mul3A_401 = arith.constant 128 : i32
      %mul3A_402 = arith.muli %select_n3A, %mul3A_401 : i32
      %mul3A_403 = arith.constant 4 : i32
      %mul3A_404 = arith.muli %mul3A_402, %mul3A_403 : i32
      %add3A_405 = arith.constant 256 : i32
      %add3A_406 = arith.addi %mul3A_404, %add3A_405 : i32
      %mul3A_407 = arith.constant 4 : i32
      %mul3A_408 = arith.muli %select_n3A_360, %mul3A_407 : i32
      %add3A_409 = arith.addi %add3A_406, %mul3A_408 : i32
      %mul3A_410 = arith.constant 1024 : i32
      %mul3A_411 = arith.muli %add3A_409, %mul3A_410 : i32
      %dma_start3A_412 = arith.constant 0 : i32
      %dma_start3A_413 = arith.constant 8192 : i32
      %dma_start3A_414 = tpu.memref_slice %arg7[%dma_start3A_412, %dma_start3A_413] : memref<2x16384xf32, #tpu.memory_space<vmem>> -> memref<1x4096xf32, #tpu.memory_space<vmem>>
      %dma_start3A_415 = tpu.memref_squeeze %dma_start3A_414 : memref<1x4096xf32, #tpu.memory_space<vmem>> -> memref<4096xf32, #tpu.memory_space<vmem>>
      %dma_start3A_416 = tpu.memref_slice %arg4[%mul3A_411] : memref<104857600xf32, #tpu.memory_space<hbm>> -> memref<4096xf32, #tpu.memory_space<hbm>>
      %dma_start3A_417 = tpu.memref_slice %arg4[%mul3A_411] : memref<104857600xf32, #tpu.memory_space<hbm>> -> memref<4096xf32, #tpu.memory_space<hbm>>
      %dma_start3A_418 = arith.constant 8192 : i32
      %dma_start3A_419 = tpu.memref_slice %arg7[%dma_start3A_412, %dma_start3A_418] : memref<2x16384xf32, #tpu.memory_space<vmem>> -> memref<1x4096xf32, #tpu.memory_space<vmem>>
      %dma_start3A_420 = tpu.memref_squeeze %dma_start3A_419 : memref<1x4096xf32, #tpu.memory_space<vmem>> -> memref<4096xf32, #tpu.memory_space<vmem>>
      tpu.enqueue_dma source(%dma_start3A_420 : memref<4096xf32, #tpu.memory_space<vmem>>) target(%dma_start3A_417 : memref<4096xf32, #tpu.memory_space<hbm>>) target_semaphore(%arg12 : memref<!tpu.dma_semaphore, #tpu.memory_space<semaphore_mem>>)
      %mul3A_421 = arith.constant 128 : i32
      %mul3A_422 = arith.muli %select_n3A, %mul3A_421 : i32
      %mul3A_423 = arith.constant 4 : i32
      %mul3A_424 = arith.muli %mul3A_422, %mul3A_423 : i32
      %add3A_425 = arith.constant 384 : i32
      %add3A_426 = arith.addi %mul3A_424, %add3A_425 : i32
      %mul3A_427 = arith.constant 4 : i32
      %mul3A_428 = arith.muli %select_n3A_360, %mul3A_427 : i32
      %add3A_429 = arith.addi %add3A_426, %mul3A_428 : i32
      %mul3A_430 = arith.constant 1024 : i32
      %mul3A_431 = arith.muli %add3A_429, %mul3A_430 : i32
      %dma_start3A_432 = arith.constant 0 : i32
      %dma_start3A_433 = arith.constant 12288 : i32
      %dma_start3A_434 = tpu.memref_slice %arg7[%dma_start3A_432, %dma_start3A_433] : memref<2x16384xf32, #tpu.memory_space<vmem>> -> memref<1x4096xf32, #tpu.memory_space<vmem>>
      %dma_start3A_435 = tpu.memref_squeeze %dma_start3A_434 : memref<1x4096xf32, #tpu.memory_space<vmem>> -> memref<4096xf32, #tpu.memory_space<vmem>>
      %dma_start3A_436 = tpu.memref_slice %arg4[%mul3A_431] : memref<104857600xf32, #tpu.memory_space<hbm>> -> memref<4096xf32, #tpu.memory_space<hbm>>
      %dma_start3A_437 = tpu.memref_slice %arg4[%mul3A_431] : memref<104857600xf32, #tpu.memory_space<hbm>> -> memref<4096xf32, #tpu.memory_space<hbm>>
      %dma_start3A_438 = arith.constant 12288 : i32
      %dma_start3A_439 = tpu.memref_slice %arg7[%dma_start3A_432, %dma_start3A_438] : memref<2x16384xf32, #tpu.memory_space<vmem>> -> memref<1x4096xf32, #tpu.memory_space<vmem>>
      %dma_start3A_440 = tpu.memref_squeeze %dma_start3A_439 : memref<1x4096xf32, #tpu.memory_space<vmem>> -> memref<4096xf32, #tpu.memory_space<vmem>>
      tpu.enqueue_dma source(%dma_start3A_440 : memref<4096xf32, #tpu.memory_space<vmem>>) target(%dma_start3A_437 : memref<4096xf32, #tpu.memory_space<hbm>>) target_semaphore(%arg12 : memref<!tpu.dma_semaphore, #tpu.memory_space<semaphore_mem>>)
      %mul3A_441 = arith.constant 2 : i32
      %mul3A_442 = arith.muli %mul3A_441, %scan3A_256 : i32
      %add3A_443 = arith.constant 1 : i32
      %add3A_444 = arith.addi %mul3A_442, %add3A_443 : i32
      %add3A_445 = arith.addi %mul3A_2, %add3A_444 : i32
      %dma_wait3A_446 = arith.constant 1 : i32
      %dma_wait3A_447 = arith.constant 0 : i32
      %dma_wait3A_448 = arith.constant 1 : i32
      %dma_wait3A_449 = arith.constant 0 : i32
      %dma_wait3A_450 = arith.constant 0 : i32
      %dma_wait3A_451 = tpu.memref_slice %arg6[%dma_wait3A_448, %dma_wait3A_449, %dma_wait3A_450] : memref<2x512x48xf32, #tpu.memory_space<vmem>> -> memref<1x128x48xf32, #tpu.memory_space<vmem>>
      %dma_wait3A_452 = tpu.memref_squeeze %dma_wait3A_451 : memref<1x128x48xf32, #tpu.memory_space<vmem>> -> memref<128x48xf32, #tpu.memory_space<vmem>>
      %dma_wait3A_453 = arith.constant 0 : i32
      %dma_wait3A_454 = tpu.memref_slice %arg5[%dma_wait3A_446, %dma_wait3A_447, %dma_wait3A_453] : memref<2x4x128xi32, #tpu.memory_space<vmem>> -> memref<1x1x128xi32, #tpu.memory_space<vmem>>
      %dma_wait3A_455 = tpu.memref_squeeze %dma_wait3A_454 : memref<1x1x128xi32, #tpu.memory_space<vmem>> -> memref<128xi32, #tpu.memory_space<vmem>>
      %dma_wait3A_456 = arith.constant 0 : i32
      %dma_wait3A_457 = arith.constant 0 : i32
      %dma_wait3A_458 = tpu.memref_slice %arg2[%dma_wait3A_456, %dma_wait3A_457] : memref<100000x48xf32, #tpu.memory_space<hbm>> -> memref<100000x48xf32, #tpu.memory_space<hbm>>
      tpu.wait_indirect_dma semaphore(%arg11 : memref<!tpu.dma_semaphore, #tpu.memory_space<semaphore_mem>>) src(%dma_wait3A_458 : memref<100000x48xf32, #tpu.memory_space<hbm>>) dst(%dma_wait3A_452 : memref<128x48xf32, #tpu.memory_space<vmem>>)
      %dma_wait3A_459 = arith.constant 1 : i32
      %dma_wait3A_460 = arith.constant 1 : i32
      %dma_wait3A_461 = arith.constant 1 : i32
      %dma_wait3A_462 = arith.constant 128 : i32
      %dma_wait3A_463 = arith.constant 0 : i32
      %dma_wait3A_464 = tpu.memref_slice %arg6[%dma_wait3A_461, %dma_wait3A_462, %dma_wait3A_463] : memref<2x512x48xf32, #tpu.memory_space<vmem>> -> memref<1x128x48xf32, #tpu.memory_space<vmem>>
      %dma_wait3A_465 = tpu.memref_squeeze %dma_wait3A_464 : memref<1x128x48xf32, #tpu.memory_space<vmem>> -> memref<128x48xf32, #tpu.memory_space<vmem>>
      %dma_wait3A_466 = arith.constant 0 : i32
      %dma_wait3A_467 = tpu.memref_slice %arg5[%dma_wait3A_459, %dma_wait3A_460, %dma_wait3A_466] : memref<2x4x128xi32, #tpu.memory_space<vmem>> -> memref<1x1x128xi32, #tpu.memory_space<vmem>>
      %dma_wait3A_468 = tpu.memref_squeeze %dma_wait3A_467 : memref<1x1x128xi32, #tpu.memory_space<vmem>> -> memref<128xi32, #tpu.memory_space<vmem>>
      %dma_wait3A_469 = arith.constant 0 : i32
      %dma_wait3A_470 = arith.constant 0 : i32
      %dma_wait3A_471 = tpu.memref_slice %arg2[%dma_wait3A_469, %dma_wait3A_470] : memref<100000x48xf32, #tpu.memory_space<hbm>> -> memref<100000x48xf32, #tpu.memory_space<hbm>>
      tpu.wait_indirect_dma semaphore(%arg11 : memref<!tpu.dma_semaphore, #tpu.memory_space<semaphore_mem>>) src(%dma_wait3A_471 : memref<100000x48xf32, #tpu.memory_space<hbm>>) dst(%dma_wait3A_465 : memref<128x48xf32, #tpu.memory_space<vmem>>)
      %dma_wait3A_472 = arith.constant 1 : i32
      %dma_wait3A_473 = arith.constant 2 : i32
      %dma_wait3A_474 = arith.constant 1 : i32
      %dma_wait3A_475 = arith.constant 256 : i32
      %dma_wait3A_476 = arith.constant 0 : i32
      %dma_wait3A_477 = tpu.memref_slice %arg6[%dma_wait3A_474, %dma_wait3A_475, %dma_wait3A_476] : memref<2x512x48xf32, #tpu.memory_space<vmem>> -> memref<1x128x48xf32, #tpu.memory_space<vmem>>
      %dma_wait3A_478 = tpu.memref_squeeze %dma_wait3A_477 : memref<1x128x48xf32, #tpu.memory_space<vmem>> -> memref<128x48xf32, #tpu.memory_space<vmem>>
      %dma_wait3A_479 = arith.constant 0 : i32
      %dma_wait3A_480 = tpu.memref_slice %arg5[%dma_wait3A_472, %dma_wait3A_473, %dma_wait3A_479] : memref<2x4x128xi32, #tpu.memory_space<vmem>> -> memref<1x1x128xi32, #tpu.memory_space<vmem>>
      %dma_wait3A_481 = tpu.memref_squeeze %dma_wait3A_480 : memref<1x1x128xi32, #tpu.memory_space<vmem>> -> memref<128xi32, #tpu.memory_space<vmem>>
      %dma_wait3A_482 = arith.constant 0 : i32
      %dma_wait3A_483 = arith.constant 0 : i32
      %dma_wait3A_484 = tpu.memref_slice %arg2[%dma_wait3A_482, %dma_wait3A_483] : memref<100000x48xf32, #tpu.memory_space<hbm>> -> memref<100000x48xf32, #tpu.memory_space<hbm>>
      tpu.wait_indirect_dma semaphore(%arg11 : memref<!tpu.dma_semaphore, #tpu.memory_space<semaphore_mem>>) src(%dma_wait3A_484 : memref<100000x48xf32, #tpu.memory_space<hbm>>) dst(%dma_wait3A_478 : memref<128x48xf32, #tpu.memory_space<vmem>>)
      %dma_wait3A_485 = arith.constant 1 : i32
      %dma_wait3A_486 = arith.constant 3 : i32
      %dma_wait3A_487 = arith.constant 1 : i32
      %dma_wait3A_488 = arith.constant 384 : i32
      %dma_wait3A_489 = arith.constant 0 : i32
      %dma_wait3A_490 = tpu.memref_slice %arg6[%dma_wait3A_487, %dma_wait3A_488, %dma_wait3A_489] : memref<2x512x48xf32, #tpu.memory_space<vmem>> -> memref<1x128x48xf32, #tpu.memory_space<vmem>>
      %dma_wait3A_491 = tpu.memref_squeeze %dma_wait3A_490 : memref<1x128x48xf32, #tpu.memory_space<vmem>> -> memref<128x48xf32, #tpu.memory_space<vmem>>
      %dma_wait3A_492 = arith.constant 0 : i32
      %dma_wait3A_493 = tpu.memref_slice %arg5[%dma_wait3A_485, %dma_wait3A_486, %dma_wait3A_492] : memref<2x4x128xi32, #tpu.memory_space<vmem>> -> memref<1x1x128xi32, #tpu.memory_space<vmem>>
      %dma_wait3A_494 = tpu.memref_squeeze %dma_wait3A_493 : memref<1x1x128xi32, #tpu.memory_space<vmem>> -> memref<128xi32, #tpu.memory_space<vmem>>
      %dma_wait3A_495 = arith.constant 0 : i32
      %dma_wait3A_496 = arith.constant 0 : i32
      %dma_wait3A_497 = tpu.memref_slice %arg2[%dma_wait3A_495, %dma_wait3A_496] : memref<100000x48xf32, #tpu.memory_space<hbm>> -> memref<100000x48xf32, #tpu.memory_space<hbm>>
      tpu.wait_indirect_dma semaphore(%arg11 : memref<!tpu.dma_semaphore, #tpu.memory_space<semaphore_mem>>) src(%dma_wait3A_497 : memref<100000x48xf32, #tpu.memory_space<hbm>>) dst(%dma_wait3A_491 : memref<128x48xf32, #tpu.memory_space<vmem>>)
      %add3A_498 = arith.constant 1 : i32
      %add3A_499 = arith.addi %add3A_444, %add3A_498 : i32
      %lt3A_500 = arith.constant 200 : i32
      %lt3A_501 = arith.cmpi slt, %add3A_499, %lt3A_500 : i32
      %convert_element_type3A_502 = arith.extui %lt3A_501 : i1 to i32
      %cond3A_503 = arith.constant 0 : i32
      %cond3A_504 = arith.cmpi ne, %convert_element_type3A_502, %cond3A_503 : i32
      scf.if %cond3A_504 {
        %dma_wait3A_641 = arith.constant 0 : i32
        %dma_wait3A_642 = arith.constant 0 : i32
        %dma_wait3A_643 = arith.constant 0 : i32
        %dma_wait3A_644 = tpu.memref_slice %arg5[%dma_wait3A_641, %dma_wait3A_642, %dma_wait3A_643] : memref<2x4x128xi32, #tpu.memory_space<vmem>> -> memref<1x4x128xi32, #tpu.memory_space<vmem>>
        %dma_wait3A_645 = tpu.memref_squeeze %dma_wait3A_644 : memref<1x4x128xi32, #tpu.memory_space<vmem>> -> memref<4x128xi32, #tpu.memory_space<vmem>>
        %dma_wait3A_646 = arith.constant 0 : i32
        %dma_wait3A_647 = arith.constant 0 : i32
        %dma_wait3A_648 = tpu.memref_slice %arg3[%dma_wait3A_646, %dma_wait3A_647] : memref<25600x128xi32, #tpu.memory_space<hbm>> -> memref<4x128xi32, #tpu.memory_space<hbm>>
        %dma_wait3A_649 = arith.constant 0 : i32
        %dma_wait3A_650 = arith.constant 0 : i32
        %dma_wait3A_651 = tpu.memref_slice %arg5[%dma_wait3A_641, %dma_wait3A_649, %dma_wait3A_650] : memref<2x4x128xi32, #tpu.memory_space<vmem>> -> memref<1x4x128xi32, #tpu.memory_space<vmem>>
        %dma_wait3A_652 = tpu.memref_squeeze %dma_wait3A_651 : memref<1x4x128xi32, #tpu.memory_space<vmem>> -> memref<4x128xi32, #tpu.memory_space<vmem>>
        %dma_wait3A_653 = arith.constant 0 : i32
        %dma_wait3A_654 = arith.constant 0 : i32
        %dma_wait3A_655 = tpu.memref_slice %arg3[%dma_wait3A_653, %dma_wait3A_654] : memref<25600x128xi32, #tpu.memory_space<hbm>> -> memref<4x128xi32, #tpu.memory_space<hbm>>
        tpu.wait_dma2 semaphore(%arg8 : memref<!tpu.dma_semaphore, #tpu.memory_space<semaphore_mem>>) src(%dma_wait3A_655 : memref<4x128xi32, #tpu.memory_space<hbm>>) dst(%dma_wait3A_652 : memref<4x128xi32, #tpu.memory_space<vmem>>)
        %dma_start3A_656 = arith.constant 0 : i32
        %dma_start3A_657 = arith.constant 0 : i32
        %dma_start3A_658 = arith.constant 0 : i32
        %dma_start3A_659 = arith.constant 0 : i32
        %dma_start3A_660 = arith.constant 0 : i32
        %dma_start3A_661 = tpu.memref_slice %arg6[%dma_start3A_658, %dma_start3A_659, %dma_start3A_660] : memref<2x512x48xf32, #tpu.memory_space<vmem>> -> memref<1x128x48xf32, #tpu.memory_space<vmem>>
        %dma_start3A_662 = tpu.memref_squeeze %dma_start3A_661 : memref<1x128x48xf32, #tpu.memory_space<vmem>> -> memref<128x48xf32, #tpu.memory_space<vmem>>
        %dma_start3A_663 = arith.constant 0 : i32
        %dma_start3A_664 = tpu.memref_slice %arg5[%dma_start3A_656, %dma_start3A_657, %dma_start3A_663] : memref<2x4x128xi32, #tpu.memory_space<vmem>> -> memref<1x1x128xi32, #tpu.memory_space<vmem>>
        %dma_start3A_665 = tpu.memref_squeeze %dma_start3A_664 : memref<1x1x128xi32, #tpu.memory_space<vmem>> -> memref<128xi32, #tpu.memory_space<vmem>>
        %dma_start3A_666 = arith.constant 0 : i32
        %dma_start3A_667 = arith.constant 0 : i32
        %dma_start3A_668 = tpu.memref_slice %arg2[%dma_start3A_666, %dma_start3A_667] : memref<100000x48xf32, #tpu.memory_space<hbm>> -> memref<100000x48xf32, #tpu.memory_space<hbm>>
        tpu.enqueue_indirect_dma source(%dma_start3A_668 : memref<100000x48xf32, #tpu.memory_space<hbm>>) target(%dma_start3A_662 : memref<128x48xf32, #tpu.memory_space<vmem>>) offsets(%dma_start3A_665 : memref<128xi32, #tpu.memory_space<vmem>>) semaphore(%arg10 : memref<!tpu.dma_semaphore, #tpu.memory_space<semaphore_mem>>)
        %dma_start3A_669 = arith.constant 0 : i32
        %dma_start3A_670 = arith.constant 1 : i32
        %dma_start3A_671 = arith.constant 0 : i32
        %dma_start3A_672 = arith.constant 128 : i32
        %dma_start3A_673 = arith.constant 0 : i32
        %dma_start3A_674 = tpu.memref_slice %arg6[%dma_start3A_671, %dma_start3A_672, %dma_start3A_673] : memref<2x512x48xf32, #tpu.memory_space<vmem>> -> memref<1x128x48xf32, #tpu.memory_space<vmem>>
        %dma_start3A_675 = tpu.memref_squeeze %dma_start3A_674 : memref<1x128x48xf32, #tpu.memory_space<vmem>> -> memref<128x48xf32, #tpu.memory_space<vmem>>
        %dma_start3A_676 = arith.constant 0 : i32
        %dma_start3A_677 = tpu.memref_slice %arg5[%dma_start3A_669, %dma_start3A_670, %dma_start3A_676] : memref<2x4x128xi32, #tpu.memory_space<vmem>> -> memref<1x1x128xi32, #tpu.memory_space<vmem>>
        %dma_start3A_678 = tpu.memref_squeeze %dma_start3A_677 : memref<1x1x128xi32, #tpu.memory_space<vmem>> -> memref<128xi32, #tpu.memory_space<vmem>>
        %dma_start3A_679 = arith.constant 0 : i32
        %dma_start3A_680 = arith.constant 0 : i32
        %dma_start3A_681 = tpu.memref_slice %arg2[%dma_start3A_679, %dma_start3A_680] : memref<100000x48xf32, #tpu.memory_space<hbm>> -> memref<100000x48xf32, #tpu.memory_space<hbm>>
        tpu.enqueue_indirect_dma source(%dma_start3A_681 : memref<100000x48xf32, #tpu.memory_space<hbm>>) target(%dma_start3A_675 : memref<128x48xf32, #tpu.memory_space<vmem>>) offsets(%dma_start3A_678 : memref<128xi32, #tpu.memory_space<vmem>>) semaphore(%arg10 : memref<!tpu.dma_semaphore, #tpu.memory_space<semaphore_mem>>)
        %dma_start3A_682 = arith.constant 0 : i32
        %dma_start3A_683 = arith.constant 2 : i32
        %dma_start3A_684 = arith.constant 0 : i32
        %dma_start3A_685 = arith.constant 256 : i32
        %dma_start3A_686 = arith.constant 0 : i32
        %dma_start3A_687 = tpu.memref_slice %arg6[%dma_start3A_684, %dma_start3A_685, %dma_start3A_686] : memref<2x512x48xf32, #tpu.memory_space<vmem>> -> memref<1x128x48xf32, #tpu.memory_space<vmem>>
        %dma_start3A_688 = tpu.memref_squeeze %dma_start3A_687 : memref<1x128x48xf32, #tpu.memory_space<vmem>> -> memref<128x48xf32, #tpu.memory_space<vmem>>
        %dma_start3A_689 = arith.constant 0 : i32
        %dma_start3A_690 = tpu.memref_slice %arg5[%dma_start3A_682, %dma_start3A_683, %dma_start3A_689] : memref<2x4x128xi32, #tpu.memory_space<vmem>> -> memref<1x1x128xi32, #tpu.memory_space<vmem>>
        %dma_start3A_691 = tpu.memref_squeeze %dma_start3A_690 : memref<1x1x128xi32, #tpu.memory_space<vmem>> -> memref<128xi32, #tpu.memory_space<vmem>>
        %dma_start3A_692 = arith.constant 0 : i32
        %dma_start3A_693 = arith.constant 0 : i32
        %dma_start3A_694 = tpu.memref_slice %arg2[%dma_start3A_692, %dma_start3A_693] : memref<100000x48xf32, #tpu.memory_space<hbm>> -> memref<100000x48xf32, #tpu.memory_space<hbm>>
        tpu.enqueue_indirect_dma source(%dma_start3A_694 : memref<100000x48xf32, #tpu.memory_space<hbm>>) target(%dma_start3A_688 : memref<128x48xf32, #tpu.memory_space<vmem>>) offsets(%dma_start3A_691 : memref<128xi32, #tpu.memory_space<vmem>>) semaphore(%arg10 : memref<!tpu.dma_semaphore, #tpu.memory_space<semaphore_mem>>)
        %dma_start3A_695 = arith.constant 0 : i32
        %dma_start3A_696 = arith.constant 3 : i32
        %dma_start3A_697 = arith.constant 0 : i32
        %dma_start3A_698 = arith.constant 384 : i32
        %dma_start3A_699 = arith.constant 0 : i32
        %dma_start3A_700 = tpu.memref_slice %arg6[%dma_start3A_697, %dma_start3A_698, %dma_start3A_699] : memref<2x512x48xf32, #tpu.memory_space<vmem>> -> memref<1x128x48xf32, #tpu.memory_space<vmem>>
        %dma_start3A_701 = tpu.memref_squeeze %dma_start3A_700 : memref<1x128x48xf32, #tpu.memory_space<vmem>> -> memref<128x48xf32, #tpu.memory_space<vmem>>
        %dma_start3A_702 = arith.constant 0 : i32
        %dma_start3A_703 = tpu.memref_slice %arg5[%dma_start3A_695, %dma_start3A_696, %dma_start3A_702] : memref<2x4x128xi32, #tpu.memory_space<vmem>> -> memref<1x1x128xi32, #tpu.memory_space<vmem>>
        %dma_start3A_704 = tpu.memref_squeeze %dma_start3A_703 : memref<1x1x128xi32, #tpu.memory_space<vmem>> -> memref<128xi32, #tpu.memory_space<vmem>>
        %dma_start3A_705 = arith.constant 0 : i32
        %dma_start3A_706 = arith.constant 0 : i32
        %dma_start3A_707 = tpu.memref_slice %arg2[%dma_start3A_705, %dma_start3A_706] : memref<100000x48xf32, #tpu.memory_space<hbm>> -> memref<100000x48xf32, #tpu.memory_space<hbm>>
        tpu.enqueue_indirect_dma source(%dma_start3A_707 : memref<100000x48xf32, #tpu.memory_space<hbm>>) target(%dma_start3A_701 : memref<128x48xf32, #tpu.memory_space<vmem>>) offsets(%dma_start3A_704 : memref<128xi32, #tpu.memory_space<vmem>>) semaphore(%arg10 : memref<!tpu.dma_semaphore, #tpu.memory_space<semaphore_mem>>)
      } else {
      }
      %add3A_505 = arith.constant 2 : i32
      %add3A_506 = arith.addi %add3A_444, %add3A_505 : i32
      %lt3A_507 = arith.constant 200 : i32
      %lt3A_508 = arith.cmpi slt, %add3A_506, %lt3A_507 : i32
      %convert_element_type3A_509 = arith.extui %lt3A_508 : i1 to i32
      %cond3A_510 = arith.constant 0 : i32
      %cond3A_511 = arith.cmpi ne, %convert_element_type3A_509, %cond3A_510 : i32
      scf.if %cond3A_511 {
        %add3A_641 = arith.constant 2 : i32
        %add3A_642 = arith.addi %add3A_445, %add3A_641 : i32
        %mul3A_643 = arith.constant 4 : i32
        %mul3A_644 = arith.muli %add3A_642, %mul3A_643 : i32
        %dma_start3A_645 = arith.constant 1 : i32
        %dma_start3A_646 = arith.constant 0 : i32
        %dma_start3A_647 = arith.constant 0 : i32
        %dma_start3A_648 = tpu.memref_slice %arg5[%dma_start3A_645, %dma_start3A_646, %dma_start3A_647] : memref<2x4x128xi32, #tpu.memory_space<vmem>> -> memref<1x4x128xi32, #tpu.memory_space<vmem>>
        %dma_start3A_649 = tpu.memref_squeeze %dma_start3A_648 : memref<1x4x128xi32, #tpu.memory_space<vmem>> -> memref<4x128xi32, #tpu.memory_space<vmem>>
        %dma_start3A_650 = arith.constant 0 : i32
        %dma_start3A_651 = tpu.memref_slice %arg3[%mul3A_644, %dma_start3A_650] : memref<25600x128xi32, #tpu.memory_space<hbm>> -> memref<4x128xi32, #tpu.memory_space<hbm>>
        %dma_start3A_652 = arith.constant 0 : i32
        %dma_start3A_653 = arith.constant 0 : i32
        %dma_start3A_654 = tpu.memref_slice %arg5[%dma_start3A_645, %dma_start3A_652, %dma_start3A_653] : memref<2x4x128xi32, #tpu.memory_space<vmem>> -> memref<1x4x128xi32, #tpu.memory_space<vmem>>
        %dma_start3A_655 = tpu.memref_squeeze %dma_start3A_654 : memref<1x4x128xi32, #tpu.memory_space<vmem>> -> memref<4x128xi32, #tpu.memory_space<vmem>>
        %dma_start3A_656 = arith.constant 0 : i32
        %dma_start3A_657 = tpu.memref_slice %arg3[%mul3A_644, %dma_start3A_656] : memref<25600x128xi32, #tpu.memory_space<hbm>> -> memref<4x128xi32, #tpu.memory_space<hbm>>
        tpu.enqueue_dma source(%dma_start3A_657 : memref<4x128xi32, #tpu.memory_space<hbm>>) target(%dma_start3A_655 : memref<4x128xi32, #tpu.memory_space<vmem>>) target_semaphore(%arg9 : memref<!tpu.dma_semaphore, #tpu.memory_space<semaphore_mem>>)
      } else {
      }
      %ge3A_512 = arith.constant 2 : i32
      %ge3A_513 = arith.cmpi sge, %add3A_444, %ge3A_512 : i32
      %convert_element_type3A_514 = arith.extui %ge3A_513 : i1 to i32
      %cond3A_515 = arith.constant 0 : i32
      %cond3A_516 = arith.cmpi ne, %convert_element_type3A_514, %cond3A_515 : i32
      scf.if %cond3A_516 {
        %dma_wait3A_641 = arith.constant 1 : i32
        %dma_wait3A_642 = arith.constant 0 : i32
        %dma_wait3A_643 = tpu.memref_slice %arg7[%dma_wait3A_641, %dma_wait3A_642] : memref<2x16384xf32, #tpu.memory_space<vmem>> -> memref<1x4096xf32, #tpu.memory_space<vmem>>
        %dma_wait3A_644 = tpu.memref_squeeze %dma_wait3A_643 : memref<1x4096xf32, #tpu.memory_space<vmem>> -> memref<4096xf32, #tpu.memory_space<vmem>>
        %dma_wait3A_645 = arith.constant 0 : i32
        %dma_wait3A_646 = tpu.memref_slice %arg4[%dma_wait3A_645] : memref<104857600xf32, #tpu.memory_space<hbm>> -> memref<4096xf32, #tpu.memory_space<hbm>>
        %dma_wait3A_647 = arith.constant 0 : i32
        %dma_wait3A_648 = tpu.memref_slice %arg4[%dma_wait3A_647] : memref<104857600xf32, #tpu.memory_space<hbm>> -> memref<4096xf32, #tpu.memory_space<hbm>>
        %dma_wait3A_649 = arith.constant 0 : i32
        %dma_wait3A_650 = tpu.memref_slice %arg7[%dma_wait3A_641, %dma_wait3A_649] : memref<2x16384xf32, #tpu.memory_space<vmem>> -> memref<1x4096xf32, #tpu.memory_space<vmem>>
        %dma_wait3A_651 = tpu.memref_squeeze %dma_wait3A_650 : memref<1x4096xf32, #tpu.memory_space<vmem>> -> memref<4096xf32, #tpu.memory_space<vmem>>
        tpu.wait_dma2 semaphore(%arg13 : memref<!tpu.dma_semaphore, #tpu.memory_space<semaphore_mem>>) src(%dma_wait3A_651 : memref<4096xf32, #tpu.memory_space<vmem>>) dst(%dma_wait3A_648 : memref<4096xf32, #tpu.memory_space<hbm>>)
        %dma_wait3A_652 = arith.constant 1 : i32
        %dma_wait3A_653 = arith.constant 4096 : i32
        %dma_wait3A_654 = tpu.memref_slice %arg7[%dma_wait3A_652, %dma_wait3A_653] : memref<2x16384xf32, #tpu.memory_space<vmem>> -> memref<1x4096xf32, #tpu.memory_space<vmem>>
        %dma_wait3A_655 = tpu.memref_squeeze %dma_wait3A_654 : memref<1x4096xf32, #tpu.memory_space<vmem>> -> memref<4096xf32, #tpu.memory_space<vmem>>
        %dma_wait3A_656 = arith.constant 0 : i32
        %dma_wait3A_657 = tpu.memref_slice %arg4[%dma_wait3A_656] : memref<104857600xf32, #tpu.memory_space<hbm>> -> memref<4096xf32, #tpu.memory_space<hbm>>
        %dma_wait3A_658 = arith.constant 0 : i32
        %dma_wait3A_659 = tpu.memref_slice %arg4[%dma_wait3A_658] : memref<104857600xf32, #tpu.memory_space<hbm>> -> memref<4096xf32, #tpu.memory_space<hbm>>
        %dma_wait3A_660 = arith.constant 4096 : i32
        %dma_wait3A_661 = tpu.memref_slice %arg7[%dma_wait3A_652, %dma_wait3A_660] : memref<2x16384xf32, #tpu.memory_space<vmem>> -> memref<1x4096xf32, #tpu.memory_space<vmem>>
        %dma_wait3A_662 = tpu.memref_squeeze %dma_wait3A_661 : memref<1x4096xf32, #tpu.memory_space<vmem>> -> memref<4096xf32, #tpu.memory_space<vmem>>
        tpu.wait_dma2 semaphore(%arg13 : memref<!tpu.dma_semaphore, #tpu.memory_space<semaphore_mem>>) src(%dma_wait3A_662 : memref<4096xf32, #tpu.memory_space<vmem>>) dst(%dma_wait3A_659 : memref<4096xf32, #tpu.memory_space<hbm>>)
        %dma_wait3A_663 = arith.constant 1 : i32
        %dma_wait3A_664 = arith.constant 8192 : i32
        %dma_wait3A_665 = tpu.memref_slice %arg7[%dma_wait3A_663, %dma_wait3A_664] : memref<2x16384xf32, #tpu.memory_space<vmem>> -> memref<1x4096xf32, #tpu.memory_space<vmem>>
        %dma_wait3A_666 = tpu.memref_squeeze %dma_wait3A_665 : memref<1x4096xf32, #tpu.memory_space<vmem>> -> memref<4096xf32, #tpu.memory_space<vmem>>
        %dma_wait3A_667 = arith.constant 0 : i32
        %dma_wait3A_668 = tpu.memref_slice %arg4[%dma_wait3A_667] : memref<104857600xf32, #tpu.memory_space<hbm>> -> memref<4096xf32, #tpu.memory_space<hbm>>
        %dma_wait3A_669 = arith.constant 0 : i32
        %dma_wait3A_670 = tpu.memref_slice %arg4[%dma_wait3A_669] : memref<104857600xf32, #tpu.memory_space<hbm>> -> memref<4096xf32, #tpu.memory_space<hbm>>
        %dma_wait3A_671 = arith.constant 8192 : i32
        %dma_wait3A_672 = tpu.memref_slice %arg7[%dma_wait3A_663, %dma_wait3A_671] : memref<2x16384xf32, #tpu.memory_space<vmem>> -> memref<1x4096xf32, #tpu.memory_space<vmem>>
        %dma_wait3A_673 = tpu.memref_squeeze %dma_wait3A_672 : memref<1x4096xf32, #tpu.memory_space<vmem>> -> memref<4096xf32, #tpu.memory_space<vmem>>
        tpu.wait_dma2 semaphore(%arg13 : memref<!tpu.dma_semaphore, #tpu.memory_space<semaphore_mem>>) src(%dma_wait3A_673 : memref<4096xf32, #tpu.memory_space<vmem>>) dst(%dma_wait3A_670 : memref<4096xf32, #tpu.memory_space<hbm>>)
        %dma_wait3A_674 = arith.constant 1 : i32
        %dma_wait3A_675 = arith.constant 12288 : i32
        %dma_wait3A_676 = tpu.memref_slice %arg7[%dma_wait3A_674, %dma_wait3A_675] : memref<2x16384xf32, #tpu.memory_space<vmem>> -> memref<1x4096xf32, #tpu.memory_space<vmem>>
        %dma_wait3A_677 = tpu.memref_squeeze %dma_wait3A_676 : memref<1x4096xf32, #tpu.memory_space<vmem>> -> memref<4096xf32, #tpu.memory_space<vmem>>
        %dma_wait3A_678 = arith.constant 0 : i32
        %dma_wait3A_679 = tpu.memref_slice %arg4[%dma_wait3A_678] : memref<104857600xf32, #tpu.memory_space<hbm>> -> memref<4096xf32, #tpu.memory_space<hbm>>
        %dma_wait3A_680 = arith.constant 0 : i32
        %dma_wait3A_681 = tpu.memref_slice %arg4[%dma_wait3A_680] : memref<104857600xf32, #tpu.memory_space<hbm>> -> memref<4096xf32, #tpu.memory_space<hbm>>
        %dma_wait3A_682 = arith.constant 12288 : i32
        %dma_wait3A_683 = tpu.memref_slice %arg7[%dma_wait3A_674, %dma_wait3A_682] : memref<2x16384xf32, #tpu.memory_space<vmem>> -> memref<1x4096xf32, #tpu.memory_space<vmem>>
        %dma_wait3A_684 = tpu.memref_squeeze %dma_wait3A_683 : memref<1x4096xf32, #tpu.memory_space<vmem>> -> memref<4096xf32, #tpu.memory_space<vmem>>
        tpu.wait_dma2 semaphore(%arg13 : memref<!tpu.dma_semaphore, #tpu.memory_space<semaphore_mem>>) src(%dma_wait3A_684 : memref<4096xf32, #tpu.memory_space<vmem>>) dst(%dma_wait3A_681 : memref<4096xf32, #tpu.memory_space<hbm>>)
      } else {
      }
      %parallel_loop3A_517 = arith.constant 0 : i32
      %parallel_loop3A_518 = arith.constant 32 : i32
      %parallel_loop3A_519 = arith.constant 1 : i32
      %parallel_loop3A_520 = arith.constant 1 : i32
      scf.for %parallel_loop3A_641 = %parallel_loop3A_517 to %parallel_loop3A_518 step %parallel_loop3A_519  : i32 {
        %parallel_loop3A_642 = arith.constant 3 : i32
        %parallel_loop3A_643 = arith.shrsi %parallel_loop3A_641, %parallel_loop3A_642 : i32
        %parallel_loop3A_644 = arith.constant 7 : i32
        %parallel_loop3A_645 = arith.andi %parallel_loop3A_641, %parallel_loop3A_644 : i32
        %parallel_loop3A_646 = arith.constant 128 : i32
        %parallel_loop3A_647 = arith.muli %parallel_loop3A_643, %parallel_loop3A_646 : i32
        %parallel_loop3A_648 = arith.constant 16 : i32
        %parallel_loop3A_649 = arith.muli %parallel_loop3A_645, %parallel_loop3A_648 : i32
        %parallel_loop3A_650 = arith.addi %parallel_loop3A_647, %parallel_loop3A_649 : i32
        %parallel_loop3A_651 = vector.broadcast %parallel_loop3A_650 : i32 to vector<16xi32>
        %parallel_loop3A_652 = arith.addi %parallel_loop3A_651, %iota3A : vector<16xi32>
        %parallel_loop3A_653 = arith.constant 1024 : i32
        %parallel_loop3A_654 = arith.muli %parallel_loop3A_643, %parallel_loop3A_653 : i32
        %parallel_loop3A_655 = arith.constant 16 : i32
        %parallel_loop3A_656 = arith.muli %parallel_loop3A_645, %parallel_loop3A_655 : i32
        %parallel_loop3A_657 = arith.addi %parallel_loop3A_654, %parallel_loop3A_656 : i32
        %parallel_loop3A_658 = arith.constant 0 : i32
        %parallel_loop3A_659 = arith.constant 0 : i32
        %parallel_loop3A_660 = tpu.memref_slice %arg6[%parallel_loop3A_520, %parallel_loop3A_658, %parallel_loop3A_659] : memref<2x512x48xf32, #tpu.memory_space<vmem>> -> memref<1x512x48xf32, #tpu.memory_space<vmem>>
        %parallel_loop3A_661 = tpu.memref_squeeze %parallel_loop3A_660 : memref<1x512x48xf32, #tpu.memory_space<vmem>> -> memref<512x48xf32, #tpu.memory_space<vmem>>
        %parallel_loop3A_662 = tpu.vector_load_idx %parallel_loop3A_661[%parallel_loop3A_652, %broadcast_in_dim3A_3] : memref<512x48xf32, #tpu.memory_space<vmem>>[vector<16xi32>, vector<16xi32>], vector<16xf32>,
        %parallel_loop3A_663 = arith.constant 0 : i32
        %parallel_loop3A_664 = arith.addi %parallel_loop3A_657, %parallel_loop3A_663 : i32
        %parallel_loop3A_665 = arith.constant 0 : i32
        %parallel_loop3A_666 = arith.addi %parallel_loop3A_664, %parallel_loop3A_665 : i32
        %parallel_loop3A_667 = arith.constant 1 : i32
        %parallel_loop3A_668 = arith.index_cast %parallel_loop3A_667 : i32 to index
        %parallel_loop3A_669 = arith.index_cast %parallel_loop3A_666 : i32 to index
        %parallel_loop3A_670 = tpu.vector_load %arg7[%parallel_loop3A_668, %parallel_loop3A_669] {strides = array<i32>} : memref<2x16384xf32, #tpu.memory_space<vmem>>, vector<16xf32>,
        tpu.vector_store %arg7[%parallel_loop3A_668, %parallel_loop3A_669], %parallel_loop3A_662 {strides = array<i32>} : memref<2x16384xf32, #tpu.memory_space<vmem>>, vector<16xf32>,
        %parallel_loop3A_671 = arith.constant 0 : i32
        %parallel_loop3A_672 = arith.constant 0 : i32
        %parallel_loop3A_673 = tpu.memref_slice %arg6[%parallel_loop3A_520, %parallel_loop3A_671, %parallel_loop3A_672] : memref<2x512x48xf32, #tpu.memory_space<vmem>> -> memref<1x512x48xf32, #tpu.memory_space<vmem>>
        %parallel_loop3A_674 = tpu.memref_squeeze %parallel_loop3A_673 : memref<1x512x48xf32, #tpu.memory_space<vmem>> -> memref<512x48xf32, #tpu.memory_space<vmem>>
        %parallel_loop3A_675 = tpu.vector_load_idx %parallel_loop3A_674[%parallel_loop3A_652, %broadcast_in_dim3A_5] : memref<512x48xf32, #tpu.memory_space<vmem>>[vector<16xi32>, vector<16xi32>], vector<16xf32>,
        %parallel_loop3A_676 = arith.constant 0 : i32
        %parallel_loop3A_677 = arith.addi %parallel_loop3A_657, %parallel_loop3A_676 : i32
        %parallel_loop3A_678 = arith.constant 128 : i32
        %parallel_loop3A_679 = arith.addi %parallel_loop3A_677, %parallel_loop3A_678 : i32
        %parallel_loop3A_680 = arith.constant 1 : i32
        %parallel_loop3A_681 = arith.index_cast %parallel_loop3A_680 : i32 to index
        %parallel_loop3A_682 = arith.index_cast %parallel_loop3A_679 : i32 to index
        %parallel_loop3A_683 = tpu.vector_load %arg7[%parallel_loop3A_681, %parallel_loop3A_682] {strides = array<i32>} : memref<2x16384xf32, #tpu.memory_space<vmem>>, vector<16xf32>,
        tpu.vector_store %arg7[%parallel_loop3A_681, %parallel_loop3A_682], %parallel_loop3A_675 {strides = array<i32>} : memref<2x16384xf32, #tpu.memory_space<vmem>>, vector<16xf32>,
        %parallel_loop3A_684 = arith.constant 0 : i32
        %parallel_loop3A_685 = arith.constant 0 : i32
        %parallel_loop3A_686 = tpu.memref_slice %arg6[%parallel_loop3A_520, %parallel_loop3A_684, %parallel_loop3A_685] : memref<2x512x48xf32, #tpu.memory_space<vmem>> -> memref<1x512x48xf32, #tpu.memory_space<vmem>>
        %parallel_loop3A_687 = tpu.memref_squeeze %parallel_loop3A_686 : memref<1x512x48xf32, #tpu.memory_space<vmem>> -> memref<512x48xf32, #tpu.memory_space<vmem>>
        %parallel_loop3A_688 = tpu.vector_load_idx %parallel_loop3A_687[%parallel_loop3A_652, %broadcast_in_dim3A_7] : memref<512x48xf32, #tpu.memory_space<vmem>>[vector<16xi32>, vector<16xi32>], vector<16xf32>,
        %parallel_loop3A_689 = arith.constant 0 : i32
        %parallel_loop3A_690 = arith.addi %parallel_loop3A_657, %parallel_loop3A_689 : i32
        %parallel_loop3A_691 = arith.constant 256 : i32
        %parallel_loop3A_692 = arith.addi %parallel_loop3A_690, %parallel_loop3A_691 : i32
        %parallel_loop3A_693 = arith.constant 1 : i32
        %parallel_loop3A_694 = arith.index_cast %parallel_loop3A_693 : i32 to index
        %parallel_loop3A_695 = arith.index_cast %parallel_loop3A_692 : i32 to index
        %parallel_loop3A_696 = tpu.vector_load %arg7[%parallel_loop3A_694, %parallel_loop3A_695] {strides = array<i32>} : memref<2x16384xf32, #tpu.memory_space<vmem>>, vector<16xf32>,
        tpu.vector_store %arg7[%parallel_loop3A_694, %parallel_loop3A_695], %parallel_loop3A_688 {strides = array<i32>} : memref<2x16384xf32, #tpu.memory_space<vmem>>, vector<16xf32>,
        %parallel_loop3A_697 = arith.constant 0 : i32
        %parallel_loop3A_698 = arith.constant 0 : i32
        %parallel_loop3A_699 = tpu.memref_slice %arg6[%parallel_loop3A_520, %parallel_loop3A_697, %parallel_loop3A_698] : memref<2x512x48xf32, #tpu.memory_space<vmem>> -> memref<1x512x48xf32, #tpu.memory_space<vmem>>
        %parallel_loop3A_700 = tpu.memref_squeeze %parallel_loop3A_699 : memref<1x512x48xf32, #tpu.memory_space<vmem>> -> memref<512x48xf32, #tpu.memory_space<vmem>>
        %parallel_loop3A_701 = tpu.vector_load_idx %parallel_loop3A_700[%parallel_loop3A_652, %broadcast_in_dim3A_9] : memref<512x48xf32, #tpu.memory_space<vmem>>[vector<16xi32>, vector<16xi32>], vector<16xf32>,
        %parallel_loop3A_702 = arith.constant 0 : i32
        %parallel_loop3A_703 = arith.addi %parallel_loop3A_657, %parallel_loop3A_702 : i32
        %parallel_loop3A_704 = arith.constant 384 : i32
        %parallel_loop3A_705 = arith.addi %parallel_loop3A_703, %parallel_loop3A_704 : i32
        %parallel_loop3A_706 = arith.constant 1 : i32
        %parallel_loop3A_707 = arith.index_cast %parallel_loop3A_706 : i32 to index
        %parallel_loop3A_708 = arith.index_cast %parallel_loop3A_705 : i32 to index
        %parallel_loop3A_709 = tpu.vector_load %arg7[%parallel_loop3A_707, %parallel_loop3A_708] {strides = array<i32>} : memref<2x16384xf32, #tpu.memory_space<vmem>>, vector<16xf32>,
        tpu.vector_store %arg7[%parallel_loop3A_707, %parallel_loop3A_708], %parallel_loop3A_701 {strides = array<i32>} : memref<2x16384xf32, #tpu.memory_space<vmem>>, vector<16xf32>,
        %parallel_loop3A_710 = arith.constant 0 : i32
        %parallel_loop3A_711 = arith.constant 0 : i32
        %parallel_loop3A_712 = tpu.memref_slice %arg6[%parallel_loop3A_520, %parallel_loop3A_710, %parallel_loop3A_711] : memref<2x512x48xf32, #tpu.memory_space<vmem>> -> memref<1x512x48xf32, #tpu.memory_space<vmem>>
        %parallel_loop3A_713 = tpu.memref_squeeze %parallel_loop3A_712 : memref<1x512x48xf32, #tpu.memory_space<vmem>> -> memref<512x48xf32, #tpu.memory_space<vmem>>
        %parallel_loop3A_714 = tpu.vector_load_idx %parallel_loop3A_713[%parallel_loop3A_652, %broadcast_in_dim3A_11] : memref<512x48xf32, #tpu.memory_space<vmem>>[vector<16xi32>, vector<16xi32>], vector<16xf32>,
        %parallel_loop3A_715 = arith.constant 0 : i32
        %parallel_loop3A_716 = arith.addi %parallel_loop3A_657, %parallel_loop3A_715 : i32
        %parallel_loop3A_717 = arith.constant 512 : i32
        %parallel_loop3A_718 = arith.addi %parallel_loop3A_716, %parallel_loop3A_717 : i32
        %parallel_loop3A_719 = arith.constant 1 : i32
        %parallel_loop3A_720 = arith.index_cast %parallel_loop3A_719 : i32 to index
        %parallel_loop3A_721 = arith.index_cast %parallel_loop3A_718 : i32 to index
        %parallel_loop3A_722 = tpu.vector_load %arg7[%parallel_loop3A_720, %parallel_loop3A_721] {strides = array<i32>} : memref<2x16384xf32, #tpu.memory_space<vmem>>, vector<16xf32>,
        tpu.vector_store %arg7[%parallel_loop3A_720, %parallel_loop3A_721], %parallel_loop3A_714 {strides = array<i32>} : memref<2x16384xf32, #tpu.memory_space<vmem>>, vector<16xf32>,
        %parallel_loop3A_723 = arith.constant 0 : i32
        %parallel_loop3A_724 = arith.constant 0 : i32
        %parallel_loop3A_725 = tpu.memref_slice %arg6[%parallel_loop3A_520, %parallel_loop3A_723, %parallel_loop3A_724] : memref<2x512x48xf32, #tpu.memory_space<vmem>> -> memref<1x512x48xf32, #tpu.memory_space<vmem>>
        %parallel_loop3A_726 = tpu.memref_squeeze %parallel_loop3A_725 : memref<1x512x48xf32, #tpu.memory_space<vmem>> -> memref<512x48xf32, #tpu.memory_space<vmem>>
        %parallel_loop3A_727 = tpu.vector_load_idx %parallel_loop3A_726[%parallel_loop3A_652, %broadcast_in_dim3A_13] : memref<512x48xf32, #tpu.memory_space<vmem>>[vector<16xi32>, vector<16xi32>], vector<16xf32>,
        %parallel_loop3A_728 = arith.constant 0 : i32
        %parallel_loop3A_729 = arith.addi %parallel_loop3A_657, %parallel_loop3A_728 : i32
        %parallel_loop3A_730 = arith.constant 640 : i32
        %parallel_loop3A_731 = arith.addi %parallel_loop3A_729, %parallel_loop3A_730 : i32
        %parallel_loop3A_732 = arith.constant 1 : i32
        %parallel_loop3A_733 = arith.index_cast %parallel_loop3A_732 : i32 to index
        %parallel_loop3A_734 = arith.index_cast %parallel_loop3A_731 : i32 to index
        %parallel_loop3A_735 = tpu.vector_load %arg7[%parallel_loop3A_733, %parallel_loop3A_734] {strides = array<i32>} : memref<2x16384xf32, #tpu.memory_space<vmem>>, vector<16xf32>,
        tpu.vector_store %arg7[%parallel_loop3A_733, %parallel_loop3A_734], %parallel_loop3A_727 {strides = array<i32>} : memref<2x16384xf32, #tpu.memory_space<vmem>>, vector<16xf32>,
        %parallel_loop3A_736 = arith.constant 0 : i32
        %parallel_loop3A_737 = arith.constant 0 : i32
        %parallel_loop3A_738 = tpu.memref_slice %arg6[%parallel_loop3A_520, %parallel_loop3A_736, %parallel_loop3A_737] : memref<2x512x48xf32, #tpu.memory_space<vmem>> -> memref<1x512x48xf32, #tpu.memory_space<vmem>>
        %parallel_loop3A_739 = tpu.memref_squeeze %parallel_loop3A_738 : memref<1x512x48xf32, #tpu.memory_space<vmem>> -> memref<512x48xf32, #tpu.memory_space<vmem>>
        %parallel_loop3A_740 = tpu.vector_load_idx %parallel_loop3A_739[%parallel_loop3A_652, %broadcast_in_dim3A_15] : memref<512x48xf32, #tpu.memory_space<vmem>>[vector<16xi32>, vector<16xi32>], vector<16xf32>,
        %parallel_loop3A_741 = arith.constant 0 : i32
        %parallel_loop3A_742 = arith.addi %parallel_loop3A_657, %parallel_loop3A_741 : i32
        %parallel_loop3A_743 = arith.constant 768 : i32
        %parallel_loop3A_744 = arith.addi %parallel_loop3A_742, %parallel_loop3A_743 : i32
        %parallel_loop3A_745 = arith.constant 1 : i32
        %parallel_loop3A_746 = arith.index_cast %parallel_loop3A_745 : i32 to index
        %parallel_loop3A_747 = arith.index_cast %parallel_loop3A_744 : i32 to index
        %parallel_loop3A_748 = tpu.vector_load %arg7[%parallel_loop3A_746, %parallel_loop3A_747] {strides = array<i32>} : memref<2x16384xf32, #tpu.memory_space<vmem>>, vector<16xf32>,
        tpu.vector_store %arg7[%parallel_loop3A_746, %parallel_loop3A_747], %parallel_loop3A_740 {strides = array<i32>} : memref<2x16384xf32, #tpu.memory_space<vmem>>, vector<16xf32>,
        %parallel_loop3A_749 = arith.constant 0 : i32
        %parallel_loop3A_750 = arith.constant 0 : i32
        %parallel_loop3A_751 = tpu.memref_slice %arg6[%parallel_loop3A_520, %parallel_loop3A_749, %parallel_loop3A_750] : memref<2x512x48xf32, #tpu.memory_space<vmem>> -> memref<1x512x48xf32, #tpu.memory_space<vmem>>
        %parallel_loop3A_752 = tpu.memref_squeeze %parallel_loop3A_751 : memref<1x512x48xf32, #tpu.memory_space<vmem>> -> memref<512x48xf32, #tpu.memory_space<vmem>>
        %parallel_loop3A_753 = tpu.vector_load_idx %parallel_loop3A_752[%parallel_loop3A_652, %broadcast_in_dim3A_17] : memref<512x48xf32, #tpu.memory_space<vmem>>[vector<16xi32>, vector<16xi32>], vector<16xf32>,
        %parallel_loop3A_754 = arith.constant 0 : i32
        %parallel_loop3A_755 = arith.addi %parallel_loop3A_657, %parallel_loop3A_754 : i32
        %parallel_loop3A_756 = arith.constant 896 : i32
        %parallel_loop3A_757 = arith.addi %parallel_loop3A_755, %parallel_loop3A_756 : i32
        %parallel_loop3A_758 = arith.constant 1 : i32
        %parallel_loop3A_759 = arith.index_cast %parallel_loop3A_758 : i32 to index
        %parallel_loop3A_760 = arith.index_cast %parallel_loop3A_757 : i32 to index
        %parallel_loop3A_761 = tpu.vector_load %arg7[%parallel_loop3A_759, %parallel_loop3A_760] {strides = array<i32>} : memref<2x16384xf32, #tpu.memory_space<vmem>>, vector<16xf32>,
        tpu.vector_store %arg7[%parallel_loop3A_759, %parallel_loop3A_760], %parallel_loop3A_753 {strides = array<i32>} : memref<2x16384xf32, #tpu.memory_space<vmem>>, vector<16xf32>,
        %parallel_loop3A_762 = arith.constant 0 : i32
        %parallel_loop3A_763 = arith.constant 0 : i32
        %parallel_loop3A_764 = tpu.memref_slice %arg6[%parallel_loop3A_520, %parallel_loop3A_762, %parallel_loop3A_763] : memref<2x512x48xf32, #tpu.memory_space<vmem>> -> memref<1x512x48xf32, #tpu.memory_space<vmem>>
        %parallel_loop3A_765 = tpu.memref_squeeze %parallel_loop3A_764 : memref<1x512x48xf32, #tpu.memory_space<vmem>> -> memref<512x48xf32, #tpu.memory_space<vmem>>
        %parallel_loop3A_766 = tpu.vector_load_idx %parallel_loop3A_765[%parallel_loop3A_652, %broadcast_in_dim3A_19] : memref<512x48xf32, #tpu.memory_space<vmem>>[vector<16xi32>, vector<16xi32>], vector<16xf32>,
        %parallel_loop3A_767 = arith.constant 4096 : i32
        %parallel_loop3A_768 = arith.addi %parallel_loop3A_657, %parallel_loop3A_767 : i32
        %parallel_loop3A_769 = arith.constant 0 : i32
        %parallel_loop3A_770 = arith.addi %parallel_loop3A_768, %parallel_loop3A_769 : i32
        %parallel_loop3A_771 = arith.constant 1 : i32
        %parallel_loop3A_772 = arith.index_cast %parallel_loop3A_771 : i32 to index
        %parallel_loop3A_773 = arith.index_cast %parallel_loop3A_770 : i32 to index
        %parallel_loop3A_774 = tpu.vector_load %arg7[%parallel_loop3A_772, %parallel_loop3A_773] {strides = array<i32>} : memref<2x16384xf32, #tpu.memory_space<vmem>>, vector<16xf32>,
        tpu.vector_store %arg7[%parallel_loop3A_772, %parallel_loop3A_773], %parallel_loop3A_766 {strides = array<i32>} : memref<2x16384xf32, #tpu.memory_space<vmem>>, vector<16xf32>,
        %parallel_loop3A_775 = arith.constant 0 : i32
        %parallel_loop3A_776 = arith.constant 0 : i32
        %parallel_loop3A_777 = tpu.memref_slice %arg6[%parallel_loop3A_520, %parallel_loop3A_775, %parallel_loop3A_776] : memref<2x512x48xf32, #tpu.memory_space<vmem>> -> memref<1x512x48xf32, #tpu.memory_space<vmem>>
        %parallel_loop3A_778 = tpu.memref_squeeze %parallel_loop3A_777 : memref<1x512x48xf32, #tpu.memory_space<vmem>> -> memref<512x48xf32, #tpu.memory_space<vmem>>
        %parallel_loop3A_779 = tpu.vector_load_idx %parallel_loop3A_778[%parallel_loop3A_652, %broadcast_in_dim3A_21] : memref<512x48xf32, #tpu.memory_space<vmem>>[vector<16xi32>, vector<16xi32>], vector<16xf32>,
        %parallel_loop3A_780 = arith.constant 4096 : i32
        %parallel_loop3A_781 = arith.addi %parallel_loop3A_657, %parallel_loop3A_780 : i32
        %parallel_loop3A_782 = arith.constant 128 : i32
        %parallel_loop3A_783 = arith.addi %parallel_loop3A_781, %parallel_loop3A_782 : i32
        %parallel_loop3A_784 = arith.constant 1 : i32
        %parallel_loop3A_785 = arith.index_cast %parallel_loop3A_784 : i32 to index
        %parallel_loop3A_786 = arith.index_cast %parallel_loop3A_783 : i32 to index
        %parallel_loop3A_787 = tpu.vector_load %arg7[%parallel_loop3A_785, %parallel_loop3A_786] {strides = array<i32>} : memref<2x16384xf32, #tpu.memory_space<vmem>>, vector<16xf32>,
        tpu.vector_store %arg7[%parallel_loop3A_785, %parallel_loop3A_786], %parallel_loop3A_779 {strides = array<i32>} : memref<2x16384xf32, #tpu.memory_space<vmem>>, vector<16xf32>,
        %parallel_loop3A_788 = arith.constant 0 : i32
        %parallel_loop3A_789 = arith.constant 0 : i32
        %parallel_loop3A_790 = tpu.memref_slice %arg6[%parallel_loop3A_520, %parallel_loop3A_788, %parallel_loop3A_789] : memref<2x512x48xf32, #tpu.memory_space<vmem>> -> memref<1x512x48xf32, #tpu.memory_space<vmem>>
        %parallel_loop3A_791 = tpu.memref_squeeze %parallel_loop3A_790 : memref<1x512x48xf32, #tpu.memory_space<vmem>> -> memref<512x48xf32, #tpu.memory_space<vmem>>
        %parallel_loop3A_792 = tpu.vector_load_idx %parallel_loop3A_791[%parallel_loop3A_652, %broadcast_in_dim3A_23] : memref<512x48xf32, #tpu.memory_space<vmem>>[vector<16xi32>, vector<16xi32>], vector<16xf32>,
        %parallel_loop3A_793 = arith.constant 4096 : i32
        %parallel_loop3A_794 = arith.addi %parallel_loop3A_657, %parallel_loop3A_793 : i32
        %parallel_loop3A_795 = arith.constant 256 : i32
        %parallel_loop3A_796 = arith.addi %parallel_loop3A_794, %parallel_loop3A_795 : i32
        %parallel_loop3A_797 = arith.constant 1 : i32
        %parallel_loop3A_798 = arith.index_cast %parallel_loop3A_797 : i32 to index
        %parallel_loop3A_799 = arith.index_cast %parallel_loop3A_796 : i32 to index
        %parallel_loop3A_800 = tpu.vector_load %arg7[%parallel_loop3A_798, %parallel_loop3A_799] {strides = array<i32>} : memref<2x16384xf32, #tpu.memory_space<vmem>>, vector<16xf32>,
        tpu.vector_store %arg7[%parallel_loop3A_798, %parallel_loop3A_799], %parallel_loop3A_792 {strides = array<i32>} : memref<2x16384xf32, #tpu.memory_space<vmem>>, vector<16xf32>,
        %parallel_loop3A_801 = arith.constant 0 : i32
        %parallel_loop3A_802 = arith.constant 0 : i32
        %parallel_loop3A_803 = tpu.memref_slice %arg6[%parallel_loop3A_520, %parallel_loop3A_801, %parallel_loop3A_802] : memref<2x512x48xf32, #tpu.memory_space<vmem>> -> memref<1x512x48xf32, #tpu.memory_space<vmem>>
        %parallel_loop3A_804 = tpu.memref_squeeze %parallel_loop3A_803 : memref<1x512x48xf32, #tpu.memory_space<vmem>> -> memref<512x48xf32, #tpu.memory_space<vmem>>
        %parallel_loop3A_805 = tpu.vector_load_idx %parallel_loop3A_804[%parallel_loop3A_652, %broadcast_in_dim3A_25] : memref<512x48xf32, #tpu.memory_space<vmem>>[vector<16xi32>, vector<16xi32>], vector<16xf32>,
        %parallel_loop3A_806 = arith.constant 4096 : i32
        %parallel_loop3A_807 = arith.addi %parallel_loop3A_657, %parallel_loop3A_806 : i32
        %parallel_loop3A_808 = arith.constant 384 : i32
        %parallel_loop3A_809 = arith.addi %parallel_loop3A_807, %parallel_loop3A_808 : i32
        %parallel_loop3A_810 = arith.constant 1 : i32
        %parallel_loop3A_811 = arith.index_cast %parallel_loop3A_810 : i32 to index
        %parallel_loop3A_812 = arith.index_cast %parallel_loop3A_809 : i32 to index
        %parallel_loop3A_813 = tpu.vector_load %arg7[%parallel_loop3A_811, %parallel_loop3A_812] {strides = array<i32>} : memref<2x16384xf32, #tpu.memory_space<vmem>>, vector<16xf32>,
        tpu.vector_store %arg7[%parallel_loop3A_811, %parallel_loop3A_812], %parallel_loop3A_805 {strides = array<i32>} : memref<2x16384xf32, #tpu.memory_space<vmem>>, vector<16xf32>,
        %parallel_loop3A_814 = arith.constant 0 : i32
        %parallel_loop3A_815 = arith.constant 0 : i32
        %parallel_loop3A_816 = tpu.memref_slice %arg6[%parallel_loop3A_520, %parallel_loop3A_814, %parallel_loop3A_815] : memref<2x512x48xf32, #tpu.memory_space<vmem>> -> memref<1x512x48xf32, #tpu.memory_space<vmem>>
        %parallel_loop3A_817 = tpu.memref_squeeze %parallel_loop3A_816 : memref<1x512x48xf32, #tpu.memory_space<vmem>> -> memref<512x48xf32, #tpu.memory_space<vmem>>
        %parallel_loop3A_818 = tpu.vector_load_idx %parallel_loop3A_817[%parallel_loop3A_652, %broadcast_in_dim3A_27] : memref<512x48xf32, #tpu.memory_space<vmem>>[vector<16xi32>, vector<16xi32>], vector<16xf32>,
        %parallel_loop3A_819 = arith.constant 4096 : i32
        %parallel_loop3A_820 = arith.addi %parallel_loop3A_657, %parallel_loop3A_819 : i32
        %parallel_loop3A_821 = arith.constant 512 : i32
        %parallel_loop3A_822 = arith.addi %parallel_loop3A_820, %parallel_loop3A_821 : i32
        %parallel_loop3A_823 = arith.constant 1 : i32
        %parallel_loop3A_824 = arith.index_cast %parallel_loop3A_823 : i32 to index
        %parallel_loop3A_825 = arith.index_cast %parallel_loop3A_822 : i32 to index
        %parallel_loop3A_826 = tpu.vector_load %arg7[%parallel_loop3A_824, %parallel_loop3A_825] {strides = array<i32>} : memref<2x16384xf32, #tpu.memory_space<vmem>>, vector<16xf32>,
        tpu.vector_store %arg7[%parallel_loop3A_824, %parallel_loop3A_825], %parallel_loop3A_818 {strides = array<i32>} : memref<2x16384xf32, #tpu.memory_space<vmem>>, vector<16xf32>,
        %parallel_loop3A_827 = arith.constant 0 : i32
        %parallel_loop3A_828 = arith.constant 0 : i32
        %parallel_loop3A_829 = tpu.memref_slice %arg6[%parallel_loop3A_520, %parallel_loop3A_827, %parallel_loop3A_828] : memref<2x512x48xf32, #tpu.memory_space<vmem>> -> memref<1x512x48xf32, #tpu.memory_space<vmem>>
        %parallel_loop3A_830 = tpu.memref_squeeze %parallel_loop3A_829 : memref<1x512x48xf32, #tpu.memory_space<vmem>> -> memref<512x48xf32, #tpu.memory_space<vmem>>
        %parallel_loop3A_831 = tpu.vector_load_idx %parallel_loop3A_830[%parallel_loop3A_652, %broadcast_in_dim3A_29] : memref<512x48xf32, #tpu.memory_space<vmem>>[vector<16xi32>, vector<16xi32>], vector<16xf32>,
        %parallel_loop3A_832 = arith.constant 4096 : i32
        %parallel_loop3A_833 = arith.addi %parallel_loop3A_657, %parallel_loop3A_832 : i32
        %parallel_loop3A_834 = arith.constant 640 : i32
        %parallel_loop3A_835 = arith.addi %parallel_loop3A_833, %parallel_loop3A_834 : i32
        %parallel_loop3A_836 = arith.constant 1 : i32
        %parallel_loop3A_837 = arith.index_cast %parallel_loop3A_836 : i32 to index
        %parallel_loop3A_838 = arith.index_cast %parallel_loop3A_835 : i32 to index
        %parallel_loop3A_839 = tpu.vector_load %arg7[%parallel_loop3A_837, %parallel_loop3A_838] {strides = array<i32>} : memref<2x16384xf32, #tpu.memory_space<vmem>>, vector<16xf32>,
        tpu.vector_store %arg7[%parallel_loop3A_837, %parallel_loop3A_838], %parallel_loop3A_831 {strides = array<i32>} : memref<2x16384xf32, #tpu.memory_space<vmem>>, vector<16xf32>,
        %parallel_loop3A_840 = arith.constant 0 : i32
        %parallel_loop3A_841 = arith.constant 0 : i32
        %parallel_loop3A_842 = tpu.memref_slice %arg6[%parallel_loop3A_520, %parallel_loop3A_840, %parallel_loop3A_841] : memref<2x512x48xf32, #tpu.memory_space<vmem>> -> memref<1x512x48xf32, #tpu.memory_space<vmem>>
        %parallel_loop3A_843 = tpu.memref_squeeze %parallel_loop3A_842 : memref<1x512x48xf32, #tpu.memory_space<vmem>> -> memref<512x48xf32, #tpu.memory_space<vmem>>
        %parallel_loop3A_844 = tpu.vector_load_idx %parallel_loop3A_843[%parallel_loop3A_652, %broadcast_in_dim3A_31] : memref<512x48xf32, #tpu.memory_space<vmem>>[vector<16xi32>, vector<16xi32>], vector<16xf32>,
        %parallel_loop3A_845 = arith.constant 4096 : i32
        %parallel_loop3A_846 = arith.addi %parallel_loop3A_657, %parallel_loop3A_845 : i32
        %parallel_loop3A_847 = arith.constant 768 : i32
        %parallel_loop3A_848 = arith.addi %parallel_loop3A_846, %parallel_loop3A_847 : i32
        %parallel_loop3A_849 = arith.constant 1 : i32
        %parallel_loop3A_850 = arith.index_cast %parallel_loop3A_849 : i32 to index
        %parallel_loop3A_851 = arith.index_cast %parallel_loop3A_848 : i32 to index
        %parallel_loop3A_852 = tpu.vector_load %arg7[%parallel_loop3A_850, %parallel_loop3A_851] {strides = array<i32>} : memref<2x16384xf32, #tpu.memory_space<vmem>>, vector<16xf32>,
        tpu.vector_store %arg7[%parallel_loop3A_850, %parallel_loop3A_851], %parallel_loop3A_844 {strides = array<i32>} : memref<2x16384xf32, #tpu.memory_space<vmem>>, vector<16xf32>,
        %parallel_loop3A_853 = arith.constant 0 : i32
        %parallel_loop3A_854 = arith.constant 0 : i32
        %parallel_loop3A_855 = tpu.memref_slice %arg6[%parallel_loop3A_520, %parallel_loop3A_853, %parallel_loop3A_854] : memref<2x512x48xf32, #tpu.memory_space<vmem>> -> memref<1x512x48xf32, #tpu.memory_space<vmem>>
        %parallel_loop3A_856 = tpu.memref_squeeze %parallel_loop3A_855 : memref<1x512x48xf32, #tpu.memory_space<vmem>> -> memref<512x48xf32, #tpu.memory_space<vmem>>
        %parallel_loop3A_857 = tpu.vector_load_idx %parallel_loop3A_856[%parallel_loop3A_652, %broadcast_in_dim3A_33] : memref<512x48xf32, #tpu.memory_space<vmem>>[vector<16xi32>, vector<16xi32>], vector<16xf32>,
        %parallel_loop3A_858 = arith.constant 4096 : i32
        %parallel_loop3A_859 = arith.addi %parallel_loop3A_657, %parallel_loop3A_858 : i32
        %parallel_loop3A_860 = arith.constant 896 : i32
        %parallel_loop3A_861 = arith.addi %parallel_loop3A_859, %parallel_loop3A_860 : i32
        %parallel_loop3A_862 = arith.constant 1 : i32
        %parallel_loop3A_863 = arith.index_cast %parallel_loop3A_862 : i32 to index
        %parallel_loop3A_864 = arith.index_cast %parallel_loop3A_861 : i32 to index
        %parallel_loop3A_865 = tpu.vector_load %arg7[%parallel_loop3A_863, %parallel_loop3A_864] {strides = array<i32>} : memref<2x16384xf32, #tpu.memory_space<vmem>>, vector<16xf32>,
        tpu.vector_store %arg7[%parallel_loop3A_863, %parallel_loop3A_864], %parallel_loop3A_857 {strides = array<i32>} : memref<2x16384xf32, #tpu.memory_space<vmem>>, vector<16xf32>,
        %parallel_loop3A_866 = arith.constant 0 : i32
        %parallel_loop3A_867 = arith.constant 0 : i32
        %parallel_loop3A_868 = tpu.memref_slice %arg6[%parallel_loop3A_520, %parallel_loop3A_866, %parallel_loop3A_867] : memref<2x512x48xf32, #tpu.memory_space<vmem>> -> memref<1x512x48xf32, #tpu.memory_space<vmem>>
        %parallel_loop3A_869 = tpu.memref_squeeze %parallel_loop3A_868 : memref<1x512x48xf32, #tpu.memory_space<vmem>> -> memref<512x48xf32, #tpu.memory_space<vmem>>
        %parallel_loop3A_870 = tpu.vector_load_idx %parallel_loop3A_869[%parallel_loop3A_652, %broadcast_in_dim3A_35] : memref<512x48xf32, #tpu.memory_space<vmem>>[vector<16xi32>, vector<16xi32>], vector<16xf32>,
        %parallel_loop3A_871 = arith.constant 8192 : i32
        %parallel_loop3A_872 = arith.addi %parallel_loop3A_657, %parallel_loop3A_871 : i32
        %parallel_loop3A_873 = arith.constant 0 : i32
        %parallel_loop3A_874 = arith.addi %parallel_loop3A_872, %parallel_loop3A_873 : i32
        %parallel_loop3A_875 = arith.constant 1 : i32
        %parallel_loop3A_876 = arith.index_cast %parallel_loop3A_875 : i32 to index
        %parallel_loop3A_877 = arith.index_cast %parallel_loop3A_874 : i32 to index
        %parallel_loop3A_878 = tpu.vector_load %arg7[%parallel_loop3A_876, %parallel_loop3A_877] {strides = array<i32>} : memref<2x16384xf32, #tpu.memory_space<vmem>>, vector<16xf32>,
        tpu.vector_store %arg7[%parallel_loop3A_876, %parallel_loop3A_877], %parallel_loop3A_870 {strides = array<i32>} : memref<2x16384xf32, #tpu.memory_space<vmem>>, vector<16xf32>,
        %parallel_loop3A_879 = arith.constant 0 : i32
        %parallel_loop3A_880 = arith.constant 0 : i32
        %parallel_loop3A_881 = tpu.memref_slice %arg6[%parallel_loop3A_520, %parallel_loop3A_879, %parallel_loop3A_880] : memref<2x512x48xf32, #tpu.memory_space<vmem>> -> memref<1x512x48xf32, #tpu.memory_space<vmem>>
        %parallel_loop3A_882 = tpu.memref_squeeze %parallel_loop3A_881 : memref<1x512x48xf32, #tpu.memory_space<vmem>> -> memref<512x48xf32, #tpu.memory_space<vmem>>
        %parallel_loop3A_883 = tpu.vector_load_idx %parallel_loop3A_882[%parallel_loop3A_652, %broadcast_in_dim3A_37] : memref<512x48xf32, #tpu.memory_space<vmem>>[vector<16xi32>, vector<16xi32>], vector<16xf32>,
        %parallel_loop3A_884 = arith.constant 8192 : i32
        %parallel_loop3A_885 = arith.addi %parallel_loop3A_657, %parallel_loop3A_884 : i32
        %parallel_loop3A_886 = arith.constant 128 : i32
        %parallel_loop3A_887 = arith.addi %parallel_loop3A_885, %parallel_loop3A_886 : i32
        %parallel_loop3A_888 = arith.constant 1 : i32
        %parallel_loop3A_889 = arith.index_cast %parallel_loop3A_888 : i32 to index
        %parallel_loop3A_890 = arith.index_cast %parallel_loop3A_887 : i32 to index
        %parallel_loop3A_891 = tpu.vector_load %arg7[%parallel_loop3A_889, %parallel_loop3A_890] {strides = array<i32>} : memref<2x16384xf32, #tpu.memory_space<vmem>>, vector<16xf32>,
        tpu.vector_store %arg7[%parallel_loop3A_889, %parallel_loop3A_890], %parallel_loop3A_883 {strides = array<i32>} : memref<2x16384xf32, #tpu.memory_space<vmem>>, vector<16xf32>,
        %parallel_loop3A_892 = arith.constant 0 : i32
        %parallel_loop3A_893 = arith.constant 0 : i32
        %parallel_loop3A_894 = tpu.memref_slice %arg6[%parallel_loop3A_520, %parallel_loop3A_892, %parallel_loop3A_893] : memref<2x512x48xf32, #tpu.memory_space<vmem>> -> memref<1x512x48xf32, #tpu.memory_space<vmem>>
        %parallel_loop3A_895 = tpu.memref_squeeze %parallel_loop3A_894 : memref<1x512x48xf32, #tpu.memory_space<vmem>> -> memref<512x48xf32, #tpu.memory_space<vmem>>
        %parallel_loop3A_896 = tpu.vector_load_idx %parallel_loop3A_895[%parallel_loop3A_652, %broadcast_in_dim3A_39] : memref<512x48xf32, #tpu.memory_space<vmem>>[vector<16xi32>, vector<16xi32>], vector<16xf32>,
        %parallel_loop3A_897 = arith.constant 8192 : i32
        %parallel_loop3A_898 = arith.addi %parallel_loop3A_657, %parallel_loop3A_897 : i32
        %parallel_loop3A_899 = arith.constant 256 : i32
        %parallel_loop3A_900 = arith.addi %parallel_loop3A_898, %parallel_loop3A_899 : i32
        %parallel_loop3A_901 = arith.constant 1 : i32
        %parallel_loop3A_902 = arith.index_cast %parallel_loop3A_901 : i32 to index
        %parallel_loop3A_903 = arith.index_cast %parallel_loop3A_900 : i32 to index
        %parallel_loop3A_904 = tpu.vector_load %arg7[%parallel_loop3A_902, %parallel_loop3A_903] {strides = array<i32>} : memref<2x16384xf32, #tpu.memory_space<vmem>>, vector<16xf32>,
        tpu.vector_store %arg7[%parallel_loop3A_902, %parallel_loop3A_903], %parallel_loop3A_896 {strides = array<i32>} : memref<2x16384xf32, #tpu.memory_space<vmem>>, vector<16xf32>,
        %parallel_loop3A_905 = arith.constant 0 : i32
        %parallel_loop3A_906 = arith.constant 0 : i32
        %parallel_loop3A_907 = tpu.memref_slice %arg6[%parallel_loop3A_520, %parallel_loop3A_905, %parallel_loop3A_906] : memref<2x512x48xf32, #tpu.memory_space<vmem>> -> memref<1x512x48xf32, #tpu.memory_space<vmem>>
        %parallel_loop3A_908 = tpu.memref_squeeze %parallel_loop3A_907 : memref<1x512x48xf32, #tpu.memory_space<vmem>> -> memref<512x48xf32, #tpu.memory_space<vmem>>
        %parallel_loop3A_909 = tpu.vector_load_idx %parallel_loop3A_908[%parallel_loop3A_652, %broadcast_in_dim3A_41] : memref<512x48xf32, #tpu.memory_space<vmem>>[vector<16xi32>, vector<16xi32>], vector<16xf32>,
        %parallel_loop3A_910 = arith.constant 8192 : i32
        %parallel_loop3A_911 = arith.addi %parallel_loop3A_657, %parallel_loop3A_910 : i32
        %parallel_loop3A_912 = arith.constant 384 : i32
        %parallel_loop3A_913 = arith.addi %parallel_loop3A_911, %parallel_loop3A_912 : i32
        %parallel_loop3A_914 = arith.constant 1 : i32
        %parallel_loop3A_915 = arith.index_cast %parallel_loop3A_914 : i32 to index
        %parallel_loop3A_916 = arith.index_cast %parallel_loop3A_913 : i32 to index
        %parallel_loop3A_917 = tpu.vector_load %arg7[%parallel_loop3A_915, %parallel_loop3A_916] {strides = array<i32>} : memref<2x16384xf32, #tpu.memory_space<vmem>>, vector<16xf32>,
        tpu.vector_store %arg7[%parallel_loop3A_915, %parallel_loop3A_916], %parallel_loop3A_909 {strides = array<i32>} : memref<2x16384xf32, #tpu.memory_space<vmem>>, vector<16xf32>,
        %parallel_loop3A_918 = arith.constant 0 : i32
        %parallel_loop3A_919 = arith.constant 0 : i32
        %parallel_loop3A_920 = tpu.memref_slice %arg6[%parallel_loop3A_520, %parallel_loop3A_918, %parallel_loop3A_919] : memref<2x512x48xf32, #tpu.memory_space<vmem>> -> memref<1x512x48xf32, #tpu.memory_space<vmem>>
        %parallel_loop3A_921 = tpu.memref_squeeze %parallel_loop3A_920 : memref<1x512x48xf32, #tpu.memory_space<vmem>> -> memref<512x48xf32, #tpu.memory_space<vmem>>
        %parallel_loop3A_922 = tpu.vector_load_idx %parallel_loop3A_921[%parallel_loop3A_652, %broadcast_in_dim3A_43] : memref<512x48xf32, #tpu.memory_space<vmem>>[vector<16xi32>, vector<16xi32>], vector<16xf32>,
        %parallel_loop3A_923 = arith.constant 8192 : i32
        %parallel_loop3A_924 = arith.addi %parallel_loop3A_657, %parallel_loop3A_923 : i32
        %parallel_loop3A_925 = arith.constant 512 : i32
        %parallel_loop3A_926 = arith.addi %parallel_loop3A_924, %parallel_loop3A_925 : i32
        %parallel_loop3A_927 = arith.constant 1 : i32
        %parallel_loop3A_928 = arith.index_cast %parallel_loop3A_927 : i32 to index
        %parallel_loop3A_929 = arith.index_cast %parallel_loop3A_926 : i32 to index
        %parallel_loop3A_930 = tpu.vector_load %arg7[%parallel_loop3A_928, %parallel_loop3A_929] {strides = array<i32>} : memref<2x16384xf32, #tpu.memory_space<vmem>>, vector<16xf32>,
        tpu.vector_store %arg7[%parallel_loop3A_928, %parallel_loop3A_929], %parallel_loop3A_922 {strides = array<i32>} : memref<2x16384xf32, #tpu.memory_space<vmem>>, vector<16xf32>,
        %parallel_loop3A_931 = arith.constant 0 : i32
        %parallel_loop3A_932 = arith.constant 0 : i32
        %parallel_loop3A_933 = tpu.memref_slice %arg6[%parallel_loop3A_520, %parallel_loop3A_931, %parallel_loop3A_932] : memref<2x512x48xf32, #tpu.memory_space<vmem>> -> memref<1x512x48xf32, #tpu.memory_space<vmem>>
        %parallel_loop3A_934 = tpu.memref_squeeze %parallel_loop3A_933 : memref<1x512x48xf32, #tpu.memory_space<vmem>> -> memref<512x48xf32, #tpu.memory_space<vmem>>
        %parallel_loop3A_935 = tpu.vector_load_idx %parallel_loop3A_934[%parallel_loop3A_652, %broadcast_in_dim3A_45] : memref<512x48xf32, #tpu.memory_space<vmem>>[vector<16xi32>, vector<16xi32>], vector<16xf32>,
        %parallel_loop3A_936 = arith.constant 8192 : i32
        %parallel_loop3A_937 = arith.addi %parallel_loop3A_657, %parallel_loop3A_936 : i32
        %parallel_loop3A_938 = arith.constant 640 : i32
        %parallel_loop3A_939 = arith.addi %parallel_loop3A_937, %parallel_loop3A_938 : i32
        %parallel_loop3A_940 = arith.constant 1 : i32
        %parallel_loop3A_941 = arith.index_cast %parallel_loop3A_940 : i32 to index
        %parallel_loop3A_942 = arith.index_cast %parallel_loop3A_939 : i32 to index
        %parallel_loop3A_943 = tpu.vector_load %arg7[%parallel_loop3A_941, %parallel_loop3A_942] {strides = array<i32>} : memref<2x16384xf32, #tpu.memory_space<vmem>>, vector<16xf32>,
        tpu.vector_store %arg7[%parallel_loop3A_941, %parallel_loop3A_942], %parallel_loop3A_935 {strides = array<i32>} : memref<2x16384xf32, #tpu.memory_space<vmem>>, vector<16xf32>,
        %parallel_loop3A_944 = arith.constant 0 : i32
        %parallel_loop3A_945 = arith.constant 0 : i32
        %parallel_loop3A_946 = tpu.memref_slice %arg6[%parallel_loop3A_520, %parallel_loop3A_944, %parallel_loop3A_945] : memref<2x512x48xf32, #tpu.memory_space<vmem>> -> memref<1x512x48xf32, #tpu.memory_space<vmem>>
        %parallel_loop3A_947 = tpu.memref_squeeze %parallel_loop3A_946 : memref<1x512x48xf32, #tpu.memory_space<vmem>> -> memref<512x48xf32, #tpu.memory_space<vmem>>
        %parallel_loop3A_948 = tpu.vector_load_idx %parallel_loop3A_947[%parallel_loop3A_652, %broadcast_in_dim3A_47] : memref<512x48xf32, #tpu.memory_space<vmem>>[vector<16xi32>, vector<16xi32>], vector<16xf32>,
        %parallel_loop3A_949 = arith.constant 8192 : i32
        %parallel_loop3A_950 = arith.addi %parallel_loop3A_657, %parallel_loop3A_949 : i32
        %parallel_loop3A_951 = arith.constant 768 : i32
        %parallel_loop3A_952 = arith.addi %parallel_loop3A_950, %parallel_loop3A_951 : i32
        %parallel_loop3A_953 = arith.constant 1 : i32
        %parallel_loop3A_954 = arith.index_cast %parallel_loop3A_953 : i32 to index
        %parallel_loop3A_955 = arith.index_cast %parallel_loop3A_952 : i32 to index
        %parallel_loop3A_956 = tpu.vector_load %arg7[%parallel_loop3A_954, %parallel_loop3A_955] {strides = array<i32>} : memref<2x16384xf32, #tpu.memory_space<vmem>>, vector<16xf32>,
        tpu.vector_store %arg7[%parallel_loop3A_954, %parallel_loop3A_955], %parallel_loop3A_948 {strides = array<i32>} : memref<2x16384xf32, #tpu.memory_space<vmem>>, vector<16xf32>,
        %parallel_loop3A_957 = arith.constant 0 : i32
        %parallel_loop3A_958 = arith.constant 0 : i32
        %parallel_loop3A_959 = tpu.memref_slice %arg6[%parallel_loop3A_520, %parallel_loop3A_957, %parallel_loop3A_958] : memref<2x512x48xf32, #tpu.memory_space<vmem>> -> memref<1x512x48xf32, #tpu.memory_space<vmem>>
        %parallel_loop3A_960 = tpu.memref_squeeze %parallel_loop3A_959 : memref<1x512x48xf32, #tpu.memory_space<vmem>> -> memref<512x48xf32, #tpu.memory_space<vmem>>
        %parallel_loop3A_961 = tpu.vector_load_idx %parallel_loop3A_960[%parallel_loop3A_652, %broadcast_in_dim3A_49] : memref<512x48xf32, #tpu.memory_space<vmem>>[vector<16xi32>, vector<16xi32>], vector<16xf32>,
        %parallel_loop3A_962 = arith.constant 8192 : i32
        %parallel_loop3A_963 = arith.addi %parallel_loop3A_657, %parallel_loop3A_962 : i32
        %parallel_loop3A_964 = arith.constant 896 : i32
        %parallel_loop3A_965 = arith.addi %parallel_loop3A_963, %parallel_loop3A_964 : i32
        %parallel_loop3A_966 = arith.constant 1 : i32
        %parallel_loop3A_967 = arith.index_cast %parallel_loop3A_966 : i32 to index
        %parallel_loop3A_968 = arith.index_cast %parallel_loop3A_965 : i32 to index
        %parallel_loop3A_969 = tpu.vector_load %arg7[%parallel_loop3A_967, %parallel_loop3A_968] {strides = array<i32>} : memref<2x16384xf32, #tpu.memory_space<vmem>>, vector<16xf32>,
        tpu.vector_store %arg7[%parallel_loop3A_967, %parallel_loop3A_968], %parallel_loop3A_961 {strides = array<i32>} : memref<2x16384xf32, #tpu.memory_space<vmem>>, vector<16xf32>,
        %parallel_loop3A_970 = arith.constant 0 : i32
        %parallel_loop3A_971 = arith.constant 0 : i32
        %parallel_loop3A_972 = tpu.memref_slice %arg6[%parallel_loop3A_520, %parallel_loop3A_970, %parallel_loop3A_971] : memref<2x512x48xf32, #tpu.memory_space<vmem>> -> memref<1x512x48xf32, #tpu.memory_space<vmem>>
        %parallel_loop3A_973 = tpu.memref_squeeze %parallel_loop3A_972 : memref<1x512x48xf32, #tpu.memory_space<vmem>> -> memref<512x48xf32, #tpu.memory_space<vmem>>
        %parallel_loop3A_974 = tpu.vector_load_idx %parallel_loop3A_973[%parallel_loop3A_652, %broadcast_in_dim3A_51] : memref<512x48xf32, #tpu.memory_space<vmem>>[vector<16xi32>, vector<16xi32>], vector<16xf32>,
        %parallel_loop3A_975 = arith.constant 12288 : i32
        %parallel_loop3A_976 = arith.addi %parallel_loop3A_657, %parallel_loop3A_975 : i32
        %parallel_loop3A_977 = arith.constant 0 : i32
        %parallel_loop3A_978 = arith.addi %parallel_loop3A_976, %parallel_loop3A_977 : i32
        %parallel_loop3A_979 = arith.constant 1 : i32
        %parallel_loop3A_980 = arith.index_cast %parallel_loop3A_979 : i32 to index
        %parallel_loop3A_981 = arith.index_cast %parallel_loop3A_978 : i32 to index
        %parallel_loop3A_982 = tpu.vector_load %arg7[%parallel_loop3A_980, %parallel_loop3A_981] {strides = array<i32>} : memref<2x16384xf32, #tpu.memory_space<vmem>>, vector<16xf32>,
        tpu.vector_store %arg7[%parallel_loop3A_980, %parallel_loop3A_981], %parallel_loop3A_974 {strides = array<i32>} : memref<2x16384xf32, #tpu.memory_space<vmem>>, vector<16xf32>,
        %parallel_loop3A_983 = arith.constant 0 : i32
        %parallel_loop3A_984 = arith.constant 0 : i32
        %parallel_loop3A_985 = tpu.memref_slice %arg6[%parallel_loop3A_520, %parallel_loop3A_983, %parallel_loop3A_984] : memref<2x512x48xf32, #tpu.memory_space<vmem>> -> memref<1x512x48xf32, #tpu.memory_space<vmem>>
        %parallel_loop3A_986 = tpu.memref_squeeze %parallel_loop3A_985 : memref<1x512x48xf32, #tpu.memory_space<vmem>> -> memref<512x48xf32, #tpu.memory_space<vmem>>
        %parallel_loop3A_987 = tpu.vector_load_idx %parallel_loop3A_986[%parallel_loop3A_652, %broadcast_in_dim3A_53] : memref<512x48xf32, #tpu.memory_space<vmem>>[vector<16xi32>, vector<16xi32>], vector<16xf32>,
        %parallel_loop3A_988 = arith.constant 12288 : i32
        %parallel_loop3A_989 = arith.addi %parallel_loop3A_657, %parallel_loop3A_988 : i32
        %parallel_loop3A_990 = arith.constant 128 : i32
        %parallel_loop3A_991 = arith.addi %parallel_loop3A_989, %parallel_loop3A_990 : i32
        %parallel_loop3A_992 = arith.constant 1 : i32
        %parallel_loop3A_993 = arith.index_cast %parallel_loop3A_992 : i32 to index
        %parallel_loop3A_994 = arith.index_cast %parallel_loop3A_991 : i32 to index
        %parallel_loop3A_995 = tpu.vector_load %arg7[%parallel_loop3A_993, %parallel_loop3A_994] {strides = array<i32>} : memref<2x16384xf32, #tpu.memory_space<vmem>>, vector<16xf32>,
        tpu.vector_store %arg7[%parallel_loop3A_993, %parallel_loop3A_994], %parallel_loop3A_987 {strides = array<i32>} : memref<2x16384xf32, #tpu.memory_space<vmem>>, vector<16xf32>,
        %parallel_loop3A_996 = arith.constant 0 : i32
        %parallel_loop3A_997 = arith.constant 0 : i32
        %parallel_loop3A_998 = tpu.memref_slice %arg6[%parallel_loop3A_520, %parallel_loop3A_996, %parallel_loop3A_997] : memref<2x512x48xf32, #tpu.memory_space<vmem>> -> memref<1x512x48xf32, #tpu.memory_space<vmem>>
        %parallel_loop3A_999 = tpu.memref_squeeze %parallel_loop3A_998 : memref<1x512x48xf32, #tpu.memory_space<vmem>> -> memref<512x48xf32, #tpu.memory_space<vmem>>
        %parallel_loop3A_1000 = tpu.vector_load_idx %parallel_loop3A_999[%parallel_loop3A_652, %broadcast_in_dim3A_55] : memref<512x48xf32, #tpu.memory_space<vmem>>[vector<16xi32>, vector<16xi32>], vector<16xf32>,
        %parallel_loop3A_1001 = arith.constant 12288 : i32
        %parallel_loop3A_1002 = arith.addi %parallel_loop3A_657, %parallel_loop3A_1001 : i32
        %parallel_loop3A_1003 = arith.constant 256 : i32
        %parallel_loop3A_1004 = arith.addi %parallel_loop3A_1002, %parallel_loop3A_1003 : i32
        %parallel_loop3A_1005 = arith.constant 1 : i32
        %parallel_loop3A_1006 = arith.index_cast %parallel_loop3A_1005 : i32 to index
        %parallel_loop3A_1007 = arith.index_cast %parallel_loop3A_1004 : i32 to index
        %parallel_loop3A_1008 = tpu.vector_load %arg7[%parallel_loop3A_1006, %parallel_loop3A_1007] {strides = array<i32>} : memref<2x16384xf32, #tpu.memory_space<vmem>>, vector<16xf32>,
        tpu.vector_store %arg7[%parallel_loop3A_1006, %parallel_loop3A_1007], %parallel_loop3A_1000 {strides = array<i32>} : memref<2x16384xf32, #tpu.memory_space<vmem>>, vector<16xf32>,
        %parallel_loop3A_1009 = arith.constant 0 : i32
        %parallel_loop3A_1010 = arith.constant 0 : i32
        %parallel_loop3A_1011 = tpu.memref_slice %arg6[%parallel_loop3A_520, %parallel_loop3A_1009, %parallel_loop3A_1010] : memref<2x512x48xf32, #tpu.memory_space<vmem>> -> memref<1x512x48xf32, #tpu.memory_space<vmem>>
        %parallel_loop3A_1012 = tpu.memref_squeeze %parallel_loop3A_1011 : memref<1x512x48xf32, #tpu.memory_space<vmem>> -> memref<512x48xf32, #tpu.memory_space<vmem>>
        %parallel_loop3A_1013 = tpu.vector_load_idx %parallel_loop3A_1012[%parallel_loop3A_652, %broadcast_in_dim3A_57] : memref<512x48xf32, #tpu.memory_space<vmem>>[vector<16xi32>, vector<16xi32>], vector<16xf32>,
        %parallel_loop3A_1014 = arith.constant 12288 : i32
        %parallel_loop3A_1015 = arith.addi %parallel_loop3A_657, %parallel_loop3A_1014 : i32
        %parallel_loop3A_1016 = arith.constant 384 : i32
        %parallel_loop3A_1017 = arith.addi %parallel_loop3A_1015, %parallel_loop3A_1016 : i32
        %parallel_loop3A_1018 = arith.constant 1 : i32
        %parallel_loop3A_1019 = arith.index_cast %parallel_loop3A_1018 : i32 to index
        %parallel_loop3A_1020 = arith.index_cast %parallel_loop3A_1017 : i32 to index
        %parallel_loop3A_1021 = tpu.vector_load %arg7[%parallel_loop3A_1019, %parallel_loop3A_1020] {strides = array<i32>} : memref<2x16384xf32, #tpu.memory_space<vmem>>, vector<16xf32>,
        tpu.vector_store %arg7[%parallel_loop3A_1019, %parallel_loop3A_1020], %parallel_loop3A_1013 {strides = array<i32>} : memref<2x16384xf32, #tpu.memory_space<vmem>>, vector<16xf32>,
        %parallel_loop3A_1022 = arith.constant 0 : i32
        %parallel_loop3A_1023 = arith.constant 0 : i32
        %parallel_loop3A_1024 = tpu.memref_slice %arg6[%parallel_loop3A_520, %parallel_loop3A_1022, %parallel_loop3A_1023] : memref<2x512x48xf32, #tpu.memory_space<vmem>> -> memref<1x512x48xf32, #tpu.memory_space<vmem>>
        %parallel_loop3A_1025 = tpu.memref_squeeze %parallel_loop3A_1024 : memref<1x512x48xf32, #tpu.memory_space<vmem>> -> memref<512x48xf32, #tpu.memory_space<vmem>>
        %parallel_loop3A_1026 = tpu.vector_load_idx %parallel_loop3A_1025[%parallel_loop3A_652, %broadcast_in_dim3A_59] : memref<512x48xf32, #tpu.memory_space<vmem>>[vector<16xi32>, vector<16xi32>], vector<16xf32>,
        %parallel_loop3A_1027 = arith.constant 12288 : i32
        %parallel_loop3A_1028 = arith.addi %parallel_loop3A_657, %parallel_loop3A_1027 : i32
        %parallel_loop3A_1029 = arith.constant 512 : i32
        %parallel_loop3A_1030 = arith.addi %parallel_loop3A_1028, %parallel_loop3A_1029 : i32
        %parallel_loop3A_1031 = arith.constant 1 : i32
        %parallel_loop3A_1032 = arith.index_cast %parallel_loop3A_1031 : i32 to index
        %parallel_loop3A_1033 = arith.index_cast %parallel_loop3A_1030 : i32 to index
        %parallel_loop3A_1034 = tpu.vector_load %arg7[%parallel_loop3A_1032, %parallel_loop3A_1033] {strides = array<i32>} : memref<2x16384xf32, #tpu.memory_space<vmem>>, vector<16xf32>,
        tpu.vector_store %arg7[%parallel_loop3A_1032, %parallel_loop3A_1033], %parallel_loop3A_1026 {strides = array<i32>} : memref<2x16384xf32, #tpu.memory_space<vmem>>, vector<16xf32>,
        %parallel_loop3A_1035 = arith.constant 0 : i32
        %parallel_loop3A_1036 = arith.constant 0 : i32
        %parallel_loop3A_1037 = tpu.memref_slice %arg6[%parallel_loop3A_520, %parallel_loop3A_1035, %parallel_loop3A_1036] : memref<2x512x48xf32, #tpu.memory_space<vmem>> -> memref<1x512x48xf32, #tpu.memory_space<vmem>>
        %parallel_loop3A_1038 = tpu.memref_squeeze %parallel_loop3A_1037 : memref<1x512x48xf32, #tpu.memory_space<vmem>> -> memref<512x48xf32, #tpu.memory_space<vmem>>
        %parallel_loop3A_1039 = tpu.vector_load_idx %parallel_loop3A_1038[%parallel_loop3A_652, %broadcast_in_dim3A_61] : memref<512x48xf32, #tpu.memory_space<vmem>>[vector<16xi32>, vector<16xi32>], vector<16xf32>,
        %parallel_loop3A_1040 = arith.constant 12288 : i32
        %parallel_loop3A_1041 = arith.addi %parallel_loop3A_657, %parallel_loop3A_1040 : i32
        %parallel_loop3A_1042 = arith.constant 640 : i32
        %parallel_loop3A_1043 = arith.addi %parallel_loop3A_1041, %parallel_loop3A_1042 : i32
        %parallel_loop3A_1044 = arith.constant 1 : i32
        %parallel_loop3A_1045 = arith.index_cast %parallel_loop3A_1044 : i32 to index
        %parallel_loop3A_1046 = arith.index_cast %parallel_loop3A_1043 : i32 to index
        %parallel_loop3A_1047 = tpu.vector_load %arg7[%parallel_loop3A_1045, %parallel_loop3A_1046] {strides = array<i32>} : memref<2x16384xf32, #tpu.memory_space<vmem>>, vector<16xf32>,
        tpu.vector_store %arg7[%parallel_loop3A_1045, %parallel_loop3A_1046], %parallel_loop3A_1039 {strides = array<i32>} : memref<2x16384xf32, #tpu.memory_space<vmem>>, vector<16xf32>,
        %parallel_loop3A_1048 = arith.constant 0 : i32
        %parallel_loop3A_1049 = arith.constant 0 : i32
        %parallel_loop3A_1050 = tpu.memref_slice %arg6[%parallel_loop3A_520, %parallel_loop3A_1048, %parallel_loop3A_1049] : memref<2x512x48xf32, #tpu.memory_space<vmem>> -> memref<1x512x48xf32, #tpu.memory_space<vmem>>
        %parallel_loop3A_1051 = tpu.memref_squeeze %parallel_loop3A_1050 : memref<1x512x48xf32, #tpu.memory_space<vmem>> -> memref<512x48xf32, #tpu.memory_space<vmem>>
        %parallel_loop3A_1052 = tpu.vector_load_idx %parallel_loop3A_1051[%parallel_loop3A_652, %broadcast_in_dim3A_63] : memref<512x48xf32, #tpu.memory_space<vmem>>[vector<16xi32>, vector<16xi32>], vector<16xf32>,
        %parallel_loop3A_1053 = arith.constant 12288 : i32
        %parallel_loop3A_1054 = arith.addi %parallel_loop3A_657, %parallel_loop3A_1053 : i32
        %parallel_loop3A_1055 = arith.constant 768 : i32
        %parallel_loop3A_1056 = arith.addi %parallel_loop3A_1054, %parallel_loop3A_1055 : i32
        %parallel_loop3A_1057 = arith.constant 1 : i32
        %parallel_loop3A_1058 = arith.index_cast %parallel_loop3A_1057 : i32 to index
        %parallel_loop3A_1059 = arith.index_cast %parallel_loop3A_1056 : i32 to index
        %parallel_loop3A_1060 = tpu.vector_load %arg7[%parallel_loop3A_1058, %parallel_loop3A_1059] {strides = array<i32>} : memref<2x16384xf32, #tpu.memory_space<vmem>>, vector<16xf32>,
        tpu.vector_store %arg7[%parallel_loop3A_1058, %parallel_loop3A_1059], %parallel_loop3A_1052 {strides = array<i32>} : memref<2x16384xf32, #tpu.memory_space<vmem>>, vector<16xf32>,
        %parallel_loop3A_1061 = arith.constant 0 : i32
        %parallel_loop3A_1062 = arith.constant 0 : i32
        %parallel_loop3A_1063 = tpu.memref_slice %arg6[%parallel_loop3A_520, %parallel_loop3A_1061, %parallel_loop3A_1062] : memref<2x512x48xf32, #tpu.memory_space<vmem>> -> memref<1x512x48xf32, #tpu.memory_space<vmem>>
        %parallel_loop3A_1064 = tpu.memref_squeeze %parallel_loop3A_1063 : memref<1x512x48xf32, #tpu.memory_space<vmem>> -> memref<512x48xf32, #tpu.memory_space<vmem>>
        %parallel_loop3A_1065 = tpu.vector_load_idx %parallel_loop3A_1064[%parallel_loop3A_652, %broadcast_in_dim3A_65] : memref<512x48xf32, #tpu.memory_space<vmem>>[vector<16xi32>, vector<16xi32>], vector<16xf32>,
        %parallel_loop3A_1066 = arith.constant 12288 : i32
        %parallel_loop3A_1067 = arith.addi %parallel_loop3A_657, %parallel_loop3A_1066 : i32
        %parallel_loop3A_1068 = arith.constant 896 : i32
        %parallel_loop3A_1069 = arith.addi %parallel_loop3A_1067, %parallel_loop3A_1068 : i32
        %parallel_loop3A_1070 = arith.constant 1 : i32
        %parallel_loop3A_1071 = arith.index_cast %parallel_loop3A_1070 : i32 to index
        %parallel_loop3A_1072 = arith.index_cast %parallel_loop3A_1069 : i32 to index
        %parallel_loop3A_1073 = tpu.vector_load %arg7[%parallel_loop3A_1071, %parallel_loop3A_1072] {strides = array<i32>} : memref<2x16384xf32, #tpu.memory_space<vmem>>, vector<16xf32>,
        tpu.vector_store %arg7[%parallel_loop3A_1071, %parallel_loop3A_1072], %parallel_loop3A_1065 {strides = array<i32>} : memref<2x16384xf32, #tpu.memory_space<vmem>>, vector<16xf32>,
      } {sc.loop_unroll_factor = 2 : i64, sc.parallel_access}
      %jit3A_521 = arith.constant 32 : i32
      %div3A_522 = arith.divsi %add3A_445, %jit3A_521 : i32
      %sign3A_523 = arith.constant 0 : i32
      %sign3A_524 = arith.cmpi sgt, %add3A_445, %sign3A_523 : i32
      %sign3A_525 = arith.extui %sign3A_524 : i1 to i32
      %sign3A_526 = arith.constant 0 : i32
      %sign3A_527 = arith.cmpi slt, %add3A_445, %sign3A_526 : i32
      %sign3A_528 = arith.extui %sign3A_527 : i1 to i32
      %sign3A_529 = arith.subi %sign3A_525, %sign3A_528 : i32
      %sign3A_530 = arith.constant 0 : i32
      %sign3A_531 = arith.cmpi sgt, %jit3A_521, %sign3A_530 : i32
      %sign3A_532 = arith.extui %sign3A_531 : i1 to i32
      %sign3A_533 = arith.constant 0 : i32
      %sign3A_534 = arith.cmpi slt, %jit3A_521, %sign3A_533 : i32
      %sign3A_535 = arith.extui %sign3A_534 : i1 to i32
      %sign3A_536 = arith.subi %sign3A_532, %sign3A_535 : i32
      %ne3A_537 = arith.cmpi ne, %sign3A_529, %sign3A_536 : i32
      %rem3A_538 = arith.remsi %add3A_445, %jit3A_521 : i32
      %ne3A_539 = arith.constant 0 : i32
      %ne3A_540 = arith.cmpi ne, %rem3A_538, %ne3A_539 : i32
      %and3A_541 = arith.andi %ne3A_537, %ne3A_540 : i1
      %sub3A_542 = arith.constant 1 : i32
      %sub3A_543 = arith.subi %div3A_522, %sub3A_542 : i32
      %select_n3A_544 = arith.select %and3A_541, %sub3A_543, %div3A_522 : i32
      %jit3A_545 = arith.constant 32 : i32
      %eq3A_546 = arith.constant 0 : i32
      %eq3A_547 = arith.cmpi eq, %jit3A_545, %eq3A_546 : i32
      %jit3A_548 = arith.constant 1 : i32
      %select_n3A_549 = arith.select %eq3A_547, %jit3A_548, %jit3A_545 : i32
      %rem3A_550 = arith.remsi %add3A_445, %select_n3A_549 : i32
      %ne3A_551 = arith.constant 0 : i32
      %ne3A_552 = arith.cmpi ne, %rem3A_550, %ne3A_551 : i32
      %lt3A_553 = arith.constant 0 : i32
      %lt3A_554 = arith.cmpi slt, %rem3A_550, %lt3A_553 : i32
      %lt3A_555 = arith.constant 0 : i32
      %lt3A_556 = arith.cmpi slt, %select_n3A_549, %lt3A_555 : i32
      %ne3A_557 = arith.xori %lt3A_554, %lt3A_556 : i1
      %and3A_558 = arith.andi %ne3A_557, %ne3A_552 : i1
      %add3A_559 = arith.addi %rem3A_550, %select_n3A_549 : i32
      %select_n3A_560 = arith.select %and3A_558, %add3A_559, %rem3A_550 : i32
      %mul3A_561 = arith.constant 128 : i32
      %mul3A_562 = arith.muli %select_n3A_544, %mul3A_561 : i32
      %mul3A_563 = arith.constant 4 : i32
      %mul3A_564 = arith.muli %mul3A_562, %mul3A_563 : i32
      %add3A_565 = arith.constant 0 : i32
      %add3A_566 = arith.addi %mul3A_564, %add3A_565 : i32
      %mul3A_567 = arith.constant 4 : i32
      %mul3A_568 = arith.muli %select_n3A_560, %mul3A_567 : i32
      %add3A_569 = arith.addi %add3A_566, %mul3A_568 : i32
      %mul3A_570 = arith.constant 1024 : i32
      %mul3A_571 = arith.muli %add3A_569, %mul3A_570 : i32
      %dma_start3A_572 = arith.constant 1 : i32
      %dma_start3A_573 = arith.constant 0 : i32
      %dma_start3A_574 = tpu.memref_slice %arg7[%dma_start3A_572, %dma_start3A_573] : memref<2x16384xf32, #tpu.memory_space<vmem>> -> memref<1x4096xf32, #tpu.memory_space<vmem>>
      %dma_start3A_575 = tpu.memref_squeeze %dma_start3A_574 : memref<1x4096xf32, #tpu.memory_space<vmem>> -> memref<4096xf32, #tpu.memory_space<vmem>>
      %dma_start3A_576 = tpu.memref_slice %arg4[%mul3A_571] : memref<104857600xf32, #tpu.memory_space<hbm>> -> memref<4096xf32, #tpu.memory_space<hbm>>
      %dma_start3A_577 = tpu.memref_slice %arg4[%mul3A_571] : memref<104857600xf32, #tpu.memory_space<hbm>> -> memref<4096xf32, #tpu.memory_space<hbm>>
      %dma_start3A_578 = arith.constant 0 : i32
      %dma_start3A_579 = tpu.memref_slice %arg7[%dma_start3A_572, %dma_start3A_578] : memref<2x16384xf32, #tpu.memory_space<vmem>> -> memref<1x4096xf32, #tpu.memory_space<vmem>>
      %dma_start3A_580 = tpu.memref_squeeze %dma_start3A_579 : memref<1x4096xf32, #tpu.memory_space<vmem>> -> memref<4096xf32, #tpu.memory_space<vmem>>
      tpu.enqueue_dma source(%dma_start3A_580 : memref<4096xf32, #tpu.memory_space<vmem>>) target(%dma_start3A_577 : memref<4096xf32, #tpu.memory_space<hbm>>) target_semaphore(%arg13 : memref<!tpu.dma_semaphore, #tpu.memory_space<semaphore_mem>>)
      %mul3A_581 = arith.constant 128 : i32
      %mul3A_582 = arith.muli %select_n3A_544, %mul3A_581 : i32
      %mul3A_583 = arith.constant 4 : i32
      %mul3A_584 = arith.muli %mul3A_582, %mul3A_583 : i32
      %add3A_585 = arith.constant 128 : i32
      %add3A_586 = arith.addi %mul3A_584, %add3A_585 : i32
      %mul3A_587 = arith.constant 4 : i32
      %mul3A_588 = arith.muli %select_n3A_560, %mul3A_587 : i32
      %add3A_589 = arith.addi %add3A_586, %mul3A_588 : i32
      %mul3A_590 = arith.constant 1024 : i32
      %mul3A_591 = arith.muli %add3A_589, %mul3A_590 : i32
      %dma_start3A_592 = arith.constant 1 : i32
      %dma_start3A_593 = arith.constant 4096 : i32
      %dma_start3A_594 = tpu.memref_slice %arg7[%dma_start3A_592, %dma_start3A_593] : memref<2x16384xf32, #tpu.memory_space<vmem>> -> memref<1x4096xf32, #tpu.memory_space<vmem>>
      %dma_start3A_595 = tpu.memref_squeeze %dma_start3A_594 : memref<1x4096xf32, #tpu.memory_space<vmem>> -> memref<4096xf32, #tpu.memory_space<vmem>>
      %dma_start3A_596 = tpu.memref_slice %arg4[%mul3A_591] : memref<104857600xf32, #tpu.memory_space<hbm>> -> memref<4096xf32, #tpu.memory_space<hbm>>
      %dma_start3A_597 = tpu.memref_slice %arg4[%mul3A_591] : memref<104857600xf32, #tpu.memory_space<hbm>> -> memref<4096xf32, #tpu.memory_space<hbm>>
      %dma_start3A_598 = arith.constant 4096 : i32
      %dma_start3A_599 = tpu.memref_slice %arg7[%dma_start3A_592, %dma_start3A_598] : memref<2x16384xf32, #tpu.memory_space<vmem>> -> memref<1x4096xf32, #tpu.memory_space<vmem>>
      %dma_start3A_600 = tpu.memref_squeeze %dma_start3A_599 : memref<1x4096xf32, #tpu.memory_space<vmem>> -> memref<4096xf32, #tpu.memory_space<vmem>>
      tpu.enqueue_dma source(%dma_start3A_600 : memref<4096xf32, #tpu.memory_space<vmem>>) target(%dma_start3A_597 : memref<4096xf32, #tpu.memory_space<hbm>>) target_semaphore(%arg13 : memref<!tpu.dma_semaphore, #tpu.memory_space<semaphore_mem>>)
      %mul3A_601 = arith.constant 128 : i32
      %mul3A_602 = arith.muli %select_n3A_544, %mul3A_601 : i32
      %mul3A_603 = arith.constant 4 : i32
      %mul3A_604 = arith.muli %mul3A_602, %mul3A_603 : i32
      %add3A_605 = arith.constant 256 : i32
      %add3A_606 = arith.addi %mul3A_604, %add3A_605 : i32
      %mul3A_607 = arith.constant 4 : i32
      %mul3A_608 = arith.muli %select_n3A_560, %mul3A_607 : i32
      %add3A_609 = arith.addi %add3A_606, %mul3A_608 : i32
      %mul3A_610 = arith.constant 1024 : i32
      %mul3A_611 = arith.muli %add3A_609, %mul3A_610 : i32
      %dma_start3A_612 = arith.constant 1 : i32
      %dma_start3A_613 = arith.constant 8192 : i32
      %dma_start3A_614 = tpu.memref_slice %arg7[%dma_start3A_612, %dma_start3A_613] : memref<2x16384xf32, #tpu.memory_space<vmem>> -> memref<1x4096xf32, #tpu.memory_space<vmem>>
      %dma_start3A_615 = tpu.memref_squeeze %dma_start3A_614 : memref<1x4096xf32, #tpu.memory_space<vmem>> -> memref<4096xf32, #tpu.memory_space<vmem>>
      %dma_start3A_616 = tpu.memref_slice %arg4[%mul3A_611] : memref<104857600xf32, #tpu.memory_space<hbm>> -> memref<4096xf32, #tpu.memory_space<hbm>>
      %dma_start3A_617 = tpu.memref_slice %arg4[%mul3A_611] : memref<104857600xf32, #tpu.memory_space<hbm>> -> memref<4096xf32, #tpu.memory_space<hbm>>
      %dma_start3A_618 = arith.constant 8192 : i32
      %dma_start3A_619 = tpu.memref_slice %arg7[%dma_start3A_612, %dma_start3A_618] : memref<2x16384xf32, #tpu.memory_space<vmem>> -> memref<1x4096xf32, #tpu.memory_space<vmem>>
      %dma_start3A_620 = tpu.memref_squeeze %dma_start3A_619 : memref<1x4096xf32, #tpu.memory_space<vmem>> -> memref<4096xf32, #tpu.memory_space<vmem>>
      tpu.enqueue_dma source(%dma_start3A_620 : memref<4096xf32, #tpu.memory_space<vmem>>) target(%dma_start3A_617 : memref<4096xf32, #tpu.memory_space<hbm>>) target_semaphore(%arg13 : memref<!tpu.dma_semaphore, #tpu.memory_space<semaphore_mem>>)
      %mul3A_621 = arith.constant 128 : i32
      %mul3A_622 = arith.muli %select_n3A_544, %mul3A_621 : i32
      %mul3A_623 = arith.constant 4 : i32
      %mul3A_624 = arith.muli %mul3A_622, %mul3A_623 : i32
      %add3A_625 = arith.constant 384 : i32
      %add3A_626 = arith.addi %mul3A_624, %add3A_625 : i32
      %mul3A_627 = arith.constant 4 : i32
      %mul3A_628 = arith.muli %select_n3A_560, %mul3A_627 : i32
      %add3A_629 = arith.addi %add3A_626, %mul3A_628 : i32
      %mul3A_630 = arith.constant 1024 : i32
      %mul3A_631 = arith.muli %add3A_629, %mul3A_630 : i32
      %dma_start3A_632 = arith.constant 1 : i32
      %dma_start3A_633 = arith.constant 12288 : i32
      %dma_start3A_634 = tpu.memref_slice %arg7[%dma_start3A_632, %dma_start3A_633] : memref<2x16384xf32, #tpu.memory_space<vmem>> -> memref<1x4096xf32, #tpu.memory_space<vmem>>
      %dma_start3A_635 = tpu.memref_squeeze %dma_start3A_634 : memref<1x4096xf32, #tpu.memory_space<vmem>> -> memref<4096xf32, #tpu.memory_space<vmem>>
      %dma_start3A_636 = tpu.memref_slice %arg4[%mul3A_631] : memref<104857600xf32, #tpu.memory_space<hbm>> -> memref<4096xf32, #tpu.memory_space<hbm>>
      %dma_start3A_637 = tpu.memref_slice %arg4[%mul3A_631] : memref<104857600xf32, #tpu.memory_space<hbm>> -> memref<4096xf32, #tpu.memory_space<hbm>>
      %dma_start3A_638 = arith.constant 12288 : i32
      %dma_start3A_639 = tpu.memref_slice %arg7[%dma_start3A_632, %dma_start3A_638] : memref<2x16384xf32, #tpu.memory_space<vmem>> -> memref<1x4096xf32, #tpu.memory_space<vmem>>
      %dma_start3A_640 = tpu.memref_squeeze %dma_start3A_639 : memref<1x4096xf32, #tpu.memory_space<vmem>> -> memref<4096xf32, #tpu.memory_space<vmem>>
      tpu.enqueue_dma source(%dma_start3A_640 : memref<4096xf32, #tpu.memory_space<vmem>>) target(%dma_start3A_637 : memref<4096xf32, #tpu.memory_space<hbm>>) target_semaphore(%arg13 : memref<!tpu.dma_semaphore, #tpu.memory_space<semaphore_mem>>)
    }
    %scan3A_167 = arith.constant 100 : i32
    %dma_wait3A_168 = arith.constant 0 : i32
    %dma_wait3A_169 = arith.constant 0 : i32
    %dma_wait3A_170 = tpu.memref_slice %arg7[%dma_wait3A_168, %dma_wait3A_169] : memref<2x16384xf32, #tpu.memory_space<vmem>> -> memref<1x4096xf32, #tpu.memory_space<vmem>>
    %dma_wait3A_171 = tpu.memref_squeeze %dma_wait3A_170 : memref<1x4096xf32, #tpu.memory_space<vmem>> -> memref<4096xf32, #tpu.memory_space<vmem>>
    %dma_wait3A_172 = arith.constant 0 : i32
    %dma_wait3A_173 = tpu.memref_slice %arg4[%dma_wait3A_172] : memref<104857600xf32, #tpu.memory_space<hbm>> -> memref<4096xf32, #tpu.memory_space<hbm>>
    %dma_wait3A_174 = arith.constant 0 : i32
    %dma_wait3A_175 = tpu.memref_slice %arg4[%dma_wait3A_174] : memref<104857600xf32, #tpu.memory_space<hbm>> -> memref<4096xf32, #tpu.memory_space<hbm>>
    %dma_wait3A_176 = arith.constant 0 : i32
    %dma_wait3A_177 = tpu.memref_slice %arg7[%dma_wait3A_168, %dma_wait3A_176] : memref<2x16384xf32, #tpu.memory_space<vmem>> -> memref<1x4096xf32, #tpu.memory_space<vmem>>
    %dma_wait3A_178 = tpu.memref_squeeze %dma_wait3A_177 : memref<1x4096xf32, #tpu.memory_space<vmem>> -> memref<4096xf32, #tpu.memory_space<vmem>>
    tpu.wait_dma2 semaphore(%arg12 : memref<!tpu.dma_semaphore, #tpu.memory_space<semaphore_mem>>) src(%dma_wait3A_178 : memref<4096xf32, #tpu.memory_space<vmem>>) dst(%dma_wait3A_175 : memref<4096xf32, #tpu.memory_space<hbm>>)
    %dma_wait3A_179 = arith.constant 0 : i32
    %dma_wait3A_180 = arith.constant 4096 : i32
    %dma_wait3A_181 = tpu.memref_slice %arg7[%dma_wait3A_179, %dma_wait3A_180] : memref<2x16384xf32, #tpu.memory_space<vmem>> -> memref<1x4096xf32, #tpu.memory_space<vmem>>
    %dma_wait3A_182 = tpu.memref_squeeze %dma_wait3A_181 : memref<1x4096xf32, #tpu.memory_space<vmem>> -> memref<4096xf32, #tpu.memory_space<vmem>>
    %dma_wait3A_183 = arith.constant 0 : i32
    %dma_wait3A_184 = tpu.memref_slice %arg4[%dma_wait3A_183] : memref<104857600xf32, #tpu.memory_space<hbm>> -> memref<4096xf32, #tpu.memory_space<hbm>>
    %dma_wait3A_185 = arith.constant 0 : i32
    %dma_wait3A_186 = tpu.memref_slice %arg4[%dma_wait3A_185] : memref<104857600xf32, #tpu.memory_space<hbm>> -> memref<4096xf32, #tpu.memory_space<hbm>>
    %dma_wait3A_187 = arith.constant 4096 : i32
    %dma_wait3A_188 = tpu.memref_slice %arg7[%dma_wait3A_179, %dma_wait3A_187] : memref<2x16384xf32, #tpu.memory_space<vmem>> -> memref<1x4096xf32, #tpu.memory_space<vmem>>
    %dma_wait3A_189 = tpu.memref_squeeze %dma_wait3A_188 : memref<1x4096xf32, #tpu.memory_space<vmem>> -> memref<4096xf32, #tpu.memory_space<vmem>>
    tpu.wait_dma2 semaphore(%arg12 : memref<!tpu.dma_semaphore, #tpu.memory_space<semaphore_mem>>) src(%dma_wait3A_189 : memref<4096xf32, #tpu.memory_space<vmem>>) dst(%dma_wait3A_186 : memref<4096xf32, #tpu.memory_space<hbm>>)
    %dma_wait3A_190 = arith.constant 0 : i32
    %dma_wait3A_191 = arith.constant 8192 : i32
    %dma_wait3A_192 = tpu.memref_slice %arg7[%dma_wait3A_190, %dma_wait3A_191] : memref<2x16384xf32, #tpu.memory_space<vmem>> -> memref<1x4096xf32, #tpu.memory_space<vmem>>
    %dma_wait3A_193 = tpu.memref_squeeze %dma_wait3A_192 : memref<1x4096xf32, #tpu.memory_space<vmem>> -> memref<4096xf32, #tpu.memory_space<vmem>>
    %dma_wait3A_194 = arith.constant 0 : i32
    %dma_wait3A_195 = tpu.memref_slice %arg4[%dma_wait3A_194] : memref<104857600xf32, #tpu.memory_space<hbm>> -> memref<4096xf32, #tpu.memory_space<hbm>>
    %dma_wait3A_196 = arith.constant 0 : i32
    %dma_wait3A_197 = tpu.memref_slice %arg4[%dma_wait3A_196] : memref<104857600xf32, #tpu.memory_space<hbm>> -> memref<4096xf32, #tpu.memory_space<hbm>>
    %dma_wait3A_198 = arith.constant 8192 : i32
    %dma_wait3A_199 = tpu.memref_slice %arg7[%dma_wait3A_190, %dma_wait3A_198] : memref<2x16384xf32, #tpu.memory_space<vmem>> -> memref<1x4096xf32, #tpu.memory_space<vmem>>
    %dma_wait3A_200 = tpu.memref_squeeze %dma_wait3A_199 : memref<1x4096xf32, #tpu.memory_space<vmem>> -> memref<4096xf32, #tpu.memory_space<vmem>>
    tpu.wait_dma2 semaphore(%arg12 : memref<!tpu.dma_semaphore, #tpu.memory_space<semaphore_mem>>) src(%dma_wait3A_200 : memref<4096xf32, #tpu.memory_space<vmem>>) dst(%dma_wait3A_197 : memref<4096xf32, #tpu.memory_space<hbm>>)
    %dma_wait3A_201 = arith.constant 0 : i32
    %dma_wait3A_202 = arith.constant 12288 : i32
    %dma_wait3A_203 = tpu.memref_slice %arg7[%dma_wait3A_201, %dma_wait3A_202] : memref<2x16384xf32, #tpu.memory_space<vmem>> -> memref<1x4096xf32, #tpu.memory_space<vmem>>
    %dma_wait3A_204 = tpu.memref_squeeze %dma_wait3A_203 : memref<1x4096xf32, #tpu.memory_space<vmem>> -> memref<4096xf32, #tpu.memory_space<vmem>>
    %dma_wait3A_205 = arith.constant 0 : i32
    %dma_wait3A_206 = tpu.memref_slice %arg4[%dma_wait3A_205] : memref<104857600xf32, #tpu.memory_space<hbm>> -> memref<4096xf32, #tpu.memory_space<hbm>>
    %dma_wait3A_207 = arith.constant 0 : i32
    %dma_wait3A_208 = tpu.memref_slice %arg4[%dma_wait3A_207] : memref<104857600xf32, #tpu.memory_space<hbm>> -> memref<4096xf32, #tpu.memory_space<hbm>>
    %dma_wait3A_209 = arith.constant 12288 : i32
    %dma_wait3A_210 = tpu.memref_slice %arg7[%dma_wait3A_201, %dma_wait3A_209] : memref<2x16384xf32, #tpu.memory_space<vmem>> -> memref<1x4096xf32, #tpu.memory_space<vmem>>
    %dma_wait3A_211 = tpu.memref_squeeze %dma_wait3A_210 : memref<1x4096xf32, #tpu.memory_space<vmem>> -> memref<4096xf32, #tpu.memory_space<vmem>>
    tpu.wait_dma2 semaphore(%arg12 : memref<!tpu.dma_semaphore, #tpu.memory_space<semaphore_mem>>) src(%dma_wait3A_211 : memref<4096xf32, #tpu.memory_space<vmem>>) dst(%dma_wait3A_208 : memref<4096xf32, #tpu.memory_space<hbm>>)
    %dma_wait3A_212 = arith.constant 1 : i32
    %dma_wait3A_213 = arith.constant 0 : i32
    %dma_wait3A_214 = tpu.memref_slice %arg7[%dma_wait3A_212, %dma_wait3A_213] : memref<2x16384xf32, #tpu.memory_space<vmem>> -> memref<1x4096xf32, #tpu.memory_space<vmem>>
    %dma_wait3A_215 = tpu.memref_squeeze %dma_wait3A_214 : memref<1x4096xf32, #tpu.memory_space<vmem>> -> memref<4096xf32, #tpu.memory_space<vmem>>
    %dma_wait3A_216 = arith.constant 0 : i32
    %dma_wait3A_217 = tpu.memref_slice %arg4[%dma_wait3A_216] : memref<104857600xf32, #tpu.memory_space<hbm>> -> memref<4096xf32, #tpu.memory_space<hbm>>
    %dma_wait3A_218 = arith.constant 0 : i32
    %dma_wait3A_219 = tpu.memref_slice %arg4[%dma_wait3A_218] : memref<104857600xf32, #tpu.memory_space<hbm>> -> memref<4096xf32, #tpu.memory_space<hbm>>
    %dma_wait3A_220 = arith.constant 0 : i32
    %dma_wait3A_221 = tpu.memref_slice %arg7[%dma_wait3A_212, %dma_wait3A_220] : memref<2x16384xf32, #tpu.memory_space<vmem>> -> memref<1x4096xf32, #tpu.memory_space<vmem>>
    %dma_wait3A_222 = tpu.memref_squeeze %dma_wait3A_221 : memref<1x4096xf32, #tpu.memory_space<vmem>> -> memref<4096xf32, #tpu.memory_space<vmem>>
    tpu.wait_dma2 semaphore(%arg13 : memref<!tpu.dma_semaphore, #tpu.memory_space<semaphore_mem>>) src(%dma_wait3A_222 : memref<4096xf32, #tpu.memory_space<vmem>>) dst(%dma_wait3A_219 : memref<4096xf32, #tpu.memory_space<hbm>>)
    %dma_wait3A_223 = arith.constant 1 : i32
    %dma_wait3A_224 = arith.constant 4096 : i32
    %dma_wait3A_225 = tpu.memref_slice %arg7[%dma_wait3A_223, %dma_wait3A_224] : memref<2x16384xf32, #tpu.memory_space<vmem>> -> memref<1x4096xf32, #tpu.memory_space<vmem>>
    %dma_wait3A_226 = tpu.memref_squeeze %dma_wait3A_225 : memref<1x4096xf32, #tpu.memory_space<vmem>> -> memref<4096xf32, #tpu.memory_space<vmem>>
    %dma_wait3A_227 = arith.constant 0 : i32
    %dma_wait3A_228 = tpu.memref_slice %arg4[%dma_wait3A_227] : memref<104857600xf32, #tpu.memory_space<hbm>> -> memref<4096xf32, #tpu.memory_space<hbm>>
    %dma_wait3A_229 = arith.constant 0 : i32
    %dma_wait3A_230 = tpu.memref_slice %arg4[%dma_wait3A_229] : memref<104857600xf32, #tpu.memory_space<hbm>> -> memref<4096xf32, #tpu.memory_space<hbm>>
    %dma_wait3A_231 = arith.constant 4096 : i32
    %dma_wait3A_232 = tpu.memref_slice %arg7[%dma_wait3A_223, %dma_wait3A_231] : memref<2x16384xf32, #tpu.memory_space<vmem>> -> memref<1x4096xf32, #tpu.memory_space<vmem>>
    %dma_wait3A_233 = tpu.memref_squeeze %dma_wait3A_232 : memref<1x4096xf32, #tpu.memory_space<vmem>> -> memref<4096xf32, #tpu.memory_space<vmem>>
    tpu.wait_dma2 semaphore(%arg13 : memref<!tpu.dma_semaphore, #tpu.memory_space<semaphore_mem>>) src(%dma_wait3A_233 : memref<4096xf32, #tpu.memory_space<vmem>>) dst(%dma_wait3A_230 : memref<4096xf32, #tpu.memory_space<hbm>>)
    %dma_wait3A_234 = arith.constant 1 : i32
    %dma_wait3A_235 = arith.constant 8192 : i32
    %dma_wait3A_236 = tpu.memref_slice %arg7[%dma_wait3A_234, %dma_wait3A_235] : memref<2x16384xf32, #tpu.memory_space<vmem>> -> memref<1x4096xf32, #tpu.memory_space<vmem>>
    %dma_wait3A_237 = tpu.memref_squeeze %dma_wait3A_236 : memref<1x4096xf32, #tpu.memory_space<vmem>> -> memref<4096xf32, #tpu.memory_space<vmem>>
    %dma_wait3A_238 = arith.constant 0 : i32
    %dma_wait3A_239 = tpu.memref_slice %arg4[%dma_wait3A_238] : memref<104857600xf32, #tpu.memory_space<hbm>> -> memref<4096xf32, #tpu.memory_space<hbm>>
    %dma_wait3A_240 = arith.constant 0 : i32
    %dma_wait3A_241 = tpu.memref_slice %arg4[%dma_wait3A_240] : memref<104857600xf32, #tpu.memory_space<hbm>> -> memref<4096xf32, #tpu.memory_space<hbm>>
    %dma_wait3A_242 = arith.constant 8192 : i32
    %dma_wait3A_243 = tpu.memref_slice %arg7[%dma_wait3A_234, %dma_wait3A_242] : memref<2x16384xf32, #tpu.memory_space<vmem>> -> memref<1x4096xf32, #tpu.memory_space<vmem>>
    %dma_wait3A_244 = tpu.memref_squeeze %dma_wait3A_243 : memref<1x4096xf32, #tpu.memory_space<vmem>> -> memref<4096xf32, #tpu.memory_space<vmem>>
    tpu.wait_dma2 semaphore(%arg13 : memref<!tpu.dma_semaphore, #tpu.memory_space<semaphore_mem>>) src(%dma_wait3A_244 : memref<4096xf32, #tpu.memory_space<vmem>>) dst(%dma_wait3A_241 : memref<4096xf32, #tpu.memory_space<hbm>>)
    %dma_wait3A_245 = arith.constant 1 : i32
    %dma_wait3A_246 = arith.constant 12288 : i32
    %dma_wait3A_247 = tpu.memref_slice %arg7[%dma_wait3A_245, %dma_wait3A_246] : memref<2x16384xf32, #tpu.memory_space<vmem>> -> memref<1x4096xf32, #tpu.memory_space<vmem>>
    %dma_wait3A_248 = tpu.memref_squeeze %dma_wait3A_247 : memref<1x4096xf32, #tpu.memory_space<vmem>> -> memref<4096xf32, #tpu.memory_space<vmem>>
    %dma_wait3A_249 = arith.constant 0 : i32
    %dma_wait3A_250 = tpu.memref_slice %arg4[%dma_wait3A_249] : memref<104857600xf32, #tpu.memory_space<hbm>> -> memref<4096xf32, #tpu.memory_space<hbm>>
    %dma_wait3A_251 = arith.constant 0 : i32
    %dma_wait3A_252 = tpu.memref_slice %arg4[%dma_wait3A_251] : memref<104857600xf32, #tpu.memory_space<hbm>> -> memref<4096xf32, #tpu.memory_space<hbm>>
    %dma_wait3A_253 = arith.constant 12288 : i32
    %dma_wait3A_254 = tpu.memref_slice %arg7[%dma_wait3A_245, %dma_wait3A_253] : memref<2x16384xf32, #tpu.memory_space<vmem>> -> memref<1x4096xf32, #tpu.memory_space<vmem>>
    %dma_wait3A_255 = tpu.memref_squeeze %dma_wait3A_254 : memref<1x4096xf32, #tpu.memory_space<vmem>> -> memref<4096xf32, #tpu.memory_space<vmem>>
    tpu.wait_dma2 semaphore(%arg13 : memref<!tpu.dma_semaphore, #tpu.memory_space<semaphore_mem>>) src(%dma_wait3A_255 : memref<4096xf32, #tpu.memory_space<vmem>>) dst(%dma_wait3A_252 : memref<4096xf32, #tpu.memory_space<hbm>>)
    return
  }
}

</mosaic_0001>

<sc_bundles>
// kernel: kernel.3.cloned.1.call-start
scs
__scs_entry_jumppad:
0x0: {  	(pc) =	sbr.rel $0x88, $3  }
0x1: {  	(tag) =	ssettag $0x0;
	lr =	simm.s32 $0x1  }
0x2: {  	[smem:$0x3F9F] =	sst lr;
	_ =	strace $0xD0000000  }
0x3: {  	_ = 	snop  }
0x4: {  	_ = 	snop  }
0x5: {  	_ = 	snop  }
0x6: {  	_ = 	snop  }
0x7: {  	_ = 	snop  }
__scs_overlays_trampoline_lowered:
0x8: {  	[smem:$0x3FAE] =	sst s0  }
0x9: {  	[smem:$0x3FAF] =	sst s1  }
0xa: {  	[smem:$0x3FB0] =	sst s2  }
0xb: {  	[smem:$0x3FB1] =	sst s3  }
0xc: {  	[smem:$0x3FB2] =	sst s4  }
0xd: {  	[smem:$0x3FB3] =	sst s5  }
0xe: {  	[smem:$0x3FB4] =	sst s6  }
0xf: {  	[smem:$0x3FB5] =	sst s7  }
0x10: {  	[smem:$0x3FB6] =	sst s8  }
0x11: {  	[smem:$0x3FB7] =	sst s9;
	s0 =	simm.s32 @!p0 $0x0  }
0x12: {  	s1 =	sld [smem:$0x3F9D];
	s0 =	simm.s32 @p0 $0x1  }
0x13: {  	[smem:$0x3FB8] =	sst s0;
	s0 =	simm.s32 @!p1 $0x0  }
0x14: {  	s2 =	sld [smem:$0x3F9C];
	s0 =	simm.s32 @p1 $0x1  }
0x15: {  	[smem:$0x3FB9] =	sst s0;
	s0 =	simm.s32 @!p2 $0x0  }
0x16: {  	s3 =	sld [smem:$0x3FDB];
	s0 =	simm.s32 @p2 $0x1  }
0x17: {  	s4 =	simm.s32 $0x1BF5;
	[smem:$0x3FBB] =	sst s0  }
0x18: {  	s0 =	sld [smem:$0x3F9E];
	_ =	swait.ge [sflag:s4], $0x0  }
0x19: {  	s7 =	sld [smem:$0x3F9F]  }
0x1a: {  	s8 =	sadd.s32 $0xFFFFE003, lr  }
0x1b: {  	s9 =	sadd.s32 $0xFFFFFEF7, lr;
	s5 =	simm.s32 $0xFFFFFFFF;
	p2 =	slt.u32 s8, $0xFFFFF086  }
0x1c: {  	p1 =	slt.u32 s9, $0xF7A;
	s5 =	simm.s32 @!p2 $0x0  }
0x1d: {  	s5 =	simm.s32 @p1 $0x1;
	p0 =	seq.s32 s7, s2  }
0x1e: {  	s7 =	smul.u32 @!p0 $0xF7A, s2;
	p2 =	seq.s32 @!p0 s5, $0x0  }
0x1f: {  	s9 =	smul.u32 $0xF7A, s1;
	s8 =	simm.s32 @!p0 $0x1BF5;
	p2 =	por !p2, p0  }
0x20: {  	[sflag:s8] =	ssyncset.s32 @!p0 $0xFFFFF086;
	s6 =	sadd.s32 @!p0 s3, s7;
	s7 =	simm.s32 @!p0 $0x108  }
0x21: {  	s3 =	sadd.s32 s3, s9;
	s6 =	sadd.s32 @!p0 $0x88, s6;
	s7 =	simm.s32 @p2 $0x1082  }
0x22: {  	[simem:s7], [sflag:s8] =	dma.local @!p0 [hbm:s6], $0xF7A  }
0x23: {  	s9 =	sor.u32 $0xD0000000, s2;
	s6 =	simm.s32 $0x108;
	_ =	swait.ge @!p0 [sflag:s8], $0x0  }
0x24: {  	s3 =	sadd.s32 $0x88, s3;
	s6 =	simm.s32 @!p1 $0x1082;
	[sflag:s4] =	ssyncset.s32 $0xFFFFF086  }
0x25: {  	[simem:s6], [sflag:s4] =	dma.local [hbm:s3], $0xF7A  }
0x26: {  	[smem:$0x3F9F] =	sst s1;
	(tag) =	ssettag s2;
	_ =	strace s9  }
0x27: {  	s1 =	sld [smem:$0x3FAF]  }
0x28: {  	s2 =	sld [smem:$0x3FB0]  }
0x29: {  	s4 =	sld [smem:$0x3FB2]  }
0x2a: {  	p0 =	seq.s32 s5, $0x0;
	s5 =	sld [smem:$0x3FB3]  }
0x2b: {  	s6 =	sld [smem:$0x3FB4]  }
0x2c: {  	s7 =	sld [smem:$0x3FB5]  }
0x2d: {  	s3 =	simm.s32 $0x108;
	s8 =	sld [smem:$0x3FB6]  }
0x2e: {  	s3 =	simm.s32 @!p0 $0x1082;
	s9 =	sld [smem:$0x3FB7]  }
0x2f: {  	lr =	sadd.s32 s0, s3;
	s0 =	sld [smem:$0x3FAE]  }
0x30: {  	s3 =	sld [smem:$0x3FB1]  }
0x31: {  	[smem:$0x3FBA] =	sst s10  }
0x32: {  	s10 =	sld [smem:$0x3FB8];
	_ =	sdelay $0x3  }
0x33: {  	p0 =	seq.s32 s10, $0x1;
	s10 =	sld [smem:$0x3FBA];
	_ =	sdelay $0x3  }
0x34: {  	[smem:$0x3FBA] =	sst s10  }
0x35: {  	s10 =	sld [smem:$0x3FB9];
	_ =	sdelay $0x3  }
0x36: {  	p1 =	seq.s32 s10, $0x1;
	s10 =	sld [smem:$0x3FBA];
	_ =	sdelay $0x3  }
0x37: {  	[smem:$0x3FBA] =	sst s10  }
0x38: {  	s10 =	sld [smem:$0x3FBB]  }
0x39: {  	_ = 	snop;
	(pc) =	sbr.ind lr, $3  }
0x3a: {  	_ = 	snop  }
0x3b: {  	_ = 	snop  }
0x3c: {  	p2 =	seq.s32 s10, $0x1;
	s10 =	sld [smem:$0x3FBA]  }
0x3d: {  	_ =	shalt  }
0x3e: {  	_ =	shalt  }
0x3f: {  	_ =	shalt  }
0x40: {  	_ =	shalt  }
0x41: {  	_ =	shalt  }
0x42: {  	_ =	shalt  }
0x43: {  	_ =	shalt  }
0x44: {  	_ =	shalt  }
0x45: {  	_ =	shalt  }
0x46: {  	_ =	shalt  }
0x47: {  	_ =	shalt  }
0x48: {  	_ =	shalt  }
0x49: {  	_ =	shalt  }
0x4a: {  	_ =	shalt  }
0x4b: {  	_ =	shalt  }
0x4c: {  	_ =	shalt  }
0x4d: {  	_ =	shalt  }
0x4e: {  	_ =	shalt  }
0x4f: {  	_ =	shalt  }
0x50: {  	_ =	shalt  }
0x51: {  	_ =	shalt  }
0x52: {  	_ =	shalt  }
0x53: {  	_ =	shalt  }
0x54: {  	_ =	shalt  }
0x55: {  	_ =	shalt  }
0x56: {  	_ =	shalt  }
0x57: {  	_ =	shalt  }
0x58: {  	_ =	shalt  }
0x59: {  	_ =	shalt  }
0x5a: {  	_ =	shalt  }
0x5b: {  	_ =	shalt  }
0x5c: {  	_ =	shalt  }
0x5d: {  	_ =	shalt  }
0x5e: {  	_ =	shalt  }
0x5f: {  	_ =	shalt  }
0x60: {  	_ =	shalt  }
0x61: {  	_ =	shalt  }
0x62: {  	_ =	shalt  }
0x63: {  	_ =	shalt  }
0x64: {  	_ =	shalt  }
0x65: {  	_ =	shalt  }
0x66: {  	_ =	shalt  }
0x67: {  	_ =	shalt  }
0x68: {  	_ =	shalt  }
0x69: {  	_ =	shalt  }
0x6a: {  	_ =	shalt  }
0x6b: {  	_ =	shalt  }
0x6c: {  	_ =	shalt  }
0x6d: {  	_ =	shalt  }
0x6e: {  	_ =	shalt  }
0x6f: {  	_ =	shalt  }
0x70: {  	_ =	shalt  }
0x71: {  	_ =	shalt  }
0x72: {  	_ =	shalt  }
0x73: {  	_ =	shalt  }
0x74: {  	_ =	shalt  }
0x75: {  	_ =	shalt  }
0x76: {  	_ =	shalt  }
0x77: {  	_ =	shalt  }
0x78: {  	_ =	shalt  }
0x79: {  	_ =	shalt  }
0x7a: {  	_ =	shalt  }
0x7b: {  	_ =	shalt  }
0x7c: {  	_ =	shalt  }
0x7d: {  	_ =	shalt  }
0x7e: {  	_ =	shalt  }
0x7f: {  	_ =	shalt  }
0x80: {  	_ =	shalt  }
0x81: {  	_ =	shalt  }
0x82: {  	_ =	shalt  }
0x83: {  	_ =	shalt  }
0x84: {  	_ =	shalt  }
0x85: {  	_ =	shalt  }
0x86: {  	_ =	shalt  }
0x87: {  	_ =	shalt  }
.Lfunc_end0:
.L_simem_size_0:
called_computation_lowered:
.L_overlay_start_0:
0x88: {  	s2 =	sld [smem:$0x3FD9]  }
0x89: {  	s3 =	sld [smem:$0x3FFE];
	_ =	sdelay $0x1  }
0x8a: {  	s1 =	srdreg.scid  }
0x8b: {  	s0 =	sand.u32 $0x1, s1  }
0x8c: {  	s17 =	sshll.u32 s0, $0xA;
	s2 =	sadd.s32 s3, s2  }
0x8d: {  	s2 =	sadd.s32 s2, s17  }
0x8e: {  	[smem:$0x3FC6] =	sst s2  }
0x8f: {  	_ = 	snop  }
0x90: {  	s2 =	sld [smem:$0x3FD0];
	(tm) =	ssettm $0x1  }
0x91: {  	s18 =	sld [smem:$0x3FFB];
	_ =	sdelay $0x3  }
0x92: {  	_ =	strace s18  }
0x93: {  	s3 =	sld [smem:$0x3FFC];
	_ =	sdelay $0x3  }
0x94: {  	_ =	strace s3  }
0x95: {  	s3 =	sld [smem:$0x3FFD];
	_ =	sdelay $0x3  }
0x96: {  	_ =	strace s3  }
0x97: {  	_ =	strace $0x8FFFFFFF  }
0x98: {  	s19 =	sld [smem:$0x3FDB];
	_ =	sdelay $0x1  }
0x99: {  	s4 =	simm.s32 $_scs_section_size  }
0x9a: {  	s5 =	simm.s32 $_size__tile_overlayer_lowered;
	s6 =	simm.s32 $_tile_overlayer_lowered  }
0x9b: {  	s22 =	simm.s32 $0x1BFF;
	s21 =	sshll.u32 s6, $0x1;
	s3 =	sadd.s32 s4, s19  }
0x9c: {  	s7 =	simm.s32 $0x0;
	s20 =	sshll.u32 s5, $0x1;
	s5 =	sadd.s32 s21, s3  }
0x9d: {  	[timem:s7], [sflag:s22] =	dma.local [hbm:s5], s20  }
0x9e: {  	_ =	swait.ge [sflag:s22], s20  }
0x9f: {  	s4 =	ssub.s32 $0x0, s20;
	[sflag:s22] =	ssyncset.done $0x0  }
0xa0: {  	[sflag:s22] =	ssyncadd.s32 s4;
	_ =	sdelay $0x1  }
0xa1: {  	s23 =	simm.s32 $0x1B8B  }
0xa2: {  	_ =	swait.ge [sflag:s23], $0x1  }
0xa3: {  	[sflag:s23] =	ssyncset.done $0x0  }
0xa4: {  	s25 =	simm.s32 $0x1B8E;
	s24 =	sld [smem:$0x3FFE];
	[sflag:s23] =	ssyncadd.s32 $0xFFFFFFFF  }
0xa5: {  	s26 =	simm.s32 $execute0_lowered;
	[smem:$0x3FD2] =	sst s25  }
0xa6: {  	s5 =	sshll.u32 s26, $0x1;
	_ =	strace $0x80000046;
	[dreg:$0x1] =	wrdreg $0xFFFFFFFF  }
0xa7: {  	s28 =	simm.s32 $_size_execute0_lowered;
	s3 =	sadd.s32 s3, s5;
	[dreg:$0x0] =	wrdreg $0x0  }
0xa8: {  	s5 =	sshll.u32 s28, $0x1;
	[dreg:$0x2] =	wrdreg s3  }
0xa9: {  	[dreg:$0x3] =	wrdreg s5  }
0xaa: {  	[dreg:$0x4] =	wrdreg $0xC0  }
0xab: {  	_ =	task [dreg:s7], $0x5FFFF  }
0xac: {  	[dreg:$0x1] =	wrdreg $0xFFFFFFFF  }
0xad: {  	[dreg:$0x0] =	wrdreg $0x60  }
0xae: {  	[dreg:$0x2] =	wrdreg s24  }
0xaf: {  	[dreg:$0x3] =	wrdreg s2  }
0xb0: {  	[dreg:$0x4] =	wrdreg $0x9  }
0xb1: {  	_ =	task.clear_ibuf [dreg:s7], $0x5FFFF;
	_ =	strace $0x90000046  }
0xb2: {  	s29 =	simm.s32 $0x9;
	_ =	strace $0x80000048  }
0xb3: {  	_ =	swait.ge [sflag:s29], $0x1  }
0xb4: {  	[sflag:s29] =	ssyncadd.s32 $0xFFFFFFFF  }
0xb5: {  	_ =	strace $0x90000048  }
0xb6: {  	_ =	sfence  }
0xb7: {  	s30 =	sld [smem:$0x0];
	_ =	sdelay $0x2  }
0xb8: {  	s31 =	sshll.u32 s1, $0xD;
	s1 =	sshrl.u32 s1, $0x2  }
0xb9: {  	s3 =	sand.u32 $0x4000, s31;
	s1 =	sadd.s32 s1, s30  }
0xba: {  	s0 =	sor.u32 s3, s0;
	s1 =	sshll.u32 s1, $0x11  }
0xbb: {  	s0 =	sor.u32 s1, s0  }
0xbc: {  	s0 =	sadd.s32 $0x8F2B, s0  }
0xbd: {  	[sflag:s0] =	ssyncadd.remote.s32 $0x1  }
0xbe: {  	_ =	sfence.sel $0xFFFF  }
0xbf: {  	[dreg:$0x0] =	wrdreg $0xFFFFFFFF;
	(pc) =	sbr.abs _section_cstart, $3  }
0xc0: {  	[dreg:$0x1] =	wrdreg $0xFFFFFFFF  }
0xc1: {  	_ =	task.clear_ibuf [dreg:s7], $0x2FFFF;
	_ =	strace $0x9FFFFFFF  }
0xc2: {  	(tm) =	ssettm $0x7FFFFFFF  }
0xc3: {  	_ =	shalt  }
tec
execute0_lowered:
.L_overlay_start_1:
0x0: {  	(tag) =	ssettag $0x1  }
0x1: {  	v0 =	vlaneseq.u32  }
0x2: {  	s0 =	rddreg [dreg:$0x0];
	v0 =	vmul.u32 $0x30, v0  }
0x3: {  	s1 =	srdreg.scid;
	s2 =	stileid.u32  }
0x4: {  	s7 =	rddreg [dreg:$0x1];
	s3 =	simm.s32 $0x0;
	s15 =	simm.s32 $0x80;
	v1 =	vor.u32 $0x1, v0  }
0x5: {  	s16 =	simm.s32 $0x400;
	s22 =	simm.s32 $0x3;
	s24 =	simm.s32 $0x6400;
	v2 =	vor.u32 $0x2, v0;
	v3 =	vor.u32 $0x3, v0;
	v4 =	vor.u32 $0x4, v0  }
0x6: {  	s19 =	simm.s32 $0x4;
	s1 =	sand.u32 $0x1, s1;
	s2 =	sshll.u32 s2, $0x1;
	v5 =	vor.u32 $0x5, v0;
	v6 =	vor.u32 $0x6, v0;
	v7 =	vor.u32 $0x7, v0  }
0x7: {  	s12 =	simm.s32 $0x5;
	s14 =	simm.s32 $0x6;
	s2 =	sor.u32 s1, s2;
	v8 =	vor.u32 $0x8, v0;
	v9 =	vor.u32 $0x9, v0;
	v10 =	vor.u32 $0xA, v0  }
0x8: {  	[smem:$0x7FF] =	sst s3;
	s1 =	ssub.s32 $0x2, s1;
	s5 =	smul.u32 $0x3200, s2;
	v11 =	vor.u32 $0xB, v0;
	v12 =	vor.u32 $0xC, v0;
	v13 =	vor.u32 $0xD, v0  }
0x9: {  	s4 =	sadd.s32 $0x1EBE00, s0;
	s28 =	sshrl.u32 s1, $0x1;
	s2 =	smul.u32 $0xC8, s2;
	v14 =	vor.u32 $0xE, v0;
	v15 =	vor.u32 $0xF, v0;
	v16 =	vadd.s32 $0x10, v0  }
0xa: {  	s8 =	sadd.s32 $0x1480, s0;
	_ =	strace $0x80000047;
	v17 =	vadd.s32 $0x11, v0;
	v18 =	vadd.s32 $0x12, v0;
	v19 =	vadd.s32 $0x13, v0;
	s1 =	ssub.s32 s1, s28  }
0xb: {  	v20 =	vadd.s32 $0x14, v0;
	v21 =	vadd.s32 $0x15, v0;
	v22 =	vadd.s32 $0x16, v0;
	s6 =	sadd.s32 s5, s0;
	[dreg:$0x3] =	wrdreg s2;
	s31 =	smax.u32 s1, $0x1  }
0xc: {  	s9 =	sadd.s32 $0x4000, s7;
	v23 =	vadd.s32 $0x17, v0;
	v24 =	vadd.s32 $0x18, v0;
	v25 =	vadd.s32 $0x19, v0;
	s29 =	sadd.s32 $0x1400, s6;
	[dreg:$0x6] =	wrdreg s31  }
0xd: {  	s10 =	sadd.s32 $0x8000, s7;
	v26 =	vadd.s32 $0x1A, v0;
	v27 =	vadd.s32 $0x1B, v0;
	v28 =	vadd.s32 $0x1C, v0;
	s30 =	sadd.s32 $0x1440, s6;
	[dreg:$0x4] =	wrdreg s29  }
0xe: {  	s11 =	sadd.s32 $0xC000, s7;
	v29 =	vadd.s32 $0x1D, v0;
	v30 =	vadd.s32 $0x1E, v0;
	v31 =	vadd.s32 $0x1F, v0;
	s1 =	simm.s32 $0x0;
	[dreg:$0x5] =	wrdreg s30  }
.LBB2_1:
0xf: {  	[dreg:$0x7] =	wrdreg s1  }
0x10: {  	s0 =	rddreg [dreg:$0x4]  }
0x11: {  	[tilespmem:s3], [sflag:$0x1] =	stream.linear.gather [hbm4b:s0+s3], $0x200, $0x38;
	[tilespmem:$0x14400] =	vst v63  }
0x12: {  	s21 =	rddreg [dreg:$0x5];
	s23 =	simm.s32 $0x200;
	s25 =	simm.s32 $0x1  }
0x13: {  	[tilespmem:s23], [sflag:$0x2] =	stream.linear.gather [hbm4b:s21+s3], $0x200, $0x38;
	[tilespmem:$0x14400] =	vst v63  }
0x14: {  	_ =	swait.ge [sflag:s25], $0x200  }
0x15: {  	[sflag:s25] =	ssyncset.done $0x0  }
0x16: {  	[sflag:s25] =	ssyncadd.s32 $0xFFFFFE00  }
0x17: {  	[tilespmem:s16], [sflag:$0x3] =	stream.indirect.gather [hbm4b:s4+s15], $0x30, s3, s15, $0xb8;
	[tilespmem:$0x14400] =	vst v63  }
0x18: {  	s26 =	simm.s32 $0x1C00  }
0x19: {  	[tilespmem:s26], [sflag:$0x3] =	stream.indirect.gather [hbm4b:s4+s15], $0x30, s15, s15, $0xb8;
	[tilespmem:$0x14400] =	vst v63  }
0x1a: {  	s28 =	simm.s32 $0x100;
	s29 =	simm.s32 $0x3400  }
0x1b: {  	[tilespmem:s29], [sflag:$0x3] =	stream.indirect.gather [hbm4b:s4+s15], $0x30, s28, s15, $0xb8;
	[tilespmem:$0x14400] =	vst v63  }
0x1c: {  	s30 =	simm.s32 $0x180;
	s31 =	simm.s32 $0x4C00;
	s25 =	simm.s32 $0x0  }
0x1d: {  	[tilespmem:s31], [sflag:$0x3] =	stream.indirect.gather [hbm4b:s4+s15], $0x30, s30, s15, $0xb8;
	[tilespmem:$0x14400] =	vst v63  }
.LBB2_2:
0x1e: {  	_ =	swait.ge [sflag:s22], $0x1800  }
0x1f: {  	[sflag:s22] =	ssyncset.done $0x0  }
0x20: {  	[sflag:s22] =	ssyncadd.s32 $0xFFFFE800  }
0x21: {  	_ =	swait.ge [sflag:s22], $0x1800  }
0x22: {  	[sflag:s22] =	ssyncset.done $0x0  }
0x23: {  	[sflag:s22] =	ssyncadd.s32 $0xFFFFE800  }
0x24: {  	_ =	swait.ge [sflag:s22], $0x1800  }
0x25: {  	[sflag:s22] =	ssyncset.done $0x0  }
0x26: {  	[sflag:s22] =	ssyncadd.s32 $0xFFFFE800  }
0x27: {  	_ =	swait.ge [sflag:s22], $0x1800  }
0x28: {  	[sflag:s22] =	ssyncset.done $0x0  }
0x29: {  	s0 =	simm.s32 $0x2;
	[sflag:s22] =	ssyncadd.s32 $0xFFFFE800  }
0x2a: {  	_ =	swait.ge [sflag:s0], $0x200  }
0x2b: {  	s21 =	simm.s32 $0x200;
	s23 =	simm.s32 $0x280;
	[sflag:s0] =	ssyncset.done $0x0  }
0x2c: {  	s1 =	simm.s32 $0x7C00;
	p0 =	seq.s32 s25, $0x63;
	[sflag:s0] =	ssyncadd.s32 $0xFFFFFE00  }
0x2d: {  	[tilespmem:s24], [sflag:$0x4] =	stream.indirect.gather [hbm4b:s4+s15], $0x30, s21, s15, $0xb8;
	[tilespmem:$0x14400] =	vst v63  }
0x2e: {  	s26 =	simm.s32 $0x300;
	s28 =	simm.s32 $0x9400;
	p1 =	seq.s32 @!p0 s25, $0x0  }
0x2f: {  	[tilespmem:s1], [sflag:$0x4] =	stream.indirect.gather [hbm4b:s4+s15], $0x30, s23, s15, $0xb8;
	[tilespmem:$0x14400] =	vst v63  }
0x30: {  	s29 =	sshll.u32 s25, $0x1;
	p1 =	por p0, !p1;
	s31 =	rddreg [dreg:$0x3]  }
0x31: {  	[tilespmem:s28], [sflag:$0x4] =	stream.indirect.gather [hbm4b:s4+s15], $0x30, s26, s15, $0xb8;
	[tilespmem:$0x14400] =	vst v63  }
.Ltmp0:
0x32: {  	s26 =	sadd.s32 s31, s29;
	(pc) =	sbr.rel @!p1 .LBB2_3-.Ltmp0, $4  }
0x33: {  	s30 =	simm.s32 $0x380;
	s2 =	simm.s32 $0xAC00;
	s0 =	sshll.u32 @!p0 s26, $0x6  }
0x34: {  	[tilespmem:s2], [sflag:$0x4] =	stream.indirect.gather [hbm4b:s4+s15], $0x30, s30, s15, $0xb8;
	[tilespmem:$0x14400] =	vst v63  }
0x35: {  	s1 =	simm.s32 @!p0 $0x0;
	s0 =	sadd.s32 @!p0 s0, s8  }
0x36: {  	[tilespmem:s1], [sflag:$0x1] =	stream.linear.gather @!p0 [hbm4b:s0+s1], $0x200, $0x38;
	[tilespmem:$0x14400] =	vst v63  }
0x37: {  	_ =	swait.ge [sflag:s12], $0x1000  }
0x38: {  	[sflag:s12] =	ssyncset.done $0x0  }
0x39: {  	[sflag:s12] =	ssyncadd.s32 $0xFFFFF000  }
0x3a: {  	_ =	swait.ge [sflag:s12], $0x1000  }
0x3b: {  	[sflag:s12] =	ssyncset.done $0x0  }
0x3c: {  	[sflag:s12] =	ssyncadd.s32 $0xFFFFF000  }
0x3d: {  	_ =	swait.ge [sflag:s12], $0x1000  }
.Ltmp1:
0x3e: {  	[sflag:s12] =	ssyncset.done $0x0;
	(pc) =	sbr.rel .LBB2_5-.Ltmp1, $4  }
0x3f: {  	[sflag:s12] =	ssyncadd.s32 $0xFFFFF000  }
0x40: {  	_ =	swait.ge [sflag:s12], $0x1000  }
0x41: {  	[sflag:s12] =	ssyncset.done $0x0  }
0x42: {  	p1 =	por $0x0, $0x0;
	[sflag:s12] =	ssyncadd.s32 $0xFFFFF000  }
.LBB2_3:
0x43: {  	p1 =	por @!p0 $0x1, $0x1  }
.LBB2_5:
0x44: {  	s0 =	simm.s32 $0x0;
	s1 =	simm.s32 $0x0  }
0x45: {  	s0 =	sand.u32 $0x60, s0;
	s1 =	sand.u32 $0xFFFFFF80, s1  }
0x46: {  	s2 =	sor.u32 s0, s1  }
0x47: {  	v32 =	vmov s2  }
0x48: {  	v32 =	vmul.u32 $0x30, v32;
	_ =	sdelay $0x1  }
0x49: {  	v33 =	vbroadcast v32, $0x0;
	_ =	sdelay $0x1  }
0x4a: {  	v32 =	vadd.s32 v0, v33;
	_ =	sdelay $0x4  }
0x4b: {  	v32 =	vld.idx.msk [tilespmem:v32+s16+$0x0], $0xffff  }
0x4c: {  	s17 =	simm.s32 $0x0;
	v34 =	vadd.s32 v1, v33  }
0x4d: {  	s2 =	sand.u32 $0x3FFFFC00, s17  }
0x4e: {  	s2 =	sadd.s32 $0xC400, s2  }
0x4f: {  	s29 =	sor.u32 s0, s2  }
0x50: {  	[tilespmem:s29+$0x0] =	vst v32  }
0x51: {  	v32 =	vld.idx.msk [tilespmem:v34+s16+$0x0], $0xffff  }
0x52: {  	v41 =	vadd.s32 v2, v33;
	_ =	sdelay $0x3  }
0x53: {  	[tilespmem:s29+$0x80] =	vst v32  }
0x54: {  	v32 =	vld.idx.msk [tilespmem:v41+s16+$0x0], $0xffff  }
0x55: {  	v42 =	vadd.s32 v3, v33;
	_ =	sdelay $0x3  }
0x56: {  	s0 =	sor.u32 $0x10, s0;
	[tilespmem:s29+$0x100] =	vst v32  }
0x57: {  	s1 =	sor.u32 s1, s0;
	v32 =	vld.idx.msk [tilespmem:v42+s16+$0x0], $0xffff  }
0x58: {  	v43 =	vmov s1;
	v35 =	vadd.s32 v4, v33  }
0x59: {  	v34 =	vmul.u32 $0x30, v43;
	_ =	sdelay $0x1  }
0x5a: {  	v34 =	vbroadcast v34, $0x0  }
0x5b: {  	[tilespmem:s29+$0x180] =	vst v32  }
0x5c: {  	v36 =	vadd.s32 v0, v34;
	v32 =	vld.idx.msk [tilespmem:v35+s16+$0x0], $0xffff  }
0x5d: {  	v44 =	vadd.s32 v5, v33;
	_ =	sdelay $0x3  }
0x5e: {  	v45 =	vld.idx.msk [tilespmem:v36+s16+$0x0], $0xffff;
	[tilespmem:s29+$0x200] =	vst v32  }
0x5f: {  	v37 =	vadd.s32 v1, v34;
	v32 =	vld.idx.msk [tilespmem:v44+s16+$0x0], $0xffff  }
0x60: {  	v46 =	vadd.s32 v6, v33;
	_ =	sdelay $0x1  }
0x61: {  	s30 =	sor.u32 s0, s2  }
0x62: {  	[tilespmem:s30+$0x0] =	vst v45  }
0x63: {  	v35 =	vld.idx.msk [tilespmem:v37+s16+$0x0], $0xffff;
	[tilespmem:s29+$0x280] =	vst v32  }
0x64: {  	v48 =	vadd.s32 v2, v34;
	v32 =	vld.idx.msk [tilespmem:v46+s16+$0x0], $0xffff  }
0x65: {  	s18 =	simm.s32 $0x20;
	s20 =	simm.s32 $0x20;
	v47 =	vadd.s32 v7, v33  }
0x66: {  	s21 =	sand.u32 $0x60, s18;
	s1 =	sand.u32 $0xFFFFFF80, s20  }
0x67: {  	s0 =	sor.u32 s21, s1  }
0x68: {  	v49 =	vmov s0;
	[tilespmem:s30+$0x80] =	vst v35  }
0x69: {  	v51 =	vld.idx.msk [tilespmem:v48+s16+$0x0], $0xffff;
	[tilespmem:s29+$0x300] =	vst v32;
	v32 =	vmul.u32 $0x30, v49  }
0x6a: {  	v38 =	vadd.s32 v3, v34;
	v50 =	vld.idx.msk [tilespmem:v47+s16+$0x0], $0xffff  }
0x6b: {  	v52 =	vadd.s32 v8, v33;
	v32 =	vbroadcast v32, $0x0;
	_ =	sdelay $0x1  }
0x6c: {  	v39 =	vadd.s32 v0, v32  }
0x6d: {  	[tilespmem:s30+$0x100] =	vst v51  }
0x6e: {  	v36 =	vld.idx.msk [tilespmem:v38+s16+$0x0], $0xffff;
	[tilespmem:s29+$0x380] =	vst v50  }
0x6f: {  	v54 =	vadd.s32 v4, v34;
	v35 =	vld.idx.msk [tilespmem:v52+s16+$0x0], $0xffff  }
0x70: {  	v53 =	vadd.s32 v9, v33  }
0x71: {  	v39 =	vld.idx.msk [tilespmem:v39+s16+$0x0], $0xffff  }
0x72: {  	s23 =	simm.s32 $0x100;
	v40 =	vadd.s32 v1, v32  }
0x73: {  	s0 =	sand.u32 $0x3FFFFC00, s23;
	[tilespmem:s30+$0x180] =	vst v36  }
0x74: {  	s0 =	sadd.s32 $0xC400, s0;
	v36 =	vld.idx.msk [tilespmem:v54+s16+$0x0], $0xffff;
	[tilespmem:s29+$0x1000] =	vst v35  }
0x75: {  	s28 =	sor.u32 s21, s0;
	v56 =	vadd.s32 v5, v34;
	v35 =	vld.idx.msk [tilespmem:v53+s16+$0x0], $0xffff  }
0x76: {  	v55 =	vadd.s32 v10, v33;
	[tilespmem:s28+$0x0] =	vst v39  }
0x77: {  	v39 =	vld.idx.msk [tilespmem:v40+s16+$0x0], $0xffff  }
0x78: {  	v57 =	vadd.s32 v2, v32  }
0x79: {  	[tilespmem:s30+$0x200] =	vst v36  }
0x7a: {  	v36 =	vld.idx.msk [tilespmem:v56+s16+$0x0], $0xffff;
	[tilespmem:s29+$0x1080] =	vst v35  }
0x7b: {  	v59 =	vadd.s32 v6, v34;
	v35 =	vld.idx.msk [tilespmem:v55+s16+$0x0], $0xffff  }
0x7c: {  	v58 =	vadd.s32 v11, v33;
	[tilespmem:s28+$0x80] =	vst v39  }
0x7d: {  	v39 =	vld.idx.msk [tilespmem:v57+s16+$0x0], $0xffff  }
0x7e: {  	v60 =	vadd.s32 v3, v32  }
0x7f: {  	[tilespmem:s30+$0x280] =	vst v36  }
0x80: {  	v62 =	vld.idx.msk [tilespmem:v59+s16+$0x0], $0xffff;
	[tilespmem:s29+$0x1100] =	vst v35  }
0x81: {  	v63 =	vadd.s32 v7, v34;
	v35 =	vld.idx.msk [tilespmem:v58+s16+$0x0], $0xffff  }
0x82: {  	v61 =	vadd.s32 v12, v33;
	[tilespmem:s28+$0x100] =	vst v39  }
0x83: {  	v39 =	vld.idx.msk [tilespmem:v60+s16+$0x0], $0xffff  }
0x84: {  	v44 =	vadd.s32 v4, v32  }
0x85: {  	[tilespmem:s30+$0x300] =	vst v62  }
0x86: {  	v37 =	vld.idx.msk [tilespmem:v63+s16+$0x0], $0xffff;
	[tilespmem:s29+$0x1180] =	vst v35  }
0x87: {  	v46 =	vadd.s32 v8, v34;
	v35 =	vld.idx.msk [tilespmem:v61+s16+$0x0], $0xffff  }
0x88: {  	s2 =	sor.u32 $0x10, s21;
	v45 =	vadd.s32 v13, v33;
	[tilespmem:s28+$0x180] =	vst v39  }
0x89: {  	s1 =	sor.u32 s1, s2;
	v39 =	vld.idx.msk [tilespmem:v44+s16+$0x0], $0xffff  }
0x8a: {  	v47 =	vmov s1;
	v41 =	vadd.s32 v5, v32  }
0x8b: {  	v40 =	vmul.u32 $0x30, v47;
	[tilespmem:s30+$0x380] =	vst v37  }
0x8c: {  	v38 =	vld.idx.msk [tilespmem:v46+s16+$0x0], $0xffff;
	[tilespmem:s29+$0x1200] =	vst v35  }
0x8d: {  	v49 =	vadd.s32 v9, v34;
	v35 =	vbroadcast v40, $0x0;
	v36 =	vld.idx.msk [tilespmem:v45+s16+$0x0], $0xffff  }
0x8e: {  	v48 =	vadd.s32 v14, v33;
	[tilespmem:s28+$0x200] =	vst v39  }
0x8f: {  	v40 =	vadd.s32 v0, v35;
	v41 =	vld.idx.msk [tilespmem:v41+s16+$0x0], $0xffff  }
0x90: {  	v42 =	vadd.s32 v6, v32  }
0x91: {  	[tilespmem:s30+$0x1000] =	vst v38  }
0x92: {  	v38 =	vld.idx.msk [tilespmem:v49+s16+$0x0], $0xffff;
	[tilespmem:s29+$0x1280] =	vst v36  }
0x93: {  	v52 =	vadd.s32 v10, v34;
	v36 =	vld.idx.msk [tilespmem:v48+s16+$0x0], $0xffff  }
0x94: {  	v50 =	vadd.s32 v15, v33;
	v51 =	vld.idx.msk [tilespmem:v40+s16+$0x0], $0xffff;
	[tilespmem:s28+$0x280] =	vst v41  }
0x95: {  	v53 =	vadd.s32 v1, v35;
	v42 =	vld.idx.msk [tilespmem:v42+s16+$0x0], $0xffff  }
0x96: {  	v43 =	vadd.s32 v7, v32  }
0x97: {  	[tilespmem:s30+$0x1080] =	vst v38  }
0x98: {  	s31 =	sor.u32 s2, s0;
	v38 =	vld.idx.msk [tilespmem:v52+s16+$0x0], $0xffff;
	[tilespmem:s29+$0x1300] =	vst v36  }
0x99: {  	v55 =	vadd.s32 v11, v34;
	[tilespmem:s31+$0x0] =	vst v51;
	v36 =	vld.idx.msk [tilespmem:v50+s16+$0x0], $0xffff  }
0x9a: {  	v54 =	vadd.s32 v16, v33;
	v39 =	vld.idx.msk [tilespmem:v53+s16+$0x0], $0xffff;
	[tilespmem:s28+$0x300] =	vst v42  }
0x9b: {  	s5 =	simm.s32 $0x40;
	s6 =	simm.s32 $0x40;
	v56 =	vadd.s32 v2, v35;
	v42 =	vld.idx.msk [tilespmem:v43+s16+$0x0], $0xffff  }
0x9c: {  	s7 =	sand.u32 $0xFFFFFF80, s6;
	s0 =	sand.u32 $0x60, s5;
	v57 =	vadd.s32 v8, v32  }
0x9d: {  	s1 =	sor.u32 s0, s7;
	[tilespmem:s30+$0x1100] =	vst v38  }
0x9e: {  	v58 =	vmov s1;
	v60 =	vld.idx.msk [tilespmem:v55+s16+$0x0], $0xffff;
	[tilespmem:s29+$0x1380] =	vst v36  }
0x9f: {  	v62 =	vadd.s32 v12, v34;
	[tilespmem:s31+$0x80] =	vst v39;
	v36 =	vmul.u32 $0x30, v58;
	v37 =	vld.idx.msk [tilespmem:v54+s16+$0x0], $0xffff  }
0xa0: {  	v59 =	vadd.s32 v17, v33;
	v61 =	vld.idx.msk [tilespmem:v56+s16+$0x0], $0xffff;
	[tilespmem:s28+$0x380] =	vst v42  }
0xa1: {  	v63 =	vadd.s32 v3, v35;
	v36 =	vbroadcast v36, $0x0;
	v43 =	vld.idx.msk [tilespmem:v57+s16+$0x0], $0xffff  }
0xa2: {  	v44 =	vadd.s32 v9, v32  }
0xa3: {  	[tilespmem:s30+$0x1180] =	vst v60;
	v48 =	vadd.s32 v0, v36  }
0xa4: {  	v50 =	vld.idx.msk [tilespmem:v62+s16+$0x0], $0xffff;
	[tilespmem:s29+$0x2000] =	vst v37  }
0xa5: {  	v52 =	vadd.s32 v13, v34;
	[tilespmem:s31+$0x100] =	vst v61;
	v38 =	vld.idx.msk [tilespmem:v59+s16+$0x0], $0xffff  }
0xa6: {  	v49 =	vadd.s32 v18, v33;
	v51 =	vld.idx.msk [tilespmem:v63+s16+$0x0], $0xffff;
	[tilespmem:s28+$0x1000] =	vst v43  }
0xa7: {  	v53 =	vadd.s32 v4, v35;
	v44 =	vld.idx.msk [tilespmem:v44+s16+$0x0], $0xffff  }
0xa8: {  	v45 =	vadd.s32 v10, v32;
	v37 =	vld.idx.msk [tilespmem:v48+s16+$0x0], $0xffff  }
0xa9: {  	s13 =	simm.s32 $0x200;
	[tilespmem:s30+$0x1200] =	vst v50;
	v54 =	vadd.s32 v1, v36  }
0xaa: {  	s1 =	sand.u32 $0x3FFFFC00, s13;
	v56 =	vld.idx.msk [tilespmem:v52+s16+$0x0], $0xffff;
	[tilespmem:s29+$0x2080] =	vst v38  }
0xab: {  	s6 =	sadd.s32 $0xC400, s1;
	v58 =	vadd.s32 v14, v34;
	[tilespmem:s31+$0x180] =	vst v51;
	v39 =	vld.idx.msk [tilespmem:v49+s16+$0x0], $0xffff  }
0xac: {  	s1 =	sor.u32 s0, s6;
	v55 =	vadd.s32 v19, v33;
	v57 =	vld.idx.msk [tilespmem:v53+s16+$0x0], $0xffff;
	[tilespmem:s28+$0x1080] =	vst v44  }
0xad: {  	v59 =	vadd.s32 v5, v35;
	[tilespmem:s1+$0x0] =	vst v37;
	v60 =	vld.idx.msk [tilespmem:v45+s16+$0x0], $0xffff  }
0xae: {  	v61 =	vadd.s32 v11, v32;
	v38 =	vld.idx.msk [tilespmem:v54+s16+$0x0], $0xffff  }
0xaf: {  	s0 =	sor.u32 $0x10, s0;
	v62 =	vadd.s32 v2, v36;
	[tilespmem:s30+$0x1280] =	vst v56  }
0xb0: {  	s2 =	sor.u32 s7, s0;
	v43 =	vld.idx.msk [tilespmem:v58+s16+$0x0], $0xffff;
	[tilespmem:s29+$0x2100] =	vst v39  }
0xb1: {  	v46 =	vadd.s32 v15, v34;
	v63 =	vmov s2;
	[tilespmem:s31+$0x200] =	vst v57;
	v40 =	vld.idx.msk [tilespmem:v55+s16+$0x0], $0xffff  }
0xb2: {  	v41 =	vmul.u32 $0x30, v63;
	v48 =	vadd.s32 v20, v33;
	v44 =	vld.idx.msk [tilespmem:v59+s16+$0x0], $0xffff;
	[tilespmem:s28+$0x1100] =	vst v60  }
0xb3: {  	v50 =	vadd.s32 v6, v35;
	[tilespmem:s1+$0x80] =	vst v38;
	v49 =	vld.idx.msk [tilespmem:v61+s16+$0x0], $0xffff  }
0xb4: {  	v51 =	vadd.s32 v12, v32;
	v37 =	vbroadcast v41, $0x0;
	v39 =	vld.idx.msk [tilespmem:v62+s16+$0x0], $0xffff  }
0xb5: {  	v52 =	vadd.s32 v3, v36;
	[tilespmem:s30+$0x1300] =	vst v43  }
0xb6: {  	v54 =	vld.idx.msk [tilespmem:v46+s16+$0x0], $0xffff;
	v47 =	vadd.s32 v0, v37;
	[tilespmem:s29+$0x2180] =	vst v40  }
0xb7: {  	v55 =	vadd.s32 v16, v34;
	[tilespmem:s31+$0x280] =	vst v44;
	v42 =	vld.idx.msk [tilespmem:v48+s16+$0x0], $0xffff  }
0xb8: {  	v53 =	vadd.s32 v21, v33;
	v45 =	vld.idx.msk [tilespmem:v50+s16+$0x0], $0xffff;
	[tilespmem:s28+$0x1180] =	vst v49  }
0xb9: {  	v57 =	vadd.s32 v7, v35;
	[tilespmem:s1+$0x100] =	vst v39;
	v56 =	vld.idx.msk [tilespmem:v51+s16+$0x0], $0xffff  }
0xba: {  	v58 =	vadd.s32 v13, v32;
	v40 =	vld.idx.msk [tilespmem:v52+s16+$0x0], $0xffff  }
0xbb: {  	v59 =	vadd.s32 v4, v36;
	[tilespmem:s30+$0x1380] =	vst v54;
	v47 =	vld.idx.msk [tilespmem:v47+s16+$0x0], $0xffff  }
0xbc: {  	v38 =	vld.idx.msk [tilespmem:v55+s16+$0x0], $0xffff;
	v48 =	vadd.s32 v1, v37;
	[tilespmem:s29+$0x2200] =	vst v42  }
0xbd: {  	v61 =	vadd.s32 v17, v34;
	[tilespmem:s31+$0x300] =	vst v45;
	v43 =	vld.idx.msk [tilespmem:v53+s16+$0x0], $0xffff  }
0xbe: {  	v60 =	vadd.s32 v22, v33;
	v41 =	vld.idx.msk [tilespmem:v57+s16+$0x0], $0xffff;
	[tilespmem:s28+$0x1200] =	vst v56  }
0xbf: {  	s0 =	sor.u32 s0, s6;
	v63 =	vadd.s32 v8, v35;
	[tilespmem:s1+$0x180] =	vst v40;
	v62 =	vld.idx.msk [tilespmem:v58+s16+$0x0], $0xffff  }
0xc0: {  	[tilespmem:s0+$0x0] =	vst v47;
	v52 =	vadd.s32 v14, v32;
	v42 =	vld.idx.msk [tilespmem:v59+s16+$0x0], $0xffff  }
0xc1: {  	[tilespmem:s30+$0x2000] =	vst v38;
	v47 =	vld.idx.msk [tilespmem:v48+s16+$0x0], $0xffff;
	v53 =	vadd.s32 v5, v36  }
0xc2: {  	v54 =	vadd.s32 v2, v37;
	v39 =	vld.idx.msk [tilespmem:v61+s16+$0x0], $0xffff;
	[tilespmem:s29+$0x2280] =	vst v43  }
0xc3: {  	v56 =	vadd.s32 v18, v34;
	[tilespmem:s31+$0x380] =	vst v41;
	v44 =	vld.idx.msk [tilespmem:v60+s16+$0x0], $0xffff  }
0xc4: {  	v55 =	vadd.s32 v23, v33;
	v41 =	vld.idx.msk [tilespmem:v63+s16+$0x0], $0xffff;
	[tilespmem:s28+$0x1280] =	vst v62  }
0xc5: {  	v58 =	vadd.s32 v9, v35;
	[tilespmem:s1+$0x200] =	vst v42;
	v57 =	vld.idx.msk [tilespmem:v52+s16+$0x0], $0xffff  }
0xc6: {  	v59 =	vadd.s32 v15, v32;
	[tilespmem:s0+$0x80] =	vst v47;
	v43 =	vld.idx.msk [tilespmem:v53+s16+$0x0], $0xffff  }
0xc7: {  	[tilespmem:s30+$0x2080] =	vst v39;
	v47 =	vld.idx.msk [tilespmem:v54+s16+$0x0], $0xffff;
	v60 =	vadd.s32 v6, v36  }
0xc8: {  	v61 =	vadd.s32 v3, v37;
	v40 =	vld.idx.msk [tilespmem:v56+s16+$0x0], $0xffff;
	[tilespmem:s29+$0x2300] =	vst v44  }
0xc9: {  	v63 =	vadd.s32 v19, v34;
	[tilespmem:s31+$0x1000] =	vst v41;
	v38 =	vld.idx.msk [tilespmem:v55+s16+$0x0], $0xffff  }
0xca: {  	v62 =	vadd.s32 v24, v33;
	v41 =	vld.idx.msk [tilespmem:v58+s16+$0x0], $0xffff;
	[tilespmem:s28+$0x1300] =	vst v57  }
0xcb: {  	v53 =	vadd.s32 v10, v35;
	[tilespmem:s1+$0x280] =	vst v43;
	v52 =	vld.idx.msk [tilespmem:v59+s16+$0x0], $0xffff  }
0xcc: {  	v54 =	vadd.s32 v16, v32;
	[tilespmem:s0+$0x100] =	vst v47;
	v44 =	vld.idx.msk [tilespmem:v60+s16+$0x0], $0xffff  }
0xcd: {  	v47 =	vld.idx.msk [tilespmem:v61+s16+$0x0], $0xffff;
	[tilespmem:s30+$0x2100] =	vst v40;
	v55 =	vadd.s32 v7, v36  }
0xce: {  	v56 =	vadd.s32 v4, v37;
	v58 =	vld.idx.msk [tilespmem:v63+s16+$0x0], $0xffff;
	[tilespmem:s29+$0x2380] =	vst v38  }
0xcf: {  	v60 =	vadd.s32 v20, v34;
	[tilespmem:s31+$0x1080] =	vst v41;
	v39 =	vld.idx.msk [tilespmem:v62+s16+$0x0], $0xffff  }
0xd0: {  	v57 =	vadd.s32 v25, v33;
	v59 =	vld.idx.msk [tilespmem:v53+s16+$0x0], $0xffff;
	[tilespmem:s28+$0x1380] =	vst v52  }
0xd1: {  	v62 =	vadd.s32 v11, v35;
	[tilespmem:s1+$0x300] =	vst v44;
	v61 =	vld.idx.msk [tilespmem:v54+s16+$0x0], $0xffff  }
0xd2: {  	s17 =	simm.s32 $0x60;
	s21 =	simm.s32 $0x60;
	v63 =	vadd.s32 v17, v32;
	[tilespmem:s0+$0x180] =	vst v47;
	v38 =	vld.idx.msk [tilespmem:v55+s16+$0x0], $0xffff  }
0xd3: {  	s18 =	sand.u32 $0x60, s21;
	s2 =	sand.u32 $0xFFFFFF80, s17;
	v47 =	vld.idx.msk [tilespmem:v56+s16+$0x0], $0xffff;
	[tilespmem:s30+$0x2180] =	vst v58;
	v52 =	vadd.s32 v8, v36  }
0xd4: {  	s7 =	sor.u32 s18, s2;
	v53 =	vadd.s32 v5, v37;
	v55 =	vld.idx.msk [tilespmem:v60+s16+$0x0], $0xffff;
	[tilespmem:s29+$0x3000] =	vst v39  }
0xd5: {  	v56 =	vmov s7;
	[tilespmem:s31+$0x1100] =	vst v59;
	v40 =	vld.idx.msk [tilespmem:v57+s16+$0x0], $0xffff;
	v57 =	vadd.s32 v21, v34  }
0xd6: {  	v43 =	vmul.u32 $0x30, v56;
	v54 =	vadd.s32 v26, v33;
	v45 =	vld.idx.msk [tilespmem:v62+s16+$0x0], $0xffff;
	[tilespmem:s28+$0x2000] =	vst v61  }
0xd7: {  	v49 =	vadd.s32 v12, v35;
	[tilespmem:s1+$0x380] =	vst v38;
	v46 =	vld.idx.msk [tilespmem:v63+s16+$0x0], $0xffff  }
0xd8: {  	v58 =	vadd.s32 v18, v32;
	[tilespmem:s0+$0x200] =	vst v47;
	v38 =	vbroadcast v43, $0x0;
	v39 =	vld.idx.msk [tilespmem:v52+s16+$0x0], $0xffff  }
0xd9: {  	v47 =	vld.idx.msk [tilespmem:v53+s16+$0x0], $0xffff;
	v59 =	vadd.s32 v9, v36;
	[tilespmem:s30+$0x2200] =	vst v55  }
0xda: {  	s20 =	sor.u32 $0x10, s18;
	v60 =	vadd.s32 v0, v38;
	[tilespmem:s29+$0x3080] =	vst v40;
	v44 =	vld.idx.msk [tilespmem:v57+s16+$0x0], $0xffff  }
0xdb: {  	s2 =	sor.u32 s2, s20;
	v63 =	vadd.s32 v22, v34;
	[tilespmem:s31+$0x1180] =	vst v45;
	v41 =	vld.idx.msk [tilespmem:v54+s16+$0x0], $0xffff  }
0xdc: {  	v62 =	vmov s2;
	v61 =	vadd.s32 v27, v33;
	v49 =	vld.idx.msk [tilespmem:v49+s16+$0x0], $0xffff;
	[tilespmem:s28+$0x2080] =	vst v46  }
0xdd: {  	v50 =	vadd.s32 v13, v35;
	v45 =	vmul.u32 $0x30, v62;
	[tilespmem:s1+$0x1000] =	vst v39;
	v43 =	vld.idx.msk [tilespmem:v58+s16+$0x0], $0xffff  }
0xde: {  	v51 =	vadd.s32 v19, v32;
	v40 =	vld.idx.msk [tilespmem:v59+s16+$0x0], $0xffff  }
0xdf: {  	v55 =	vadd.s32 v10, v36;
	v39 =	vbroadcast v45, $0x0;
	v54 =	vld.idx.msk [tilespmem:v60+s16+$0x0], $0xffff;
	[tilespmem:s30+$0x2280] =	vst v44  }
0xe0: {  	s23 =	simm.s32 $0x300;
	v56 =	vadd.s32 v1, v38;
	[tilespmem:s29+$0x3100] =	vst v41;
	v46 =	vld.idx.msk [tilespmem:v63+s16+$0x0], $0xffff  }
0xe1: {  	s2 =	sand.u32 $0x3FFFFC00, s23;
	v57 =	vadd.s32 v0, v39;
	[tilespmem:s31+$0x1200] =	vst v49;
	v45 =	vld.idx.msk [tilespmem:v61+s16+$0x0], $0xffff  }
0xe2: {  	s2 =	sadd.s32 $0xC400, s2;
	v58 =	vadd.s32 v23, v34;
	v49 =	vld.idx.msk [tilespmem:v50+s16+$0x0], $0xffff;
	[tilespmem:s28+$0x2100] =	vst v43  }
0xe3: {  	s17 =	sor.u32 s18, s2;
	v60 =	vadd.s32 v14, v35;
	[tilespmem:s1+$0x1080] =	vst v40;
	v59 =	vld.idx.msk [tilespmem:v51+s16+$0x0], $0xffff  }
0xe4: {  	v62 =	vadd.s32 v28, v33;
	[tilespmem:s17+$0x0] =	vst v54;
	v61 =	vld.idx.msk [tilespmem:v55+s16+$0x0], $0xffff  }
0xe5: {  	[tilespmem:s0+$0x280] =	vst v47;
	v63 =	vadd.s32 v20, v32;
	v44 =	vld.idx.msk [tilespmem:v56+s16+$0x0], $0xffff  }
0xe6: {  	v54 =	vadd.s32 v11, v36;
	v48 =	vld.idx.msk [tilespmem:v57+s16+$0x0], $0xffff;
	[tilespmem:s30+$0x2300] =	vst v46  }
0xe7: {  	v55 =	vadd.s32 v2, v38;
	[tilespmem:s31+$0x1280] =	vst v49;
	v43 =	vld.idx.msk [tilespmem:v58+s16+$0x0], $0xffff  }
0xe8: {  	v56 =	vadd.s32 v1, v39;
	[tilespmem:s29+$0x3180] =	vst v45;
	v57 =	vld.idx.msk [tilespmem:v60+s16+$0x0], $0xffff  }
0xe9: {  	v58 =	vld.idx.msk [tilespmem:v62+s16+$0x0], $0xffff;
	[tilespmem:s28+$0x2180] =	vst v59;
	v59 =	vadd.s32 v24, v34  }
0xea: {  	[tilespmem:s1+$0x1100] =	vst v61;
	v61 =	vadd.s32 v15, v35;
	v60 =	vld.idx.msk [tilespmem:v63+s16+$0x0], $0xffff  }
0xeb: {  	s18 =	sor.u32 s20, s2;
	[tilespmem:s17+$0x80] =	vst v44;
	v62 =	vld.idx.msk [tilespmem:v54+s16+$0x0], $0xffff;
	v63 =	vadd.s32 v6, v37  }
0xec: {  	[tilespmem:s18+$0x0] =	vst v48;
	v46 =	vld.idx.msk [tilespmem:v55+s16+$0x0], $0xffff;
	v54 =	vadd.s32 v21, v32  }
0xed: {  	v49 =	vld.idx.msk [tilespmem:v56+s16+$0x0], $0xffff;
	v55 =	vadd.s32 v12, v36;
	[tilespmem:s30+$0x2380] =	vst v43  }
0xee: {  	v56 =	vadd.s32 v3, v38;
	[tilespmem:s31+$0x1300] =	vst v57;
	v42 =	vld.idx.msk [tilespmem:v59+s16+$0x0], $0xffff  }
0xef: {  	v57 =	vadd.s32 v2, v39;
	[tilespmem:s29+$0x3200] =	vst v58;
	v47 =	vld.idx.msk [tilespmem:v61+s16+$0x0], $0xffff  }
0xf0: {  	v59 =	vadd.s32 v25, v34;
	v58 =	vld.idx.msk [tilespmem:v63+s16+$0x0], $0xffff;
	[tilespmem:s28+$0x2200] =	vst v60  }
0xf1: {  	v61 =	vadd.s32 v16, v35;
	[tilespmem:s1+$0x1180] =	vst v62;
	v60 =	vld.idx.msk [tilespmem:v54+s16+$0x0], $0xffff  }
0xf2: {  	[tilespmem:s17+$0x100] =	vst v46;
	v63 =	vadd.s32 v7, v37;
	v62 =	vld.idx.msk [tilespmem:v55+s16+$0x0], $0xffff  }
0xf3: {  	[tilespmem:s18+$0x80] =	vst v49;
	v43 =	vld.idx.msk [tilespmem:v56+s16+$0x0], $0xffff;
	v54 =	vadd.s32 v22, v32  }
0xf4: {  	v55 =	vadd.s32 v13, v36;
	v45 =	vld.idx.msk [tilespmem:v57+s16+$0x0], $0xffff;
	[tilespmem:s30+$0x3000] =	vst v42  }
0xf5: {  	v56 =	vadd.s32 v4, v38;
	[tilespmem:s31+$0x1380] =	vst v47;
	v41 =	vld.idx.msk [tilespmem:v59+s16+$0x0], $0xffff  }
0xf6: {  	v57 =	vadd.s32 v3, v39;
	[tilespmem:s0+$0x300] =	vst v58;
	v58 =	vld.idx.msk [tilespmem:v61+s16+$0x0], $0xffff  }
0xf7: {  	v59 =	vld.idx.msk [tilespmem:v63+s16+$0x0], $0xffff;
	[tilespmem:s28+$0x2280] =	vst v60;
	v60 =	vadd.s32 v26, v34  }
0xf8: {  	[tilespmem:s1+$0x1200] =	vst v62;
	v62 =	vadd.s32 v17, v35;
	v61 =	vld.idx.msk [tilespmem:v54+s16+$0x0], $0xffff  }
0xf9: {  	[tilespmem:s17+$0x180] =	vst v43;
	v63 =	vld.idx.msk [tilespmem:v55+s16+$0x0], $0xffff;
	v54 =	vadd.s32 v8, v37  }
0xfa: {  	v42 =	vld.idx.msk [tilespmem:v56+s16+$0x0], $0xffff;
	v55 =	vadd.s32 v23, v32;
	[tilespmem:s18+$0x100] =	vst v45  }
0xfb: {  	v56 =	vadd.s32 v14, v36;
	v47 =	vld.idx.msk [tilespmem:v57+s16+$0x0], $0xffff;
	[tilespmem:s30+$0x3080] =	vst v41  }
0xfc: {  	v57 =	vadd.s32 v5, v38;
	[tilespmem:s31+$0x2000] =	vst v58;
	v40 =	vld.idx.msk [tilespmem:v60+s16+$0x0], $0xffff  }
0xfd: {  	v58 =	vadd.s32 v4, v39;
	[tilespmem:s0+$0x380] =	vst v59;
	v59 =	vld.idx.msk [tilespmem:v62+s16+$0x0], $0xffff  }
0xfe: {  	v60 =	vld.idx.msk [tilespmem:v54+s16+$0x0], $0xffff;
	[tilespmem:s28+$0x2300] =	vst v61;
	v61 =	vadd.s32 v27, v34  }
0xff: {  	[tilespmem:s1+$0x1280] =	vst v63;
	v63 =	vadd.s32 v18, v35;
	v62 =	vld.idx.msk [tilespmem:v55+s16+$0x0], $0xffff  }
0x100: {  	[tilespmem:s17+$0x200] =	vst v42;
	v54 =	vld.idx.msk [tilespmem:v56+s16+$0x0], $0xffff;
	v55 =	vadd.s32 v9, v37  }
0x101: {  	v56 =	vadd.s32 v24, v32;
	v41 =	vld.idx.msk [tilespmem:v57+s16+$0x0], $0xffff;
	[tilespmem:s18+$0x180] =	vst v47  }
0x102: {  	v57 =	vadd.s32 v15, v36;
	v44 =	vld.idx.msk [tilespmem:v58+s16+$0x0], $0xffff;
	[tilespmem:s30+$0x3100] =	vst v40  }
0x103: {  	v58 =	vadd.s32 v6, v38;
	[tilespmem:s31+$0x2080] =	vst v59;
	v46 =	vld.idx.msk [tilespmem:v61+s16+$0x0], $0xffff  }
0x104: {  	v59 =	vadd.s32 v5, v39;
	[tilespmem:s0+$0x1000] =	vst v60;
	v45 =	vld.idx.msk [tilespmem:v63+s16+$0x0], $0xffff  }
0x105: {  	v43 =	vadd.s32 v28, v34;
	v50 =	vld.idx.msk [tilespmem:v55+s16+$0x0], $0xffff;
	[tilespmem:s28+$0x2380] =	vst v62  }
0x106: {  	v61 =	vadd.s32 v19, v35;
	[tilespmem:s1+$0x1300] =	vst v54;
	v60 =	vld.idx.msk [tilespmem:v56+s16+$0x0], $0xffff  }
0x107: {  	v62 =	vadd.s32 v10, v37;
	[tilespmem:s17+$0x280] =	vst v41;
	v52 =	vld.idx.msk [tilespmem:v57+s16+$0x0], $0xffff  }
0x108: {  	v63 =	vadd.s32 v25, v32;
	v53 =	vld.idx.msk [tilespmem:v58+s16+$0x0], $0xffff;
	[tilespmem:s18+$0x200] =	vst v44  }
0x109: {  	v55 =	vadd.s32 v16, v36;
	v54 =	vld.idx.msk [tilespmem:v59+s16+$0x0], $0xffff;
	[tilespmem:s30+$0x3180] =	vst v46  }
0x10a: {  	v56 =	vadd.s32 v7, v38;
	[tilespmem:s31+$0x2100] =	vst v45;
	v49 =	vld.idx.msk [tilespmem:v43+s16+$0x0], $0xffff  }
0x10b: {  	v48 =	vadd.s32 v29, v33;
	[tilespmem:s0+$0x1080] =	vst v50;
	v46 =	vld.idx.msk [tilespmem:v61+s16+$0x0], $0xffff  }
0x10c: {  	v44 =	vadd.s32 v29, v34;
	v51 =	vld.idx.msk [tilespmem:v62+s16+$0x0], $0xffff;
	[tilespmem:s28+$0x3000] =	vst v60  }
0x10d: {  	v42 =	vadd.s32 v30, v33;
	v47 =	vadd.s32 v20, v35;
	[tilespmem:s1+$0x1380] =	vst v52;
	v45 =	vld.idx.msk [tilespmem:v63+s16+$0x0], $0xffff  }
0x10e: {  	v40 =	vadd.s32 v17, v36;
	v52 =	vadd.s32 v11, v37;
	[tilespmem:s17+$0x300] =	vst v53;
	v50 =	vld.idx.msk [tilespmem:v55+s16+$0x0], $0xffff  }
0x10f: {  	s6 =	simm.s32 $0x6;
	s20 =	sshllo.u32 s25, $0x1;
	v41 =	vadd.s32 v17, v38;
	v43 =	vadd.s32 v26, v32;
	v53 =	vld.idx.msk [tilespmem:v56+s16+$0x0], $0xffff;
	[tilespmem:s18+$0x280] =	vst v54  }
.LBB2_6:
0x110: {  	s6 =	sadd.s32 $0x2, s6;
	s21 =	sadd.s32 $0x20, s21;
	v48 =	vld.idx.msk [tilespmem:v48+s16+$0x0], $0xffff;
	[tilespmem:s30+$0x3200] =	vst v49  }
0x111: {  	v49 =	vadd.s32 v8, v38;
	s7 =	sshll.u32 s6, $0x4;
	s2 =	sand.u32 $0x60, s21;
	s13 =	sshll.u32 s6, $0x7;
	[tilespmem:s31+$0x2180] =	vst v46;
	v44 =	vld.idx.msk [tilespmem:v44+s16+$0x0], $0xffff  }
0x112: {  	s23 =	sand.u32 $0xFFFFFF80, s7;
	s13 =	sand.u32 $0x3FFFFC00, s13;
	s7 =	sor.u32 $0x10, s2;
	[tilespmem:s0+$0x1100] =	vst v51;
	v46 =	vld.idx.msk [tilespmem:v47+s16+$0x0], $0xffff  }
0x113: {  	s5 =	sor.u32 s2, s23;
	s13 =	sadd.s32 $0xC400, s13;
	s23 =	sor.u32 s23, s7;
	v47 =	vld.idx.msk [tilespmem:v52+s16+$0x0], $0xffff;
	[tilespmem:s28+$0x3080] =	vst v45;
	v45 =	vadd.s32 v30, v34  }
0x114: {  	p2 =	slt.u32 s6, $0x1E;
	v51 =	vmov s5;
	v52 =	vmov s23;
	[tilespmem:s1+$0x2000] =	vst v50;
	v43 =	vld.idx.msk [tilespmem:v43+s16+$0x0], $0xffff;
	v50 =	vadd.s32 v21, v35  }
0x115: {  	v54 =	vadd.s32 v12, v37;
	v51 =	vmul.u32 $0x30, v51;
	v52 =	vmul.u32 $0x30, v52;
	[tilespmem:s17+$0x380] =	vst v53;
	v53 =	vld.idx.msk [tilespmem:v40+s16+$0x0], $0xffff;
	v40 =	vmovc v41  }
0x116: {  	v55 =	vadd.s32 v27, v32;
	v49 =	vld.idx.msk [tilespmem:v49+s16+$0x0], $0xffff;
	[tilespmem:s29+$0x3280] =	vst v48  }
0x117: {  	v48 =	vbroadcast v51, $0x0;
	v51 =	vbroadcast v52, $0x0;
	v52 =	vadd.s32 v18, v36;
	v42 =	vld.idx.msk [tilespmem:v42+s16+$0x0], $0xffff;
	[tilespmem:s30+$0x3280] =	vst v44  }
0x118: {  	v44 =	vadd.s32 v9, v38;
	[tilespmem:s31+$0x2200] =	vst v46;
	v46 =	vadd.s32 v31, v33;
	v45 =	vld.idx.msk [tilespmem:v45+s16+$0x0], $0xffff;
	v33 =	vmov v32  }
0x119: {  	v32 =	vmov v36;
	v56 =	vadd.s32 v0, v48;
	v41 =	vadd.s32 v17, v48;
	[tilespmem:s0+$0x1180] =	vst v47;
	v47 =	vld.idx.msk [tilespmem:v50+s16+$0x0], $0xffff  }
0x11a: {  	v36 =	vmov v38;
	v50 =	vadd.s32 v0, v51;
	v38 =	vmov v48;
	v54 =	vld.idx.msk [tilespmem:v54+s16+$0x0], $0xffff;
	[tilespmem:s28+$0x3100] =	vst v43  }
0x11b: {  	v48 =	vadd.s32 v22, v35;
	[tilespmem:s1+$0x2080] =	vst v53;
	v43 =	vld.idx.msk [tilespmem:v55+s16+$0x0], $0xffff  }
0x11c: {  	v53 =	vadd.s32 v31, v34;
	v34 =	vmov v35;
	[tilespmem:s17+$0x1000] =	vst v49;
	v49 =	vld.idx.msk [tilespmem:v52+s16+$0x0], $0xffff;
	v52 =	vadd.s32 v13, v37  }
0x11d: {  	v35 =	vmov v37;
	v37 =	vmov v39;
	v39 =	vmov v51;
	v44 =	vld.idx.msk [tilespmem:v44+s16+$0x0], $0xffff;
	[tilespmem:s29+$0x3300] =	vst v42  }
0x11e: {  	v51 =	vadd.s32 v19, v32;
	v42 =	vld.idx.msk [tilespmem:v56+s16+$0x0], $0xffff;
	[tilespmem:s30+$0x3300] =	vst v45  }
0x11f: {  	v45 =	vadd.s32 v10, v36;
	[tilespmem:s31+$0x2280] =	vst v47;
	v46 =	vld.idx.msk [tilespmem:v46+s16+$0x0], $0xffff  }
0x120: {  	v47 =	vadd.s32 v1, v38;
	[tilespmem:s0+$0x1200] =	vst v54;
	v48 =	vld.idx.msk [tilespmem:v48+s16+$0x0], $0xffff  }
0x121: {  	v54 =	vadd.s32 v1, v39;
	v52 =	vld.idx.msk [tilespmem:v52+s16+$0x0], $0xffff;
	[tilespmem:s28+$0x3180] =	vst v43  }
0x122: {  	v43 =	vadd.s32 v23, v34;
	[tilespmem:s1+$0x2100] =	vst v49;
	v49 =	vld.idx.msk [tilespmem:v53+s16+$0x0], $0xffff  }
0x123: {  	s2 =	sor.u32 s2, s13;
	[tilespmem:s17+$0x1080] =	vst v44;
	v44 =	vld.idx.msk [tilespmem:v51+s16+$0x0], $0xffff;
	v51 =	vadd.s32 v14, v35  }
0x124: {  	[tilespmem:s2+$0x0] =	vst v42;
	v42 =	vld.idx.msk [tilespmem:v45+s16+$0x0], $0xffff;
	v45 =	vadd.s32 v28, v33  }
0x125: {  	v53 =	vadd.s32 v20, v32;
	v47 =	vld.idx.msk [tilespmem:v47+s16+$0x0], $0xffff;
	[tilespmem:s29+$0x3380] =	vst v46;
	s29 =	smov.u32 s28;
	s28 =	smov.u32 s1;
	s1 =	smov.u32 s17  }
0x126: {  	s17 =	smov.u32 s2;
	v46 =	vld.idx.msk [tilespmem:v50+s16+$0x0], $0xffff;
	v50 =	vadd.s32 v11, v36;
	[tilespmem:s31+$0x2300] =	vst v48  }
0x127: {  	v48 =	vadd.s32 v2, v38;
	[tilespmem:s0+$0x1280] =	vst v52;
	v43 =	vld.idx.msk [tilespmem:v43+s16+$0x0], $0xffff  }
0x128: {  	v52 =	vadd.s32 v2, v39;
	v51 =	vld.idx.msk [tilespmem:v51+s16+$0x0], $0xffff;
	[tilespmem:s30+$0x3380] =	vst v49;
	s30 =	smov.u32 s31;
	s31 =	smov.u32 s0;
	s0 =	smov.u32 s18  }
0x129: {  	[tilespmem:s28+$0x2180] =	vst v44;
	v44 =	vld.idx.msk [tilespmem:v45+s16+$0x0], $0xffff;
	v45 =	vadd.s32 v24, v34  }
0x12a: {  	v49 =	vadd.s32 v15, v35;
	[tilespmem:s1+$0x1100] =	vst v42;
	v42 =	vld.idx.msk [tilespmem:v53+s16+$0x0], $0xffff  }
0x12b: {  	s18 =	sor.u32 s7, s13;
	[tilespmem:s17+$0x80] =	vst v47;
	v47 =	vld.idx.msk [tilespmem:v50+s16+$0x0], $0xffff;
	v50 =	vadd.s32 v6, v37  }
0x12c: {  	v48 =	vld.idx.msk [tilespmem:v48+s16+$0x0], $0xffff;
	[tilespmem:s18+$0x0] =	vst v46;
	v46 =	vadd.s32 v21, v32  }
0x12d: {  	v53 =	vld.idx.msk [tilespmem:v54+s16+$0x0], $0xffff;
	v54 =	vadd.s32 v12, v36;
	[tilespmem:s30+$0x2380] =	vst v43  }
0x12e: {  	v43 =	vadd.s32 v3, v38;
	[tilespmem:s31+$0x1300] =	vst v51;
	v45 =	vld.idx.msk [tilespmem:v45+s16+$0x0], $0xffff  }
0x12f: {  	v49 =	vld.idx.msk [tilespmem:v49+s16+$0x0], $0xffff;
	[tilespmem:s29+$0x3200] =	vst v44  }
0x130: {  	v44 =	vld.idx.msk [tilespmem:v50+s16+$0x0], $0xffff;
	[tilespmem:s28+$0x2200] =	vst v42;
	v42 =	vadd.s32 v25, v34  }
0x131: {  	[tilespmem:s1+$0x1180] =	vst v47;
	v46 =	vld.idx.msk [tilespmem:v46+s16+$0x0], $0xffff;
	v47 =	vadd.s32 v16, v35  }
0x132: {  	v50 =	vadd.s32 v7, v37;
	[tilespmem:s17+$0x100] =	vst v48;
	v48 =	vld.idx.msk [tilespmem:v54+s16+$0x0], $0xffff  }
0x133: {  	v51 =	vadd.s32 v22, v32;
	v43 =	vld.idx.msk [tilespmem:v43+s16+$0x0], $0xffff;
	[tilespmem:s18+$0x80] =	vst v53  }
0x134: {  	v53 =	vadd.s32 v13, v36;
	v52 =	vld.idx.msk [tilespmem:v52+s16+$0x0], $0xffff;
	[tilespmem:s30+$0x3000] =	vst v45  }
0x135: {  	v45 =	vadd.s32 v4, v38;
	[tilespmem:s31+$0x1380] =	vst v49;
	v42 =	vld.idx.msk [tilespmem:v42+s16+$0x0], $0xffff  }
0x136: {  	v49 =	vadd.s32 v3, v39;
	[tilespmem:s0+$0x300] =	vst v44;
	v44 =	vld.idx.msk [tilespmem:v47+s16+$0x0], $0xffff  }
0x137: {  	v47 =	vld.idx.msk [tilespmem:v50+s16+$0x0], $0xffff;
	[tilespmem:s28+$0x2280] =	vst v46;
	v46 =	vadd.s32 v26, v34  }
0x138: {  	v50 =	vadd.s32 v17, v35;
	[tilespmem:s1+$0x1200] =	vst v48;
	v48 =	vld.idx.msk [tilespmem:v51+s16+$0x0], $0xffff  }
0x139: {  	v51 =	vadd.s32 v8, v37;
	[tilespmem:s17+$0x180] =	vst v43;
	v43 =	vld.idx.msk [tilespmem:v53+s16+$0x0], $0xffff  }
0x13a: {  	v45 =	vld.idx.msk [tilespmem:v45+s16+$0x0], $0xffff;
	[tilespmem:s18+$0x100] =	vst v52;
	v52 =	vadd.s32 v23, v32  }
0x13b: {  	v53 =	vadd.s32 v14, v36;
	v49 =	vld.idx.msk [tilespmem:v49+s16+$0x0], $0xffff;
	[tilespmem:s30+$0x3080] =	vst v42  }
0x13c: {  	v54 =	vadd.s32 v5, v38;
	[tilespmem:s31+$0x2000] =	vst v44;
	v44 =	vld.idx.msk [tilespmem:v46+s16+$0x0], $0xffff  }
0x13d: {  	v46 =	vadd.s32 v4, v39;
	[tilespmem:s0+$0x380] =	vst v47;
	v47 =	vld.idx.msk [tilespmem:v50+s16+$0x0], $0xffff  }
0x13e: {  	v42 =	vadd.s32 v30, v33;
	v50 =	vld.idx.msk [tilespmem:v51+s16+$0x0], $0xffff;
	[tilespmem:s28+$0x2300] =	vst v48;
	v48 =	vadd.s32 v27, v34  }
0x13f: {  	v51 =	vadd.s32 v18, v35;
	[tilespmem:s1+$0x1280] =	vst v43;
	v43 =	vld.idx.msk [tilespmem:v52+s16+$0x0], $0xffff  }
0x140: {  	v52 =	vadd.s32 v9, v37;
	[tilespmem:s17+$0x200] =	vst v45;
	v45 =	vld.idx.msk [tilespmem:v53+s16+$0x0], $0xffff  }
0x141: {  	v53 =	vld.idx.msk [tilespmem:v54+s16+$0x0], $0xffff;
	[tilespmem:s18+$0x180] =	vst v49;
	v49 =	vadd.s32 v24, v32  }
0x142: {  	v54 =	vadd.s32 v15, v36;
	v46 =	vld.idx.msk [tilespmem:v46+s16+$0x0], $0xffff;
	[tilespmem:s30+$0x3100] =	vst v44  }
0x143: {  	v44 =	vadd.s32 v6, v38;
	[tilespmem:s31+$0x2080] =	vst v47;
	v47 =	vld.idx.msk [tilespmem:v48+s16+$0x0], $0xffff  }
0x144: {  	v48 =	vadd.s32 v5, v39;
	[tilespmem:s0+$0x1000] =	vst v50;
	v50 =	vld.idx.msk [tilespmem:v51+s16+$0x0], $0xffff  }
0x145: {  	v51 =	vld.idx.msk [tilespmem:v52+s16+$0x0], $0xffff;
	[tilespmem:s28+$0x2380] =	vst v43;
	v43 =	vadd.s32 v28, v34  }
0x146: {  	v52 =	vadd.s32 v19, v35;
	[tilespmem:s1+$0x1300] =	vst v45;
	v45 =	vld.idx.msk [tilespmem:v49+s16+$0x0], $0xffff  }
0x147: {  	[tilespmem:s17+$0x280] =	vst v53;
	v53 =	vld.idx.msk [tilespmem:v54+s16+$0x0], $0xffff;
	v54 =	vadd.s32 v10, v37  }
0x148: {  	v56 =	vadd.s32 v25, v32;
	v55 =	vld.idx.msk [tilespmem:v44+s16+$0x0], $0xffff;
	[tilespmem:s18+$0x200] =	vst v46  }
0x149: {  	v58 =	vadd.s32 v16, v36;
	v57 =	vld.idx.msk [tilespmem:v48+s16+$0x0], $0xffff;
	[tilespmem:s30+$0x3180] =	vst v47  }
0x14a: {  	v59 =	vadd.s32 v7, v38;
	v48 =	vadd.s32 v29, v33;
	[tilespmem:s31+$0x2100] =	vst v50;
	v49 =	vld.idx.msk [tilespmem:v43+s16+$0x0], $0xffff  }
.Ltmp2:
0x14b: {  	[tilespmem:s0+$0x1080] =	vst v51;
	v46 =	vld.idx.msk [tilespmem:v52+s16+$0x0], $0xffff;
	(pc) =	sbr.rel @p2 .LBB2_6-.Ltmp2, $4  }
0x14c: {  	v44 =	vadd.s32 v29, v34;
	v51 =	vld.idx.msk [tilespmem:v54+s16+$0x0], $0xffff;
	[tilespmem:s28+$0x3000] =	vst v45  }
0x14d: {  	v47 =	vadd.s32 v20, v35;
	[tilespmem:s1+$0x1380] =	vst v53;
	v45 =	vld.idx.msk [tilespmem:v56+s16+$0x0], $0xffff  }
0x14e: {  	v52 =	vadd.s32 v11, v37;
	[tilespmem:s17+$0x300] =	vst v55;
	v50 =	vld.idx.msk [tilespmem:v58+s16+$0x0], $0xffff  }
0x14f: {  	v43 =	vadd.s32 v26, v32;
	v53 =	vld.idx.msk [tilespmem:v59+s16+$0x0], $0xffff;
	[tilespmem:s18+$0x280] =	vst v57  }
0x150: {  	v54 =	vadd.s32 v6, v39;
	_ =	sdelay $0x4  }
0x151: {  	v54 =	vld.idx.msk [tilespmem:v54+s16+$0x0], $0xffff  }
0x152: {  	v55 =	vadd.s32 v7, v39;
	_ =	sdelay $0x3  }
0x153: {  	[tilespmem:s18+$0x300] =	vst v54  }
0x154: {  	v62 =	vadd.s32 v8, v38;
	v55 =	vld.idx.msk [tilespmem:v55+s16+$0x0], $0xffff  }
0x155: {  	v56 =	vadd.s32 v8, v39;
	_ =	sdelay $0x2  }
0x156: {  	[tilespmem:s17+$0x380] =	vst v53  }
0x157: {  	v53 =	vld.idx.msk [tilespmem:v62+s16+$0x0], $0xffff;
	[tilespmem:s18+$0x380] =	vst v55  }
0x158: {  	v63 =	vadd.s32 v9, v38;
	v55 =	vld.idx.msk [tilespmem:v56+s16+$0x0], $0xffff  }
0x159: {  	v60 =	vadd.s32 v9, v39;
	_ =	sdelay $0x2  }
0x15a: {  	[tilespmem:s17+$0x1000] =	vst v53  }
0x15b: {  	v53 =	vld.idx.msk [tilespmem:v63+s16+$0x0], $0xffff;
	[tilespmem:s18+$0x1000] =	vst v55  }
0x15c: {  	v61 =	vadd.s32 v10, v38;
	v55 =	vld.idx.msk [tilespmem:v60+s16+$0x0], $0xffff  }
0x15d: {  	v62 =	vadd.s32 v10, v39;
	_ =	sdelay $0x2  }
0x15e: {  	[tilespmem:s17+$0x1080] =	vst v53  }
0x15f: {  	v53 =	vld.idx.msk [tilespmem:v61+s16+$0x0], $0xffff;
	[tilespmem:s18+$0x1080] =	vst v55  }
0x160: {  	v63 =	vadd.s32 v11, v38;
	v55 =	vld.idx.msk [tilespmem:v62+s16+$0x0], $0xffff  }
0x161: {  	v60 =	vadd.s32 v11, v39;
	_ =	sdelay $0x1  }
0x162: {  	[tilespmem:s0+$0x1100] =	vst v51  }
0x163: {  	v51 =	vld.idx.msk [tilespmem:v52+s16+$0x0], $0xffff;
	[tilespmem:s17+$0x1100] =	vst v53  }
0x164: {  	v61 =	vadd.s32 v12, v37;
	v53 =	vld.idx.msk [tilespmem:v63+s16+$0x0], $0xffff;
	[tilespmem:s18+$0x1100] =	vst v55  }
0x165: {  	v62 =	vadd.s32 v12, v38;
	v55 =	vld.idx.msk [tilespmem:v60+s16+$0x0], $0xffff  }
0x166: {  	v63 =	vadd.s32 v12, v39;
	_ =	sdelay $0x1  }
0x167: {  	[tilespmem:s0+$0x1180] =	vst v51  }
0x168: {  	v51 =	vld.idx.msk [tilespmem:v61+s16+$0x0], $0xffff;
	[tilespmem:s17+$0x1180] =	vst v53  }
0x169: {  	v53 =	vld.idx.msk [tilespmem:v62+s16+$0x0], $0xffff;
	v60 =	vadd.s32 v13, v37;
	[tilespmem:s18+$0x1180] =	vst v55  }
0x16a: {  	v61 =	vadd.s32 v13, v38;
	v55 =	vld.idx.msk [tilespmem:v63+s16+$0x0], $0xffff  }
0x16b: {  	v62 =	vadd.s32 v13, v39;
	_ =	sdelay $0x1  }
0x16c: {  	[tilespmem:s0+$0x1200] =	vst v51  }
0x16d: {  	[tilespmem:s17+$0x1200] =	vst v53;
	v51 =	vld.idx.msk [tilespmem:v60+s16+$0x0], $0xffff  }
0x16e: {  	v53 =	vld.idx.msk [tilespmem:v61+s16+$0x0], $0xffff;
	v63 =	vadd.s32 v14, v37;
	[tilespmem:s18+$0x1200] =	vst v55  }
0x16f: {  	v60 =	vadd.s32 v14, v38;
	v55 =	vld.idx.msk [tilespmem:v62+s16+$0x0], $0xffff  }
0x170: {  	v61 =	vadd.s32 v14, v39;
	_ =	sdelay $0x1  }
0x171: {  	[tilespmem:s0+$0x1280] =	vst v51  }
0x172: {  	[tilespmem:s17+$0x1280] =	vst v53;
	v51 =	vld.idx.msk [tilespmem:v63+s16+$0x0], $0xffff  }
0x173: {  	v53 =	vld.idx.msk [tilespmem:v60+s16+$0x0], $0xffff;
	v62 =	vadd.s32 v15, v37;
	[tilespmem:s18+$0x1280] =	vst v55  }
0x174: {  	v63 =	vadd.s32 v15, v38;
	v55 =	vld.idx.msk [tilespmem:v61+s16+$0x0], $0xffff  }
0x175: {  	v60 =	vadd.s32 v15, v39;
	_ =	sdelay $0x1  }
0x176: {  	[tilespmem:s0+$0x1300] =	vst v51  }
0x177: {  	v51 =	vld.idx.msk [tilespmem:v62+s16+$0x0], $0xffff;
	[tilespmem:s17+$0x1300] =	vst v53  }
0x178: {  	v61 =	vadd.s32 v16, v37;
	v53 =	vld.idx.msk [tilespmem:v63+s16+$0x0], $0xffff;
	[tilespmem:s18+$0x1300] =	vst v55  }
0x179: {  	v62 =	vadd.s32 v16, v38;
	v55 =	vld.idx.msk [tilespmem:v60+s16+$0x0], $0xffff  }
0x17a: {  	v63 =	vadd.s32 v16, v39;
	_ =	sdelay $0x1  }
0x17b: {  	[tilespmem:s0+$0x1380] =	vst v51  }
0x17c: {  	v51 =	vld.idx.msk [tilespmem:v61+s16+$0x0], $0xffff;
	[tilespmem:s17+$0x1380] =	vst v53  }
0x17d: {  	v59 =	vadd.s32 v17, v37;
	v53 =	vld.idx.msk [tilespmem:v62+s16+$0x0], $0xffff;
	[tilespmem:s18+$0x1380] =	vst v55  }
0x17e: {  	v60 =	vld.idx.msk [tilespmem:v63+s16+$0x0], $0xffff  }
0x17f: {  	v61 =	vadd.s32 v17, v39  }
0x180: {  	[tilespmem:s1+$0x2000] =	vst v50  }
0x181: {  	v40 =	vld.idx.msk [tilespmem:v40+s16+$0x0], $0xffff;
	[tilespmem:s0+$0x2000] =	vst v51  }
0x182: {  	v62 =	vadd.s32 v18, v36;
	v51 =	vld.idx.msk [tilespmem:v59+s16+$0x0], $0xffff;
	[tilespmem:s17+$0x2000] =	vst v53  }
0x183: {  	v63 =	vadd.s32 v18, v37;
	v41 =	vld.idx.msk [tilespmem:v41+s16+$0x0], $0xffff;
	[tilespmem:s18+$0x2000] =	vst v60  }
0x184: {  	v57 =	vadd.s32 v18, v38;
	v54 =	vld.idx.msk [tilespmem:v61+s16+$0x0], $0xffff  }
0x185: {  	v58 =	vadd.s32 v18, v39  }
0x186: {  	[tilespmem:s1+$0x2080] =	vst v40  }
0x187: {  	v40 =	vld.idx.msk [tilespmem:v62+s16+$0x0], $0xffff;
	[tilespmem:s0+$0x2080] =	vst v51  }
0x188: {  	v59 =	vadd.s32 v19, v36;
	v51 =	vld.idx.msk [tilespmem:v63+s16+$0x0], $0xffff;
	[tilespmem:s17+$0x2080] =	vst v41  }
0x189: {  	v60 =	vadd.s32 v19, v37;
	v61 =	vld.idx.msk [tilespmem:v57+s16+$0x0], $0xffff;
	[tilespmem:s18+$0x2080] =	vst v54  }
0x18a: {  	[tilespmem:s30+$0x3200] =	vst v49;
	v62 =	vadd.s32 v19, v38;
	v54 =	vld.idx.msk [tilespmem:v58+s16+$0x0], $0xffff  }
0x18b: {  	[tilespmem:s31+$0x2180] =	vst v46;
	v63 =	vadd.s32 v19, v39  }
0x18c: {  	v48 =	vld.idx.msk [tilespmem:v48+s16+$0x0], $0xffff;
	[tilespmem:s1+$0x2100] =	vst v40  }
0x18d: {  	v40 =	vld.idx.msk [tilespmem:v59+s16+$0x0], $0xffff;
	[tilespmem:s0+$0x2100] =	vst v51  }
0x18e: {  	v56 =	vadd.s32 v20, v36;
	v41 =	vld.idx.msk [tilespmem:v60+s16+$0x0], $0xffff;
	[tilespmem:s17+$0x2100] =	vst v61  }
0x18f: {  	v57 =	vadd.s32 v20, v37;
	v52 =	vld.idx.msk [tilespmem:v62+s16+$0x0], $0xffff;
	[tilespmem:s18+$0x2100] =	vst v54  }
0x190: {  	[tilespmem:s28+$0x3080] =	vst v45;
	v58 =	vadd.s32 v20, v38;
	v49 =	vld.idx.msk [tilespmem:v63+s16+$0x0], $0xffff  }
0x191: {  	v47 =	vld.idx.msk [tilespmem:v47+s16+$0x0], $0xffff;
	[tilespmem:s29+$0x3280] =	vst v48;
	v59 =	vadd.s32 v20, v39  }
0x192: {  	v44 =	vld.idx.msk [tilespmem:v44+s16+$0x0], $0xffff;
	[tilespmem:s1+$0x2180] =	vst v40  }
0x193: {  	v60 =	vadd.s32 v21, v35;
	v50 =	vld.idx.msk [tilespmem:v56+s16+$0x0], $0xffff;
	[tilespmem:s0+$0x2180] =	vst v41  }
0x194: {  	v61 =	vadd.s32 v21, v36;
	v51 =	vld.idx.msk [tilespmem:v57+s16+$0x0], $0xffff;
	[tilespmem:s17+$0x2180] =	vst v52  }
0x195: {  	v62 =	vadd.s32 v21, v37;
	v46 =	vld.idx.msk [tilespmem:v58+s16+$0x0], $0xffff;
	[tilespmem:s18+$0x2180] =	vst v49  }
0x196: {  	[tilespmem:s31+$0x2200] =	vst v47;
	v63 =	vadd.s32 v21, v38;
	v45 =	vld.idx.msk [tilespmem:v59+s16+$0x0], $0xffff  }
0x197: {  	v43 =	vld.idx.msk [tilespmem:v43+s16+$0x0], $0xffff;
	[tilespmem:s30+$0x3280] =	vst v44;
	v54 =	vadd.s32 v21, v39  }
0x198: {  	v40 =	vld.idx.msk [tilespmem:v60+s16+$0x0], $0xffff;
	[tilespmem:s1+$0x2200] =	vst v50  }
0x199: {  	v55 =	vadd.s32 v22, v35;
	v41 =	vld.idx.msk [tilespmem:v61+s16+$0x0], $0xffff;
	[tilespmem:s0+$0x2200] =	vst v51  }
0x19a: {  	v56 =	vadd.s32 v22, v36;
	v51 =	vld.idx.msk [tilespmem:v62+s16+$0x0], $0xffff;
	[tilespmem:s17+$0x2200] =	vst v46  }
0x19b: {  	v57 =	vadd.s32 v22, v37;
	v48 =	vld.idx.msk [tilespmem:v63+s16+$0x0], $0xffff;
	[tilespmem:s18+$0x2200] =	vst v45  }
0x19c: {  	[tilespmem:s28+$0x3100] =	vst v43;
	v58 =	vadd.s32 v22, v38;
	v45 =	vld.idx.msk [tilespmem:v54+s16+$0x0], $0xffff  }
0x19d: {  	v42 =	vld.idx.msk [tilespmem:v42+s16+$0x0], $0xffff;
	[tilespmem:s31+$0x2280] =	vst v40;
	v59 =	vadd.s32 v22, v39  }
0x19e: {  	v33 =	vadd.s32 v31, v33;
	v60 =	vld.idx.msk [tilespmem:v55+s16+$0x0], $0xffff;
	[tilespmem:s1+$0x2280] =	vst v41  }
0x19f: {  	v61 =	vadd.s32 v23, v35;
	v62 =	vld.idx.msk [tilespmem:v56+s16+$0x0], $0xffff;
	[tilespmem:s0+$0x2280] =	vst v51  }
0x1a0: {  	v63 =	vadd.s32 v23, v36;
	v46 =	vld.idx.msk [tilespmem:v57+s16+$0x0], $0xffff;
	[tilespmem:s17+$0x2280] =	vst v48  }
0x1a1: {  	v52 =	vadd.s32 v23, v37;
	v44 =	vld.idx.msk [tilespmem:v58+s16+$0x0], $0xffff;
	[tilespmem:s18+$0x2280] =	vst v45  }
0x1a2: {  	v53 =	vadd.s32 v23, v38;
	[tilespmem:s29+$0x3300] =	vst v42;
	v40 =	vld.idx.msk [tilespmem:v59+s16+$0x0], $0xffff  }
0x1a3: {  	v33 =	vld.idx.msk [tilespmem:v33+s16+$0x0], $0xffff;
	[tilespmem:s31+$0x2300] =	vst v60;
	v54 =	vadd.s32 v23, v39  }
0x1a4: {  	v55 =	vadd.s32 v30, v34;
	v41 =	vld.idx.msk [tilespmem:v61+s16+$0x0], $0xffff;
	[tilespmem:s1+$0x2300] =	vst v62  }
0x1a5: {  	v56 =	vadd.s32 v24, v35;
	v50 =	vld.idx.msk [tilespmem:v63+s16+$0x0], $0xffff;
	[tilespmem:s0+$0x2300] =	vst v46  }
0x1a6: {  	v57 =	vadd.s32 v24, v36;
	v48 =	vld.idx.msk [tilespmem:v52+s16+$0x0], $0xffff;
	[tilespmem:s17+$0x2300] =	vst v44  }
0x1a7: {  	v58 =	vadd.s32 v24, v37;
	v43 =	vld.idx.msk [tilespmem:v53+s16+$0x0], $0xffff;
	[tilespmem:s18+$0x2300] =	vst v40  }
0x1a8: {  	v59 =	vadd.s32 v24, v38;
	v60 =	vld.idx.msk [tilespmem:v54+s16+$0x0], $0xffff  }
0x1a9: {  	v61 =	vld.idx.msk [tilespmem:v55+s16+$0x0], $0xffff;
	v62 =	vadd.s32 v24, v39;
	[tilespmem:s31+$0x2380] =	vst v41  }
0x1aa: {  	v49 =	vld.idx.msk [tilespmem:v56+s16+$0x0], $0xffff;
	[tilespmem:s1+$0x2380] =	vst v50  }
0x1ab: {  	v52 =	vadd.s32 v25, v35;
	v46 =	vld.idx.msk [tilespmem:v57+s16+$0x0], $0xffff;
	[tilespmem:s0+$0x2380] =	vst v48  }
0x1ac: {  	v53 =	vadd.s32 v25, v36;
	v44 =	vld.idx.msk [tilespmem:v58+s16+$0x0], $0xffff;
	[tilespmem:s17+$0x2380] =	vst v43  }
0x1ad: {  	v54 =	vadd.s32 v25, v37;
	v40 =	vld.idx.msk [tilespmem:v59+s16+$0x0], $0xffff;
	[tilespmem:s18+$0x2380] =	vst v60  }
0x1ae: {  	[tilespmem:s29+$0x3380] =	vst v33;
	v55 =	vadd.s32 v25, v38;
	v41 =	vld.idx.msk [tilespmem:v62+s16+$0x0], $0xffff  }
0x1af: {  	v57 =	vadd.s32 v25, v39;
	[tilespmem:s31+$0x3000] =	vst v49  }
0x1b0: {  	v63 =	vadd.s32 v27, v32;
	v49 =	vld.idx.msk [tilespmem:v52+s16+$0x0], $0xffff;
	[tilespmem:s1+$0x3000] =	vst v46  }
0x1b1: {  	v58 =	vadd.s32 v26, v35;
	v48 =	vld.idx.msk [tilespmem:v53+s16+$0x0], $0xffff;
	[tilespmem:s0+$0x3000] =	vst v44  }
0x1b2: {  	v59 =	vadd.s32 v26, v36;
	v43 =	vld.idx.msk [tilespmem:v54+s16+$0x0], $0xffff;
	[tilespmem:s17+$0x3000] =	vst v40  }
0x1b3: {  	v60 =	vadd.s32 v26, v37;
	v42 =	vld.idx.msk [tilespmem:v55+s16+$0x0], $0xffff;
	[tilespmem:s18+$0x3000] =	vst v41  }
0x1b4: {  	[tilespmem:s30+$0x3300] =	vst v61;
	v61 =	vadd.s32 v26, v38;
	v62 =	vld.idx.msk [tilespmem:v57+s16+$0x0], $0xffff  }
0x1b5: {  	v56 =	vld.idx.msk [tilespmem:v63+s16+$0x0], $0xffff;
	v63 =	vadd.s32 v26, v39;
	[tilespmem:s31+$0x3080] =	vst v49  }
0x1b6: {  	v52 =	vadd.s32 v31, v34;
	v46 =	vld.idx.msk [tilespmem:v58+s16+$0x0], $0xffff;
	[tilespmem:s1+$0x3080] =	vst v48  }
0x1b7: {  	v53 =	vadd.s32 v27, v35;
	v44 =	vld.idx.msk [tilespmem:v59+s16+$0x0], $0xffff;
	[tilespmem:s0+$0x3080] =	vst v43  }
0x1b8: {  	v54 =	vadd.s32 v27, v36;
	v40 =	vld.idx.msk [tilespmem:v60+s16+$0x0], $0xffff;
	[tilespmem:s17+$0x3080] =	vst v42  }
0x1b9: {  	v55 =	vadd.s32 v27, v37;
	v41 =	vld.idx.msk [tilespmem:v61+s16+$0x0], $0xffff;
	[tilespmem:s18+$0x3080] =	vst v62  }
0x1ba: {  	[tilespmem:s28+$0x3180] =	vst v56;
	v56 =	vadd.s32 v27, v38;
	v45 =	vld.idx.msk [tilespmem:v63+s16+$0x0], $0xffff  }
0x1bb: {  	v34 =	vld.idx.msk [tilespmem:v52+s16+$0x0], $0xffff;
	[tilespmem:s31+$0x3100] =	vst v46;
	v57 =	vadd.s32 v27, v39  }
0x1bc: {  	v58 =	vadd.s32 v28, v32;
	v48 =	vld.idx.msk [tilespmem:v53+s16+$0x0], $0xffff;
	[tilespmem:s1+$0x3100] =	vst v44  }
0x1bd: {  	v59 =	vadd.s32 v28, v35;
	v43 =	vld.idx.msk [tilespmem:v54+s16+$0x0], $0xffff;
	[tilespmem:s0+$0x3100] =	vst v40  }
0x1be: {  	v60 =	vadd.s32 v28, v36;
	v42 =	vld.idx.msk [tilespmem:v55+s16+$0x0], $0xffff;
	[tilespmem:s17+$0x3100] =	vst v41  }
0x1bf: {  	v61 =	vadd.s32 v28, v37;
	v33 =	vld.idx.msk [tilespmem:v56+s16+$0x0], $0xffff;
	[tilespmem:s18+$0x3100] =	vst v45  }
0x1c0: {  	[tilespmem:s30+$0x3380] =	vst v34;
	v62 =	vadd.s32 v28, v38;
	v45 =	vld.idx.msk [tilespmem:v57+s16+$0x0], $0xffff  }
0x1c1: {  	v52 =	vadd.s32 v28, v39;
	[tilespmem:s31+$0x3180] =	vst v48;
	v63 =	vld.idx.msk [tilespmem:v58+s16+$0x0], $0xffff  }
0x1c2: {  	v53 =	vadd.s32 v29, v32;
	v44 =	vld.idx.msk [tilespmem:v59+s16+$0x0], $0xffff;
	[tilespmem:s1+$0x3180] =	vst v43  }
0x1c3: {  	v54 =	vadd.s32 v29, v35;
	v40 =	vld.idx.msk [tilespmem:v60+s16+$0x0], $0xffff;
	[tilespmem:s0+$0x3180] =	vst v42  }
0x1c4: {  	v55 =	vadd.s32 v29, v36;
	v41 =	vld.idx.msk [tilespmem:v61+s16+$0x0], $0xffff;
	[tilespmem:s17+$0x3180] =	vst v33  }
0x1c5: {  	v56 =	vadd.s32 v29, v37;
	v34 =	vld.idx.msk [tilespmem:v62+s16+$0x0], $0xffff;
	[tilespmem:s18+$0x3180] =	vst v45  }
0x1c6: {  	[tilespmem:s28+$0x3200] =	vst v63;
	v57 =	vadd.s32 v29, v38;
	v58 =	vld.idx.msk [tilespmem:v52+s16+$0x0], $0xffff  }
0x1c7: {  	v60 =	vadd.s32 v29, v39;
	[tilespmem:s31+$0x3200] =	vst v44;
	v59 =	vld.idx.msk [tilespmem:v53+s16+$0x0], $0xffff  }
0x1c8: {  	v43 =	vld.idx.msk [tilespmem:v54+s16+$0x0], $0xffff;
	v61 =	vadd.s32 v30, v32;
	[tilespmem:s1+$0x3200] =	vst v40  }
0x1c9: {  	v42 =	vld.idx.msk [tilespmem:v55+s16+$0x0], $0xffff;
	v62 =	vadd.s32 v30, v35;
	[tilespmem:s0+$0x3200] =	vst v41  }
0x1ca: {  	v63 =	vadd.s32 v30, v36;
	v33 =	vld.idx.msk [tilespmem:v56+s16+$0x0], $0xffff;
	[tilespmem:s17+$0x3200] =	vst v34  }
0x1cb: {  	v49 =	vadd.s32 v30, v37;
	v45 =	vld.idx.msk [tilespmem:v57+s16+$0x0], $0xffff;
	[tilespmem:s18+$0x3200] =	vst v58  }
0x1cc: {  	v50 =	vadd.s32 v30, v38;
	[tilespmem:s28+$0x3280] =	vst v59;
	v44 =	vld.idx.msk [tilespmem:v60+s16+$0x0], $0xffff  }
0x1cd: {  	v51 =	vadd.s32 v30, v39;
	[tilespmem:s31+$0x3280] =	vst v43;
	v47 =	vld.idx.msk [tilespmem:v61+s16+$0x0], $0xffff  }
0x1ce: {  	[tilespmem:s1+$0x3280] =	vst v42;
	v52 =	vadd.s32 v31, v32;
	v40 =	vld.idx.msk [tilespmem:v62+s16+$0x0], $0xffff  }
0x1cf: {  	v53 =	vadd.s32 v31, v35;
	v41 =	vld.idx.msk [tilespmem:v63+s16+$0x0], $0xffff;
	[tilespmem:s0+$0x3280] =	vst v33  }
0x1d0: {  	v54 =	vadd.s32 v31, v36;
	v34 =	vld.idx.msk [tilespmem:v49+s16+$0x0], $0xffff;
	[tilespmem:s17+$0x3280] =	vst v45  }
0x1d1: {  	v55 =	vadd.s32 v31, v37;
	v56 =	vld.idx.msk [tilespmem:v50+s16+$0x0], $0xffff;
	[tilespmem:s18+$0x3280] =	vst v44  }
0x1d2: {  	v57 =	vadd.s32 v31, v38;
	[tilespmem:s28+$0x3300] =	vst v47;
	v58 =	vld.idx.msk [tilespmem:v51+s16+$0x0], $0xffff  }
0x1d3: {  	v59 =	vadd.s32 v31, v39;
	[tilespmem:s31+$0x3300] =	vst v40;
	v32 =	vld.idx.msk [tilespmem:v52+s16+$0x0], $0xffff  }
0x1d4: {  	[tilespmem:s1+$0x3300] =	vst v41;
	v35 =	vld.idx.msk [tilespmem:v53+s16+$0x0], $0xffff  }
0x1d5: {  	v33 =	vld.idx.msk [tilespmem:v54+s16+$0x0], $0xffff;
	[tilespmem:s0+$0x3300] =	vst v34  }
0x1d6: {  	v34 =	vld.idx.msk [tilespmem:v55+s16+$0x0], $0xffff;
	[tilespmem:s17+$0x3300] =	vst v56  }
0x1d7: {  	v60 =	vld.idx.msk [tilespmem:v57+s16+$0x0], $0xffff;
	[tilespmem:s18+$0x3300] =	vst v58  }
0x1d8: {  	[tilespmem:s28+$0x3380] =	vst v32;
	v61 =	vld.idx.msk [tilespmem:v59+s16+$0x0], $0xffff  }
0x1d9: {  	[tilespmem:s31+$0x3380] =	vst v35  }
0x1da: {  	s23 =	sshll.u32 s26, $0xB;
	s2 =	sshll.u32 s26, $0x9;
	[tilespmem:s1+$0x3380] =	vst v33  }
0x1db: {  	s5 =	sand.u32 $0x3C00, s2;
	s1 =	sand.u32 $0x1FFF0000, s23;
	[tilespmem:s0+$0x3380] =	vst v34  }
0x1dc: {  	s23 =	rddreg [dreg:$0x1];
	s0 =	sor.u32 s5, s1;
	[tilespmem:s17+$0x3380] =	vst v60  }
0x1dd: {  	s6 =	simm.s32 $0xC400;
	s1 =	sadd.s32 s23, s0;
	[tilespmem:s18+$0x3380] =	vst v61  }
0x1de: {  	[hbm4b:s1+s3] =	stream.linear.scatter [tilespmem:s6], [sflag:$0x5], $0x1000, $0x38;
	[tilespmem:$0x14400] =	vst v63  }
0x1df: {  	s13 =	simm.s32 $0xD400;
	s7 =	sadd.s32 s0, s9  }
0x1e0: {  	[hbm4b:s7+s3] =	stream.linear.scatter [tilespmem:s13], [sflag:$0x5], $0x1000, $0x38;
	[tilespmem:$0x14400] =	vst v63  }
0x1e1: {  	s17 =	sadd.s32 s0, s10;
	s18 =	simm.s32 $0xE400  }
0x1e2: {  	[hbm4b:s17+s3] =	stream.linear.scatter [tilespmem:s18], [sflag:$0x5], $0x1000, $0x38;
	[tilespmem:$0x14400] =	vst v63  }
0x1e3: {  	s21 =	simm.s32 $0xF400;
	s0 =	sadd.s32 s0, s11  }
0x1e4: {  	[hbm4b:s0+s3] =	stream.linear.scatter [tilespmem:s21], [sflag:$0x5], $0x1000, $0x38;
	[tilespmem:$0x14400] =	vst v63  }
0x1e5: {  	_ =	swait.ge [sflag:s19], $0x1800  }
0x1e6: {  	[sflag:s19] =	ssyncset.done $0x0  }
0x1e7: {  	[sflag:s19] =	ssyncadd.s32 $0xFFFFE800  }
0x1e8: {  	_ =	swait.ge [sflag:s19], $0x1800  }
0x1e9: {  	[sflag:s19] =	ssyncset.done $0x0  }
0x1ea: {  	[sflag:s19] =	ssyncadd.s32 $0xFFFFE800  }
0x1eb: {  	_ =	swait.ge [sflag:s19], $0x1800  }
0x1ec: {  	[sflag:s19] =	ssyncset.done $0x0  }
0x1ed: {  	[sflag:s19] =	ssyncadd.s32 $0xFFFFE800  }
0x1ee: {  	_ =	swait.ge [sflag:s19], $0x1800  }
0x1ef: {  	[sflag:s19] =	ssyncset.done $0x0  }
0x1f0: {  	s0 =	simm.s32 @!p0 $0x1;
	[sflag:s19] =	ssyncadd.s32 $0xFFFFE800  }
0x1f1: {  	_ =	swait.ge @!p0 [sflag:s0], $0x200  }
0x1f2: {  	s2 =	simm.s32 @!p0 $0x400;
	[sflag:s0] =	ssyncset.done @!p0 $0x0  }
0x1f3: {  	s1 =	simm.s32 @!p0 $0x0;
	[sflag:s0] =	ssyncadd.s32 @!p0 $0xFFFFFE00;
	s0 =	simm.s32 @!p0 $0x80  }
0x1f4: {  	[tilespmem:s2], [sflag:$0x3] =	stream.indirect.gather @!p0 [hbm4b:s4+s0], $0x30, s1, s0, $0xb8;
	[tilespmem:$0x14400] =	vst v63  }
0x1f5: {  	s2 =	simm.s32 @!p0 $0x1C00  }
0x1f6: {  	[tilespmem:s2], [sflag:$0x3] =	stream.indirect.gather @!p0 [hbm4b:s4+s0], $0x30, s0, s0, $0xb8;
	[tilespmem:$0x14400] =	vst v63  }
0x1f7: {  	s5 =	simm.s32 @!p0 $0x3400;
	s26 =	rddreg [dreg:$0x3];
	s2 =	simm.s32 @!p0 $0x100  }
0x1f8: {  	[tilespmem:s5], [sflag:$0x3] =	stream.indirect.gather @!p0 [hbm4b:s4+s0], $0x30, s2, s0, $0xb8;
	[tilespmem:$0x14400] =	vst v63  }
0x1f9: {  	s26 =	sadd.s32 s26, s20;
	s2 =	simm.s32 @!p0 $0x180;
	s5 =	simm.s32 @!p0 $0x4C00  }
0x1fa: {  	[tilespmem:s5], [sflag:$0x3] =	stream.indirect.gather @!p0 [hbm4b:s4+s0], $0x30, s2, s0, $0xb8;
	[tilespmem:$0x14400] =	vst v63  }
0x1fb: {  	s0 =	sshll.u32 @!p0 s26, $0x6  }
0x1fc: {  	s2 =	simm.s32 @!p0 $0x200;
	s0 =	sadd.s32 @!p0 s0, s8  }
0x1fd: {  	[tilespmem:s2], [sflag:$0x2] =	stream.linear.gather @!p0 [hbm4b:s0+s1], $0x200, $0x38;
	[tilespmem:$0x14400] =	vst v63  }
0x1fe: {  	s6 =	simm.s32 $0x0;
	s5 =	simm.s32 $0x0;
	p0 =	por p0, !p1  }
0x1ff: {  	s0 =	sand.u32 $0x60, s5;
	s1 =	sand.u32 $0xFFFFFF80, s6;
	_ =	swait.ge @p0 [sflag:s14], $0x1000  }
0x200: {  	s7 =	sor.u32 s0, s1;
	[sflag:s14] =	ssyncset.done @p0 $0x0  }
0x201: {  	v62 =	vmov s7;
	[sflag:s14] =	ssyncadd.s32 @p0 $0xFFFFF000  }
0x202: {  	v32 =	vmul.u32 $0x30, v62;
	_ =	swait.ge @p0 [sflag:s14], $0x1000  }
0x203: {  	[sflag:s14] =	ssyncset.done @p0 $0x0  }
0x204: {  	v33 =	vbroadcast v32, $0x0;
	[sflag:s14] =	ssyncadd.s32 @p0 $0xFFFFF000  }
0x205: {  	_ =	swait.ge @p0 [sflag:s14], $0x1000  }
0x206: {  	v32 =	vadd.s32 v0, v33;
	[sflag:s14] =	ssyncset.done @p0 $0x0  }
0x207: {  	[sflag:s14] =	ssyncadd.s32 @p0 $0xFFFFF000  }
0x208: {  	_ =	swait.ge @p0 [sflag:s14], $0x1000  }
0x209: {  	[sflag:s14] =	ssyncset.done @p0 $0x0  }
0x20a: {  	[sflag:s14] =	ssyncadd.s32 @p0 $0xFFFFF000  }
0x20b: {  	v32 =	vld.idx.msk [tilespmem:v32+s24+$0x0], $0xffff  }
0x20c: {  	s13 =	simm.s32 $0x0;
	v63 =	vadd.s32 v1, v33  }
0x20d: {  	s2 =	sand.u32 $0x3FFFFC00, s13  }
0x20e: {  	s2 =	sadd.s32 $0xC400, s2  }
0x20f: {  	s29 =	sor.u32 s0, s2  }
0x210: {  	[tilespmem:s29+$0x4000] =	vst v32  }
0x211: {  	v32 =	vld.idx.msk [tilespmem:v63+s24+$0x0], $0xffff  }
0x212: {  	v36 =	vadd.s32 v2, v33;
	_ =	sdelay $0x3  }
0x213: {  	[tilespmem:s29+$0x4080] =	vst v32  }
0x214: {  	v32 =	vld.idx.msk [tilespmem:v36+s24+$0x0], $0xffff  }
0x215: {  	v37 =	vadd.s32 v3, v33;
	_ =	sdelay $0x3  }
0x216: {  	s0 =	sor.u32 $0x10, s0;
	[tilespmem:s29+$0x4100] =	vst v32  }
0x217: {  	s1 =	sor.u32 s1, s0;
	v32 =	vld.idx.msk [tilespmem:v37+s24+$0x0], $0xffff  }
0x218: {  	v39 =	vmov s1;
	v38 =	vadd.s32 v4, v33  }
0x219: {  	v34 =	vmul.u32 $0x30, v39;
	_ =	sdelay $0x1  }
0x21a: {  	v34 =	vbroadcast v34, $0x0  }
0x21b: {  	[tilespmem:s29+$0x4180] =	vst v32  }
0x21c: {  	v41 =	vadd.s32 v0, v34;
	v32 =	vld.idx.msk [tilespmem:v38+s24+$0x0], $0xffff  }
0x21d: {  	v40 =	vadd.s32 v5, v33;
	_ =	sdelay $0x3  }
0x21e: {  	v42 =	vld.idx.msk [tilespmem:v41+s24+$0x0], $0xffff;
	[tilespmem:s29+$0x4200] =	vst v32  }
0x21f: {  	v44 =	vadd.s32 v1, v34;
	v32 =	vld.idx.msk [tilespmem:v40+s24+$0x0], $0xffff  }
0x220: {  	v43 =	vadd.s32 v6, v33;
	_ =	sdelay $0x1  }
0x221: {  	s30 =	sor.u32 s0, s2  }
0x222: {  	[tilespmem:s30+$0x4000] =	vst v42  }
0x223: {  	v35 =	vld.idx.msk [tilespmem:v44+s24+$0x0], $0xffff;
	[tilespmem:s29+$0x4280] =	vst v32  }
0x224: {  	v46 =	vadd.s32 v2, v34;
	v32 =	vld.idx.msk [tilespmem:v43+s24+$0x0], $0xffff  }
0x225: {  	s17 =	simm.s32 $0x20;
	s18 =	simm.s32 $0x20;
	v45 =	vadd.s32 v7, v33  }
0x226: {  	s20 =	sand.u32 $0x60, s17;
	s1 =	sand.u32 $0xFFFFFF80, s18  }
0x227: {  	s0 =	sor.u32 s20, s1  }
0x228: {  	v47 =	vmov s0;
	[tilespmem:s30+$0x4080] =	vst v35  }
0x229: {  	v49 =	vld.idx.msk [tilespmem:v46+s24+$0x0], $0xffff;
	[tilespmem:s29+$0x4300] =	vst v32;
	v32 =	vmul.u32 $0x30, v47  }
0x22a: {  	v51 =	vadd.s32 v3, v34;
	v48 =	vld.idx.msk [tilespmem:v45+s24+$0x0], $0xffff  }
0x22b: {  	v50 =	vadd.s32 v8, v33;
	v32 =	vbroadcast v32, $0x0;
	_ =	sdelay $0x1  }
0x22c: {  	v52 =	vadd.s32 v0, v32  }
0x22d: {  	[tilespmem:s30+$0x4100] =	vst v49  }
0x22e: {  	v36 =	vld.idx.msk [tilespmem:v51+s24+$0x0], $0xffff;
	[tilespmem:s29+$0x4380] =	vst v48  }
0x22f: {  	v54 =	vadd.s32 v4, v34;
	v35 =	vld.idx.msk [tilespmem:v50+s24+$0x0], $0xffff  }
0x230: {  	v53 =	vadd.s32 v9, v33  }
0x231: {  	v39 =	vld.idx.msk [tilespmem:v52+s24+$0x0], $0xffff  }
0x232: {  	s21 =	simm.s32 $0x100;
	v55 =	vadd.s32 v1, v32  }
0x233: {  	s0 =	sand.u32 $0x3FFFFC00, s21;
	[tilespmem:s30+$0x4180] =	vst v36  }
0x234: {  	s0 =	sadd.s32 $0xC400, s0;
	v36 =	vld.idx.msk [tilespmem:v54+s24+$0x0], $0xffff;
	[tilespmem:s29+$0x5000] =	vst v35  }
0x235: {  	s28 =	sor.u32 s20, s0;
	v57 =	vadd.s32 v5, v34;
	v35 =	vld.idx.msk [tilespmem:v53+s24+$0x0], $0xffff  }
0x236: {  	v56 =	vadd.s32 v10, v33;
	[tilespmem:s28+$0x4000] =	vst v39  }
0x237: {  	v39 =	vld.idx.msk [tilespmem:v55+s24+$0x0], $0xffff  }
0x238: {  	v58 =	vadd.s32 v2, v32  }
0x239: {  	[tilespmem:s30+$0x4200] =	vst v36  }
0x23a: {  	v36 =	vld.idx.msk [tilespmem:v57+s24+$0x0], $0xffff;
	[tilespmem:s29+$0x5080] =	vst v35  }
0x23b: {  	v60 =	vadd.s32 v6, v34;
	v35 =	vld.idx.msk [tilespmem:v56+s24+$0x0], $0xffff  }
0x23c: {  	v59 =	vadd.s32 v11, v33;
	[tilespmem:s28+$0x4080] =	vst v39  }
0x23d: {  	v39 =	vld.idx.msk [tilespmem:v58+s24+$0x0], $0xffff  }
0x23e: {  	v61 =	vadd.s32 v3, v32  }
0x23f: {  	[tilespmem:s30+$0x4280] =	vst v36  }
0x240: {  	v63 =	vld.idx.msk [tilespmem:v60+s24+$0x0], $0xffff;
	[tilespmem:s29+$0x5100] =	vst v35  }
0x241: {  	v44 =	vadd.s32 v7, v34;
	v35 =	vld.idx.msk [tilespmem:v59+s24+$0x0], $0xffff  }
0x242: {  	v62 =	vadd.s32 v12, v33;
	[tilespmem:s28+$0x4100] =	vst v39  }
0x243: {  	v39 =	vld.idx.msk [tilespmem:v61+s24+$0x0], $0xffff  }
0x244: {  	v45 =	vadd.s32 v4, v32  }
0x245: {  	[tilespmem:s30+$0x4300] =	vst v63  }
0x246: {  	v37 =	vld.idx.msk [tilespmem:v44+s24+$0x0], $0xffff;
	[tilespmem:s29+$0x5180] =	vst v35  }
0x247: {  	v47 =	vadd.s32 v8, v34;
	v35 =	vld.idx.msk [tilespmem:v62+s24+$0x0], $0xffff  }
0x248: {  	s2 =	sor.u32 $0x10, s20;
	v46 =	vadd.s32 v13, v33;
	[tilespmem:s28+$0x4180] =	vst v39  }
0x249: {  	s1 =	sor.u32 s1, s2;
	v39 =	vld.idx.msk [tilespmem:v45+s24+$0x0], $0xffff  }
0x24a: {  	v49 =	vadd.s32 v5, v32;
	v48 =	vmov s1  }
0x24b: {  	v40 =	vmul.u32 $0x30, v48;
	[tilespmem:s30+$0x4380] =	vst v37  }
0x24c: {  	v38 =	vld.idx.msk [tilespmem:v47+s24+$0x0], $0xffff;
	[tilespmem:s29+$0x5200] =	vst v35  }
0x24d: {  	v51 =	vadd.s32 v9, v34;
	v35 =	vbroadcast v40, $0x0;
	v36 =	vld.idx.msk [tilespmem:v46+s24+$0x0], $0xffff  }
0x24e: {  	v50 =	vadd.s32 v14, v33;
	[tilespmem:s28+$0x4200] =	vst v39  }
0x24f: {  	v40 =	vadd.s32 v0, v35;
	v41 =	vld.idx.msk [tilespmem:v49+s24+$0x0], $0xffff  }
0x250: {  	v52 =	vadd.s32 v6, v32  }
0x251: {  	[tilespmem:s30+$0x5000] =	vst v38  }
0x252: {  	v38 =	vld.idx.msk [tilespmem:v51+s24+$0x0], $0xffff;
	[tilespmem:s29+$0x5280] =	vst v36  }
0x253: {  	v55 =	vadd.s32 v10, v34;
	v36 =	vld.idx.msk [tilespmem:v50+s24+$0x0], $0xffff  }
0x254: {  	v53 =	vadd.s32 v15, v33;
	v54 =	vld.idx.msk [tilespmem:v40+s24+$0x0], $0xffff;
	[tilespmem:s28+$0x4280] =	vst v41  }
0x255: {  	v56 =	vadd.s32 v1, v35;
	v42 =	vld.idx.msk [tilespmem:v52+s24+$0x0], $0xffff  }
0x256: {  	v57 =	vadd.s32 v7, v32  }
0x257: {  	[tilespmem:s30+$0x5080] =	vst v38  }
0x258: {  	s31 =	sor.u32 s2, s0;
	v38 =	vld.idx.msk [tilespmem:v55+s24+$0x0], $0xffff;
	[tilespmem:s29+$0x5300] =	vst v36  }
0x259: {  	v59 =	vadd.s32 v11, v34;
	[tilespmem:s31+$0x4000] =	vst v54;
	v36 =	vld.idx.msk [tilespmem:v53+s24+$0x0], $0xffff  }
0x25a: {  	v58 =	vadd.s32 v16, v33;
	v39 =	vld.idx.msk [tilespmem:v56+s24+$0x0], $0xffff;
	[tilespmem:s28+$0x4300] =	vst v42  }
0x25b: {  	s2 =	simm.s32 $0x40;
	s1 =	simm.s32 $0x40;
	v60 =	vadd.s32 v2, v35;
	v42 =	vld.idx.msk [tilespmem:v57+s24+$0x0], $0xffff  }
0x25c: {  	s5 =	sand.u32 $0xFFFFFF80, s2;
	s0 =	sand.u32 $0x60, s1;
	v61 =	vadd.s32 v8, v32  }
0x25d: {  	s1 =	sor.u32 s0, s5;
	[tilespmem:s30+$0x5100] =	vst v38  }
0x25e: {  	v48 =	vld.idx.msk [tilespmem:v59+s24+$0x0], $0xffff;
	v62 =	vmov s1;
	[tilespmem:s29+$0x5380] =	vst v36  }
0x25f: {  	v50 =	vadd.s32 v12, v34;
	[tilespmem:s31+$0x4080] =	vst v39;
	v36 =	vmul.u32 $0x30, v62;
	v37 =	vld.idx.msk [tilespmem:v58+s24+$0x0], $0xffff  }
0x260: {  	v63 =	vadd.s32 v17, v33;
	v49 =	vld.idx.msk [tilespmem:v60+s24+$0x0], $0xffff;
	[tilespmem:s28+$0x4380] =	vst v42  }
0x261: {  	v51 =	vadd.s32 v3, v35;
	v36 =	vbroadcast v36, $0x0;
	v43 =	vld.idx.msk [tilespmem:v61+s24+$0x0], $0xffff  }
0x262: {  	v52 =	vadd.s32 v9, v32  }
0x263: {  	[tilespmem:s30+$0x5180] =	vst v48;
	v53 =	vadd.s32 v0, v36  }
0x264: {  	v55 =	vld.idx.msk [tilespmem:v50+s24+$0x0], $0xffff;
	[tilespmem:s29+$0x6000] =	vst v37  }
0x265: {  	v57 =	vadd.s32 v13, v34;
	[tilespmem:s31+$0x4100] =	vst v49;
	v38 =	vld.idx.msk [tilespmem:v63+s24+$0x0], $0xffff  }
0x266: {  	v54 =	vadd.s32 v18, v33;
	v56 =	vld.idx.msk [tilespmem:v51+s24+$0x0], $0xffff;
	[tilespmem:s28+$0x5000] =	vst v43  }
0x267: {  	v58 =	vadd.s32 v4, v35;
	v44 =	vld.idx.msk [tilespmem:v52+s24+$0x0], $0xffff  }
0x268: {  	v59 =	vadd.s32 v10, v32;
	v37 =	vld.idx.msk [tilespmem:v53+s24+$0x0], $0xffff  }
0x269: {  	s6 =	simm.s32 $0x200;
	[tilespmem:s30+$0x5200] =	vst v55;
	v60 =	vadd.s32 v1, v36  }
0x26a: {  	s1 =	sand.u32 $0x3FFFFC00, s6;
	v62 =	vld.idx.msk [tilespmem:v57+s24+$0x0], $0xffff;
	[tilespmem:s29+$0x6080] =	vst v38  }
0x26b: {  	s7 =	sadd.s32 $0xC400, s1;
	v48 =	vadd.s32 v14, v34;
	[tilespmem:s31+$0x4180] =	vst v56;
	v39 =	vld.idx.msk [tilespmem:v54+s24+$0x0], $0xffff  }
0x26c: {  	s1 =	sor.u32 s0, s7;
	v61 =	vadd.s32 v19, v33;
	v63 =	vld.idx.msk [tilespmem:v58+s24+$0x0], $0xffff;
	[tilespmem:s28+$0x5080] =	vst v44  }
0x26d: {  	v49 =	vadd.s32 v5, v35;
	[tilespmem:s1+$0x4000] =	vst v37;
	v50 =	vld.idx.msk [tilespmem:v59+s24+$0x0], $0xffff  }
0x26e: {  	v51 =	vadd.s32 v11, v32;
	v38 =	vld.idx.msk [tilespmem:v60+s24+$0x0], $0xffff  }
0x26f: {  	s0 =	sor.u32 $0x10, s0;
	[tilespmem:s30+$0x5280] =	vst v62;
	v52 =	vadd.s32 v2, v36  }
0x270: {  	s2 =	sor.u32 s5, s0;
	v43 =	vld.idx.msk [tilespmem:v48+s24+$0x0], $0xffff;
	[tilespmem:s29+$0x6100] =	vst v39  }
0x271: {  	v55 =	vadd.s32 v15, v34;
	v53 =	vmov s2;
	[tilespmem:s31+$0x4200] =	vst v63;
	v40 =	vld.idx.msk [tilespmem:v61+s24+$0x0], $0xffff  }
0x272: {  	v41 =	vmul.u32 $0x30, v53;
	v54 =	vadd.s32 v20, v33;
	v44 =	vld.idx.msk [tilespmem:v49+s24+$0x0], $0xffff;
	[tilespmem:s28+$0x5100] =	vst v50  }
0x273: {  	v57 =	vadd.s32 v6, v35;
	[tilespmem:s1+$0x4080] =	vst v38;
	v56 =	vld.idx.msk [tilespmem:v51+s24+$0x0], $0xffff  }
0x274: {  	v58 =	vadd.s32 v12, v32;
	v37 =	vbroadcast v41, $0x0;
	v39 =	vld.idx.msk [tilespmem:v52+s24+$0x0], $0xffff  }
0x275: {  	[tilespmem:s30+$0x5300] =	vst v43;
	v59 =	vadd.s32 v3, v36  }
0x276: {  	v62 =	vld.idx.msk [tilespmem:v55+s24+$0x0], $0xffff;
	v60 =	vadd.s32 v0, v37;
	[tilespmem:s29+$0x6180] =	vst v40  }
0x277: {  	v63 =	vadd.s32 v16, v34;
	[tilespmem:s31+$0x4280] =	vst v44;
	v42 =	vld.idx.msk [tilespmem:v54+s24+$0x0], $0xffff  }
0x278: {  	v61 =	vadd.s32 v21, v33;
	v45 =	vld.idx.msk [tilespmem:v57+s24+$0x0], $0xffff;
	[tilespmem:s28+$0x5180] =	vst v56  }
0x279: {  	v53 =	vadd.s32 v7, v35;
	[tilespmem:s1+$0x4100] =	vst v39;
	v52 =	vld.idx.msk [tilespmem:v58+s24+$0x0], $0xffff  }
0x27a: {  	v54 =	vadd.s32 v13, v32;
	v40 =	vld.idx.msk [tilespmem:v59+s24+$0x0], $0xffff  }
0x27b: {  	v55 =	vadd.s32 v4, v36;
	[tilespmem:s30+$0x5380] =	vst v62;
	v47 =	vld.idx.msk [tilespmem:v60+s24+$0x0], $0xffff  }
0x27c: {  	v38 =	vld.idx.msk [tilespmem:v63+s24+$0x0], $0xffff;
	v56 =	vadd.s32 v1, v37;
	[tilespmem:s29+$0x6200] =	vst v42  }
0x27d: {  	v58 =	vadd.s32 v17, v34;
	[tilespmem:s31+$0x4300] =	vst v45;
	v43 =	vld.idx.msk [tilespmem:v61+s24+$0x0], $0xffff  }
0x27e: {  	v57 =	vadd.s32 v22, v33;
	v41 =	vld.idx.msk [tilespmem:v53+s24+$0x0], $0xffff;
	[tilespmem:s28+$0x5200] =	vst v52  }
0x27f: {  	s0 =	sor.u32 s0, s7;
	v60 =	vadd.s32 v8, v35;
	[tilespmem:s1+$0x4180] =	vst v40;
	v59 =	vld.idx.msk [tilespmem:v54+s24+$0x0], $0xffff  }
0x280: {  	[tilespmem:s0+$0x4000] =	vst v47;
	v61 =	vadd.s32 v14, v32;
	v42 =	vld.idx.msk [tilespmem:v55+s24+$0x0], $0xffff  }
0x281: {  	v62 =	vadd.s32 v5, v36;
	[tilespmem:s30+$0x6000] =	vst v38;
	v47 =	vld.idx.msk [tilespmem:v56+s24+$0x0], $0xffff  }
0x282: {  	v63 =	vadd.s32 v2, v37;
	v39 =	vld.idx.msk [tilespmem:v58+s24+$0x0], $0xffff;
	[tilespmem:s29+$0x6280] =	vst v43  }
0x283: {  	v53 =	vadd.s32 v18, v34;
	[tilespmem:s31+$0x4380] =	vst v41;
	v44 =	vld.idx.msk [tilespmem:v57+s24+$0x0], $0xffff  }
0x284: {  	v52 =	vadd.s32 v23, v33;
	v41 =	vld.idx.msk [tilespmem:v60+s24+$0x0], $0xffff;
	[tilespmem:s28+$0x5280] =	vst v59  }
0x285: {  	v55 =	vadd.s32 v9, v35;
	[tilespmem:s1+$0x4200] =	vst v42;
	v54 =	vld.idx.msk [tilespmem:v61+s24+$0x0], $0xffff  }
0x286: {  	v56 =	vadd.s32 v15, v32;
	[tilespmem:s0+$0x4080] =	vst v47;
	v43 =	vld.idx.msk [tilespmem:v62+s24+$0x0], $0xffff  }
0x287: {  	v47 =	vld.idx.msk [tilespmem:v63+s24+$0x0], $0xffff;
	v57 =	vadd.s32 v6, v36;
	[tilespmem:s30+$0x6080] =	vst v39  }
0x288: {  	v58 =	vadd.s32 v3, v37;
	v40 =	vld.idx.msk [tilespmem:v53+s24+$0x0], $0xffff;
	[tilespmem:s29+$0x6300] =	vst v44  }
0x289: {  	v60 =	vadd.s32 v19, v34;
	[tilespmem:s31+$0x5000] =	vst v41;
	v38 =	vld.idx.msk [tilespmem:v52+s24+$0x0], $0xffff  }
0x28a: {  	v59 =	vadd.s32 v24, v33;
	v41 =	vld.idx.msk [tilespmem:v55+s24+$0x0], $0xffff;
	[tilespmem:s28+$0x5300] =	vst v54  }
0x28b: {  	v62 =	vadd.s32 v10, v35;
	[tilespmem:s1+$0x4280] =	vst v43;
	v61 =	vld.idx.msk [tilespmem:v56+s24+$0x0], $0xffff  }
0x28c: {  	v63 =	vadd.s32 v16, v32;
	[tilespmem:s0+$0x4100] =	vst v47;
	v44 =	vld.idx.msk [tilespmem:v57+s24+$0x0], $0xffff  }
0x28d: {  	v47 =	vld.idx.msk [tilespmem:v58+s24+$0x0], $0xffff;
	v52 =	vadd.s32 v7, v36;
	[tilespmem:s30+$0x6100] =	vst v40  }
0x28e: {  	v53 =	vadd.s32 v4, v37;
	v55 =	vld.idx.msk [tilespmem:v60+s24+$0x0], $0xffff;
	[tilespmem:s29+$0x6380] =	vst v38  }
0x28f: {  	v57 =	vadd.s32 v20, v34;
	[tilespmem:s31+$0x5080] =	vst v41;
	v39 =	vld.idx.msk [tilespmem:v59+s24+$0x0], $0xffff  }
0x290: {  	v54 =	vadd.s32 v25, v33;
	v56 =	vld.idx.msk [tilespmem:v62+s24+$0x0], $0xffff;
	[tilespmem:s28+$0x5380] =	vst v61  }
0x291: {  	v59 =	vadd.s32 v11, v35;
	[tilespmem:s1+$0x4300] =	vst v44;
	v58 =	vld.idx.msk [tilespmem:v63+s24+$0x0], $0xffff  }
0x292: {  	s13 =	simm.s32 $0x60;
	s20 =	simm.s32 $0x60;
	v60 =	vadd.s32 v17, v32;
	[tilespmem:s0+$0x4180] =	vst v47;
	v38 =	vld.idx.msk [tilespmem:v52+s24+$0x0], $0xffff  }
0x293: {  	s17 =	sand.u32 $0x60, s20;
	s2 =	sand.u32 $0xFFFFFF80, s13;
	v47 =	vld.idx.msk [tilespmem:v53+s24+$0x0], $0xffff;
	[tilespmem:s30+$0x6180] =	vst v55;
	v61 =	vadd.s32 v8, v36  }
0x294: {  	s6 =	sor.u32 s17, s2;
	v62 =	vadd.s32 v5, v37;
	v52 =	vld.idx.msk [tilespmem:v57+s24+$0x0], $0xffff;
	[tilespmem:s29+$0x7000] =	vst v39  }
0x295: {  	v53 =	vmov s6;
	[tilespmem:s31+$0x5100] =	vst v56;
	v40 =	vld.idx.msk [tilespmem:v54+s24+$0x0], $0xffff;
	v54 =	vadd.s32 v21, v34  }
0x296: {  	v43 =	vmul.u32 $0x30, v53;
	v63 =	vadd.s32 v26, v33;
	v45 =	vld.idx.msk [tilespmem:v59+s24+$0x0], $0xffff;
	[tilespmem:s28+$0x6000] =	vst v58  }
0x297: {  	v55 =	vadd.s32 v12, v35;
	[tilespmem:s1+$0x4380] =	vst v38;
	v46 =	vld.idx.msk [tilespmem:v60+s24+$0x0], $0xffff  }
0x298: {  	[tilespmem:s0+$0x4200] =	vst v47;
	v56 =	vadd.s32 v18, v32;
	v38 =	vbroadcast v43, $0x0;
	v39 =	vld.idx.msk [tilespmem:v61+s24+$0x0], $0xffff  }
0x299: {  	v57 =	vadd.s32 v9, v36;
	v47 =	vld.idx.msk [tilespmem:v62+s24+$0x0], $0xffff;
	[tilespmem:s30+$0x6200] =	vst v52  }
0x29a: {  	s18 =	sor.u32 $0x10, s17;
	v58 =	vadd.s32 v0, v38;
	[tilespmem:s29+$0x7080] =	vst v40;
	v44 =	vld.idx.msk [tilespmem:v54+s24+$0x0], $0xffff  }
0x29b: {  	s2 =	sor.u32 s2, s18;
	v61 =	vadd.s32 v22, v34;
	[tilespmem:s31+$0x5180] =	vst v45;
	v41 =	vld.idx.msk [tilespmem:v63+s24+$0x0], $0xffff  }
0x29c: {  	v59 =	vadd.s32 v27, v33;
	v60 =	vmov s2;
	v49 =	vld.idx.msk [tilespmem:v55+s24+$0x0], $0xffff;
	[tilespmem:s28+$0x6080] =	vst v46  }
0x29d: {  	v62 =	vadd.s32 v13, v35;
	v45 =	vmul.u32 $0x30, v60;
	[tilespmem:s1+$0x5000] =	vst v39;
	v43 =	vld.idx.msk [tilespmem:v56+s24+$0x0], $0xffff  }
0x29e: {  	v63 =	vadd.s32 v19, v32;
	v40 =	vld.idx.msk [tilespmem:v57+s24+$0x0], $0xffff  }
0x29f: {  	v55 =	vadd.s32 v10, v36;
	v39 =	vbroadcast v45, $0x0;
	v54 =	vld.idx.msk [tilespmem:v58+s24+$0x0], $0xffff;
	[tilespmem:s30+$0x6280] =	vst v44  }
0x2a0: {  	s21 =	simm.s32 $0x300;
	v56 =	vadd.s32 v1, v38;
	[tilespmem:s29+$0x7100] =	vst v41;
	v46 =	vld.idx.msk [tilespmem:v61+s24+$0x0], $0xffff  }
0x2a1: {  	s2 =	sand.u32 $0x3FFFFC00, s21;
	v57 =	vadd.s32 v0, v39;
	[tilespmem:s31+$0x5200] =	vst v49;
	v45 =	vld.idx.msk [tilespmem:v59+s24+$0x0], $0xffff  }
0x2a2: {  	s2 =	sadd.s32 $0xC400, s2;
	v58 =	vadd.s32 v23, v34;
	v49 =	vld.idx.msk [tilespmem:v62+s24+$0x0], $0xffff;
	[tilespmem:s28+$0x6100] =	vst v43  }
0x2a3: {  	s17 =	sor.u32 s17, s2;
	v60 =	vadd.s32 v14, v35;
	[tilespmem:s1+$0x5080] =	vst v40;
	v59 =	vld.idx.msk [tilespmem:v63+s24+$0x0], $0xffff  }
0x2a4: {  	v62 =	vadd.s32 v28, v33;
	[tilespmem:s17+$0x4000] =	vst v54;
	v61 =	vld.idx.msk [tilespmem:v55+s24+$0x0], $0xffff  }
0x2a5: {  	[tilespmem:s0+$0x4280] =	vst v47;
	v44 =	vld.idx.msk [tilespmem:v56+s24+$0x0], $0xffff;
	v63 =	vadd.s32 v20, v32  }
0x2a6: {  	v54 =	vadd.s32 v11, v36;
	v48 =	vld.idx.msk [tilespmem:v57+s24+$0x0], $0xffff;
	[tilespmem:s30+$0x6300] =	vst v46  }
0x2a7: {  	v55 =	vadd.s32 v2, v38;
	[tilespmem:s31+$0x5280] =	vst v49;
	v43 =	vld.idx.msk [tilespmem:v58+s24+$0x0], $0xffff  }
0x2a8: {  	v56 =	vadd.s32 v1, v39;
	[tilespmem:s29+$0x7180] =	vst v45;
	v57 =	vld.idx.msk [tilespmem:v60+s24+$0x0], $0xffff  }
0x2a9: {  	v58 =	vld.idx.msk [tilespmem:v62+s24+$0x0], $0xffff;
	[tilespmem:s28+$0x6180] =	vst v59;
	v59 =	vadd.s32 v24, v34  }
0x2aa: {  	[tilespmem:s1+$0x5100] =	vst v61;
	v61 =	vadd.s32 v15, v35;
	v60 =	vld.idx.msk [tilespmem:v63+s24+$0x0], $0xffff  }
0x2ab: {  	s18 =	sor.u32 s18, s2;
	[tilespmem:s17+$0x4080] =	vst v44;
	v62 =	vld.idx.msk [tilespmem:v54+s24+$0x0], $0xffff;
	v63 =	vadd.s32 v6, v37  }
0x2ac: {  	[tilespmem:s18+$0x4000] =	vst v48;
	v46 =	vld.idx.msk [tilespmem:v55+s24+$0x0], $0xffff;
	v54 =	vadd.s32 v21, v32  }
0x2ad: {  	v49 =	vld.idx.msk [tilespmem:v56+s24+$0x0], $0xffff;
	v55 =	vadd.s32 v12, v36;
	[tilespmem:s30+$0x6380] =	vst v43  }
0x2ae: {  	v56 =	vadd.s32 v3, v38;
	[tilespmem:s31+$0x5300] =	vst v57;
	v42 =	vld.idx.msk [tilespmem:v59+s24+$0x0], $0xffff  }
0x2af: {  	v57 =	vadd.s32 v2, v39;
	[tilespmem:s29+$0x7200] =	vst v58;
	v47 =	vld.idx.msk [tilespmem:v61+s24+$0x0], $0xffff  }
0x2b0: {  	v59 =	vadd.s32 v25, v34;
	v58 =	vld.idx.msk [tilespmem:v63+s24+$0x0], $0xffff;
	[tilespmem:s28+$0x6200] =	vst v60  }
0x2b1: {  	v61 =	vadd.s32 v16, v35;
	[tilespmem:s1+$0x5180] =	vst v62;
	v60 =	vld.idx.msk [tilespmem:v54+s24+$0x0], $0xffff  }
0x2b2: {  	[tilespmem:s17+$0x4100] =	vst v46;
	v63 =	vadd.s32 v7, v37;
	v62 =	vld.idx.msk [tilespmem:v55+s24+$0x0], $0xffff  }
0x2b3: {  	[tilespmem:s18+$0x4080] =	vst v49;
	v43 =	vld.idx.msk [tilespmem:v56+s24+$0x0], $0xffff;
	v54 =	vadd.s32 v22, v32  }
0x2b4: {  	v55 =	vadd.s32 v13, v36;
	v45 =	vld.idx.msk [tilespmem:v57+s24+$0x0], $0xffff;
	[tilespmem:s30+$0x7000] =	vst v42  }
0x2b5: {  	v56 =	vadd.s32 v4, v38;
	[tilespmem:s31+$0x5380] =	vst v47;
	v41 =	vld.idx.msk [tilespmem:v59+s24+$0x0], $0xffff  }
0x2b6: {  	v57 =	vadd.s32 v3, v39;
	[tilespmem:s0+$0x4300] =	vst v58;
	v58 =	vld.idx.msk [tilespmem:v61+s24+$0x0], $0xffff  }
0x2b7: {  	v59 =	vld.idx.msk [tilespmem:v63+s24+$0x0], $0xffff;
	[tilespmem:s28+$0x6280] =	vst v60;
	v60 =	vadd.s32 v26, v34  }
0x2b8: {  	[tilespmem:s1+$0x5200] =	vst v62;
	v62 =	vadd.s32 v17, v35;
	v61 =	vld.idx.msk [tilespmem:v54+s24+$0x0], $0xffff  }
0x2b9: {  	[tilespmem:s17+$0x4180] =	vst v43;
	v63 =	vld.idx.msk [tilespmem:v55+s24+$0x0], $0xffff;
	v54 =	vadd.s32 v8, v37  }
0x2ba: {  	v42 =	vld.idx.msk [tilespmem:v56+s24+$0x0], $0xffff;
	v55 =	vadd.s32 v23, v32;
	[tilespmem:s18+$0x4100] =	vst v45  }
0x2bb: {  	v56 =	vadd.s32 v14, v36;
	v47 =	vld.idx.msk [tilespmem:v57+s24+$0x0], $0xffff;
	[tilespmem:s30+$0x7080] =	vst v41  }
0x2bc: {  	v57 =	vadd.s32 v5, v38;
	[tilespmem:s31+$0x6000] =	vst v58;
	v40 =	vld.idx.msk [tilespmem:v60+s24+$0x0], $0xffff  }
0x2bd: {  	v58 =	vadd.s32 v4, v39;
	[tilespmem:s0+$0x4380] =	vst v59;
	v59 =	vld.idx.msk [tilespmem:v62+s24+$0x0], $0xffff  }
0x2be: {  	v60 =	vld.idx.msk [tilespmem:v54+s24+$0x0], $0xffff;
	[tilespmem:s28+$0x6300] =	vst v61;
	v61 =	vadd.s32 v27, v34  }
0x2bf: {  	[tilespmem:s1+$0x5280] =	vst v63;
	v63 =	vadd.s32 v18, v35;
	v62 =	vld.idx.msk [tilespmem:v55+s24+$0x0], $0xffff  }
0x2c0: {  	[tilespmem:s17+$0x4200] =	vst v42;
	v54 =	vld.idx.msk [tilespmem:v56+s24+$0x0], $0xffff;
	v55 =	vadd.s32 v9, v37  }
0x2c1: {  	v56 =	vadd.s32 v24, v32;
	v41 =	vld.idx.msk [tilespmem:v57+s24+$0x0], $0xffff;
	[tilespmem:s18+$0x4180] =	vst v47  }
0x2c2: {  	v57 =	vadd.s32 v15, v36;
	v44 =	vld.idx.msk [tilespmem:v58+s24+$0x0], $0xffff;
	[tilespmem:s30+$0x7100] =	vst v40  }
0x2c3: {  	v58 =	vadd.s32 v6, v38;
	[tilespmem:s31+$0x6080] =	vst v59;
	v46 =	vld.idx.msk [tilespmem:v61+s24+$0x0], $0xffff  }
0x2c4: {  	v59 =	vadd.s32 v5, v39;
	[tilespmem:s0+$0x5000] =	vst v60;
	v45 =	vld.idx.msk [tilespmem:v63+s24+$0x0], $0xffff  }
0x2c5: {  	v43 =	vadd.s32 v28, v34;
	v50 =	vld.idx.msk [tilespmem:v55+s24+$0x0], $0xffff;
	[tilespmem:s28+$0x6380] =	vst v62  }
0x2c6: {  	v47 =	vadd.s32 v19, v35;
	[tilespmem:s1+$0x5300] =	vst v54;
	v42 =	vld.idx.msk [tilespmem:v56+s24+$0x0], $0xffff  }
0x2c7: {  	v51 =	vadd.s32 v10, v37;
	[tilespmem:s17+$0x4280] =	vst v41;
	v52 =	vld.idx.msk [tilespmem:v57+s24+$0x0], $0xffff  }
0x2c8: {  	v60 =	vadd.s32 v25, v32;
	v53 =	vld.idx.msk [tilespmem:v58+s24+$0x0], $0xffff;
	[tilespmem:s18+$0x4200] =	vst v44  }
0x2c9: {  	v62 =	vadd.s32 v16, v36;
	v61 =	vld.idx.msk [tilespmem:v59+s24+$0x0], $0xffff;
	[tilespmem:s30+$0x7180] =	vst v46  }
0x2ca: {  	v63 =	vadd.s32 v7, v38;
	[tilespmem:s31+$0x6100] =	vst v45;
	v49 =	vld.idx.msk [tilespmem:v43+s24+$0x0], $0xffff  }
0x2cb: {  	v48 =	vadd.s32 v29, v33;
	[tilespmem:s0+$0x5080] =	vst v50;
	v46 =	vld.idx.msk [tilespmem:v47+s24+$0x0], $0xffff  }
0x2cc: {  	v44 =	vadd.s32 v29, v34;
	v51 =	vld.idx.msk [tilespmem:v51+s24+$0x0], $0xffff;
	[tilespmem:s28+$0x7000] =	vst v42  }
0x2cd: {  	v40 =	vadd.s32 v17, v36;
	v47 =	vadd.s32 v20, v35;
	[tilespmem:s1+$0x5380] =	vst v52;
	v45 =	vld.idx.msk [tilespmem:v60+s24+$0x0], $0xffff  }
0x2ce: {  	v41 =	vadd.s32 v17, v38;
	v52 =	vadd.s32 v11, v37;
	[tilespmem:s17+$0x4300] =	vst v53;
	v50 =	vld.idx.msk [tilespmem:v62+s24+$0x0], $0xffff  }
0x2cf: {  	s6 =	simm.s32 $0x6;
	v43 =	vadd.s32 v26, v32;
	v42 =	vadd.s32 v30, v33;
	v53 =	vld.idx.msk [tilespmem:v63+s24+$0x0], $0xffff;
	[tilespmem:s18+$0x4280] =	vst v61  }
.LBB2_8:
0x2d0: {  	s6 =	sadd.s32 $0x2, s6;
	s20 =	sadd.s32 $0x20, s20;
	v48 =	vld.idx.msk [tilespmem:v48+s24+$0x0], $0xffff;
	[tilespmem:s30+$0x7200] =	vst v49  }
0x2d1: {  	v49 =	vadd.s32 v8, v38;
	s5 =	sshll.u32 s6, $0x4;
	s2 =	sand.u32 $0x60, s20;
	s7 =	sshll.u32 s6, $0x7;
	[tilespmem:s31+$0x6180] =	vst v46;
	v44 =	vld.idx.msk [tilespmem:v44+s24+$0x0], $0xffff  }
0x2d2: {  	s5 =	sand.u32 $0xFFFFFF80, s5;
	s13 =	sand.u32 $0x3FFFFC00, s7;
	s7 =	sor.u32 $0x10, s2;
	[tilespmem:s0+$0x5100] =	vst v51;
	v46 =	vld.idx.msk [tilespmem:v47+s24+$0x0], $0xffff  }
0x2d3: {  	s21 =	sor.u32 s2, s5;
	s13 =	sadd.s32 $0xC400, s13;
	s5 =	sor.u32 s5, s7;
	v47 =	vld.idx.msk [tilespmem:v52+s24+$0x0], $0xffff;
	[tilespmem:s28+$0x7080] =	vst v45;
	v45 =	vadd.s32 v30, v34  }
0x2d4: {  	p0 =	slt.u32 s6, $0x1E;
	v51 =	vmov s21;
	v52 =	vmov s5;
	[tilespmem:s1+$0x6000] =	vst v50;
	v43 =	vld.idx.msk [tilespmem:v43+s24+$0x0], $0xffff;
	v50 =	vadd.s32 v21, v35  }
0x2d5: {  	v54 =	vadd.s32 v12, v37;
	v51 =	vmul.u32 $0x30, v51;
	v52 =	vmul.u32 $0x30, v52;
	[tilespmem:s17+$0x4380] =	vst v53;
	v53 =	vld.idx.msk [tilespmem:v40+s24+$0x0], $0xffff;
	v40 =	vmovc v41  }
0x2d6: {  	v55 =	vadd.s32 v27, v32;
	v49 =	vld.idx.msk [tilespmem:v49+s24+$0x0], $0xffff;
	[tilespmem:s29+$0x7280] =	vst v48  }
0x2d7: {  	v48 =	vbroadcast v51, $0x0;
	v51 =	vbroadcast v52, $0x0;
	v52 =	vadd.s32 v18, v36;
	v42 =	vld.idx.msk [tilespmem:v42+s24+$0x0], $0xffff;
	[tilespmem:s30+$0x7280] =	vst v44  }
0x2d8: {  	v44 =	vadd.s32 v9, v38;
	[tilespmem:s31+$0x6200] =	vst v46;
	v46 =	vadd.s32 v31, v33;
	v45 =	vld.idx.msk [tilespmem:v45+s24+$0x0], $0xffff;
	v33 =	vmov v32  }
0x2d9: {  	v32 =	vmov v36;
	v56 =	vadd.s32 v0, v48;
	v41 =	vadd.s32 v17, v48;
	[tilespmem:s0+$0x5180] =	vst v47;
	v47 =	vld.idx.msk [tilespmem:v50+s24+$0x0], $0xffff  }
0x2da: {  	v36 =	vmov v38;
	v50 =	vadd.s32 v0, v51;
	v38 =	vmov v48;
	v54 =	vld.idx.msk [tilespmem:v54+s24+$0x0], $0xffff;
	[tilespmem:s28+$0x7100] =	vst v43  }
0x2db: {  	v48 =	vadd.s32 v22, v35;
	[tilespmem:s1+$0x6080] =	vst v53;
	v43 =	vld.idx.msk [tilespmem:v55+s24+$0x0], $0xffff  }
0x2dc: {  	v53 =	vadd.s32 v31, v34;
	v34 =	vmov v35;
	[tilespmem:s17+$0x5000] =	vst v49;
	v49 =	vld.idx.msk [tilespmem:v52+s24+$0x0], $0xffff;
	v52 =	vadd.s32 v13, v37  }
0x2dd: {  	v35 =	vmov v37;
	v37 =	vmov v39;
	v39 =	vmov v51;
	v44 =	vld.idx.msk [tilespmem:v44+s24+$0x0], $0xffff;
	[tilespmem:s29+$0x7300] =	vst v42  }
0x2de: {  	v51 =	vadd.s32 v19, v32;
	v42 =	vld.idx.msk [tilespmem:v56+s24+$0x0], $0xffff;
	[tilespmem:s30+$0x7300] =	vst v45  }
0x2df: {  	v45 =	vadd.s32 v10, v36;
	[tilespmem:s31+$0x6280] =	vst v47;
	v46 =	vld.idx.msk [tilespmem:v46+s24+$0x0], $0xffff  }
0x2e0: {  	v47 =	vadd.s32 v1, v38;
	[tilespmem:s0+$0x5200] =	vst v54;
	v48 =	vld.idx.msk [tilespmem:v48+s24+$0x0], $0xffff  }
0x2e1: {  	v54 =	vadd.s32 v1, v39;
	v52 =	vld.idx.msk [tilespmem:v52+s24+$0x0], $0xffff;
	[tilespmem:s28+$0x7180] =	vst v43  }
0x2e2: {  	v43 =	vadd.s32 v23, v34;
	[tilespmem:s1+$0x6100] =	vst v49;
	v49 =	vld.idx.msk [tilespmem:v53+s24+$0x0], $0xffff  }
0x2e3: {  	s2 =	sor.u32 s2, s13;
	[tilespmem:s17+$0x5080] =	vst v44;
	v44 =	vld.idx.msk [tilespmem:v51+s24+$0x0], $0xffff;
	v51 =	vadd.s32 v14, v35  }
0x2e4: {  	[tilespmem:s2+$0x4000] =	vst v42;
	v42 =	vld.idx.msk [tilespmem:v45+s24+$0x0], $0xffff;
	v45 =	vadd.s32 v28, v33  }
0x2e5: {  	v53 =	vadd.s32 v20, v32;
	v47 =	vld.idx.msk [tilespmem:v47+s24+$0x0], $0xffff;
	[tilespmem:s29+$0x7380] =	vst v46;
	s29 =	smov.u32 s28;
	s28 =	smov.u32 s1;
	s1 =	smov.u32 s17  }
0x2e6: {  	s17 =	smov.u32 s2;
	v46 =	vld.idx.msk [tilespmem:v50+s24+$0x0], $0xffff;
	v50 =	vadd.s32 v11, v36;
	[tilespmem:s31+$0x6300] =	vst v48  }
0x2e7: {  	v48 =	vadd.s32 v2, v38;
	[tilespmem:s0+$0x5280] =	vst v52;
	v43 =	vld.idx.msk [tilespmem:v43+s24+$0x0], $0xffff  }
0x2e8: {  	v52 =	vadd.s32 v2, v39;
	v51 =	vld.idx.msk [tilespmem:v51+s24+$0x0], $0xffff;
	[tilespmem:s30+$0x7380] =	vst v49;
	s30 =	smov.u32 s31;
	s31 =	smov.u32 s0;
	s0 =	smov.u32 s18  }
0x2e9: {  	[tilespmem:s28+$0x6180] =	vst v44;
	v44 =	vld.idx.msk [tilespmem:v45+s24+$0x0], $0xffff;
	v45 =	vadd.s32 v24, v34  }
0x2ea: {  	v49 =	vadd.s32 v15, v35;
	[tilespmem:s1+$0x5100] =	vst v42;
	v42 =	vld.idx.msk [tilespmem:v53+s24+$0x0], $0xffff  }
0x2eb: {  	s18 =	sor.u32 s7, s13;
	[tilespmem:s17+$0x4080] =	vst v47;
	v47 =	vld.idx.msk [tilespmem:v50+s24+$0x0], $0xffff;
	v50 =	vadd.s32 v6, v37  }
0x2ec: {  	v48 =	vld.idx.msk [tilespmem:v48+s24+$0x0], $0xffff;
	[tilespmem:s18+$0x4000] =	vst v46;
	v46 =	vadd.s32 v21, v32  }
0x2ed: {  	v53 =	vld.idx.msk [tilespmem:v54+s24+$0x0], $0xffff;
	v54 =	vadd.s32 v12, v36;
	[tilespmem:s30+$0x6380] =	vst v43  }
0x2ee: {  	v43 =	vadd.s32 v3, v38;
	[tilespmem:s31+$0x5300] =	vst v51;
	v45 =	vld.idx.msk [tilespmem:v45+s24+$0x0], $0xffff  }
0x2ef: {  	v49 =	vld.idx.msk [tilespmem:v49+s24+$0x0], $0xffff;
	[tilespmem:s29+$0x7200] =	vst v44  }
0x2f0: {  	v44 =	vld.idx.msk [tilespmem:v50+s24+$0x0], $0xffff;
	[tilespmem:s28+$0x6200] =	vst v42;
	v42 =	vadd.s32 v25, v34  }
0x2f1: {  	[tilespmem:s1+$0x5180] =	vst v47;
	v46 =	vld.idx.msk [tilespmem:v46+s24+$0x0], $0xffff;
	v47 =	vadd.s32 v16, v35  }
0x2f2: {  	v50 =	vadd.s32 v7, v37;
	[tilespmem:s17+$0x4100] =	vst v48;
	v48 =	vld.idx.msk [tilespmem:v54+s24+$0x0], $0xffff  }
0x2f3: {  	v51 =	vadd.s32 v22, v32;
	v43 =	vld.idx.msk [tilespmem:v43+s24+$0x0], $0xffff;
	[tilespmem:s18+$0x4080] =	vst v53  }
0x2f4: {  	v53 =	vadd.s32 v13, v36;
	v52 =	vld.idx.msk [tilespmem:v52+s24+$0x0], $0xffff;
	[tilespmem:s30+$0x7000] =	vst v45  }
0x2f5: {  	v45 =	vadd.s32 v4, v38;
	[tilespmem:s31+$0x5380] =	vst v49;
	v42 =	vld.idx.msk [tilespmem:v42+s24+$0x0], $0xffff  }
0x2f6: {  	v49 =	vadd.s32 v3, v39;
	[tilespmem:s0+$0x4300] =	vst v44;
	v44 =	vld.idx.msk [tilespmem:v47+s24+$0x0], $0xffff  }
0x2f7: {  	v47 =	vld.idx.msk [tilespmem:v50+s24+$0x0], $0xffff;
	[tilespmem:s28+$0x6280] =	vst v46;
	v46 =	vadd.s32 v26, v34  }
0x2f8: {  	v50 =	vadd.s32 v17, v35;
	[tilespmem:s1+$0x5200] =	vst v48;
	v48 =	vld.idx.msk [tilespmem:v51+s24+$0x0], $0xffff  }
0x2f9: {  	v51 =	vadd.s32 v8, v37;
	[tilespmem:s17+$0x4180] =	vst v43;
	v43 =	vld.idx.msk [tilespmem:v53+s24+$0x0], $0xffff  }
0x2fa: {  	v45 =	vld.idx.msk [tilespmem:v45+s24+$0x0], $0xffff;
	[tilespmem:s18+$0x4100] =	vst v52;
	v52 =	vadd.s32 v23, v32  }
0x2fb: {  	v53 =	vadd.s32 v14, v36;
	v49 =	vld.idx.msk [tilespmem:v49+s24+$0x0], $0xffff;
	[tilespmem:s30+$0x7080] =	vst v42  }
0x2fc: {  	v54 =	vadd.s32 v5, v38;
	[tilespmem:s31+$0x6000] =	vst v44;
	v44 =	vld.idx.msk [tilespmem:v46+s24+$0x0], $0xffff  }
0x2fd: {  	v46 =	vadd.s32 v4, v39;
	[tilespmem:s0+$0x4380] =	vst v47;
	v47 =	vld.idx.msk [tilespmem:v50+s24+$0x0], $0xffff  }
0x2fe: {  	v42 =	vadd.s32 v30, v33;
	v50 =	vld.idx.msk [tilespmem:v51+s24+$0x0], $0xffff;
	[tilespmem:s28+$0x6300] =	vst v48;
	v48 =	vadd.s32 v27, v34  }
0x2ff: {  	v51 =	vadd.s32 v18, v35;
	[tilespmem:s1+$0x5280] =	vst v43;
	v43 =	vld.idx.msk [tilespmem:v52+s24+$0x0], $0xffff  }
0x300: {  	v52 =	vadd.s32 v9, v37;
	[tilespmem:s17+$0x4200] =	vst v45;
	v45 =	vld.idx.msk [tilespmem:v53+s24+$0x0], $0xffff  }
0x301: {  	v53 =	vld.idx.msk [tilespmem:v54+s24+$0x0], $0xffff;
	[tilespmem:s18+$0x4180] =	vst v49;
	v49 =	vadd.s32 v24, v32  }
0x302: {  	v54 =	vadd.s32 v15, v36;
	v46 =	vld.idx.msk [tilespmem:v46+s24+$0x0], $0xffff;
	[tilespmem:s30+$0x7100] =	vst v44  }
0x303: {  	v44 =	vadd.s32 v6, v38;
	[tilespmem:s31+$0x6080] =	vst v47;
	v47 =	vld.idx.msk [tilespmem:v48+s24+$0x0], $0xffff  }
0x304: {  	v48 =	vadd.s32 v5, v39;
	[tilespmem:s0+$0x5000] =	vst v50;
	v50 =	vld.idx.msk [tilespmem:v51+s24+$0x0], $0xffff  }
0x305: {  	v51 =	vld.idx.msk [tilespmem:v52+s24+$0x0], $0xffff;
	[tilespmem:s28+$0x6380] =	vst v43;
	v43 =	vadd.s32 v28, v34  }
0x306: {  	v52 =	vadd.s32 v19, v35;
	[tilespmem:s1+$0x5300] =	vst v45;
	v45 =	vld.idx.msk [tilespmem:v49+s24+$0x0], $0xffff  }
0x307: {  	[tilespmem:s17+$0x4280] =	vst v53;
	v53 =	vld.idx.msk [tilespmem:v54+s24+$0x0], $0xffff;
	v54 =	vadd.s32 v10, v37  }
0x308: {  	v56 =	vadd.s32 v25, v32;
	v55 =	vld.idx.msk [tilespmem:v44+s24+$0x0], $0xffff;
	[tilespmem:s18+$0x4200] =	vst v46  }
0x309: {  	v58 =	vadd.s32 v16, v36;
	v57 =	vld.idx.msk [tilespmem:v48+s24+$0x0], $0xffff;
	[tilespmem:s30+$0x7180] =	vst v47  }
0x30a: {  	v59 =	vadd.s32 v7, v38;
	v48 =	vadd.s32 v29, v33;
	[tilespmem:s31+$0x6100] =	vst v50;
	v49 =	vld.idx.msk [tilespmem:v43+s24+$0x0], $0xffff  }
.Ltmp3:
0x30b: {  	[tilespmem:s0+$0x5080] =	vst v51;
	v46 =	vld.idx.msk [tilespmem:v52+s24+$0x0], $0xffff;
	(pc) =	sbr.rel @p0 .LBB2_8-.Ltmp3, $4  }
0x30c: {  	v44 =	vadd.s32 v29, v34;
	v51 =	vld.idx.msk [tilespmem:v54+s24+$0x0], $0xffff;
	[tilespmem:s28+$0x7000] =	vst v45  }
0x30d: {  	v47 =	vadd.s32 v20, v35;
	[tilespmem:s1+$0x5380] =	vst v53;
	v45 =	vld.idx.msk [tilespmem:v56+s24+$0x0], $0xffff  }
0x30e: {  	v52 =	vadd.s32 v11, v37;
	[tilespmem:s17+$0x4300] =	vst v55;
	v50 =	vld.idx.msk [tilespmem:v58+s24+$0x0], $0xffff  }
0x30f: {  	v43 =	vadd.s32 v26, v32;
	v53 =	vld.idx.msk [tilespmem:v59+s24+$0x0], $0xffff;
	[tilespmem:s18+$0x4280] =	vst v57  }
0x310: {  	v54 =	vadd.s32 v6, v39;
	_ =	sdelay $0x4  }
0x311: {  	v54 =	vld.idx.msk [tilespmem:v54+s24+$0x0], $0xffff  }
0x312: {  	v55 =	vadd.s32 v7, v39;
	_ =	sdelay $0x3  }
0x313: {  	[tilespmem:s18+$0x4300] =	vst v54  }
0x314: {  	v62 =	vadd.s32 v8, v38;
	v55 =	vld.idx.msk [tilespmem:v55+s24+$0x0], $0xffff  }
0x315: {  	v56 =	vadd.s32 v8, v39;
	_ =	sdelay $0x2  }
0x316: {  	[tilespmem:s17+$0x4380] =	vst v53  }
0x317: {  	v53 =	vld.idx.msk [tilespmem:v62+s24+$0x0], $0xffff;
	[tilespmem:s18+$0x4380] =	vst v55  }
0x318: {  	v63 =	vadd.s32 v9, v38;
	v55 =	vld.idx.msk [tilespmem:v56+s24+$0x0], $0xffff  }
0x319: {  	v60 =	vadd.s32 v9, v39;
	_ =	sdelay $0x2  }
0x31a: {  	[tilespmem:s17+$0x5000] =	vst v53  }
0x31b: {  	v53 =	vld.idx.msk [tilespmem:v63+s24+$0x0], $0xffff;
	[tilespmem:s18+$0x5000] =	vst v55  }
0x31c: {  	v61 =	vadd.s32 v10, v38;
	v55 =	vld.idx.msk [tilespmem:v60+s24+$0x0], $0xffff  }
0x31d: {  	v62 =	vadd.s32 v10, v39;
	_ =	sdelay $0x2  }
0x31e: {  	[tilespmem:s17+$0x5080] =	vst v53  }
0x31f: {  	v53 =	vld.idx.msk [tilespmem:v61+s24+$0x0], $0xffff;
	[tilespmem:s18+$0x5080] =	vst v55  }
0x320: {  	v63 =	vadd.s32 v11, v38;
	v55 =	vld.idx.msk [tilespmem:v62+s24+$0x0], $0xffff  }
0x321: {  	v60 =	vadd.s32 v11, v39;
	_ =	sdelay $0x1  }
0x322: {  	[tilespmem:s0+$0x5100] =	vst v51  }
0x323: {  	v51 =	vld.idx.msk [tilespmem:v52+s24+$0x0], $0xffff;
	[tilespmem:s17+$0x5100] =	vst v53  }
0x324: {  	v61 =	vadd.s32 v12, v37;
	v53 =	vld.idx.msk [tilespmem:v63+s24+$0x0], $0xffff;
	[tilespmem:s18+$0x5100] =	vst v55  }
0x325: {  	v62 =	vadd.s32 v12, v38;
	v55 =	vld.idx.msk [tilespmem:v60+s24+$0x0], $0xffff  }
0x326: {  	v63 =	vadd.s32 v12, v39;
	_ =	sdelay $0x1  }
0x327: {  	[tilespmem:s0+$0x5180] =	vst v51  }
0x328: {  	v51 =	vld.idx.msk [tilespmem:v61+s24+$0x0], $0xffff;
	[tilespmem:s17+$0x5180] =	vst v53  }
0x329: {  	v53 =	vld.idx.msk [tilespmem:v62+s24+$0x0], $0xffff;
	v60 =	vadd.s32 v13, v37;
	[tilespmem:s18+$0x5180] =	vst v55  }
0x32a: {  	v61 =	vadd.s32 v13, v38;
	v55 =	vld.idx.msk [tilespmem:v63+s24+$0x0], $0xffff  }
0x32b: {  	v62 =	vadd.s32 v13, v39;
	_ =	sdelay $0x1  }
0x32c: {  	[tilespmem:s0+$0x5200] =	vst v51  }
0x32d: {  	[tilespmem:s17+$0x5200] =	vst v53;
	v51 =	vld.idx.msk [tilespmem:v60+s24+$0x0], $0xffff  }
0x32e: {  	v53 =	vld.idx.msk [tilespmem:v61+s24+$0x0], $0xffff;
	v63 =	vadd.s32 v14, v37;
	[tilespmem:s18+$0x5200] =	vst v55  }
0x32f: {  	v60 =	vadd.s32 v14, v38;
	v55 =	vld.idx.msk [tilespmem:v62+s24+$0x0], $0xffff  }
0x330: {  	v61 =	vadd.s32 v14, v39;
	_ =	sdelay $0x1  }
0x331: {  	[tilespmem:s0+$0x5280] =	vst v51  }
0x332: {  	[tilespmem:s17+$0x5280] =	vst v53;
	v51 =	vld.idx.msk [tilespmem:v63+s24+$0x0], $0xffff  }
0x333: {  	v53 =	vld.idx.msk [tilespmem:v60+s24+$0x0], $0xffff;
	v62 =	vadd.s32 v15, v37;
	[tilespmem:s18+$0x5280] =	vst v55  }
0x334: {  	v63 =	vadd.s32 v15, v38;
	v55 =	vld.idx.msk [tilespmem:v61+s24+$0x0], $0xffff  }
0x335: {  	v60 =	vadd.s32 v15, v39;
	_ =	sdelay $0x1  }
0x336: {  	[tilespmem:s0+$0x5300] =	vst v51  }
0x337: {  	[tilespmem:s17+$0x5300] =	vst v53;
	v51 =	vld.idx.msk [tilespmem:v62+s24+$0x0], $0xffff  }
0x338: {  	v53 =	vld.idx.msk [tilespmem:v63+s24+$0x0], $0xffff;
	v61 =	vadd.s32 v16, v37;
	[tilespmem:s18+$0x5300] =	vst v55  }
0x339: {  	v62 =	vadd.s32 v16, v38;
	v55 =	vld.idx.msk [tilespmem:v60+s24+$0x0], $0xffff  }
0x33a: {  	v63 =	vadd.s32 v16, v39;
	_ =	sdelay $0x1  }
0x33b: {  	[tilespmem:s0+$0x5380] =	vst v51  }
0x33c: {  	[tilespmem:s17+$0x5380] =	vst v53;
	v51 =	vld.idx.msk [tilespmem:v61+s24+$0x0], $0xffff  }
0x33d: {  	v53 =	vld.idx.msk [tilespmem:v62+s24+$0x0], $0xffff;
	v60 =	vadd.s32 v17, v37;
	[tilespmem:s18+$0x5380] =	vst v55  }
0x33e: {  	v61 =	vld.idx.msk [tilespmem:v63+s24+$0x0], $0xffff  }
0x33f: {  	v62 =	vadd.s32 v17, v39  }
0x340: {  	[tilespmem:s1+$0x6000] =	vst v50  }
0x341: {  	v40 =	vld.idx.msk [tilespmem:v40+s24+$0x0], $0xffff;
	[tilespmem:s0+$0x6000] =	vst v51  }
0x342: {  	[tilespmem:s17+$0x6000] =	vst v53;
	v51 =	vld.idx.msk [tilespmem:v60+s24+$0x0], $0xffff;
	v63 =	vadd.s32 v18, v36  }
0x343: {  	v57 =	vadd.s32 v18, v37;
	v41 =	vld.idx.msk [tilespmem:v41+s24+$0x0], $0xffff;
	[tilespmem:s18+$0x6000] =	vst v61  }
0x344: {  	v58 =	vadd.s32 v18, v38;
	v54 =	vld.idx.msk [tilespmem:v62+s24+$0x0], $0xffff  }
0x345: {  	v59 =	vadd.s32 v18, v39  }
0x346: {  	[tilespmem:s1+$0x6080] =	vst v40  }
0x347: {  	[tilespmem:s0+$0x6080] =	vst v51;
	v40 =	vld.idx.msk [tilespmem:v63+s24+$0x0], $0xffff  }
0x348: {  	v60 =	vadd.s32 v19, v36;
	[tilespmem:s17+$0x6080] =	vst v41;
	v51 =	vld.idx.msk [tilespmem:v57+s24+$0x0], $0xffff  }
0x349: {  	v61 =	vadd.s32 v19, v37;
	v62 =	vld.idx.msk [tilespmem:v58+s24+$0x0], $0xffff;
	[tilespmem:s18+$0x6080] =	vst v54  }
0x34a: {  	v63 =	vadd.s32 v19, v38;
	v54 =	vld.idx.msk [tilespmem:v59+s24+$0x0], $0xffff  }
0x34b: {  	[tilespmem:s30+$0x7200] =	vst v49;
	v56 =	vadd.s32 v19, v39  }
0x34c: {  	[tilespmem:s1+$0x6100] =	vst v40  }
0x34d: {  	[tilespmem:s0+$0x6100] =	vst v51;
	v40 =	vld.idx.msk [tilespmem:v60+s24+$0x0], $0xffff  }
0x34e: {  	v57 =	vadd.s32 v20, v36;
	v41 =	vld.idx.msk [tilespmem:v61+s24+$0x0], $0xffff;
	[tilespmem:s17+$0x6100] =	vst v62  }
0x34f: {  	v58 =	vadd.s32 v20, v37;
	v52 =	vld.idx.msk [tilespmem:v63+s24+$0x0], $0xffff;
	[tilespmem:s18+$0x6100] =	vst v54  }
0x350: {  	[tilespmem:s31+$0x6180] =	vst v46;
	v59 =	vadd.s32 v20, v38;
	v49 =	vld.idx.msk [tilespmem:v56+s24+$0x0], $0xffff  }
0x351: {  	v47 =	vld.idx.msk [tilespmem:v47+s24+$0x0], $0xffff;
	[tilespmem:s28+$0x7080] =	vst v45;
	v60 =	vadd.s32 v20, v39  }
0x352: {  	v48 =	vld.idx.msk [tilespmem:v48+s24+$0x0], $0xffff;
	v61 =	vadd.s32 v21, v35;
	[tilespmem:s1+$0x6180] =	vst v40  }
0x353: {  	[tilespmem:s0+$0x6180] =	vst v41;
	v50 =	vld.idx.msk [tilespmem:v57+s24+$0x0], $0xffff  }
0x354: {  	v62 =	vadd.s32 v21, v36;
	v51 =	vld.idx.msk [tilespmem:v58+s24+$0x0], $0xffff;
	[tilespmem:s17+$0x6180] =	vst v52  }
0x355: {  	v63 =	vadd.s32 v21, v37;
	v46 =	vld.idx.msk [tilespmem:v59+s24+$0x0], $0xffff;
	[tilespmem:s18+$0x6180] =	vst v49  }
0x356: {  	[tilespmem:s31+$0x6200] =	vst v47;
	v55 =	vadd.s32 v21, v38;
	v45 =	vld.idx.msk [tilespmem:v60+s24+$0x0], $0xffff  }
0x357: {  	[tilespmem:s29+$0x7280] =	vst v48;
	v40 =	vld.idx.msk [tilespmem:v61+s24+$0x0], $0xffff;
	v56 =	vadd.s32 v21, v39  }
0x358: {  	v44 =	vld.idx.msk [tilespmem:v44+s24+$0x0], $0xffff;
	v57 =	vadd.s32 v22, v35;
	[tilespmem:s1+$0x6200] =	vst v50  }
0x359: {  	[tilespmem:s0+$0x6200] =	vst v51;
	v41 =	vld.idx.msk [tilespmem:v62+s24+$0x0], $0xffff  }
0x35a: {  	v58 =	vadd.s32 v22, v36;
	v51 =	vld.idx.msk [tilespmem:v63+s24+$0x0], $0xffff;
	[tilespmem:s17+$0x6200] =	vst v46  }
0x35b: {  	v59 =	vadd.s32 v22, v37;
	v48 =	vld.idx.msk [tilespmem:v55+s24+$0x0], $0xffff;
	[tilespmem:s18+$0x6200] =	vst v45  }
0x35c: {  	[tilespmem:s31+$0x6280] =	vst v40;
	v60 =	vadd.s32 v22, v38;
	v45 =	vld.idx.msk [tilespmem:v56+s24+$0x0], $0xffff  }
0x35d: {  	[tilespmem:s30+$0x7280] =	vst v44;
	v61 =	vadd.s32 v22, v39;
	v62 =	vld.idx.msk [tilespmem:v57+s24+$0x0], $0xffff  }
0x35e: {  	v43 =	vld.idx.msk [tilespmem:v43+s24+$0x0], $0xffff;
	v63 =	vadd.s32 v23, v35;
	[tilespmem:s1+$0x6280] =	vst v41  }
0x35f: {  	[tilespmem:s0+$0x6280] =	vst v51;
	v52 =	vld.idx.msk [tilespmem:v58+s24+$0x0], $0xffff  }
0x360: {  	v53 =	vadd.s32 v23, v36;
	v46 =	vld.idx.msk [tilespmem:v59+s24+$0x0], $0xffff;
	[tilespmem:s17+$0x6280] =	vst v48  }
0x361: {  	v54 =	vadd.s32 v23, v37;
	v44 =	vld.idx.msk [tilespmem:v60+s24+$0x0], $0xffff;
	[tilespmem:s18+$0x6280] =	vst v45  }
0x362: {  	v55 =	vadd.s32 v23, v38;
	[tilespmem:s31+$0x6300] =	vst v62;
	v40 =	vld.idx.msk [tilespmem:v61+s24+$0x0], $0xffff  }
0x363: {  	[tilespmem:s28+$0x7100] =	vst v43;
	v41 =	vld.idx.msk [tilespmem:v63+s24+$0x0], $0xffff;
	v56 =	vadd.s32 v23, v39  }
0x364: {  	v42 =	vld.idx.msk [tilespmem:v42+s24+$0x0], $0xffff;
	v58 =	vadd.s32 v24, v35;
	[tilespmem:s1+$0x6300] =	vst v52  }
0x365: {  	v57 =	vadd.s32 v30, v34;
	[tilespmem:s0+$0x6300] =	vst v46;
	v50 =	vld.idx.msk [tilespmem:v53+s24+$0x0], $0xffff  }
0x366: {  	v59 =	vadd.s32 v24, v36;
	v48 =	vld.idx.msk [tilespmem:v54+s24+$0x0], $0xffff;
	[tilespmem:s17+$0x6300] =	vst v44  }
0x367: {  	v60 =	vadd.s32 v24, v37;
	v43 =	vld.idx.msk [tilespmem:v55+s24+$0x0], $0xffff;
	[tilespmem:s18+$0x6300] =	vst v40  }
0x368: {  	[tilespmem:s31+$0x6380] =	vst v41;
	v61 =	vadd.s32 v24, v38;
	v62 =	vld.idx.msk [tilespmem:v56+s24+$0x0], $0xffff  }
0x369: {  	[tilespmem:s29+$0x7300] =	vst v42;
	v52 =	vadd.s32 v24, v39;
	v49 =	vld.idx.msk [tilespmem:v58+s24+$0x0], $0xffff  }
0x36a: {  	v63 =	vld.idx.msk [tilespmem:v57+s24+$0x0], $0xffff;
	v54 =	vadd.s32 v25, v35;
	[tilespmem:s1+$0x6380] =	vst v50  }
0x36b: {  	v53 =	vadd.s32 v27, v32;
	[tilespmem:s0+$0x6380] =	vst v48;
	v46 =	vld.idx.msk [tilespmem:v59+s24+$0x0], $0xffff  }
0x36c: {  	v55 =	vadd.s32 v25, v36;
	v44 =	vld.idx.msk [tilespmem:v60+s24+$0x0], $0xffff;
	[tilespmem:s17+$0x6380] =	vst v43  }
0x36d: {  	v56 =	vadd.s32 v25, v37;
	v40 =	vld.idx.msk [tilespmem:v61+s24+$0x0], $0xffff;
	[tilespmem:s18+$0x6380] =	vst v62  }
0x36e: {  	v57 =	vadd.s32 v25, v38;
	[tilespmem:s31+$0x7000] =	vst v49;
	v41 =	vld.idx.msk [tilespmem:v52+s24+$0x0], $0xffff  }
0x36f: {  	[tilespmem:s30+$0x7300] =	vst v63;
	v59 =	vadd.s32 v25, v39;
	v49 =	vld.idx.msk [tilespmem:v54+s24+$0x0], $0xffff  }
0x370: {  	v58 =	vld.idx.msk [tilespmem:v53+s24+$0x0], $0xffff;
	v60 =	vadd.s32 v26, v35;
	[tilespmem:s1+$0x7000] =	vst v46  }
0x371: {  	v33 =	vadd.s32 v31, v33;
	[tilespmem:s0+$0x7000] =	vst v44;
	v48 =	vld.idx.msk [tilespmem:v55+s24+$0x0], $0xffff  }
0x372: {  	v61 =	vadd.s32 v26, v36;
	v43 =	vld.idx.msk [tilespmem:v56+s24+$0x0], $0xffff;
	[tilespmem:s17+$0x7000] =	vst v40  }
0x373: {  	v62 =	vadd.s32 v26, v37;
	v42 =	vld.idx.msk [tilespmem:v57+s24+$0x0], $0xffff;
	[tilespmem:s18+$0x7000] =	vst v41  }
0x374: {  	v63 =	vadd.s32 v26, v38;
	[tilespmem:s31+$0x7080] =	vst v49;
	v52 =	vld.idx.msk [tilespmem:v59+s24+$0x0], $0xffff  }
0x375: {  	v53 =	vadd.s32 v26, v39;
	[tilespmem:s28+$0x7180] =	vst v58;
	v46 =	vld.idx.msk [tilespmem:v60+s24+$0x0], $0xffff  }
0x376: {  	v33 =	vld.idx.msk [tilespmem:v33+s24+$0x0], $0xffff;
	v55 =	vadd.s32 v27, v35;
	[tilespmem:s1+$0x7080] =	vst v48  }
0x377: {  	v54 =	vadd.s32 v31, v34;
	[tilespmem:s0+$0x7080] =	vst v43;
	v44 =	vld.idx.msk [tilespmem:v61+s24+$0x0], $0xffff  }
0x378: {  	v56 =	vadd.s32 v27, v36;
	v40 =	vld.idx.msk [tilespmem:v62+s24+$0x0], $0xffff;
	[tilespmem:s17+$0x7080] =	vst v42  }
0x379: {  	v57 =	vadd.s32 v27, v37;
	v41 =	vld.idx.msk [tilespmem:v63+s24+$0x0], $0xffff;
	[tilespmem:s18+$0x7080] =	vst v52  }
0x37a: {  	v58 =	vadd.s32 v27, v38;
	[tilespmem:s31+$0x7100] =	vst v46;
	v45 =	vld.idx.msk [tilespmem:v53+s24+$0x0], $0xffff  }
0x37b: {  	[tilespmem:s29+$0x7380] =	vst v33;
	v48 =	vld.idx.msk [tilespmem:v55+s24+$0x0], $0xffff;
	v59 =	vadd.s32 v27, v39  }
0x37c: {  	v34 =	vld.idx.msk [tilespmem:v54+s24+$0x0], $0xffff;
	v61 =	vadd.s32 v28, v35;
	[tilespmem:s1+$0x7100] =	vst v44  }
0x37d: {  	v60 =	vadd.s32 v28, v32;
	[tilespmem:s0+$0x7100] =	vst v40;
	v43 =	vld.idx.msk [tilespmem:v56+s24+$0x0], $0xffff  }
0x37e: {  	v62 =	vadd.s32 v28, v36;
	v42 =	vld.idx.msk [tilespmem:v57+s24+$0x0], $0xffff;
	[tilespmem:s17+$0x7100] =	vst v41  }
0x37f: {  	v63 =	vadd.s32 v28, v37;
	v33 =	vld.idx.msk [tilespmem:v58+s24+$0x0], $0xffff;
	[tilespmem:s18+$0x7100] =	vst v45  }
0x380: {  	[tilespmem:s31+$0x7180] =	vst v48;
	v52 =	vadd.s32 v28, v38;
	v45 =	vld.idx.msk [tilespmem:v59+s24+$0x0], $0xffff  }
0x381: {  	v54 =	vadd.s32 v28, v39;
	[tilespmem:s30+$0x7380] =	vst v34;
	v44 =	vld.idx.msk [tilespmem:v61+s24+$0x0], $0xffff  }
0x382: {  	v56 =	vadd.s32 v29, v35;
	v53 =	vld.idx.msk [tilespmem:v60+s24+$0x0], $0xffff;
	[tilespmem:s1+$0x7180] =	vst v43  }
0x383: {  	v55 =	vadd.s32 v29, v32;
	[tilespmem:s0+$0x7180] =	vst v42;
	v40 =	vld.idx.msk [tilespmem:v62+s24+$0x0], $0xffff  }
0x384: {  	v57 =	vadd.s32 v29, v36;
	v41 =	vld.idx.msk [tilespmem:v63+s24+$0x0], $0xffff;
	[tilespmem:s17+$0x7180] =	vst v33  }
0x385: {  	v58 =	vadd.s32 v29, v37;
	v34 =	vld.idx.msk [tilespmem:v52+s24+$0x0], $0xffff;
	[tilespmem:s18+$0x7180] =	vst v45  }
0x386: {  	[tilespmem:s31+$0x7200] =	vst v44;
	v59 =	vadd.s32 v29, v38;
	v60 =	vld.idx.msk [tilespmem:v54+s24+$0x0], $0xffff  }
0x387: {  	[tilespmem:s28+$0x7200] =	vst v53;
	v62 =	vadd.s32 v29, v39;
	v43 =	vld.idx.msk [tilespmem:v56+s24+$0x0], $0xffff  }
0x388: {  	v49 =	vadd.s32 v30, v35;
	v61 =	vld.idx.msk [tilespmem:v55+s24+$0x0], $0xffff;
	[tilespmem:s1+$0x7200] =	vst v40  }
0x389: {  	v63 =	vadd.s32 v30, v32;
	[tilespmem:s0+$0x7200] =	vst v41;
	v42 =	vld.idx.msk [tilespmem:v57+s24+$0x0], $0xffff  }
0x38a: {  	v50 =	vadd.s32 v30, v36;
	v33 =	vld.idx.msk [tilespmem:v58+s24+$0x0], $0xffff;
	[tilespmem:s17+$0x7200] =	vst v34  }
0x38b: {  	v51 =	vadd.s32 v30, v37;
	v45 =	vld.idx.msk [tilespmem:v59+s24+$0x0], $0xffff;
	[tilespmem:s18+$0x7200] =	vst v60  }
0x38c: {  	v52 =	vadd.s32 v30, v38;
	[tilespmem:s31+$0x7280] =	vst v43;
	v44 =	vld.idx.msk [tilespmem:v62+s24+$0x0], $0xffff  }
0x38d: {  	v53 =	vadd.s32 v30, v39;
	[tilespmem:s28+$0x7280] =	vst v61;
	v40 =	vld.idx.msk [tilespmem:v49+s24+$0x0], $0xffff  }
0x38e: {  	v55 =	vadd.s32 v31, v35;
	v47 =	vld.idx.msk [tilespmem:v63+s24+$0x0], $0xffff;
	[tilespmem:s1+$0x7280] =	vst v42  }
0x38f: {  	v54 =	vadd.s32 v31, v32;
	[tilespmem:s0+$0x7280] =	vst v33;
	v41 =	vld.idx.msk [tilespmem:v50+s24+$0x0], $0xffff  }
0x390: {  	v56 =	vadd.s32 v31, v36;
	v34 =	vld.idx.msk [tilespmem:v51+s24+$0x0], $0xffff;
	[tilespmem:s17+$0x7280] =	vst v45  }
0x391: {  	v57 =	vadd.s32 v31, v37;
	v58 =	vld.idx.msk [tilespmem:v52+s24+$0x0], $0xffff;
	[tilespmem:s18+$0x7280] =	vst v44  }
0x392: {  	v59 =	vadd.s32 v31, v38;
	[tilespmem:s31+$0x7300] =	vst v40;
	v60 =	vld.idx.msk [tilespmem:v53+s24+$0x0], $0xffff  }
0x393: {  	v61 =	vadd.s32 v31, v39;
	[tilespmem:s28+$0x7300] =	vst v47;
	v35 =	vld.idx.msk [tilespmem:v55+s24+$0x0], $0xffff  }
0x394: {  	v32 =	vld.idx.msk [tilespmem:v54+s24+$0x0], $0xffff;
	[tilespmem:s1+$0x7300] =	vst v41  }
0x395: {  	[tilespmem:s0+$0x7300] =	vst v34;
	v33 =	vld.idx.msk [tilespmem:v56+s24+$0x0], $0xffff  }
0x396: {  	v34 =	vld.idx.msk [tilespmem:v57+s24+$0x0], $0xffff;
	[tilespmem:s17+$0x7300] =	vst v58  }
0x397: {  	v62 =	vld.idx.msk [tilespmem:v59+s24+$0x0], $0xffff;
	[tilespmem:s18+$0x7300] =	vst v60  }
0x398: {  	[tilespmem:s31+$0x7380] =	vst v35;
	v63 =	vld.idx.msk [tilespmem:v61+s24+$0x0], $0xffff  }
0x399: {  	[tilespmem:s28+$0x7380] =	vst v32  }
0x39a: {  	s13 =	sshll.u32 s26, $0xB;
	s2 =	sshll.u32 s26, $0x9;
	[tilespmem:s1+$0x7380] =	vst v33  }
0x39b: {  	s20 =	sand.u32 $0x1FFF0000, s13;
	s21 =	sand.u32 $0x3E00, s2;
	[tilespmem:s0+$0x7380] =	vst v34  }
0x39c: {  	s0 =	sor.u32 s21, s20;
	[tilespmem:s17+$0x7380] =	vst v62  }
0x39d: {  	s25 =	sadd.s32 $0x1, s25;
	s1 =	sadd.s32 s23, s0;
	s23 =	simm.s32 $0x10400;
	[tilespmem:s18+$0x7380] =	vst v63  }
0x39e: {  	[hbm4b:s1+s3] =	stream.linear.scatter [tilespmem:s23], [sflag:$0x6], $0x1000, $0x38;
	[tilespmem:$0x14400] =	vst v63  }
0x39f: {  	p0 =	sne.s32 s25, $0x64;
	s28 =	simm.s32 $0x11400;
	s26 =	sadd.s32 s0, s9  }
0x3a0: {  	[hbm4b:s26+s3] =	stream.linear.scatter [tilespmem:s28], [sflag:$0x6], $0x1000, $0x38;
	[tilespmem:$0x14400] =	vst v63  }
.Ltmp4:
0x3a1: {  	_ = 	snop;
	(pc) =	sbr.rel @p0 .LBB2_2-.Ltmp4, $4  }
0x3a2: {  	s30 =	simm.s32 $0x12400;
	s29 =	sadd.s32 s0, s10  }
0x3a3: {  	[hbm4b:s29+s3] =	stream.linear.scatter [tilespmem:s30], [sflag:$0x6], $0x1000, $0x38;
	[tilespmem:$0x14400] =	vst v63  }
0x3a4: {  	s31 =	simm.s32 $0x13400;
	s0 =	sadd.s32 s0, s11  }
0x3a5: {  	[hbm4b:s0+s3] =	stream.linear.scatter [tilespmem:s31], [sflag:$0x6], $0x1000, $0x38;
	[tilespmem:$0x14400] =	vst v63  }
0x3a6: {  	_ =	swait.ge [sflag:s12], $0x1000  }
0x3a7: {  	[sflag:s12] =	ssyncset.done $0x0  }
0x3a8: {  	[sflag:s12] =	ssyncadd.s32 $0xFFFFF000  }
0x3a9: {  	_ =	swait.ge [sflag:s12], $0x1000  }
0x3aa: {  	[sflag:s12] =	ssyncset.done $0x0  }
0x3ab: {  	[sflag:s12] =	ssyncadd.s32 $0xFFFFF000  }
0x3ac: {  	_ =	swait.ge [sflag:s12], $0x1000  }
0x3ad: {  	[sflag:s12] =	ssyncset.done $0x0  }
0x3ae: {  	[sflag:s12] =	ssyncadd.s32 $0xFFFFF000  }
0x3af: {  	_ =	swait.ge [sflag:s12], $0x1000  }
0x3b0: {  	[sflag:s12] =	ssyncset.done $0x0  }
0x3b1: {  	[sflag:s12] =	ssyncadd.s32 $0xFFFFF000  }
0x3b2: {  	_ =	swait.ge [sflag:s14], $0x1000  }
0x3b3: {  	[sflag:s14] =	ssyncset.done $0x0  }
0x3b4: {  	[sflag:s14] =	ssyncadd.s32 $0xFFFFF000  }
0x3b5: {  	_ =	swait.ge [sflag:s14], $0x1000  }
0x3b6: {  	[sflag:s14] =	ssyncset.done $0x0  }
0x3b7: {  	[sflag:s14] =	ssyncadd.s32 $0xFFFFF000  }
0x3b8: {  	_ =	swait.ge [sflag:s14], $0x1000  }
0x3b9: {  	[sflag:s14] =	ssyncset.done $0x0  }
0x3ba: {  	[sflag:s14] =	ssyncadd.s32 $0xFFFFF000  }
0x3bb: {  	_ =	swait.ge [sflag:s14], $0x1000  }
0x3bc: {  	s1 =	rddreg [dreg:$0x7]  }
0x3bd: {  	s0 =	rddreg [dreg:$0x6];
	s1 =	sadd.s32 $0x1, s1  }
0x3be: {  	p0 =	sne.s32 s1, s0  }
.Ltmp5:
0x3bf: {  	_ = 	snop;
	(pc) =	sbr.rel @p0 .LBB2_1-.Ltmp5, $3  }
0x3c0: {  	_ =	sdelay $0x1  }
0x3c1: {  	[sflag:s14] =	ssyncset.done $0x0  }
0x3c2: {  	[sflag:s14] =	ssyncadd.s32 $0xFFFFF000  }
0x3c3: {  	_ =	sfence.sel $0x180000  }
0x3c4: {  	[bflag:$0x0] =	sbarrier.arrive $0xFFFF  }
0x3c5: {  	_ =	strace $0x90000047  }
0x3c6: {  	s0 =	stileid.u32;
	[bflag:$0x2] =	sbarrier.arrive $0xFFFF  }
0x3c7: {  	p0 =	sne.s32 s0, $0x0;
	s0 =	rddreg [dreg:$0x2]  }
0x3c8: {  	s0 =	sadd.s32 @!p0 $0x100000, s0  }
0x3c9: {  	[sflag:s0] =	ssyncadd.tile.s32 @!p0 $0x1;
	_ =	shalt  }
.Lfunc_end2:
_tile_overlayer_lowered:
.L_overlay_start_2:
0x3ca: {  	(tag) =	ssettag $0x2  }
0x3cb: {  	s0 =	rddreg [dreg:$0x0];
	s2 =	stileid.u32  }
0x3cc: {  	s1 =	rddreg [dreg:$0x1];
	p0 =	sne.s32 s2, $0x0  }
0x3cd: {  	s3 =	rddreg [dreg:$0x2];
	[bflag:$0x3] =	sbarrier.arrive $0xFFFF;
	s2 =	simm.s32 @!p0 $0x1C07  }
0x3ce: {  	[timem:s3], [sflag:s2] =	dma.local @!p0 [hbm:s0], s1  }
0x3cf: {  	s0 =	simm.s32 @!p0 $0x7  }
0x3d0: {  	_ =	swait.ge @!p0 [sflag:s0], s1  }
0x3d1: {  	s1 =	ssub.s32 @!p0 $0x0, s1;
	[sflag:s0] =	ssyncset.done @!p0 $0x0  }
0x3d2: {  	[sflag:s0] =	ssyncadd.s32 @!p0 s1  }
0x3d3: {  	[bflag:$0x3] =	sbarrier.arrive $0xFFFF  }
0x3d4: {  	_ =	shalt  }

</sc_bundles>
